<compile_context>
chip_gen: v7x
topology: tpu7x:2x2x1
jax: 0.10.2.dev20260603
libtpu: 0.0.44.dev20260713+nightly
codegen_flags: <defaults>
</compile_context>

<pallas_src>
import functools

import jax
import jax.numpy as jnp
from jax import lax
from jax.experimental import pallas as pl
from jax.experimental.pallas import tpu as pltpu
from jax.experimental.pallas import tpu_sc as plsc

HIDDEN = 2048
NCOL = 4
CW = HIDDEN // NCOL
NUM_CB = 32
CB_VOCAB = 2051
NC, NS, L = 2, 16, 16
NW = NC * NS
GP = 16
RING = 8
UNROLL = 2


def _emb_call(n_pos, audio_tok, text_ids, text_table, audio_table):
    ppw = n_pos // NW
    ngrp = NCOL * (ppw // GP)
    nunit = ngrp * 2 * GP
    mesh = plsc.VectorSubcoreMesh(core_axis_name="c", subcore_axis_name="s")

    @functools.partial(
        pl.kernel,
        out_type=jax.ShapeDtypeStruct((n_pos, HIDDEN), jnp.float32),
        mesh=mesh,
        scratch_types=[
            pltpu.VMEM((2, GP, NUM_CB), jnp.int32),
            pltpu.VMEM((ppw,), jnp.int32),
            pltpu.VMEM((RING, L, CW), jnp.float32),
            pltpu.VMEM((2, GP, CW), jnp.float32),
            pltpu.SemaphoreType.DMA,
            pltpu.SemaphoreType.DMA,
            pltpu.SemaphoreType.DMA,
            pltpu.SemaphoreType.DMA,
            pltpu.SemaphoreType.DMA,
            pltpu.SemaphoreType.DMA,
            pltpu.SemaphoreType.DMA,
            pltpu.SemaphoreType.DMA,
            pltpu.SemaphoreType.DMA,
            pltpu.SemaphoreType.DMA,
            pltpu.SemaphoreType.DMA,
        ],
    )
    def k(atok_hbm, tids_hbm, text_hbm, audio_hbm, out_hbm,
          atok_v, tids_v, bufs, out_v,
          sem_t, sem_g0, sem_g1, sem_g2, sem_g3, sem_g4, sem_g5, sem_g6,
          sem_g7, sem_o0, sem_o1):
        wid = lax.axis_index("s") * NC + lax.axis_index("c")
        lane = lax.iota(jnp.int32, 16)
        base_pos = wid * ppw
        pltpu.sync_copy(atok_hbm.at[pl.ds(base_pos, GP)], atok_v.at[0])
        pltpu.sync_copy(tids_hbm.at[pl.ds(base_pos, ppw)], tids_v)
        gsems = (sem_g0, sem_g1, sem_g2, sem_g3, sem_g4, sem_g5, sem_g6,
                 sem_g7)
        osems = (sem_o0, sem_o1)

        def fire(u, i):
            g = u >> 5
            col = g & (NCOL - 1)
            bk = (g >> 2) & 1
            fp = (u >> 1) & (GP - 1)
            sh = u & 1
            v = atok_v[bk, fp, pl.ds(sh * L, L)]
            ix = jnp.where(v == 0, 0, v + (lane + sh * L) * CB_VOCAB)
            return pltpu.async_copy(
                audio_hbm.at[ix, pl.ds(col * CW, CW)], bufs.at[i], gsems[i])

        def fire_text(g):
            o = g & 1
            col = g & (NCOL - 1)
            tix = tids_v[pl.ds((g >> 2) * GP, GP)]
            return pltpu.async_copy(
                text_hbm.at[tix, pl.ds(col * CW, CW)], out_v.at[o], sem_t)

        def acc(u, i):
            o = (u >> 5) & 1
            row = (u >> 1) & (GP - 1)

            @plsc.parallel_loop(0, CW // L, unroll=UNROLL)
            def _(c):
                off = c * L
                s = bufs[i, 0, pl.ds(off, L)]
                for j in range(1, L):
                    s = s + bufs[i, j, pl.ds(off, L)]
                plsc.addupdate(out_v.at[o, row, pl.ds(off, L)], s)

        def out_dst(g):
            col = g & (NCOL - 1)
            return out_hbm.at[pl.ds(base_pos + (g >> 2) * GP, GP),
                              pl.ds(col * CW, CW)]

        def store(g, parity):
            return pltpu.async_copy(out_v.at[parity], out_dst(g),
                                    osems[parity])

        def drain_store(g, parity):
            pltpu.make_async_copy(out_v.at[parity], out_dst(g),
                                  osems[parity]).wait()

        fire_text(0).wait()
        for i in range(RING):
            fire(i, i)

        def it_body(it, _):
            for kk in range(8):
                u = it * 8 + kk
                if kk == 0:
                    g = u >> 5

                    @pl.when(jnp.logical_and(it % 4 == 0, it > 0))
                    def _():
                        @pl.when(jnp.logical_and(g >= 2, g % 2 == 0))
                        def _():
                            drain_store(g - 2, 0)

                        @pl.when(jnp.logical_and(g >= 2, g % 2 == 1))
                        def _():
                            drain_store(g - 2, 1)

                        @pl.when(jnp.logical_and(g & (NCOL - 1) == NCOL - 1,
                                                 g < ngrp - 1))
                        def _():
                            blk1 = (g >> 2) + 1
                            pltpu.sync_copy(
                                atok_hbm.at[pl.ds(base_pos + blk1 * GP, GP)],
                                atok_v.at[blk1 & 1])
                        fire_text(g).wait()
                pltpu.make_async_copy(
                    audio_hbm.at[pl.ds(0, L), pl.ds(0, CW)],
                    bufs.at[kk], gsems[kk]).wait()
                acc(u, kk)

                @pl.when(u + RING < nunit)
                def _():
                    fire(u + RING, kk)
                if kk == 7:
                    g7 = u >> 5

                    @pl.when(jnp.logical_and(it % 4 == 3, g7 % 2 == 0))
                    def _():
                        store(g7, 0)

                    @pl.when(jnp.logical_and(it % 4 == 3, g7 % 2 == 1))
                    def _():
                        store(g7, 1)
            return 0

        lax.fori_loop(0, nunit // 8, it_body, 0)
        drain_store(ngrp - 2, (ngrp - 2) & 1)
        drain_store(ngrp - 1, (ngrp - 1) & 1)

    return k(audio_tok, text_ids, text_table, audio_table)


def kernel(input_ids, text_table, audio_table, audio_tokens_offsets):
    b, s, _ = input_ids.shape
    n_pos = b * s
    ids2 = input_ids.reshape(n_pos, NUM_CB + 1).astype(jnp.int32)
    audio_tok = ids2[:, :NUM_CB]
    text_ids = ids2[:, NUM_CB]
    out = _emb_call(n_pos, audio_tok, text_ids, text_table, audio_table)
    return out.reshape(b, s, HIDDEN)

# --- scband reference (transcript-rebuilt; emitter-appended) ---
"""Pipeline reference for scband-conversational-speech-backbone-model-embeddings-6133213298725 (READ-ONLY COPY).

The authoritative reference and input builder live on the scoring server;
editing this copy changes nothing except your own understanding.
"""

import jax, jax.numpy as jnp
import numpy as np

HIDDEN = 2048
VOCAB = 128256
NUM_CB = 32
CB_VOCAB = 2051
BATCH = 2
SEQ = 2048


def setup_inputs(seed: int = 0) -> dict:
    key = jax.random.key(seed)
    k1, k2, k3 = jax.random.split(key, 3)
    input_ids = jax.random.randint(k1, (BATCH, SEQ, NUM_CB + 1), 0, CB_VOCAB)
    text_table = jax.random.normal(k2, (VOCAB, HIDDEN), dtype=jnp.float32) * 0.02
    text_table = text_table.at[0].set(0.0)  # padding_idx row zeroed at init like nn.Embedding
    audio_table = jax.random.normal(k3, (NUM_CB * CB_VOCAB, HIDDEN), dtype=jnp.float32) * 0.02
    audio_table = audio_table.at[0].set(0.0)  # codebook_padding_idx row
    audio_tokens_offsets = jnp.arange(NUM_CB, dtype=input_ids.dtype) * CB_VOCAB
    return {
        "input_ids": input_ids,
        "text_table": text_table,
        "audio_table": audio_table,
        "audio_tokens_offsets": audio_tokens_offsets,
    }


def reference(input_ids, text_table, audio_table, audio_tokens_offsets):
    # text token is the last slot, audio codebook tokens are the first NUM_CB slots
    text_tokens = input_ids[:, :, -1:]
    audio_tokens = input_ids[:, :, :-1]
    audio_tokens_mask = audio_tokens != 0  # codebook_padding_idx == 0
    audio_idx = (audio_tokens + audio_tokens_offsets[None, None, :]) * audio_tokens_mask
    text_embeds = jnp.take(text_table, text_tokens, axis=0)
    audio_embeds = jnp.take(audio_table, audio_idx, axis=0)
    inputs_embeds = jnp.concatenate([text_embeds, audio_embeds], axis=-2)
    inputs_embeds = inputs_embeds.sum(axis=-2)
    return inputs_embeds

if __name__ == "__main__":
    import jax
    _d = setup_inputs()
    print(jax.jit(kernel)(*tuple(_d.values())))

</pallas_src>

<mosaic_0001>
#map = affine_map<(d0, d1) -> (0, 0)>
#map1 = affine_map<(d0, d1) -> (0)>
module attributes {stable_mosaic.version = 14 : i64} {
  func.func @k(%arg0: i32, %arg1: i32, %arg2: memref<4096x32xi32, #tpu.memory_space<hbm>>, %arg3: memref<4096xi32, #tpu.memory_space<hbm>>, %arg4: memref<128256x2048xf32, #tpu.memory_space<hbm>>, %arg5: memref<65632x2048xf32, #tpu.memory_space<hbm>>, %arg6: memref<4096x2048xf32, #tpu.memory_space<hbm>>, %arg7: memref<2x16x32xi32, #tpu.memory_space<vmem>>, %arg8: memref<128xi32, #tpu.memory_space<vmem>>, %arg9: memref<8x16x512xf32, #tpu.memory_space<vmem>>, %arg10: memref<2x16x512xf32, #tpu.memory_space<vmem>>, %arg11: memref<!tpu.dma_semaphore, #tpu.memory_space<semaphore_mem>>, %arg12: memref<!tpu.dma_semaphore, #tpu.memory_space<semaphore_mem>>, %arg13: memref<!tpu.dma_semaphore, #tpu.memory_space<semaphore_mem>>, %arg14: memref<!tpu.dma_semaphore, #tpu.memory_space<semaphore_mem>>, %arg15: memref<!tpu.dma_semaphore, #tpu.memory_space<semaphore_mem>>, %arg16: memref<!tpu.dma_semaphore, #tpu.memory_space<semaphore_mem>>, %arg17: memref<!tpu.dma_semaphore, #tpu.memory_space<semaphore_mem>>, %arg18: memref<!tpu.dma_semaphore, #tpu.memory_space<semaphore_mem>>, %arg19: memref<!tpu.dma_semaphore, #tpu.memory_space<semaphore_mem>>, %arg20: memref<!tpu.dma_semaphore, #tpu.memory_space<semaphore_mem>>, %arg21: memref<!tpu.dma_semaphore, #tpu.memory_space<semaphore_mem>>) attributes {dimension_semantics = [#tpu.dimension_semantics<core_parallel>, #tpu.dimension_semantics<subcore_parallel>], iteration_bounds = array<i64: 2, 16>, scalar_prefetch = 0 : i64, scratch_operands = 15 : i64, tpu.core_type = #tpu.core_type<sc_vector_subcore>, window_params = [{transform_indices = #map}, {transform_indices = #map1}, {transform_indices = #map}, {transform_indices = #map}, {transform_indices = #map}]} {
    %mul3A = arith.constant 2 : i32
    %mul3A_0 = arith.muli %arg1, %mul3A : i32
    %add3A = arith.addi %mul3A_0, %arg0 : i32
    %iota3A = tpu.iota {dimensions = array<i32: 0>} : vector<16xi32>
    %mul3A_1 = arith.constant 128 : i32
    %mul3A_2 = arith.muli %add3A, %mul3A_1 : i32
    %run_scoped3A = arith.constant 0 : i32
    "tpu.region"() ({
      %run_scoped3A_275 = tpu.sem_alloc : memref<!tpu.dma_semaphore, #tpu.memory_space<semaphore_mem>>
      %dma_start3A_276 = arith.constant 0 : i32
      %dma_start3A_277 = arith.constant 0 : i32
      %dma_start3A_278 = tpu.memref_slice %arg7[%run_scoped3A, %dma_start3A_276, %dma_start3A_277] : memref<2x16x32xi32, #tpu.memory_space<vmem>> -> memref<1x16x32xi32, #tpu.memory_space<vmem>>
      %dma_start3A_279 = tpu.memref_squeeze %dma_start3A_278 : memref<1x16x32xi32, #tpu.memory_space<vmem>> -> memref<16x32xi32, #tpu.memory_space<vmem>>
      %dma_start3A_280 = arith.constant 0 : i32
      %dma_start3A_281 = tpu.memref_slice %arg2[%mul3A_2, %dma_start3A_280] : memref<4096x32xi32, #tpu.memory_space<hbm>> -> memref<16x32xi32, #tpu.memory_space<hbm>>
      %dma_start3A_282 = arith.constant 0 : i32
      %dma_start3A_283 = arith.constant 0 : i32
      %dma_start3A_284 = tpu.memref_slice %arg7[%run_scoped3A, %dma_start3A_282, %dma_start3A_283] : memref<2x16x32xi32, #tpu.memory_space<vmem>> -> memref<1x16x32xi32, #tpu.memory_space<vmem>>
      %dma_start3A_285 = tpu.memref_squeeze %dma_start3A_284 : memref<1x16x32xi32, #tpu.memory_space<vmem>> -> memref<16x32xi32, #tpu.memory_space<vmem>>
      %dma_start3A_286 = arith.constant 0 : i32
      %dma_start3A_287 = tpu.memref_slice %arg2[%mul3A_2, %dma_start3A_286] : memref<4096x32xi32, #tpu.memory_space<hbm>> -> memref<16x32xi32, #tpu.memory_space<hbm>>
      tpu.enqueue_dma source(%dma_start3A_287 : memref<16x32xi32, #tpu.memory_space<hbm>>) target(%dma_start3A_285 : memref<16x32xi32, #tpu.memory_space<vmem>>) target_semaphore(%run_scoped3A_275 : memref<!tpu.dma_semaphore, #tpu.memory_space<semaphore_mem>>)
      %dma_wait3A_288 = arith.constant 0 : i32
      %dma_wait3A_289 = arith.constant 0 : i32
      %dma_wait3A_290 = tpu.memref_slice %arg7[%run_scoped3A, %dma_wait3A_288, %dma_wait3A_289] : memref<2x16x32xi32, #tpu.memory_space<vmem>> -> memref<1x16x32xi32, #tpu.memory_space<vmem>>
      %dma_wait3A_291 = tpu.memref_squeeze %dma_wait3A_290 : memref<1x16x32xi32, #tpu.memory_space<vmem>> -> memref<16x32xi32, #tpu.memory_space<vmem>>
      %dma_wait3A_292 = arith.constant 0 : i32
      %dma_wait3A_293 = tpu.memref_slice %arg2[%mul3A_2, %dma_wait3A_292] : memref<4096x32xi32, #tpu.memory_space<hbm>> -> memref<16x32xi32, #tpu.memory_space<hbm>>
      %dma_wait3A_294 = arith.constant 0 : i32
      %dma_wait3A_295 = arith.constant 0 : i32
      %dma_wait3A_296 = tpu.memref_slice %arg7[%run_scoped3A, %dma_wait3A_294, %dma_wait3A_295] : memref<2x16x32xi32, #tpu.memory_space<vmem>> -> memref<1x16x32xi32, #tpu.memory_space<vmem>>
      %dma_wait3A_297 = tpu.memref_squeeze %dma_wait3A_296 : memref<1x16x32xi32, #tpu.memory_space<vmem>> -> memref<16x32xi32, #tpu.memory_space<vmem>>
      %dma_wait3A_298 = arith.constant 0 : i32
      %dma_wait3A_299 = tpu.memref_slice %arg2[%mul3A_2, %dma_wait3A_298] : memref<4096x32xi32, #tpu.memory_space<hbm>> -> memref<16x32xi32, #tpu.memory_space<hbm>>
      tpu.wait_dma2 semaphore(%run_scoped3A_275 : memref<!tpu.dma_semaphore, #tpu.memory_space<semaphore_mem>>) src(%dma_wait3A_299 : memref<16x32xi32, #tpu.memory_space<hbm>>) dst(%dma_wait3A_297 : memref<16x32xi32, #tpu.memory_space<vmem>>)
      tpu.yield
    }) : () -> ()
    "tpu.region"() ({
      %run_scoped3A_275 = tpu.sem_alloc : memref<!tpu.dma_semaphore, #tpu.memory_space<semaphore_mem>>
      %dma_start3A_276 = tpu.memref_slice %arg3[%mul3A_2] : memref<4096xi32, #tpu.memory_space<hbm>> -> memref<128xi32, #tpu.memory_space<hbm>>
      %dma_start3A_277 = tpu.memref_slice %arg3[%mul3A_2] : memref<4096xi32, #tpu.memory_space<hbm>> -> memref<128xi32, #tpu.memory_space<hbm>>
      tpu.enqueue_dma source(%dma_start3A_277 : memref<128xi32, #tpu.memory_space<hbm>>) target(%arg8 : memref<128xi32, #tpu.memory_space<vmem>>) target_semaphore(%run_scoped3A_275 : memref<!tpu.dma_semaphore, #tpu.memory_space<semaphore_mem>>)
      %dma_wait3A_278 = tpu.memref_slice %arg3[%mul3A_2] : memref<4096xi32, #tpu.memory_space<hbm>> -> memref<128xi32, #tpu.memory_space<hbm>>
      %dma_wait3A_279 = tpu.memref_slice %arg3[%mul3A_2] : memref<4096xi32, #tpu.memory_space<hbm>> -> memref<128xi32, #tpu.memory_space<hbm>>
      tpu.wait_dma2 semaphore(%run_scoped3A_275 : memref<!tpu.dma_semaphore, #tpu.memory_space<semaphore_mem>>) src(%dma_wait3A_279 : memref<128xi32, #tpu.memory_space<hbm>>) dst(%arg8 : memref<128xi32, #tpu.memory_space<vmem>>)
      tpu.yield
    }) : () -> ()
    %get3A = arith.constant 0 : index
    %get3A_3 = tpu.vector_load %arg8[%get3A] {strides = array<i32>} : memref<128xi32, #tpu.memory_space<vmem>>, vector<16xi32>,
    %get3A_4 = vector.shape_cast %get3A_3 : vector<16xi32> to vector<16xi32>
    %dma_start3A = arith.constant 0 : i32
    %dma_start3A_5 = arith.constant 0 : i32
    %dma_start3A_6 = arith.constant 0 : i32
    %dma_start3A_7 = tpu.memref_slice %arg10[%dma_start3A, %dma_start3A_5, %dma_start3A_6] : memref<2x16x512xf32, #tpu.memory_space<vmem>> -> memref<1x16x512xf32, #tpu.memory_space<vmem>>
    %dma_start3A_8 = tpu.memref_squeeze %dma_start3A_7 : memref<1x16x512xf32, #tpu.memory_space<vmem>> -> memref<16x512xf32, #tpu.memory_space<vmem>>
    %dma_start3A_9 = arith.constant 0 : i32
    %dma_start3A_10 = arith.constant 0 : i32
    %dma_start3A_11 = tpu.memref_slice %arg4[%dma_start3A_9, %dma_start3A_10] : memref<128256x2048xf32, #tpu.memory_space<hbm>> -> memref<128256x512xf32, #tpu.memory_space<hbm>>
    tpu.enqueue_indirect_dma source(%dma_start3A_11 : memref<128256x512xf32, #tpu.memory_space<hbm>>) target(%dma_start3A_8 : memref<16x512xf32, #tpu.memory_space<vmem>>) offsets(%get3A_4 : vector<16xi32>) semaphore(%arg11 : memref<!tpu.dma_semaphore, #tpu.memory_space<semaphore_mem>>)
    %dma_wait3A = arith.constant 0 : i32
    %dma_wait3A_12 = arith.constant 0 : i32
    %dma_wait3A_13 = arith.constant 0 : i32
    %dma_wait3A_14 = tpu.memref_slice %arg10[%dma_wait3A, %dma_wait3A_12, %dma_wait3A_13] : memref<2x16x512xf32, #tpu.memory_space<vmem>> -> memref<1x16x512xf32, #tpu.memory_space<vmem>>
    %dma_wait3A_15 = tpu.memref_squeeze %dma_wait3A_14 : memref<1x16x512xf32, #tpu.memory_space<vmem>> -> memref<16x512xf32, #tpu.memory_space<vmem>>
    %dma_wait3A_16 = arith.constant 0 : i32
    %dma_wait3A_17 = arith.constant 0 : i32
    %dma_wait3A_18 = tpu.memref_slice %arg4[%dma_wait3A_16, %dma_wait3A_17] : memref<128256x2048xf32, #tpu.memory_space<hbm>> -> memref<128256x512xf32, #tpu.memory_space<hbm>>
    tpu.wait_indirect_dma semaphore(%arg11 : memref<!tpu.dma_semaphore, #tpu.memory_space<semaphore_mem>>) src(%dma_wait3A_18 : memref<128256x512xf32, #tpu.memory_space<hbm>>) dst(%dma_wait3A_15 : memref<16x512xf32, #tpu.memory_space<vmem>>)
    %get3A_19 = arith.constant 0 : i32
    %get3A_20 = arith.constant 0 : i32
    %get3A_21 = arith.index_cast %get3A_19 : i32 to index
    %get3A_22 = arith.index_cast %get3A_20 : i32 to index
    %get3A_23 = arith.constant 0 : index
    %get3A_24 = tpu.vector_load %arg7[%get3A_21, %get3A_22, %get3A_23] {strides = array<i32>} : memref<2x16x32xi32, #tpu.memory_space<vmem>>, vector<1x1x16xi32>,
    %get3A_25 = vector.shape_cast %get3A_24 : vector<1x1x16xi32> to vector<16xi32>
    %eq3A = arith.constant 0 : i32
    %eq3A_26 = vector.broadcast %eq3A : i32 to vector<16xi32>
    %eq3A_27 = arith.cmpi eq, %get3A_25, %eq3A_26 : vector<16xi32>
    %add3A_28 = arith.constant 0 : i32
    %add3A_29 = vector.broadcast %add3A_28 : i32 to vector<16xi32>
    %add3A_30 = arith.addi %iota3A, %add3A_29 : vector<16xi32>
    %mul3A_31 = arith.constant 2051 : i32
    %mul3A_32 = vector.broadcast %mul3A_31 : i32 to vector<16xi32>
    %mul3A_33 = arith.muli %add3A_30, %mul3A_32 : vector<16xi32>
    %add3A_34 = arith.addi %get3A_25, %mul3A_33 : vector<16xi32>
    %jit3A = arith.constant 0 : i32
    %broadcast_in_dim3A = vector.broadcast %jit3A : i32 to vector<16xi32>
    %select_n3A = arith.select %eq3A_27, %broadcast_in_dim3A, %add3A_34 : vector<16xi1>, vector<16xi32>
    %dma_start3A_35 = arith.constant 0 : i32
    %dma_start3A_36 = arith.constant 0 : i32
    %dma_start3A_37 = arith.constant 0 : i32
    %dma_start3A_38 = tpu.memref_slice %arg9[%dma_start3A_35, %dma_start3A_36, %dma_start3A_37] : memref<8x16x512xf32, #tpu.memory_space<vmem>> -> memref<1x16x512xf32, #tpu.memory_space<vmem>>
    %dma_start3A_39 = tpu.memref_squeeze %dma_start3A_38 : memref<1x16x512xf32, #tpu.memory_space<vmem>> -> memref<16x512xf32, #tpu.memory_space<vmem>>
    %dma_start3A_40 = arith.constant 0 : i32
    %dma_start3A_41 = arith.constant 0 : i32
    %dma_start3A_42 = tpu.memref_slice %arg5[%dma_start3A_40, %dma_start3A_41] : memref<65632x2048xf32, #tpu.memory_space<hbm>> -> memref<65632x512xf32, #tpu.memory_space<hbm>>
    tpu.enqueue_indirect_dma source(%dma_start3A_42 : memref<65632x512xf32, #tpu.memory_space<hbm>>) target(%dma_start3A_39 : memref<16x512xf32, #tpu.memory_space<vmem>>) offsets(%select_n3A : vector<16xi32>) semaphore(%arg12 : memref<!tpu.dma_semaphore, #tpu.memory_space<semaphore_mem>>)
    %get3A_43 = arith.constant 0 : i32
    %get3A_44 = arith.constant 0 : i32
    %get3A_45 = arith.index_cast %get3A_43 : i32 to index
    %get3A_46 = arith.index_cast %get3A_44 : i32 to index
    %get3A_47 = arith.constant 16 : index
    %get3A_48 = tpu.vector_load %arg7[%get3A_45, %get3A_46, %get3A_47] {strides = array<i32>} : memref<2x16x32xi32, #tpu.memory_space<vmem>>, vector<1x1x16xi32>,
    %get3A_49 = vector.shape_cast %get3A_48 : vector<1x1x16xi32> to vector<16xi32>
    %eq3A_50 = arith.constant 0 : i32
    %eq3A_51 = vector.broadcast %eq3A_50 : i32 to vector<16xi32>
    %eq3A_52 = arith.cmpi eq, %get3A_49, %eq3A_51 : vector<16xi32>
    %add3A_53 = arith.constant 16 : i32
    %add3A_54 = vector.broadcast %add3A_53 : i32 to vector<16xi32>
    %add3A_55 = arith.addi %iota3A, %add3A_54 : vector<16xi32>
    %mul3A_56 = arith.constant 2051 : i32
    %mul3A_57 = vector.broadcast %mul3A_56 : i32 to vector<16xi32>
    %mul3A_58 = arith.muli %add3A_55, %mul3A_57 : vector<16xi32>
    %add3A_59 = arith.addi %get3A_49, %mul3A_58 : vector<16xi32>
    %jit3A_60 = arith.constant 0 : i32
    %broadcast_in_dim3A_61 = vector.broadcast %jit3A_60 : i32 to vector<16xi32>
    %select_n3A_62 = arith.select %eq3A_52, %broadcast_in_dim3A_61, %add3A_59 : vector<16xi1>, vector<16xi32>
    %dma_start3A_63 = arith.constant 1 : i32
    %dma_start3A_64 = arith.constant 0 : i32
    %dma_start3A_65 = arith.constant 0 : i32
    %dma_start3A_66 = tpu.memref_slice %arg9[%dma_start3A_63, %dma_start3A_64, %dma_start3A_65] : memref<8x16x512xf32, #tpu.memory_space<vmem>> -> memref<1x16x512xf32, #tpu.memory_space<vmem>>
    %dma_start3A_67 = tpu.memref_squeeze %dma_start3A_66 : memref<1x16x512xf32, #tpu.memory_space<vmem>> -> memref<16x512xf32, #tpu.memory_space<vmem>>
    %dma_start3A_68 = arith.constant 0 : i32
    %dma_start3A_69 = arith.constant 0 : i32
    %dma_start3A_70 = tpu.memref_slice %arg5[%dma_start3A_68, %dma_start3A_69] : memref<65632x2048xf32, #tpu.memory_space<hbm>> -> memref<65632x512xf32, #tpu.memory_space<hbm>>
    tpu.enqueue_indirect_dma source(%dma_start3A_70 : memref<65632x512xf32, #tpu.memory_space<hbm>>) target(%dma_start3A_67 : memref<16x512xf32, #tpu.memory_space<vmem>>) offsets(%select_n3A_62 : vector<16xi32>) semaphore(%arg13 : memref<!tpu.dma_semaphore, #tpu.memory_space<semaphore_mem>>)
    %get3A_71 = arith.constant 0 : i32
    %get3A_72 = arith.constant 1 : i32
    %get3A_73 = arith.index_cast %get3A_71 : i32 to index
    %get3A_74 = arith.index_cast %get3A_72 : i32 to index
    %get3A_75 = arith.constant 0 : index
    %get3A_76 = tpu.vector_load %arg7[%get3A_73, %get3A_74, %get3A_75] {strides = array<i32>} : memref<2x16x32xi32, #tpu.memory_space<vmem>>, vector<1x1x16xi32>,
    %get3A_77 = vector.shape_cast %get3A_76 : vector<1x1x16xi32> to vector<16xi32>
    %eq3A_78 = arith.constant 0 : i32
    %eq3A_79 = vector.broadcast %eq3A_78 : i32 to vector<16xi32>
    %eq3A_80 = arith.cmpi eq, %get3A_77, %eq3A_79 : vector<16xi32>
    %add3A_81 = arith.constant 0 : i32
    %add3A_82 = vector.broadcast %add3A_81 : i32 to vector<16xi32>
    %add3A_83 = arith.addi %iota3A, %add3A_82 : vector<16xi32>
    %mul3A_84 = arith.constant 2051 : i32
    %mul3A_85 = vector.broadcast %mul3A_84 : i32 to vector<16xi32>
    %mul3A_86 = arith.muli %add3A_83, %mul3A_85 : vector<16xi32>
    %add3A_87 = arith.addi %get3A_77, %mul3A_86 : vector<16xi32>
    %jit3A_88 = arith.constant 0 : i32
    %broadcast_in_dim3A_89 = vector.broadcast %jit3A_88 : i32 to vector<16xi32>
    %select_n3A_90 = arith.select %eq3A_80, %broadcast_in_dim3A_89, %add3A_87 : vector<16xi1>, vector<16xi32>
    %dma_start3A_91 = arith.constant 2 : i32
    %dma_start3A_92 = arith.constant 0 : i32
    %dma_start3A_93 = arith.constant 0 : i32
    %dma_start3A_94 = tpu.memref_slice %arg9[%dma_start3A_91, %dma_start3A_92, %dma_start3A_93] : memref<8x16x512xf32, #tpu.memory_space<vmem>> -> memref<1x16x512xf32, #tpu.memory_space<vmem>>
    %dma_start3A_95 = tpu.memref_squeeze %dma_start3A_94 : memref<1x16x512xf32, #tpu.memory_space<vmem>> -> memref<16x512xf32, #tpu.memory_space<vmem>>
    %dma_start3A_96 = arith.constant 0 : i32
    %dma_start3A_97 = arith.constant 0 : i32
    %dma_start3A_98 = tpu.memref_slice %arg5[%dma_start3A_96, %dma_start3A_97] : memref<65632x2048xf32, #tpu.memory_space<hbm>> -> memref<65632x512xf32, #tpu.memory_space<hbm>>
    tpu.enqueue_indirect_dma source(%dma_start3A_98 : memref<65632x512xf32, #tpu.memory_space<hbm>>) target(%dma_start3A_95 : memref<16x512xf32, #tpu.memory_space<vmem>>) offsets(%select_n3A_90 : vector<16xi32>) semaphore(%arg14 : memref<!tpu.dma_semaphore, #tpu.memory_space<semaphore_mem>>)
    %get3A_99 = arith.constant 0 : i32
    %get3A_100 = arith.constant 1 : i32
    %get3A_101 = arith.index_cast %get3A_99 : i32 to index
    %get3A_102 = arith.index_cast %get3A_100 : i32 to index
    %get3A_103 = arith.constant 16 : index
    %get3A_104 = tpu.vector_load %arg7[%get3A_101, %get3A_102, %get3A_103] {strides = array<i32>} : memref<2x16x32xi32, #tpu.memory_space<vmem>>, vector<1x1x16xi32>,
    %get3A_105 = vector.shape_cast %get3A_104 : vector<1x1x16xi32> to vector<16xi32>
    %eq3A_106 = arith.constant 0 : i32
    %eq3A_107 = vector.broadcast %eq3A_106 : i32 to vector<16xi32>
    %eq3A_108 = arith.cmpi eq, %get3A_105, %eq3A_107 : vector<16xi32>
    %add3A_109 = arith.constant 16 : i32
    %add3A_110 = vector.broadcast %add3A_109 : i32 to vector<16xi32>
    %add3A_111 = arith.addi %iota3A, %add3A_110 : vector<16xi32>
    %mul3A_112 = arith.constant 2051 : i32
    %mul3A_113 = vector.broadcast %mul3A_112 : i32 to vector<16xi32>
    %mul3A_114 = arith.muli %add3A_111, %mul3A_113 : vector<16xi32>
    %add3A_115 = arith.addi %get3A_105, %mul3A_114 : vector<16xi32>
    %jit3A_116 = arith.constant 0 : i32
    %broadcast_in_dim3A_117 = vector.broadcast %jit3A_116 : i32 to vector<16xi32>
    %select_n3A_118 = arith.select %eq3A_108, %broadcast_in_dim3A_117, %add3A_115 : vector<16xi1>, vector<16xi32>
    %dma_start3A_119 = arith.constant 3 : i32
    %dma_start3A_120 = arith.constant 0 : i32
    %dma_start3A_121 = arith.constant 0 : i32
    %dma_start3A_122 = tpu.memref_slice %arg9[%dma_start3A_119, %dma_start3A_120, %dma_start3A_121] : memref<8x16x512xf32, #tpu.memory_space<vmem>> -> memref<1x16x512xf32, #tpu.memory_space<vmem>>
    %dma_start3A_123 = tpu.memref_squeeze %dma_start3A_122 : memref<1x16x512xf32, #tpu.memory_space<vmem>> -> memref<16x512xf32, #tpu.memory_space<vmem>>
    %dma_start3A_124 = arith.constant 0 : i32
    %dma_start3A_125 = arith.constant 0 : i32
    %dma_start3A_126 = tpu.memref_slice %arg5[%dma_start3A_124, %dma_start3A_125] : memref<65632x2048xf32, #tpu.memory_space<hbm>> -> memref<65632x512xf32, #tpu.memory_space<hbm>>
    tpu.enqueue_indirect_dma source(%dma_start3A_126 : memref<65632x512xf32, #tpu.memory_space<hbm>>) target(%dma_start3A_123 : memref<16x512xf32, #tpu.memory_space<vmem>>) offsets(%select_n3A_118 : vector<16xi32>) semaphore(%arg15 : memref<!tpu.dma_semaphore, #tpu.memory_space<semaphore_mem>>)
    %get3A_127 = arith.constant 0 : i32
    %get3A_128 = arith.constant 2 : i32
    %get3A_129 = arith.index_cast %get3A_127 : i32 to index
    %get3A_130 = arith.index_cast %get3A_128 : i32 to index
    %get3A_131 = arith.constant 0 : index
    %get3A_132 = tpu.vector_load %arg7[%get3A_129, %get3A_130, %get3A_131] {strides = array<i32>} : memref<2x16x32xi32, #tpu.memory_space<vmem>>, vector<1x1x16xi32>,
    %get3A_133 = vector.shape_cast %get3A_132 : vector<1x1x16xi32> to vector<16xi32>
    %eq3A_134 = arith.constant 0 : i32
    %eq3A_135 = vector.broadcast %eq3A_134 : i32 to vector<16xi32>
    %eq3A_136 = arith.cmpi eq, %get3A_133, %eq3A_135 : vector<16xi32>
    %add3A_137 = arith.constant 0 : i32
    %add3A_138 = vector.broadcast %add3A_137 : i32 to vector<16xi32>
    %add3A_139 = arith.addi %iota3A, %add3A_138 : vector<16xi32>
    %mul3A_140 = arith.constant 2051 : i32
    %mul3A_141 = vector.broadcast %mul3A_140 : i32 to vector<16xi32>
    %mul3A_142 = arith.muli %add3A_139, %mul3A_141 : vector<16xi32>
    %add3A_143 = arith.addi %get3A_133, %mul3A_142 : vector<16xi32>
    %jit3A_144 = arith.constant 0 : i32
    %broadcast_in_dim3A_145 = vector.broadcast %jit3A_144 : i32 to vector<16xi32>
    %select_n3A_146 = arith.select %eq3A_136, %broadcast_in_dim3A_145, %add3A_143 : vector<16xi1>, vector<16xi32>
    %dma_start3A_147 = arith.constant 4 : i32
    %dma_start3A_148 = arith.constant 0 : i32
    %dma_start3A_149 = arith.constant 0 : i32
    %dma_start3A_150 = tpu.memref_slice %arg9[%dma_start3A_147, %dma_start3A_148, %dma_start3A_149] : memref<8x16x512xf32, #tpu.memory_space<vmem>> -> memref<1x16x512xf32, #tpu.memory_space<vmem>>
    %dma_start3A_151 = tpu.memref_squeeze %dma_start3A_150 : memref<1x16x512xf32, #tpu.memory_space<vmem>> -> memref<16x512xf32, #tpu.memory_space<vmem>>
    %dma_start3A_152 = arith.constant 0 : i32
    %dma_start3A_153 = arith.constant 0 : i32
    %dma_start3A_154 = tpu.memref_slice %arg5[%dma_start3A_152, %dma_start3A_153] : memref<65632x2048xf32, #tpu.memory_space<hbm>> -> memref<65632x512xf32, #tpu.memory_space<hbm>>
    tpu.enqueue_indirect_dma source(%dma_start3A_154 : memref<65632x512xf32, #tpu.memory_space<hbm>>) target(%dma_start3A_151 : memref<16x512xf32, #tpu.memory_space<vmem>>) offsets(%select_n3A_146 : vector<16xi32>) semaphore(%arg16 : memref<!tpu.dma_semaphore, #tpu.memory_space<semaphore_mem>>)
    %get3A_155 = arith.constant 0 : i32
    %get3A_156 = arith.constant 2 : i32
    %get3A_157 = arith.index_cast %get3A_155 : i32 to index
    %get3A_158 = arith.index_cast %get3A_156 : i32 to index
    %get3A_159 = arith.constant 16 : index
    %get3A_160 = tpu.vector_load %arg7[%get3A_157, %get3A_158, %get3A_159] {strides = array<i32>} : memref<2x16x32xi32, #tpu.memory_space<vmem>>, vector<1x1x16xi32>,
    %get3A_161 = vector.shape_cast %get3A_160 : vector<1x1x16xi32> to vector<16xi32>
    %eq3A_162 = arith.constant 0 : i32
    %eq3A_163 = vector.broadcast %eq3A_162 : i32 to vector<16xi32>
    %eq3A_164 = arith.cmpi eq, %get3A_161, %eq3A_163 : vector<16xi32>
    %add3A_165 = arith.constant 16 : i32
    %add3A_166 = vector.broadcast %add3A_165 : i32 to vector<16xi32>
    %add3A_167 = arith.addi %iota3A, %add3A_166 : vector<16xi32>
    %mul3A_168 = arith.constant 2051 : i32
    %mul3A_169 = vector.broadcast %mul3A_168 : i32 to vector<16xi32>
    %mul3A_170 = arith.muli %add3A_167, %mul3A_169 : vector<16xi32>
    %add3A_171 = arith.addi %get3A_161, %mul3A_170 : vector<16xi32>
    %jit3A_172 = arith.constant 0 : i32
    %broadcast_in_dim3A_173 = vector.broadcast %jit3A_172 : i32 to vector<16xi32>
    %select_n3A_174 = arith.select %eq3A_164, %broadcast_in_dim3A_173, %add3A_171 : vector<16xi1>, vector<16xi32>
    %dma_start3A_175 = arith.constant 5 : i32
    %dma_start3A_176 = arith.constant 0 : i32
    %dma_start3A_177 = arith.constant 0 : i32
    %dma_start3A_178 = tpu.memref_slice %arg9[%dma_start3A_175, %dma_start3A_176, %dma_start3A_177] : memref<8x16x512xf32, #tpu.memory_space<vmem>> -> memref<1x16x512xf32, #tpu.memory_space<vmem>>
    %dma_start3A_179 = tpu.memref_squeeze %dma_start3A_178 : memref<1x16x512xf32, #tpu.memory_space<vmem>> -> memref<16x512xf32, #tpu.memory_space<vmem>>
    %dma_start3A_180 = arith.constant 0 : i32
    %dma_start3A_181 = arith.constant 0 : i32
    %dma_start3A_182 = tpu.memref_slice %arg5[%dma_start3A_180, %dma_start3A_181] : memref<65632x2048xf32, #tpu.memory_space<hbm>> -> memref<65632x512xf32, #tpu.memory_space<hbm>>
    tpu.enqueue_indirect_dma source(%dma_start3A_182 : memref<65632x512xf32, #tpu.memory_space<hbm>>) target(%dma_start3A_179 : memref<16x512xf32, #tpu.memory_space<vmem>>) offsets(%select_n3A_174 : vector<16xi32>) semaphore(%arg17 : memref<!tpu.dma_semaphore, #tpu.memory_space<semaphore_mem>>)
    %get3A_183 = arith.constant 0 : i32
    %get3A_184 = arith.constant 3 : i32
    %get3A_185 = arith.index_cast %get3A_183 : i32 to index
    %get3A_186 = arith.index_cast %get3A_184 : i32 to index
    %get3A_187 = arith.constant 0 : index
    %get3A_188 = tpu.vector_load %arg7[%get3A_185, %get3A_186, %get3A_187] {strides = array<i32>} : memref<2x16x32xi32, #tpu.memory_space<vmem>>, vector<1x1x16xi32>,
    %get3A_189 = vector.shape_cast %get3A_188 : vector<1x1x16xi32> to vector<16xi32>
    %eq3A_190 = arith.constant 0 : i32
    %eq3A_191 = vector.broadcast %eq3A_190 : i32 to vector<16xi32>
    %eq3A_192 = arith.cmpi eq, %get3A_189, %eq3A_191 : vector<16xi32>
    %add3A_193 = arith.constant 0 : i32
    %add3A_194 = vector.broadcast %add3A_193 : i32 to vector<16xi32>
    %add3A_195 = arith.addi %iota3A, %add3A_194 : vector<16xi32>
    %mul3A_196 = arith.constant 2051 : i32
    %mul3A_197 = vector.broadcast %mul3A_196 : i32 to vector<16xi32>
    %mul3A_198 = arith.muli %add3A_195, %mul3A_197 : vector<16xi32>
    %add3A_199 = arith.addi %get3A_189, %mul3A_198 : vector<16xi32>
    %jit3A_200 = arith.constant 0 : i32
    %broadcast_in_dim3A_201 = vector.broadcast %jit3A_200 : i32 to vector<16xi32>
    %select_n3A_202 = arith.select %eq3A_192, %broadcast_in_dim3A_201, %add3A_199 : vector<16xi1>, vector<16xi32>
    %dma_start3A_203 = arith.constant 6 : i32
    %dma_start3A_204 = arith.constant 0 : i32
    %dma_start3A_205 = arith.constant 0 : i32
    %dma_start3A_206 = tpu.memref_slice %arg9[%dma_start3A_203, %dma_start3A_204, %dma_start3A_205] : memref<8x16x512xf32, #tpu.memory_space<vmem>> -> memref<1x16x512xf32, #tpu.memory_space<vmem>>
    %dma_start3A_207 = tpu.memref_squeeze %dma_start3A_206 : memref<1x16x512xf32, #tpu.memory_space<vmem>> -> memref<16x512xf32, #tpu.memory_space<vmem>>
    %dma_start3A_208 = arith.constant 0 : i32
    %dma_start3A_209 = arith.constant 0 : i32
    %dma_start3A_210 = tpu.memref_slice %arg5[%dma_start3A_208, %dma_start3A_209] : memref<65632x2048xf32, #tpu.memory_space<hbm>> -> memref<65632x512xf32, #tpu.memory_space<hbm>>
    tpu.enqueue_indirect_dma source(%dma_start3A_210 : memref<65632x512xf32, #tpu.memory_space<hbm>>) target(%dma_start3A_207 : memref<16x512xf32, #tpu.memory_space<vmem>>) offsets(%select_n3A_202 : vector<16xi32>) semaphore(%arg18 : memref<!tpu.dma_semaphore, #tpu.memory_space<semaphore_mem>>)
    %get3A_211 = arith.constant 0 : i32
    %get3A_212 = arith.constant 3 : i32
    %get3A_213 = arith.index_cast %get3A_211 : i32 to index
    %get3A_214 = arith.index_cast %get3A_212 : i32 to index
    %get3A_215 = arith.constant 16 : index
    %get3A_216 = tpu.vector_load %arg7[%get3A_213, %get3A_214, %get3A_215] {strides = array<i32>} : memref<2x16x32xi32, #tpu.memory_space<vmem>>, vector<1x1x16xi32>,
    %get3A_217 = vector.shape_cast %get3A_216 : vector<1x1x16xi32> to vector<16xi32>
    %eq3A_218 = arith.constant 0 : i32
    %eq3A_219 = vector.broadcast %eq3A_218 : i32 to vector<16xi32>
    %eq3A_220 = arith.cmpi eq, %get3A_217, %eq3A_219 : vector<16xi32>
    %add3A_221 = arith.constant 16 : i32
    %add3A_222 = vector.broadcast %add3A_221 : i32 to vector<16xi32>
    %add3A_223 = arith.addi %iota3A, %add3A_222 : vector<16xi32>
    %mul3A_224 = arith.constant 2051 : i32
    %mul3A_225 = vector.broadcast %mul3A_224 : i32 to vector<16xi32>
    %mul3A_226 = arith.muli %add3A_223, %mul3A_225 : vector<16xi32>
    %add3A_227 = arith.addi %get3A_217, %mul3A_226 : vector<16xi32>
    %jit3A_228 = arith.constant 0 : i32
    %broadcast_in_dim3A_229 = vector.broadcast %jit3A_228 : i32 to vector<16xi32>
    %select_n3A_230 = arith.select %eq3A_220, %broadcast_in_dim3A_229, %add3A_227 : vector<16xi1>, vector<16xi32>
    %dma_start3A_231 = arith.constant 7 : i32
    %dma_start3A_232 = arith.constant 0 : i32
    %dma_start3A_233 = arith.constant 0 : i32
    %dma_start3A_234 = tpu.memref_slice %arg9[%dma_start3A_231, %dma_start3A_232, %dma_start3A_233] : memref<8x16x512xf32, #tpu.memory_space<vmem>> -> memref<1x16x512xf32, #tpu.memory_space<vmem>>
    %dma_start3A_235 = tpu.memref_squeeze %dma_start3A_234 : memref<1x16x512xf32, #tpu.memory_space<vmem>> -> memref<16x512xf32, #tpu.memory_space<vmem>>
    %dma_start3A_236 = arith.constant 0 : i32
    %dma_start3A_237 = arith.constant 0 : i32
    %dma_start3A_238 = tpu.memref_slice %arg5[%dma_start3A_236, %dma_start3A_237] : memref<65632x2048xf32, #tpu.memory_space<hbm>> -> memref<65632x512xf32, #tpu.memory_space<hbm>>
    tpu.enqueue_indirect_dma source(%dma_start3A_238 : memref<65632x512xf32, #tpu.memory_space<hbm>>) target(%dma_start3A_235 : memref<16x512xf32, #tpu.memory_space<vmem>>) offsets(%select_n3A_230 : vector<16xi32>) semaphore(%arg19 : memref<!tpu.dma_semaphore, #tpu.memory_space<semaphore_mem>>)
    %scan3A = arith.constant 0 : i32
    %scan3A_239 = arith.constant 0 : i32
    %scan3A_240 = arith.constant 128 : i32
    %scan3A_241 = arith.addi %scan3A_239, %scan3A_240 : i32
    %scan3A_242 = arith.constant 1 : i32
    %scan3A_243 = scf.for %scan3A_275 = %scan3A_239 to %scan3A_241 step %scan3A_242 iter_args(%scan3A_276 = %scan3A) -> (i32)  : i32 {
      %mul3A_277 = arith.constant 8 : i32
      %mul3A_278 = arith.muli %scan3A_275, %mul3A_277 : i32
      %add3A_279 = arith.constant 0 : i32
      %add3A_280 = arith.addi %mul3A_278, %add3A_279 : i32
      %shift_right_arithmetic3A = arith.constant 5 : i32
      %shift_right_arithmetic3A_281 = arith.shrsi %add3A_280, %shift_right_arithmetic3A : i32
      %jit3A_282 = arith.constant 4 : i32
      %eq3A_283 = arith.constant 0 : i32
      %eq3A_284 = arith.cmpi eq, %jit3A_282, %eq3A_283 : i32
      %jit3A_285 = arith.constant 1 : i32
      %select_n3A_286 = arith.select %eq3A_284, %jit3A_285, %jit3A_282 : i32
      %rem3A = arith.remsi %scan3A_275, %select_n3A_286 : i32
      %ne3A = arith.constant 0 : i32
      %ne3A_287 = arith.cmpi ne, %rem3A, %ne3A : i32
      %lt3A = arith.constant 0 : i32
      %lt3A_288 = arith.cmpi slt, %rem3A, %lt3A : i32
      %lt3A_289 = arith.constant 0 : i32
      %lt3A_290 = arith.cmpi slt, %select_n3A_286, %lt3A_289 : i32
      %ne3A_291 = arith.xori %lt3A_288, %lt3A_290 : i1
      %and3A = arith.andi %ne3A_291, %ne3A_287 : i1
      %add3A_292 = arith.addi %rem3A, %select_n3A_286 : i32
      %select_n3A_293 = arith.select %and3A, %add3A_292, %rem3A : i32
      %eq3A_294 = arith.constant 0 : i32
      %eq3A_295 = arith.cmpi eq, %select_n3A_293, %eq3A_294 : i32
      %gt3A = arith.constant 0 : i32
      %gt3A_296 = arith.cmpi sgt, %scan3A_275, %gt3A : i32
      %and3A_297 = arith.andi %eq3A_295, %gt3A_296 : i1
      %convert_element_type3A = arith.extui %and3A_297 : i1 to i32
      %cond3A = arith.constant 0 : i32
      %cond3A_298 = arith.cmpi ne, %convert_element_type3A, %cond3A : i32
      scf.if %cond3A_298 {
        %ge3A = arith.constant 2 : i32
        %ge3A_673 = arith.cmpi sge, %shift_right_arithmetic3A_281, %ge3A : i32
        %jit3A_674 = arith.constant 2 : i32
        %eq3A_675 = arith.constant 0 : i32
        %eq3A_676 = arith.cmpi eq, %jit3A_674, %eq3A_675 : i32
        %jit3A_677 = arith.constant 1 : i32
        %select_n3A_678 = arith.select %eq3A_676, %jit3A_677, %jit3A_674 : i32
        %rem3A_679 = arith.remsi %shift_right_arithmetic3A_281, %select_n3A_678 : i32
        %ne3A_680 = arith.constant 0 : i32
        %ne3A_681 = arith.cmpi ne, %rem3A_679, %ne3A_680 : i32
        %lt3A_682 = arith.constant 0 : i32
        %lt3A_683 = arith.cmpi slt, %rem3A_679, %lt3A_682 : i32
        %lt3A_684 = arith.constant 0 : i32
        %lt3A_685 = arith.cmpi slt, %select_n3A_678, %lt3A_684 : i32
        %ne3A_686 = arith.xori %lt3A_683, %lt3A_685 : i1
        %and3A_687 = arith.andi %ne3A_686, %ne3A_681 : i1
        %add3A_688 = arith.addi %rem3A_679, %select_n3A_678 : i32
        %select_n3A_689 = arith.select %and3A_687, %add3A_688, %rem3A_679 : i32
        %eq3A_690 = arith.constant 0 : i32
        %eq3A_691 = arith.cmpi eq, %select_n3A_689, %eq3A_690 : i32
        %and3A_692 = arith.andi %ge3A_673, %eq3A_691 : i1
        %convert_element_type3A_693 = arith.extui %and3A_692 : i1 to i32
        %cond3A_694 = arith.constant 0 : i32
        %cond3A_695 = arith.cmpi ne, %convert_element_type3A_693, %cond3A_694 : i32
        scf.if %cond3A_695 {
          %sub3A = arith.constant 2 : i32
          %sub3A_755 = arith.subi %shift_right_arithmetic3A_281, %sub3A : i32
          %and3A_756 = arith.constant 3 : i32
          %and3A_757 = arith.andi %sub3A_755, %and3A_756 : i32
          %shift_right_arithmetic3A_758 = arith.constant 2 : i32
          %shift_right_arithmetic3A_759 = arith.shrsi %sub3A_755, %shift_right_arithmetic3A_758 : i32
          %mul3A_760 = arith.constant 16 : i32
          %mul3A_761 = arith.muli %shift_right_arithmetic3A_759, %mul3A_760 : i32
          %add3A_762 = arith.addi %mul3A_2, %mul3A_761 : i32
          %mul3A_763 = arith.constant 512 : i32
          %mul3A_764 = arith.muli %and3A_757, %mul3A_763 : i32
          %dma_wait3A_765 = arith.constant 0 : i32
          %dma_wait3A_766 = arith.constant 0 : i32
          %dma_wait3A_767 = arith.constant 0 : i32
          %dma_wait3A_768 = tpu.memref_slice %arg10[%dma_wait3A_765, %dma_wait3A_766, %dma_wait3A_767] : memref<2x16x512xf32, #tpu.memory_space<vmem>> -> memref<1x16x512xf32, #tpu.memory_space<vmem>>
          %dma_wait3A_769 = tpu.memref_squeeze %dma_wait3A_768 : memref<1x16x512xf32, #tpu.memory_space<vmem>> -> memref<16x512xf32, #tpu.memory_space<vmem>>
          %dma_wait3A_770 = tpu.memref_slice %arg6[%add3A_762, %mul3A_764] : memref<4096x2048xf32, #tpu.memory_space<hbm>> -> memref<16x512xf32, #tpu.memory_space<hbm>>
          %dma_wait3A_771 = tpu.memref_slice %arg6[%add3A_762, %mul3A_764] : memref<4096x2048xf32, #tpu.memory_space<hbm>> -> memref<16x512xf32, #tpu.memory_space<hbm>>
          %dma_wait3A_772 = arith.constant 0 : i32
          %dma_wait3A_773 = arith.constant 0 : i32
          %dma_wait3A_774 = tpu.memref_slice %arg10[%dma_wait3A_765, %dma_wait3A_772, %dma_wait3A_773] : memref<2x16x512xf32, #tpu.memory_space<vmem>> -> memref<1x16x512xf32, #tpu.memory_space<vmem>>
          %dma_wait3A_775 = tpu.memref_squeeze %dma_wait3A_774 : memref<1x16x512xf32, #tpu.memory_space<vmem>> -> memref<16x512xf32, #tpu.memory_space<vmem>>
          tpu.wait_dma2 semaphore(%arg20 : memref<!tpu.dma_semaphore, #tpu.memory_space<semaphore_mem>>) src(%dma_wait3A_775 : memref<16x512xf32, #tpu.memory_space<vmem>>) dst(%dma_wait3A_771 : memref<16x512xf32, #tpu.memory_space<hbm>>)
        } else {
        }
        %ge3A_696 = arith.constant 2 : i32
        %ge3A_697 = arith.cmpi sge, %shift_right_arithmetic3A_281, %ge3A_696 : i32
        %jit3A_698 = arith.constant 2 : i32
        %eq3A_699 = arith.constant 0 : i32
        %eq3A_700 = arith.cmpi eq, %jit3A_698, %eq3A_699 : i32
        %jit3A_701 = arith.constant 1 : i32
        %select_n3A_702 = arith.select %eq3A_700, %jit3A_701, %jit3A_698 : i32
        %rem3A_703 = arith.remsi %shift_right_arithmetic3A_281, %select_n3A_702 : i32
        %ne3A_704 = arith.constant 0 : i32
        %ne3A_705 = arith.cmpi ne, %rem3A_703, %ne3A_704 : i32
        %lt3A_706 = arith.constant 0 : i32
        %lt3A_707 = arith.cmpi slt, %rem3A_703, %lt3A_706 : i32
        %lt3A_708 = arith.constant 0 : i32
        %lt3A_709 = arith.cmpi slt, %select_n3A_702, %lt3A_708 : i32
        %ne3A_710 = arith.xori %lt3A_707, %lt3A_709 : i1
        %and3A_711 = arith.andi %ne3A_710, %ne3A_705 : i1
        %add3A_712 = arith.addi %rem3A_703, %select_n3A_702 : i32
        %select_n3A_713 = arith.select %and3A_711, %add3A_712, %rem3A_703 : i32
        %eq3A_714 = arith.constant 1 : i32
        %eq3A_715 = arith.cmpi eq, %select_n3A_713, %eq3A_714 : i32
        %and3A_716 = arith.andi %ge3A_697, %eq3A_715 : i1
        %convert_element_type3A_717 = arith.extui %and3A_716 : i1 to i32
        %cond3A_718 = arith.constant 0 : i32
        %cond3A_719 = arith.cmpi ne, %convert_element_type3A_717, %cond3A_718 : i32
        scf.if %cond3A_719 {
          %sub3A = arith.constant 2 : i32
          %sub3A_755 = arith.subi %shift_right_arithmetic3A_281, %sub3A : i32
          %and3A_756 = arith.constant 3 : i32
          %and3A_757 = arith.andi %sub3A_755, %and3A_756 : i32
          %shift_right_arithmetic3A_758 = arith.constant 2 : i32
          %shift_right_arithmetic3A_759 = arith.shrsi %sub3A_755, %shift_right_arithmetic3A_758 : i32
          %mul3A_760 = arith.constant 16 : i32
          %mul3A_761 = arith.muli %shift_right_arithmetic3A_759, %mul3A_760 : i32
          %add3A_762 = arith.addi %mul3A_2, %mul3A_761 : i32
          %mul3A_763 = arith.constant 512 : i32
          %mul3A_764 = arith.muli %and3A_757, %mul3A_763 : i32
          %dma_wait3A_765 = arith.constant 1 : i32
          %dma_wait3A_766 = arith.constant 0 : i32
          %dma_wait3A_767 = arith.constant 0 : i32
          %dma_wait3A_768 = tpu.memref_slice %arg10[%dma_wait3A_765, %dma_wait3A_766, %dma_wait3A_767] : memref<2x16x512xf32, #tpu.memory_space<vmem>> -> memref<1x16x512xf32, #tpu.memory_space<vmem>>
          %dma_wait3A_769 = tpu.memref_squeeze %dma_wait3A_768 : memref<1x16x512xf32, #tpu.memory_space<vmem>> -> memref<16x512xf32, #tpu.memory_space<vmem>>
          %dma_wait3A_770 = tpu.memref_slice %arg6[%add3A_762, %mul3A_764] : memref<4096x2048xf32, #tpu.memory_space<hbm>> -> memref<16x512xf32, #tpu.memory_space<hbm>>
          %dma_wait3A_771 = tpu.memref_slice %arg6[%add3A_762, %mul3A_764] : memref<4096x2048xf32, #tpu.memory_space<hbm>> -> memref<16x512xf32, #tpu.memory_space<hbm>>
          %dma_wait3A_772 = arith.constant 0 : i32
          %dma_wait3A_773 = arith.constant 0 : i32
          %dma_wait3A_774 = tpu.memref_slice %arg10[%dma_wait3A_765, %dma_wait3A_772, %dma_wait3A_773] : memref<2x16x512xf32, #tpu.memory_space<vmem>> -> memref<1x16x512xf32, #tpu.memory_space<vmem>>
          %dma_wait3A_775 = tpu.memref_squeeze %dma_wait3A_774 : memref<1x16x512xf32, #tpu.memory_space<vmem>> -> memref<16x512xf32, #tpu.memory_space<vmem>>
          tpu.wait_dma2 semaphore(%arg21 : memref<!tpu.dma_semaphore, #tpu.memory_space<semaphore_mem>>) src(%dma_wait3A_775 : memref<16x512xf32, #tpu.memory_space<vmem>>) dst(%dma_wait3A_771 : memref<16x512xf32, #tpu.memory_space<hbm>>)
        } else {
        }
        %and3A_720 = arith.constant 3 : i32
        %and3A_721 = arith.andi %shift_right_arithmetic3A_281, %and3A_720 : i32
        %eq3A_722 = arith.constant 3 : i32
        %eq3A_723 = arith.cmpi eq, %and3A_721, %eq3A_722 : i32
        %lt3A_724 = arith.constant 31 : i32
        %lt3A_725 = arith.cmpi slt, %shift_right_arithmetic3A_281, %lt3A_724 : i32
        %and3A_726 = arith.andi %eq3A_723, %lt3A_725 : i1
        %convert_element_type3A_727 = arith.extui %and3A_726 : i1 to i32
        %cond3A_728 = arith.constant 0 : i32
        %cond3A_729 = arith.cmpi ne, %convert_element_type3A_727, %cond3A_728 : i32
        scf.if %cond3A_729 {
          %shift_right_arithmetic3A_755 = arith.constant 2 : i32
          %shift_right_arithmetic3A_756 = arith.shrsi %shift_right_arithmetic3A_281, %shift_right_arithmetic3A_755 : i32
          %add3A_757 = arith.constant 1 : i32
          %add3A_758 = arith.addi %shift_right_arithmetic3A_756, %add3A_757 : i32
          %mul3A_759 = arith.constant 16 : i32
          %mul3A_760 = arith.muli %add3A_758, %mul3A_759 : i32
          %add3A_761 = arith.addi %mul3A_2, %mul3A_760 : i32
          %and3A_762 = arith.constant 1 : i32
          %and3A_763 = arith.andi %add3A_758, %and3A_762 : i32
          "tpu.region"() ({
            %run_scoped3A_764 = tpu.sem_alloc : memref<!tpu.dma_semaphore, #tpu.memory_space<semaphore_mem>>
            %dma_start3A_765 = arith.constant 0 : i32
            %dma_start3A_766 = arith.constant 0 : i32
            %dma_start3A_767 = tpu.memref_slice %arg7[%and3A_763, %dma_start3A_765, %dma_start3A_766] : memref<2x16x32xi32, #tpu.memory_space<vmem>> -> memref<1x16x32xi32, #tpu.memory_space<vmem>>
            %dma_start3A_768 = tpu.memref_squeeze %dma_start3A_767 : memref<1x16x32xi32, #tpu.memory_space<vmem>> -> memref<16x32xi32, #tpu.memory_space<vmem>>
            %dma_start3A_769 = arith.constant 0 : i32
            %dma_start3A_770 = tpu.memref_slice %arg2[%add3A_761, %dma_start3A_769] : memref<4096x32xi32, #tpu.memory_space<hbm>> -> memref<16x32xi32, #tpu.memory_space<hbm>>
            %dma_start3A_771 = arith.constant 0 : i32
            %dma_start3A_772 = arith.constant 0 : i32
            %dma_start3A_773 = tpu.memref_slice %arg7[%and3A_763, %dma_start3A_771, %dma_start3A_772] : memref<2x16x32xi32, #tpu.memory_space<vmem>> -> memref<1x16x32xi32, #tpu.memory_space<vmem>>
            %dma_start3A_774 = tpu.memref_squeeze %dma_start3A_773 : memref<1x16x32xi32, #tpu.memory_space<vmem>> -> memref<16x32xi32, #tpu.memory_space<vmem>>
            %dma_start3A_775 = arith.constant 0 : i32
            %dma_start3A_776 = tpu.memref_slice %arg2[%add3A_761, %dma_start3A_775] : memref<4096x32xi32, #tpu.memory_space<hbm>> -> memref<16x32xi32, #tpu.memory_space<hbm>>
            tpu.enqueue_dma source(%dma_start3A_776 : memref<16x32xi32, #tpu.memory_space<hbm>>) target(%dma_start3A_774 : memref<16x32xi32, #tpu.memory_space<vmem>>) target_semaphore(%run_scoped3A_764 : memref<!tpu.dma_semaphore, #tpu.memory_space<semaphore_mem>>)
            %dma_wait3A_777 = arith.constant 0 : i32
            %dma_wait3A_778 = arith.constant 0 : i32
            %dma_wait3A_779 = tpu.memref_slice %arg7[%and3A_763, %dma_wait3A_777, %dma_wait3A_778] : memref<2x16x32xi32, #tpu.memory_space<vmem>> -> memref<1x16x32xi32, #tpu.memory_space<vmem>>
            %dma_wait3A_780 = tpu.memref_squeeze %dma_wait3A_779 : memref<1x16x32xi32, #tpu.memory_space<vmem>> -> memref<16x32xi32, #tpu.memory_space<vmem>>
            %dma_wait3A_781 = arith.constant 0 : i32
            %dma_wait3A_782 = tpu.memref_slice %arg2[%add3A_761, %dma_wait3A_781] : memref<4096x32xi32, #tpu.memory_space<hbm>> -> memref<16x32xi32, #tpu.memory_space<hbm>>
            %dma_wait3A_783 = arith.constant 0 : i32
            %dma_wait3A_784 = arith.constant 0 : i32
            %dma_wait3A_785 = tpu.memref_slice %arg7[%and3A_763, %dma_wait3A_783, %dma_wait3A_784] : memref<2x16x32xi32, #tpu.memory_space<vmem>> -> memref<1x16x32xi32, #tpu.memory_space<vmem>>
            %dma_wait3A_786 = tpu.memref_squeeze %dma_wait3A_785 : memref<1x16x32xi32, #tpu.memory_space<vmem>> -> memref<16x32xi32, #tpu.memory_space<vmem>>
            %dma_wait3A_787 = arith.constant 0 : i32
            %dma_wait3A_788 = tpu.memref_slice %arg2[%add3A_761, %dma_wait3A_787] : memref<4096x32xi32, #tpu.memory_space<hbm>> -> memref<16x32xi32, #tpu.memory_space<hbm>>
            tpu.wait_dma2 semaphore(%run_scoped3A_764 : memref<!tpu.dma_semaphore, #tpu.memory_space<semaphore_mem>>) src(%dma_wait3A_788 : memref<16x32xi32, #tpu.memory_space<hbm>>) dst(%dma_wait3A_786 : memref<16x32xi32, #tpu.memory_space<vmem>>)
            tpu.yield
          }) : () -> ()
        } else {
        }
        %and3A_730 = arith.constant 1 : i32
        %and3A_731 = arith.andi %shift_right_arithmetic3A_281, %and3A_730 : i32
        %and3A_732 = arith.constant 3 : i32
        %and3A_733 = arith.andi %shift_right_arithmetic3A_281, %and3A_732 : i32
        %shift_right_arithmetic3A_734 = arith.constant 2 : i32
        %shift_right_arithmetic3A_735 = arith.shrsi %shift_right_arithmetic3A_281, %shift_right_arithmetic3A_734 : i32
        %mul3A_736 = arith.constant 16 : i32
        %mul3A_737 = arith.muli %shift_right_arithmetic3A_735, %mul3A_736 : i32
        %get3A_738 = arith.index_cast %mul3A_737 : i32 to index
        %get3A_739 = tpu.vector_load %arg8[%get3A_738] {strides = array<i32>} : memref<128xi32, #tpu.memory_space<vmem>>, vector<16xi32>,
        %get3A_740 = vector.shape_cast %get3A_739 : vector<16xi32> to vector<16xi32>
        %mul3A_741 = arith.constant 512 : i32
        %mul3A_742 = arith.muli %and3A_733, %mul3A_741 : i32
        %dma_start3A_743 = arith.constant 0 : i32
        %dma_start3A_744 = arith.constant 0 : i32
        %dma_start3A_745 = tpu.memref_slice %arg10[%and3A_731, %dma_start3A_743, %dma_start3A_744] : memref<2x16x512xf32, #tpu.memory_space<vmem>> -> memref<1x16x512xf32, #tpu.memory_space<vmem>>
        %dma_start3A_746 = tpu.memref_squeeze %dma_start3A_745 : memref<1x16x512xf32, #tpu.memory_space<vmem>> -> memref<16x512xf32, #tpu.memory_space<vmem>>
        %dma_start3A_747 = arith.constant 0 : i32
        %dma_start3A_748 = tpu.memref_slice %arg4[%dma_start3A_747, %mul3A_742] : memref<128256x2048xf32, #tpu.memory_space<hbm>> -> memref<128256x512xf32, #tpu.memory_space<hbm>>
        tpu.enqueue_indirect_dma source(%dma_start3A_748 : memref<128256x512xf32, #tpu.memory_space<hbm>>) target(%dma_start3A_746 : memref<16x512xf32, #tpu.memory_space<vmem>>) offsets(%get3A_740 : vector<16xi32>) semaphore(%arg11 : memref<!tpu.dma_semaphore, #tpu.memory_space<semaphore_mem>>)
        %dma_wait3A_749 = arith.constant 0 : i32
        %dma_wait3A_750 = arith.constant 0 : i32
        %dma_wait3A_751 = tpu.memref_slice %arg10[%and3A_731, %dma_wait3A_749, %dma_wait3A_750] : memref<2x16x512xf32, #tpu.memory_space<vmem>> -> memref<1x16x512xf32, #tpu.memory_space<vmem>>
        %dma_wait3A_752 = tpu.memref_squeeze %dma_wait3A_751 : memref<1x16x512xf32, #tpu.memory_space<vmem>> -> memref<16x512xf32, #tpu.memory_space<vmem>>
        %dma_wait3A_753 = arith.constant 0 : i32
        %dma_wait3A_754 = tpu.memref_slice %arg4[%dma_wait3A_753, %mul3A_742] : memref<128256x2048xf32, #tpu.memory_space<hbm>> -> memref<128256x512xf32, #tpu.memory_space<hbm>>
        tpu.wait_indirect_dma semaphore(%arg11 : memref<!tpu.dma_semaphore, #tpu.memory_space<semaphore_mem>>) src(%dma_wait3A_754 : memref<128256x512xf32, #tpu.memory_space<hbm>>) dst(%dma_wait3A_752 : memref<16x512xf32, #tpu.memory_space<vmem>>)
      } else {
      }
      %dma_wait3A_299 = arith.constant 0 : i32
      %dma_wait3A_300 = arith.constant 0 : i32
      %dma_wait3A_301 = arith.constant 0 : i32
      %dma_wait3A_302 = tpu.memref_slice %arg9[%dma_wait3A_299, %dma_wait3A_300, %dma_wait3A_301] : memref<8x16x512xf32, #tpu.memory_space<vmem>> -> memref<1x16x512xf32, #tpu.memory_space<vmem>>
      %dma_wait3A_303 = tpu.memref_squeeze %dma_wait3A_302 : memref<1x16x512xf32, #tpu.memory_space<vmem>> -> memref<16x512xf32, #tpu.memory_space<vmem>>
      %dma_wait3A_304 = arith.constant 0 : i32
      %dma_wait3A_305 = arith.constant 0 : i32
      %dma_wait3A_306 = tpu.memref_slice %arg5[%dma_wait3A_304, %dma_wait3A_305] : memref<65632x2048xf32, #tpu.memory_space<hbm>> -> memref<16x512xf32, #tpu.memory_space<hbm>>
      %dma_wait3A_307 = arith.constant 0 : i32
      %dma_wait3A_308 = arith.constant 0 : i32
      %dma_wait3A_309 = tpu.memref_slice %arg9[%dma_wait3A_299, %dma_wait3A_307, %dma_wait3A_308] : memref<8x16x512xf32, #tpu.memory_space<vmem>> -> memref<1x16x512xf32, #tpu.memory_space<vmem>>
      %dma_wait3A_310 = tpu.memref_squeeze %dma_wait3A_309 : memref<1x16x512xf32, #tpu.memory_space<vmem>> -> memref<16x512xf32, #tpu.memory_space<vmem>>
      %dma_wait3A_311 = arith.constant 0 : i32
      %dma_wait3A_312 = arith.constant 0 : i32
      %dma_wait3A_313 = tpu.memref_slice %arg5[%dma_wait3A_311, %dma_wait3A_312] : memref<65632x2048xf32, #tpu.memory_space<hbm>> -> memref<16x512xf32, #tpu.memory_space<hbm>>
      tpu.wait_dma2 semaphore(%arg12 : memref<!tpu.dma_semaphore, #tpu.memory_space<semaphore_mem>>) src(%dma_wait3A_313 : memref<16x512xf32, #tpu.memory_space<hbm>>) dst(%dma_wait3A_310 : memref<16x512xf32, #tpu.memory_space<vmem>>)
      %shift_right_arithmetic3A_314 = arith.constant 5 : i32
      %shift_right_arithmetic3A_315 = arith.shrsi %add3A_280, %shift_right_arithmetic3A_314 : i32
      %and3A_316 = arith.constant 1 : i32
      %and3A_317 = arith.andi %shift_right_arithmetic3A_315, %and3A_316 : i32
      %shift_right_arithmetic3A_318 = arith.constant 1 : i32
      %shift_right_arithmetic3A_319 = arith.shrsi %add3A_280, %shift_right_arithmetic3A_318 : i32
      %and3A_320 = arith.constant 15 : i32
      %and3A_321 = arith.andi %shift_right_arithmetic3A_319, %and3A_320 : i32
      %parallel_loop3A = arith.constant 0 : i32
      %parallel_loop3A_322 = arith.constant 32 : i32
      %parallel_loop3A_323 = arith.constant 1 : i32
      scf.for %parallel_loop3A_673 = %parallel_loop3A to %parallel_loop3A_322 step %parallel_loop3A_323  : i32 {
        %parallel_loop3A_674 = arith.constant 16 : i32
        %parallel_loop3A_675 = arith.muli %parallel_loop3A_673, %parallel_loop3A_674 : i32
        %parallel_loop3A_676 = arith.constant 0 : i32
        %parallel_loop3A_677 = arith.constant 0 : i32
        %parallel_loop3A_678 = arith.index_cast %parallel_loop3A_676 : i32 to index
        %parallel_loop3A_679 = arith.index_cast %parallel_loop3A_677 : i32 to index
        %parallel_loop3A_680 = arith.index_cast %parallel_loop3A_675 : i32 to index
        %parallel_loop3A_681 = tpu.vector_load %arg9[%parallel_loop3A_678, %parallel_loop3A_679, %parallel_loop3A_680] {strides = array<i32>} : memref<8x16x512xf32, #tpu.memory_space<vmem>>, vector<1x1x16xf32>,
        %parallel_loop3A_682 = vector.shape_cast %parallel_loop3A_681 : vector<1x1x16xf32> to vector<16xf32>
        %parallel_loop3A_683 = arith.constant 0 : i32
        %parallel_loop3A_684 = arith.constant 1 : i32
        %parallel_loop3A_685 = arith.index_cast %parallel_loop3A_683 : i32 to index
        %parallel_loop3A_686 = arith.index_cast %parallel_loop3A_684 : i32 to index
        %parallel_loop3A_687 = arith.index_cast %parallel_loop3A_675 : i32 to index
        %parallel_loop3A_688 = tpu.vector_load %arg9[%parallel_loop3A_685, %parallel_loop3A_686, %parallel_loop3A_687] {strides = array<i32>} : memref<8x16x512xf32, #tpu.memory_space<vmem>>, vector<1x1x16xf32>,
        %parallel_loop3A_689 = vector.shape_cast %parallel_loop3A_688 : vector<1x1x16xf32> to vector<16xf32>
        %parallel_loop3A_690 = arith.addf %parallel_loop3A_682, %parallel_loop3A_689 : vector<16xf32>
        %parallel_loop3A_691 = arith.constant 0 : i32
        %parallel_loop3A_692 = arith.constant 2 : i32
        %parallel_loop3A_693 = arith.index_cast %parallel_loop3A_691 : i32 to index
        %parallel_loop3A_694 = arith.index_cast %parallel_loop3A_692 : i32 to index
        %parallel_loop3A_695 = arith.index_cast %parallel_loop3A_675 : i32 to index
        %parallel_loop3A_696 = tpu.vector_load %arg9[%parallel_loop3A_693, %parallel_loop3A_694, %parallel_loop3A_695] {strides = array<i32>} : memref<8x16x512xf32, #tpu.memory_space<vmem>>, vector<1x1x16xf32>,
        %parallel_loop3A_697 = vector.shape_cast %parallel_loop3A_696 : vector<1x1x16xf32> to vector<16xf32>
        %parallel_loop3A_698 = arith.addf %parallel_loop3A_690, %parallel_loop3A_697 : vector<16xf32>
        %parallel_loop3A_699 = arith.constant 0 : i32
        %parallel_loop3A_700 = arith.constant 3 : i32
        %parallel_loop3A_701 = arith.index_cast %parallel_loop3A_699 : i32 to index
        %parallel_loop3A_702 = arith.index_cast %parallel_loop3A_700 : i32 to index
        %parallel_loop3A_703 = arith.index_cast %parallel_loop3A_675 : i32 to index
        %parallel_loop3A_704 = tpu.vector_load %arg9[%parallel_loop3A_701, %parallel_loop3A_702, %parallel_loop3A_703] {strides = array<i32>} : memref<8x16x512xf32, #tpu.memory_space<vmem>>, vector<1x1x16xf32>,
        %parallel_loop3A_705 = vector.shape_cast %parallel_loop3A_704 : vector<1x1x16xf32> to vector<16xf32>
        %parallel_loop3A_706 = arith.addf %parallel_loop3A_698, %parallel_loop3A_705 : vector<16xf32>
        %parallel_loop3A_707 = arith.constant 0 : i32
        %parallel_loop3A_708 = arith.constant 4 : i32
        %parallel_loop3A_709 = arith.index_cast %parallel_loop3A_707 : i32 to index
        %parallel_loop3A_710 = arith.index_cast %parallel_loop3A_708 : i32 to index
        %parallel_loop3A_711 = arith.index_cast %parallel_loop3A_675 : i32 to index
        %parallel_loop3A_712 = tpu.vector_load %arg9[%parallel_loop3A_709, %parallel_loop3A_710, %parallel_loop3A_711] {strides = array<i32>} : memref<8x16x512xf32, #tpu.memory_space<vmem>>, vector<1x1x16xf32>,
        %parallel_loop3A_713 = vector.shape_cast %parallel_loop3A_712 : vector<1x1x16xf32> to vector<16xf32>
        %parallel_loop3A_714 = arith.addf %parallel_loop3A_706, %parallel_loop3A_713 : vector<16xf32>
        %parallel_loop3A_715 = arith.constant 0 : i32
        %parallel_loop3A_716 = arith.constant 5 : i32
        %parallel_loop3A_717 = arith.index_cast %parallel_loop3A_715 : i32 to index
        %parallel_loop3A_718 = arith.index_cast %parallel_loop3A_716 : i32 to index
        %parallel_loop3A_719 = arith.index_cast %parallel_loop3A_675 : i32 to index
        %parallel_loop3A_720 = tpu.vector_load %arg9[%parallel_loop3A_717, %parallel_loop3A_718, %parallel_loop3A_719] {strides = array<i32>} : memref<8x16x512xf32, #tpu.memory_space<vmem>>, vector<1x1x16xf32>,
        %parallel_loop3A_721 = vector.shape_cast %parallel_loop3A_720 : vector<1x1x16xf32> to vector<16xf32>
        %parallel_loop3A_722 = arith.addf %parallel_loop3A_714, %parallel_loop3A_721 : vector<16xf32>
        %parallel_loop3A_723 = arith.constant 0 : i32
        %parallel_loop3A_724 = arith.constant 6 : i32
        %parallel_loop3A_725 = arith.index_cast %parallel_loop3A_723 : i32 to index
        %parallel_loop3A_726 = arith.index_cast %parallel_loop3A_724 : i32 to index
        %parallel_loop3A_727 = arith.index_cast %parallel_loop3A_675 : i32 to index
        %parallel_loop3A_728 = tpu.vector_load %arg9[%parallel_loop3A_725, %parallel_loop3A_726, %parallel_loop3A_727] {strides = array<i32>} : memref<8x16x512xf32, #tpu.memory_space<vmem>>, vector<1x1x16xf32>,
        %parallel_loop3A_729 = vector.shape_cast %parallel_loop3A_728 : vector<1x1x16xf32> to vector<16xf32>
        %parallel_loop3A_730 = arith.addf %parallel_loop3A_722, %parallel_loop3A_729 : vector<16xf32>
        %parallel_loop3A_731 = arith.constant 0 : i32
        %parallel_loop3A_732 = arith.constant 7 : i32
        %parallel_loop3A_733 = arith.index_cast %parallel_loop3A_731 : i32 to index
        %parallel_loop3A_734 = arith.index_cast %parallel_loop3A_732 : i32 to index
        %parallel_loop3A_735 = arith.index_cast %parallel_loop3A_675 : i32 to index
        %parallel_loop3A_736 = tpu.vector_load %arg9[%parallel_loop3A_733, %parallel_loop3A_734, %parallel_loop3A_735] {strides = array<i32>} : memref<8x16x512xf32, #tpu.memory_space<vmem>>, vector<1x1x16xf32>,
        %parallel_loop3A_737 = vector.shape_cast %parallel_loop3A_736 : vector<1x1x16xf32> to vector<16xf32>
        %parallel_loop3A_738 = arith.addf %parallel_loop3A_730, %parallel_loop3A_737 : vector<16xf32>
        %parallel_loop3A_739 = arith.constant 0 : i32
        %parallel_loop3A_740 = arith.constant 8 : i32
        %parallel_loop3A_741 = arith.index_cast %parallel_loop3A_739 : i32 to index
        %parallel_loop3A_742 = arith.index_cast %parallel_loop3A_740 : i32 to index
        %parallel_loop3A_743 = arith.index_cast %parallel_loop3A_675 : i32 to index
        %parallel_loop3A_744 = tpu.vector_load %arg9[%parallel_loop3A_741, %parallel_loop3A_742, %parallel_loop3A_743] {strides = array<i32>} : memref<8x16x512xf32, #tpu.memory_space<vmem>>, vector<1x1x16xf32>,
        %parallel_loop3A_745 = vector.shape_cast %parallel_loop3A_744 : vector<1x1x16xf32> to vector<16xf32>
        %parallel_loop3A_746 = arith.addf %parallel_loop3A_738, %parallel_loop3A_745 : vector<16xf32>
        %parallel_loop3A_747 = arith.constant 0 : i32
        %parallel_loop3A_748 = arith.constant 9 : i32
        %parallel_loop3A_749 = arith.index_cast %parallel_loop3A_747 : i32 to index
        %parallel_loop3A_750 = arith.index_cast %parallel_loop3A_748 : i32 to index
        %parallel_loop3A_751 = arith.index_cast %parallel_loop3A_675 : i32 to index
        %parallel_loop3A_752 = tpu.vector_load %arg9[%parallel_loop3A_749, %parallel_loop3A_750, %parallel_loop3A_751] {strides = array<i32>} : memref<8x16x512xf32, #tpu.memory_space<vmem>>, vector<1x1x16xf32>,
        %parallel_loop3A_753 = vector.shape_cast %parallel_loop3A_752 : vector<1x1x16xf32> to vector<16xf32>
        %parallel_loop3A_754 = arith.addf %parallel_loop3A_746, %parallel_loop3A_753 : vector<16xf32>
        %parallel_loop3A_755 = arith.constant 0 : i32
        %parallel_loop3A_756 = arith.constant 10 : i32
        %parallel_loop3A_757 = arith.index_cast %parallel_loop3A_755 : i32 to index
        %parallel_loop3A_758 = arith.index_cast %parallel_loop3A_756 : i32 to index
        %parallel_loop3A_759 = arith.index_cast %parallel_loop3A_675 : i32 to index
        %parallel_loop3A_760 = tpu.vector_load %arg9[%parallel_loop3A_757, %parallel_loop3A_758, %parallel_loop3A_759] {strides = array<i32>} : memref<8x16x512xf32, #tpu.memory_space<vmem>>, vector<1x1x16xf32>,
        %parallel_loop3A_761 = vector.shape_cast %parallel_loop3A_760 : vector<1x1x16xf32> to vector<16xf32>
        %parallel_loop3A_762 = arith.addf %parallel_loop3A_754, %parallel_loop3A_761 : vector<16xf32>
        %parallel_loop3A_763 = arith.constant 0 : i32
        %parallel_loop3A_764 = arith.constant 11 : i32
        %parallel_loop3A_765 = arith.index_cast %parallel_loop3A_763 : i32 to index
        %parallel_loop3A_766 = arith.index_cast %parallel_loop3A_764 : i32 to index
        %parallel_loop3A_767 = arith.index_cast %parallel_loop3A_675 : i32 to index
        %parallel_loop3A_768 = tpu.vector_load %arg9[%parallel_loop3A_765, %parallel_loop3A_766, %parallel_loop3A_767] {strides = array<i32>} : memref<8x16x512xf32, #tpu.memory_space<vmem>>, vector<1x1x16xf32>,
        %parallel_loop3A_769 = vector.shape_cast %parallel_loop3A_768 : vector<1x1x16xf32> to vector<16xf32>
        %parallel_loop3A_770 = arith.addf %parallel_loop3A_762, %parallel_loop3A_769 : vector<16xf32>
        %parallel_loop3A_771 = arith.constant 0 : i32
        %parallel_loop3A_772 = arith.constant 12 : i32
        %parallel_loop3A_773 = arith.index_cast %parallel_loop3A_771 : i32 to index
        %parallel_loop3A_774 = arith.index_cast %parallel_loop3A_772 : i32 to index
        %parallel_loop3A_775 = arith.index_cast %parallel_loop3A_675 : i32 to index
        %parallel_loop3A_776 = tpu.vector_load %arg9[%parallel_loop3A_773, %parallel_loop3A_774, %parallel_loop3A_775] {strides = array<i32>} : memref<8x16x512xf32, #tpu.memory_space<vmem>>, vector<1x1x16xf32>,
        %parallel_loop3A_777 = vector.shape_cast %parallel_loop3A_776 : vector<1x1x16xf32> to vector<16xf32>
        %parallel_loop3A_778 = arith.addf %parallel_loop3A_770, %parallel_loop3A_777 : vector<16xf32>
        %parallel_loop3A_779 = arith.constant 0 : i32
        %parallel_loop3A_780 = arith.constant 13 : i32
        %parallel_loop3A_781 = arith.index_cast %parallel_loop3A_779 : i32 to index
        %parallel_loop3A_782 = arith.index_cast %parallel_loop3A_780 : i32 to index
        %parallel_loop3A_783 = arith.index_cast %parallel_loop3A_675 : i32 to index
        %parallel_loop3A_784 = tpu.vector_load %arg9[%parallel_loop3A_781, %parallel_loop3A_782, %parallel_loop3A_783] {strides = array<i32>} : memref<8x16x512xf32, #tpu.memory_space<vmem>>, vector<1x1x16xf32>,
        %parallel_loop3A_785 = vector.shape_cast %parallel_loop3A_784 : vector<1x1x16xf32> to vector<16xf32>
        %parallel_loop3A_786 = arith.addf %parallel_loop3A_778, %parallel_loop3A_785 : vector<16xf32>
        %parallel_loop3A_787 = arith.constant 0 : i32
        %parallel_loop3A_788 = arith.constant 14 : i32
        %parallel_loop3A_789 = arith.index_cast %parallel_loop3A_787 : i32 to index
        %parallel_loop3A_790 = arith.index_cast %parallel_loop3A_788 : i32 to index
        %parallel_loop3A_791 = arith.index_cast %parallel_loop3A_675 : i32 to index
        %parallel_loop3A_792 = tpu.vector_load %arg9[%parallel_loop3A_789, %parallel_loop3A_790, %parallel_loop3A_791] {strides = array<i32>} : memref<8x16x512xf32, #tpu.memory_space<vmem>>, vector<1x1x16xf32>,
        %parallel_loop3A_793 = vector.shape_cast %parallel_loop3A_792 : vector<1x1x16xf32> to vector<16xf32>
        %parallel_loop3A_794 = arith.addf %parallel_loop3A_786, %parallel_loop3A_793 : vector<16xf32>
        %parallel_loop3A_795 = arith.constant 0 : i32
        %parallel_loop3A_796 = arith.constant 15 : i32
        %parallel_loop3A_797 = arith.index_cast %parallel_loop3A_795 : i32 to index
        %parallel_loop3A_798 = arith.index_cast %parallel_loop3A_796 : i32 to index
        %parallel_loop3A_799 = arith.index_cast %parallel_loop3A_675 : i32 to index
        %parallel_loop3A_800 = tpu.vector_load %arg9[%parallel_loop3A_797, %parallel_loop3A_798, %parallel_loop3A_799] {strides = array<i32>} : memref<8x16x512xf32, #tpu.memory_space<vmem>>, vector<1x1x16xf32>,
        %parallel_loop3A_801 = vector.shape_cast %parallel_loop3A_800 : vector<1x1x16xf32> to vector<16xf32>
        %parallel_loop3A_802 = arith.addf %parallel_loop3A_794, %parallel_loop3A_801 : vector<16xf32>
        %parallel_loop3A_803 = arith.index_cast %and3A_317 : i32 to index
        %parallel_loop3A_804 = arith.index_cast %and3A_321 : i32 to index
        %parallel_loop3A_805 = arith.index_cast %parallel_loop3A_675 : i32 to index
        %parallel_loop3A_806 = tpu.vector_load %arg10[%parallel_loop3A_803, %parallel_loop3A_804, %parallel_loop3A_805] {strides = array<i32>} : memref<2x16x512xf32, #tpu.memory_space<vmem>>, vector<1x1x16xf32>,
        %parallel_loop3A_807 = vector.shape_cast %parallel_loop3A_806 : vector<1x1x16xf32> to vector<16xf32>
        %parallel_loop3A_808 = vector.shape_cast %parallel_loop3A_802 : vector<16xf32> to vector<1x1x16xf32>
        tpu.vector_store %arg10[%parallel_loop3A_803, %parallel_loop3A_804, %parallel_loop3A_805], %parallel_loop3A_808 {add = true, strides = array<i32>} : memref<2x16x512xf32, #tpu.memory_space<vmem>>, vector<1x1x16xf32>,
      } {sc.loop_unroll_factor = 2 : i64, sc.parallel_access}
      %add3A_324 = arith.constant 8 : i32
      %add3A_325 = arith.addi %add3A_280, %add3A_324 : i32
      %lt3A_326 = arith.constant 1024 : i32
      %lt3A_327 = arith.cmpi slt, %add3A_325, %lt3A_326 : i32
      %convert_element_type3A_328 = arith.extui %lt3A_327 : i1 to i32
      %cond3A_329 = arith.constant 0 : i32
      %cond3A_330 = arith.cmpi ne, %convert_element_type3A_328, %cond3A_329 : i32
      scf.if %cond3A_330 {
        %add3A_673 = arith.constant 8 : i32
        %add3A_674 = arith.addi %add3A_280, %add3A_673 : i32
        %shift_right_arithmetic3A_675 = arith.constant 5 : i32
        %shift_right_arithmetic3A_676 = arith.shrsi %add3A_674, %shift_right_arithmetic3A_675 : i32
        %and3A_677 = arith.constant 3 : i32
        %and3A_678 = arith.andi %shift_right_arithmetic3A_676, %and3A_677 : i32
        %shift_right_arithmetic3A_679 = arith.constant 2 : i32
        %shift_right_arithmetic3A_680 = arith.shrsi %shift_right_arithmetic3A_676, %shift_right_arithmetic3A_679 : i32
        %and3A_681 = arith.constant 1 : i32
        %and3A_682 = arith.andi %shift_right_arithmetic3A_680, %and3A_681 : i32
        %shift_right_arithmetic3A_683 = arith.constant 1 : i32
        %shift_right_arithmetic3A_684 = arith.shrsi %add3A_674, %shift_right_arithmetic3A_683 : i32
        %and3A_685 = arith.constant 15 : i32
        %and3A_686 = arith.andi %shift_right_arithmetic3A_684, %and3A_685 : i32
        %and3A_687 = arith.constant 1 : i32
        %and3A_688 = arith.andi %add3A_674, %and3A_687 : i32
        %mul3A_689 = arith.constant 16 : i32
        %mul3A_690 = arith.muli %and3A_688, %mul3A_689 : i32
        %get3A_691 = arith.index_cast %and3A_682 : i32 to index
        %get3A_692 = arith.index_cast %and3A_686 : i32 to index
        %get3A_693 = arith.index_cast %mul3A_690 : i32 to index
        %get3A_694 = tpu.vector_load %arg7[%get3A_691, %get3A_692, %get3A_693] {strides = array<i32>} : memref<2x16x32xi32, #tpu.memory_space<vmem>>, vector<1x1x16xi32>,
        %get3A_695 = vector.shape_cast %get3A_694 : vector<1x1x16xi32> to vector<16xi32>
        %eq3A_696 = arith.constant 0 : i32
        %eq3A_697 = vector.broadcast %eq3A_696 : i32 to vector<16xi32>
        %eq3A_698 = arith.cmpi eq, %get3A_695, %eq3A_697 : vector<16xi32>
        %mul3A_699 = arith.constant 16 : i32
        %mul3A_700 = arith.muli %and3A_688, %mul3A_699 : i32
        %add3A_701 = vector.broadcast %mul3A_700 : i32 to vector<16xi32>
        %add3A_702 = arith.addi %iota3A, %add3A_701 : vector<16xi32>
        %mul3A_703 = arith.constant 2051 : i32
        %mul3A_704 = vector.broadcast %mul3A_703 : i32 to vector<16xi32>
        %mul3A_705 = arith.muli %add3A_702, %mul3A_704 : vector<16xi32>
        %add3A_706 = arith.addi %get3A_695, %mul3A_705 : vector<16xi32>
        %jit3A_707 = arith.constant 0 : i32
        %broadcast_in_dim3A_708 = vector.broadcast %jit3A_707 : i32 to vector<16xi32>
        %select_n3A_709 = arith.select %eq3A_698, %broadcast_in_dim3A_708, %add3A_706 : vector<16xi1>, vector<16xi32>
        %mul3A_710 = arith.constant 512 : i32
        %mul3A_711 = arith.muli %and3A_678, %mul3A_710 : i32
        %dma_start3A_712 = arith.constant 0 : i32
        %dma_start3A_713 = arith.constant 0 : i32
        %dma_start3A_714 = arith.constant 0 : i32
        %dma_start3A_715 = tpu.memref_slice %arg9[%dma_start3A_712, %dma_start3A_713, %dma_start3A_714] : memref<8x16x512xf32, #tpu.memory_space<vmem>> -> memref<1x16x512xf32, #tpu.memory_space<vmem>>
        %dma_start3A_716 = tpu.memref_squeeze %dma_start3A_715 : memref<1x16x512xf32, #tpu.memory_space<vmem>> -> memref<16x512xf32, #tpu.memory_space<vmem>>
        %dma_start3A_717 = arith.constant 0 : i32
        %dma_start3A_718 = tpu.memref_slice %arg5[%dma_start3A_717, %mul3A_711] : memref<65632x2048xf32, #tpu.memory_space<hbm>> -> memref<65632x512xf32, #tpu.memory_space<hbm>>
        tpu.enqueue_indirect_dma source(%dma_start3A_718 : memref<65632x512xf32, #tpu.memory_space<hbm>>) target(%dma_start3A_716 : memref<16x512xf32, #tpu.memory_space<vmem>>) offsets(%select_n3A_709 : vector<16xi32>) semaphore(%arg12 : memref<!tpu.dma_semaphore, #tpu.memory_space<semaphore_mem>>)
      } else {
      }
      %mul3A_331 = arith.constant 8 : i32
      %mul3A_332 = arith.muli %scan3A_275, %mul3A_331 : i32
      %add3A_333 = arith.constant 1 : i32
      %add3A_334 = arith.addi %mul3A_332, %add3A_333 : i32
      %dma_wait3A_335 = arith.constant 1 : i32
      %dma_wait3A_336 = arith.constant 0 : i32
      %dma_wait3A_337 = arith.constant 0 : i32
      %dma_wait3A_338 = tpu.memref_slice %arg9[%dma_wait3A_335, %dma_wait3A_336, %dma_wait3A_337] : memref<8x16x512xf32, #tpu.memory_space<vmem>> -> memref<1x16x512xf32, #tpu.memory_space<vmem>>
      %dma_wait3A_339 = tpu.memref_squeeze %dma_wait3A_338 : memref<1x16x512xf32, #tpu.memory_space<vmem>> -> memref<16x512xf32, #tpu.memory_space<vmem>>
      %dma_wait3A_340 = arith.constant 0 : i32
      %dma_wait3A_341 = arith.constant 0 : i32
      %dma_wait3A_342 = tpu.memref_slice %arg5[%dma_wait3A_340, %dma_wait3A_341] : memref<65632x2048xf32, #tpu.memory_space<hbm>> -> memref<16x512xf32, #tpu.memory_space<hbm>>
      %dma_wait3A_343 = arith.constant 0 : i32
      %dma_wait3A_344 = arith.constant 0 : i32
      %dma_wait3A_345 = tpu.memref_slice %arg9[%dma_wait3A_335, %dma_wait3A_343, %dma_wait3A_344] : memref<8x16x512xf32, #tpu.memory_space<vmem>> -> memref<1x16x512xf32, #tpu.memory_space<vmem>>
      %dma_wait3A_346 = tpu.memref_squeeze %dma_wait3A_345 : memref<1x16x512xf32, #tpu.memory_space<vmem>> -> memref<16x512xf32, #tpu.memory_space<vmem>>
      %dma_wait3A_347 = arith.constant 0 : i32
      %dma_wait3A_348 = arith.constant 0 : i32
      %dma_wait3A_349 = tpu.memref_slice %arg5[%dma_wait3A_347, %dma_wait3A_348] : memref<65632x2048xf32, #tpu.memory_space<hbm>> -> memref<16x512xf32, #tpu.memory_space<hbm>>
      tpu.wait_dma2 semaphore(%arg13 : memref<!tpu.dma_semaphore, #tpu.memory_space<semaphore_mem>>) src(%dma_wait3A_349 : memref<16x512xf32, #tpu.memory_space<hbm>>) dst(%dma_wait3A_346 : memref<16x512xf32, #tpu.memory_space<vmem>>)
      %shift_right_arithmetic3A_350 = arith.constant 5 : i32
      %shift_right_arithmetic3A_351 = arith.shrsi %add3A_334, %shift_right_arithmetic3A_350 : i32
      %and3A_352 = arith.constant 1 : i32
      %and3A_353 = arith.andi %shift_right_arithmetic3A_351, %and3A_352 : i32
      %shift_right_arithmetic3A_354 = arith.constant 1 : i32
      %shift_right_arithmetic3A_355 = arith.shrsi %add3A_334, %shift_right_arithmetic3A_354 : i32
      %and3A_356 = arith.constant 15 : i32
      %and3A_357 = arith.andi %shift_right_arithmetic3A_355, %and3A_356 : i32
      %parallel_loop3A_358 = arith.constant 0 : i32
      %parallel_loop3A_359 = arith.constant 32 : i32
      %parallel_loop3A_360 = arith.constant 1 : i32
      scf.for %parallel_loop3A_673 = %parallel_loop3A_358 to %parallel_loop3A_359 step %parallel_loop3A_360  : i32 {
        %parallel_loop3A_674 = arith.constant 16 : i32
        %parallel_loop3A_675 = arith.muli %parallel_loop3A_673, %parallel_loop3A_674 : i32
        %parallel_loop3A_676 = arith.constant 1 : i32
        %parallel_loop3A_677 = arith.constant 0 : i32
        %parallel_loop3A_678 = arith.index_cast %parallel_loop3A_676 : i32 to index
        %parallel_loop3A_679 = arith.index_cast %parallel_loop3A_677 : i32 to index
        %parallel_loop3A_680 = arith.index_cast %parallel_loop3A_675 : i32 to index
        %parallel_loop3A_681 = tpu.vector_load %arg9[%parallel_loop3A_678, %parallel_loop3A_679, %parallel_loop3A_680] {strides = array<i32>} : memref<8x16x512xf32, #tpu.memory_space<vmem>>, vector<1x1x16xf32>,
        %parallel_loop3A_682 = vector.shape_cast %parallel_loop3A_681 : vector<1x1x16xf32> to vector<16xf32>
        %parallel_loop3A_683 = arith.constant 1 : i32
        %parallel_loop3A_684 = arith.constant 1 : i32
        %parallel_loop3A_685 = arith.index_cast %parallel_loop3A_683 : i32 to index
        %parallel_loop3A_686 = arith.index_cast %parallel_loop3A_684 : i32 to index
        %parallel_loop3A_687 = arith.index_cast %parallel_loop3A_675 : i32 to index
        %parallel_loop3A_688 = tpu.vector_load %arg9[%parallel_loop3A_685, %parallel_loop3A_686, %parallel_loop3A_687] {strides = array<i32>} : memref<8x16x512xf32, #tpu.memory_space<vmem>>, vector<1x1x16xf32>,
        %parallel_loop3A_689 = vector.shape_cast %parallel_loop3A_688 : vector<1x1x16xf32> to vector<16xf32>
        %parallel_loop3A_690 = arith.addf %parallel_loop3A_682, %parallel_loop3A_689 : vector<16xf32>
        %parallel_loop3A_691 = arith.constant 1 : i32
        %parallel_loop3A_692 = arith.constant 2 : i32
        %parallel_loop3A_693 = arith.index_cast %parallel_loop3A_691 : i32 to index
        %parallel_loop3A_694 = arith.index_cast %parallel_loop3A_692 : i32 to index
        %parallel_loop3A_695 = arith.index_cast %parallel_loop3A_675 : i32 to index
        %parallel_loop3A_696 = tpu.vector_load %arg9[%parallel_loop3A_693, %parallel_loop3A_694, %parallel_loop3A_695] {strides = array<i32>} : memref<8x16x512xf32, #tpu.memory_space<vmem>>, vector<1x1x16xf32>,
        %parallel_loop3A_697 = vector.shape_cast %parallel_loop3A_696 : vector<1x1x16xf32> to vector<16xf32>
        %parallel_loop3A_698 = arith.addf %parallel_loop3A_690, %parallel_loop3A_697 : vector<16xf32>
        %parallel_loop3A_699 = arith.constant 1 : i32
        %parallel_loop3A_700 = arith.constant 3 : i32
        %parallel_loop3A_701 = arith.index_cast %parallel_loop3A_699 : i32 to index
        %parallel_loop3A_702 = arith.index_cast %parallel_loop3A_700 : i32 to index
        %parallel_loop3A_703 = arith.index_cast %parallel_loop3A_675 : i32 to index
        %parallel_loop3A_704 = tpu.vector_load %arg9[%parallel_loop3A_701, %parallel_loop3A_702, %parallel_loop3A_703] {strides = array<i32>} : memref<8x16x512xf32, #tpu.memory_space<vmem>>, vector<1x1x16xf32>,
        %parallel_loop3A_705 = vector.shape_cast %parallel_loop3A_704 : vector<1x1x16xf32> to vector<16xf32>
        %parallel_loop3A_706 = arith.addf %parallel_loop3A_698, %parallel_loop3A_705 : vector<16xf32>
        %parallel_loop3A_707 = arith.constant 1 : i32
        %parallel_loop3A_708 = arith.constant 4 : i32
        %parallel_loop3A_709 = arith.index_cast %parallel_loop3A_707 : i32 to index
        %parallel_loop3A_710 = arith.index_cast %parallel_loop3A_708 : i32 to index
        %parallel_loop3A_711 = arith.index_cast %parallel_loop3A_675 : i32 to index
        %parallel_loop3A_712 = tpu.vector_load %arg9[%parallel_loop3A_709, %parallel_loop3A_710, %parallel_loop3A_711] {strides = array<i32>} : memref<8x16x512xf32, #tpu.memory_space<vmem>>, vector<1x1x16xf32>,
        %parallel_loop3A_713 = vector.shape_cast %parallel_loop3A_712 : vector<1x1x16xf32> to vector<16xf32>
        %parallel_loop3A_714 = arith.addf %parallel_loop3A_706, %parallel_loop3A_713 : vector<16xf32>
        %parallel_loop3A_715 = arith.constant 1 : i32
        %parallel_loop3A_716 = arith.constant 5 : i32
        %parallel_loop3A_717 = arith.index_cast %parallel_loop3A_715 : i32 to index
        %parallel_loop3A_718 = arith.index_cast %parallel_loop3A_716 : i32 to index
        %parallel_loop3A_719 = arith.index_cast %parallel_loop3A_675 : i32 to index
        %parallel_loop3A_720 = tpu.vector_load %arg9[%parallel_loop3A_717, %parallel_loop3A_718, %parallel_loop3A_719] {strides = array<i32>} : memref<8x16x512xf32, #tpu.memory_space<vmem>>, vector<1x1x16xf32>,
        %parallel_loop3A_721 = vector.shape_cast %parallel_loop3A_720 : vector<1x1x16xf32> to vector<16xf32>
        %parallel_loop3A_722 = arith.addf %parallel_loop3A_714, %parallel_loop3A_721 : vector<16xf32>
        %parallel_loop3A_723 = arith.constant 1 : i32
        %parallel_loop3A_724 = arith.constant 6 : i32
        %parallel_loop3A_725 = arith.index_cast %parallel_loop3A_723 : i32 to index
        %parallel_loop3A_726 = arith.index_cast %parallel_loop3A_724 : i32 to index
        %parallel_loop3A_727 = arith.index_cast %parallel_loop3A_675 : i32 to index
        %parallel_loop3A_728 = tpu.vector_load %arg9[%parallel_loop3A_725, %parallel_loop3A_726, %parallel_loop3A_727] {strides = array<i32>} : memref<8x16x512xf32, #tpu.memory_space<vmem>>, vector<1x1x16xf32>,
        %parallel_loop3A_729 = vector.shape_cast %parallel_loop3A_728 : vector<1x1x16xf32> to vector<16xf32>
        %parallel_loop3A_730 = arith.addf %parallel_loop3A_722, %parallel_loop3A_729 : vector<16xf32>
        %parallel_loop3A_731 = arith.constant 1 : i32
        %parallel_loop3A_732 = arith.constant 7 : i32
        %parallel_loop3A_733 = arith.index_cast %parallel_loop3A_731 : i32 to index
        %parallel_loop3A_734 = arith.index_cast %parallel_loop3A_732 : i32 to index
        %parallel_loop3A_735 = arith.index_cast %parallel_loop3A_675 : i32 to index
        %parallel_loop3A_736 = tpu.vector_load %arg9[%parallel_loop3A_733, %parallel_loop3A_734, %parallel_loop3A_735] {strides = array<i32>} : memref<8x16x512xf32, #tpu.memory_space<vmem>>, vector<1x1x16xf32>,
        %parallel_loop3A_737 = vector.shape_cast %parallel_loop3A_736 : vector<1x1x16xf32> to vector<16xf32>
        %parallel_loop3A_738 = arith.addf %parallel_loop3A_730, %parallel_loop3A_737 : vector<16xf32>
        %parallel_loop3A_739 = arith.constant 1 : i32
        %parallel_loop3A_740 = arith.constant 8 : i32
        %parallel_loop3A_741 = arith.index_cast %parallel_loop3A_739 : i32 to index
        %parallel_loop3A_742 = arith.index_cast %parallel_loop3A_740 : i32 to index
        %parallel_loop3A_743 = arith.index_cast %parallel_loop3A_675 : i32 to index
        %parallel_loop3A_744 = tpu.vector_load %arg9[%parallel_loop3A_741, %parallel_loop3A_742, %parallel_loop3A_743] {strides = array<i32>} : memref<8x16x512xf32, #tpu.memory_space<vmem>>, vector<1x1x16xf32>,
        %parallel_loop3A_745 = vector.shape_cast %parallel_loop3A_744 : vector<1x1x16xf32> to vector<16xf32>
        %parallel_loop3A_746 = arith.addf %parallel_loop3A_738, %parallel_loop3A_745 : vector<16xf32>
        %parallel_loop3A_747 = arith.constant 1 : i32
        %parallel_loop3A_748 = arith.constant 9 : i32
        %parallel_loop3A_749 = arith.index_cast %parallel_loop3A_747 : i32 to index
        %parallel_loop3A_750 = arith.index_cast %parallel_loop3A_748 : i32 to index
        %parallel_loop3A_751 = arith.index_cast %parallel_loop3A_675 : i32 to index
        %parallel_loop3A_752 = tpu.vector_load %arg9[%parallel_loop3A_749, %parallel_loop3A_750, %parallel_loop3A_751] {strides = array<i32>} : memref<8x16x512xf32, #tpu.memory_space<vmem>>, vector<1x1x16xf32>,
        %parallel_loop3A_753 = vector.shape_cast %parallel_loop3A_752 : vector<1x1x16xf32> to vector<16xf32>
        %parallel_loop3A_754 = arith.addf %parallel_loop3A_746, %parallel_loop3A_753 : vector<16xf32>
        %parallel_loop3A_755 = arith.constant 1 : i32
        %parallel_loop3A_756 = arith.constant 10 : i32
        %parallel_loop3A_757 = arith.index_cast %parallel_loop3A_755 : i32 to index
        %parallel_loop3A_758 = arith.index_cast %parallel_loop3A_756 : i32 to index
        %parallel_loop3A_759 = arith.index_cast %parallel_loop3A_675 : i32 to index
        %parallel_loop3A_760 = tpu.vector_load %arg9[%parallel_loop3A_757, %parallel_loop3A_758, %parallel_loop3A_759] {strides = array<i32>} : memref<8x16x512xf32, #tpu.memory_space<vmem>>, vector<1x1x16xf32>,
        %parallel_loop3A_761 = vector.shape_cast %parallel_loop3A_760 : vector<1x1x16xf32> to vector<16xf32>
        %parallel_loop3A_762 = arith.addf %parallel_loop3A_754, %parallel_loop3A_761 : vector<16xf32>
        %parallel_loop3A_763 = arith.constant 1 : i32
        %parallel_loop3A_764 = arith.constant 11 : i32
        %parallel_loop3A_765 = arith.index_cast %parallel_loop3A_763 : i32 to index
        %parallel_loop3A_766 = arith.index_cast %parallel_loop3A_764 : i32 to index
        %parallel_loop3A_767 = arith.index_cast %parallel_loop3A_675 : i32 to index
        %parallel_loop3A_768 = tpu.vector_load %arg9[%parallel_loop3A_765, %parallel_loop3A_766, %parallel_loop3A_767] {strides = array<i32>} : memref<8x16x512xf32, #tpu.memory_space<vmem>>, vector<1x1x16xf32>,
        %parallel_loop3A_769 = vector.shape_cast %parallel_loop3A_768 : vector<1x1x16xf32> to vector<16xf32>
        %parallel_loop3A_770 = arith.addf %parallel_loop3A_762, %parallel_loop3A_769 : vector<16xf32>
        %parallel_loop3A_771 = arith.constant 1 : i32
        %parallel_loop3A_772 = arith.constant 12 : i32
        %parallel_loop3A_773 = arith.index_cast %parallel_loop3A_771 : i32 to index
        %parallel_loop3A_774 = arith.index_cast %parallel_loop3A_772 : i32 to index
        %parallel_loop3A_775 = arith.index_cast %parallel_loop3A_675 : i32 to index
        %parallel_loop3A_776 = tpu.vector_load %arg9[%parallel_loop3A_773, %parallel_loop3A_774, %parallel_loop3A_775] {strides = array<i32>} : memref<8x16x512xf32, #tpu.memory_space<vmem>>, vector<1x1x16xf32>,
        %parallel_loop3A_777 = vector.shape_cast %parallel_loop3A_776 : vector<1x1x16xf32> to vector<16xf32>
        %parallel_loop3A_778 = arith.addf %parallel_loop3A_770, %parallel_loop3A_777 : vector<16xf32>
        %parallel_loop3A_779 = arith.constant 1 : i32
        %parallel_loop3A_780 = arith.constant 13 : i32
        %parallel_loop3A_781 = arith.index_cast %parallel_loop3A_779 : i32 to index
        %parallel_loop3A_782 = arith.index_cast %parallel_loop3A_780 : i32 to index
        %parallel_loop3A_783 = arith.index_cast %parallel_loop3A_675 : i32 to index
        %parallel_loop3A_784 = tpu.vector_load %arg9[%parallel_loop3A_781, %parallel_loop3A_782, %parallel_loop3A_783] {strides = array<i32>} : memref<8x16x512xf32, #tpu.memory_space<vmem>>, vector<1x1x16xf32>,
        %parallel_loop3A_785 = vector.shape_cast %parallel_loop3A_784 : vector<1x1x16xf32> to vector<16xf32>
        %parallel_loop3A_786 = arith.addf %parallel_loop3A_778, %parallel_loop3A_785 : vector<16xf32>
        %parallel_loop3A_787 = arith.constant 1 : i32
        %parallel_loop3A_788 = arith.constant 14 : i32
        %parallel_loop3A_789 = arith.index_cast %parallel_loop3A_787 : i32 to index
        %parallel_loop3A_790 = arith.index_cast %parallel_loop3A_788 : i32 to index
        %parallel_loop3A_791 = arith.index_cast %parallel_loop3A_675 : i32 to index
        %parallel_loop3A_792 = tpu.vector_load %arg9[%parallel_loop3A_789, %parallel_loop3A_790, %parallel_loop3A_791] {strides = array<i32>} : memref<8x16x512xf32, #tpu.memory_space<vmem>>, vector<1x1x16xf32>,
        %parallel_loop3A_793 = vector.shape_cast %parallel_loop3A_792 : vector<1x1x16xf32> to vector<16xf32>
        %parallel_loop3A_794 = arith.addf %parallel_loop3A_786, %parallel_loop3A_793 : vector<16xf32>
        %parallel_loop3A_795 = arith.constant 1 : i32
        %parallel_loop3A_796 = arith.constant 15 : i32
        %parallel_loop3A_797 = arith.index_cast %parallel_loop3A_795 : i32 to index
        %parallel_loop3A_798 = arith.index_cast %parallel_loop3A_796 : i32 to index
        %parallel_loop3A_799 = arith.index_cast %parallel_loop3A_675 : i32 to index
        %parallel_loop3A_800 = tpu.vector_load %arg9[%parallel_loop3A_797, %parallel_loop3A_798, %parallel_loop3A_799] {strides = array<i32>} : memref<8x16x512xf32, #tpu.memory_space<vmem>>, vector<1x1x16xf32>,
        %parallel_loop3A_801 = vector.shape_cast %parallel_loop3A_800 : vector<1x1x16xf32> to vector<16xf32>
        %parallel_loop3A_802 = arith.addf %parallel_loop3A_794, %parallel_loop3A_801 : vector<16xf32>
        %parallel_loop3A_803 = arith.index_cast %and3A_353 : i32 to index
        %parallel_loop3A_804 = arith.index_cast %and3A_357 : i32 to index
        %parallel_loop3A_805 = arith.index_cast %parallel_loop3A_675 : i32 to index
        %parallel_loop3A_806 = tpu.vector_load %arg10[%parallel_loop3A_803, %parallel_loop3A_804, %parallel_loop3A_805] {strides = array<i32>} : memref<2x16x512xf32, #tpu.memory_space<vmem>>, vector<1x1x16xf32>,
        %parallel_loop3A_807 = vector.shape_cast %parallel_loop3A_806 : vector<1x1x16xf32> to vector<16xf32>
        %parallel_loop3A_808 = vector.shape_cast %parallel_loop3A_802 : vector<16xf32> to vector<1x1x16xf32>
        tpu.vector_store %arg10[%parallel_loop3A_803, %parallel_loop3A_804, %parallel_loop3A_805], %parallel_loop3A_808 {add = true, strides = array<i32>} : memref<2x16x512xf32, #tpu.memory_space<vmem>>, vector<1x1x16xf32>,
      } {sc.loop_unroll_factor = 2 : i64, sc.parallel_access}
      %add3A_361 = arith.constant 8 : i32
      %add3A_362 = arith.addi %add3A_334, %add3A_361 : i32
      %lt3A_363 = arith.constant 1024 : i32
      %lt3A_364 = arith.cmpi slt, %add3A_362, %lt3A_363 : i32
      %convert_element_type3A_365 = arith.extui %lt3A_364 : i1 to i32
      %cond3A_366 = arith.constant 0 : i32
      %cond3A_367 = arith.cmpi ne, %convert_element_type3A_365, %cond3A_366 : i32
      scf.if %cond3A_367 {
        %add3A_673 = arith.constant 8 : i32
        %add3A_674 = arith.addi %add3A_334, %add3A_673 : i32
        %shift_right_arithmetic3A_675 = arith.constant 5 : i32
        %shift_right_arithmetic3A_676 = arith.shrsi %add3A_674, %shift_right_arithmetic3A_675 : i32
        %and3A_677 = arith.constant 3 : i32
        %and3A_678 = arith.andi %shift_right_arithmetic3A_676, %and3A_677 : i32
        %shift_right_arithmetic3A_679 = arith.constant 2 : i32
        %shift_right_arithmetic3A_680 = arith.shrsi %shift_right_arithmetic3A_676, %shift_right_arithmetic3A_679 : i32
        %and3A_681 = arith.constant 1 : i32
        %and3A_682 = arith.andi %shift_right_arithmetic3A_680, %and3A_681 : i32
        %shift_right_arithmetic3A_683 = arith.constant 1 : i32
        %shift_right_arithmetic3A_684 = arith.shrsi %add3A_674, %shift_right_arithmetic3A_683 : i32
        %and3A_685 = arith.constant 15 : i32
        %and3A_686 = arith.andi %shift_right_arithmetic3A_684, %and3A_685 : i32
        %and3A_687 = arith.constant 1 : i32
        %and3A_688 = arith.andi %add3A_674, %and3A_687 : i32
        %mul3A_689 = arith.constant 16 : i32
        %mul3A_690 = arith.muli %and3A_688, %mul3A_689 : i32
        %get3A_691 = arith.index_cast %and3A_682 : i32 to index
        %get3A_692 = arith.index_cast %and3A_686 : i32 to index
        %get3A_693 = arith.index_cast %mul3A_690 : i32 to index
        %get3A_694 = tpu.vector_load %arg7[%get3A_691, %get3A_692, %get3A_693] {strides = array<i32>} : memref<2x16x32xi32, #tpu.memory_space<vmem>>, vector<1x1x16xi32>,
        %get3A_695 = vector.shape_cast %get3A_694 : vector<1x1x16xi32> to vector<16xi32>
        %eq3A_696 = arith.constant 0 : i32
        %eq3A_697 = vector.broadcast %eq3A_696 : i32 to vector<16xi32>
        %eq3A_698 = arith.cmpi eq, %get3A_695, %eq3A_697 : vector<16xi32>
        %mul3A_699 = arith.constant 16 : i32
        %mul3A_700 = arith.muli %and3A_688, %mul3A_699 : i32
        %add3A_701 = vector.broadcast %mul3A_700 : i32 to vector<16xi32>
        %add3A_702 = arith.addi %iota3A, %add3A_701 : vector<16xi32>
        %mul3A_703 = arith.constant 2051 : i32
        %mul3A_704 = vector.broadcast %mul3A_703 : i32 to vector<16xi32>
        %mul3A_705 = arith.muli %add3A_702, %mul3A_704 : vector<16xi32>
        %add3A_706 = arith.addi %get3A_695, %mul3A_705 : vector<16xi32>
        %jit3A_707 = arith.constant 0 : i32
        %broadcast_in_dim3A_708 = vector.broadcast %jit3A_707 : i32 to vector<16xi32>
        %select_n3A_709 = arith.select %eq3A_698, %broadcast_in_dim3A_708, %add3A_706 : vector<16xi1>, vector<16xi32>
        %mul3A_710 = arith.constant 512 : i32
        %mul3A_711 = arith.muli %and3A_678, %mul3A_710 : i32
        %dma_start3A_712 = arith.constant 1 : i32
        %dma_start3A_713 = arith.constant 0 : i32
        %dma_start3A_714 = arith.constant 0 : i32
        %dma_start3A_715 = tpu.memref_slice %arg9[%dma_start3A_712, %dma_start3A_713, %dma_start3A_714] : memref<8x16x512xf32, #tpu.memory_space<vmem>> -> memref<1x16x512xf32, #tpu.memory_space<vmem>>
        %dma_start3A_716 = tpu.memref_squeeze %dma_start3A_715 : memref<1x16x512xf32, #tpu.memory_space<vmem>> -> memref<16x512xf32, #tpu.memory_space<vmem>>
        %dma_start3A_717 = arith.constant 0 : i32
        %dma_start3A_718 = tpu.memref_slice %arg5[%dma_start3A_717, %mul3A_711] : memref<65632x2048xf32, #tpu.memory_space<hbm>> -> memref<65632x512xf32, #tpu.memory_space<hbm>>
        tpu.enqueue_indirect_dma source(%dma_start3A_718 : memref<65632x512xf32, #tpu.memory_space<hbm>>) target(%dma_start3A_716 : memref<16x512xf32, #tpu.memory_space<vmem>>) offsets(%select_n3A_709 : vector<16xi32>) semaphore(%arg13 : memref<!tpu.dma_semaphore, #tpu.memory_space<semaphore_mem>>)
      } else {
      }
      %mul3A_368 = arith.constant 8 : i32
      %mul3A_369 = arith.muli %scan3A_275, %mul3A_368 : i32
      %add3A_370 = arith.constant 2 : i32
      %add3A_371 = arith.addi %mul3A_369, %add3A_370 : i32
      %dma_wait3A_372 = arith.constant 2 : i32
      %dma_wait3A_373 = arith.constant 0 : i32
      %dma_wait3A_374 = arith.constant 0 : i32
      %dma_wait3A_375 = tpu.memref_slice %arg9[%dma_wait3A_372, %dma_wait3A_373, %dma_wait3A_374] : memref<8x16x512xf32, #tpu.memory_space<vmem>> -> memref<1x16x512xf32, #tpu.memory_space<vmem>>
      %dma_wait3A_376 = tpu.memref_squeeze %dma_wait3A_375 : memref<1x16x512xf32, #tpu.memory_space<vmem>> -> memref<16x512xf32, #tpu.memory_space<vmem>>
      %dma_wait3A_377 = arith.constant 0 : i32
      %dma_wait3A_378 = arith.constant 0 : i32
      %dma_wait3A_379 = tpu.memref_slice %arg5[%dma_wait3A_377, %dma_wait3A_378] : memref<65632x2048xf32, #tpu.memory_space<hbm>> -> memref<16x512xf32, #tpu.memory_space<hbm>>
      %dma_wait3A_380 = arith.constant 0 : i32
      %dma_wait3A_381 = arith.constant 0 : i32
      %dma_wait3A_382 = tpu.memref_slice %arg9[%dma_wait3A_372, %dma_wait3A_380, %dma_wait3A_381] : memref<8x16x512xf32, #tpu.memory_space<vmem>> -> memref<1x16x512xf32, #tpu.memory_space<vmem>>
      %dma_wait3A_383 = tpu.memref_squeeze %dma_wait3A_382 : memref<1x16x512xf32, #tpu.memory_space<vmem>> -> memref<16x512xf32, #tpu.memory_space<vmem>>
      %dma_wait3A_384 = arith.constant 0 : i32
      %dma_wait3A_385 = arith.constant 0 : i32
      %dma_wait3A_386 = tpu.memref_slice %arg5[%dma_wait3A_384, %dma_wait3A_385] : memref<65632x2048xf32, #tpu.memory_space<hbm>> -> memref<16x512xf32, #tpu.memory_space<hbm>>
      tpu.wait_dma2 semaphore(%arg14 : memref<!tpu.dma_semaphore, #tpu.memory_space<semaphore_mem>>) src(%dma_wait3A_386 : memref<16x512xf32, #tpu.memory_space<hbm>>) dst(%dma_wait3A_383 : memref<16x512xf32, #tpu.memory_space<vmem>>)
      %shift_right_arithmetic3A_387 = arith.constant 5 : i32
      %shift_right_arithmetic3A_388 = arith.shrsi %add3A_371, %shift_right_arithmetic3A_387 : i32
      %and3A_389 = arith.constant 1 : i32
      %and3A_390 = arith.andi %shift_right_arithmetic3A_388, %and3A_389 : i32
      %shift_right_arithmetic3A_391 = arith.constant 1 : i32
      %shift_right_arithmetic3A_392 = arith.shrsi %add3A_371, %shift_right_arithmetic3A_391 : i32
      %and3A_393 = arith.constant 15 : i32
      %and3A_394 = arith.andi %shift_right_arithmetic3A_392, %and3A_393 : i32
      %parallel_loop3A_395 = arith.constant 0 : i32
      %parallel_loop3A_396 = arith.constant 32 : i32
      %parallel_loop3A_397 = arith.constant 1 : i32
      scf.for %parallel_loop3A_673 = %parallel_loop3A_395 to %parallel_loop3A_396 step %parallel_loop3A_397  : i32 {
        %parallel_loop3A_674 = arith.constant 16 : i32
        %parallel_loop3A_675 = arith.muli %parallel_loop3A_673, %parallel_loop3A_674 : i32
        %parallel_loop3A_676 = arith.constant 2 : i32
        %parallel_loop3A_677 = arith.constant 0 : i32
        %parallel_loop3A_678 = arith.index_cast %parallel_loop3A_676 : i32 to index
        %parallel_loop3A_679 = arith.index_cast %parallel_loop3A_677 : i32 to index
        %parallel_loop3A_680 = arith.index_cast %parallel_loop3A_675 : i32 to index
        %parallel_loop3A_681 = tpu.vector_load %arg9[%parallel_loop3A_678, %parallel_loop3A_679, %parallel_loop3A_680] {strides = array<i32>} : memref<8x16x512xf32, #tpu.memory_space<vmem>>, vector<1x1x16xf32>,
        %parallel_loop3A_682 = vector.shape_cast %parallel_loop3A_681 : vector<1x1x16xf32> to vector<16xf32>
        %parallel_loop3A_683 = arith.constant 2 : i32
        %parallel_loop3A_684 = arith.constant 1 : i32
        %parallel_loop3A_685 = arith.index_cast %parallel_loop3A_683 : i32 to index
        %parallel_loop3A_686 = arith.index_cast %parallel_loop3A_684 : i32 to index
        %parallel_loop3A_687 = arith.index_cast %parallel_loop3A_675 : i32 to index
        %parallel_loop3A_688 = tpu.vector_load %arg9[%parallel_loop3A_685, %parallel_loop3A_686, %parallel_loop3A_687] {strides = array<i32>} : memref<8x16x512xf32, #tpu.memory_space<vmem>>, vector<1x1x16xf32>,
        %parallel_loop3A_689 = vector.shape_cast %parallel_loop3A_688 : vector<1x1x16xf32> to vector<16xf32>
        %parallel_loop3A_690 = arith.addf %parallel_loop3A_682, %parallel_loop3A_689 : vector<16xf32>
        %parallel_loop3A_691 = arith.constant 2 : i32
        %parallel_loop3A_692 = arith.constant 2 : i32
        %parallel_loop3A_693 = arith.index_cast %parallel_loop3A_691 : i32 to index
        %parallel_loop3A_694 = arith.index_cast %parallel_loop3A_692 : i32 to index
        %parallel_loop3A_695 = arith.index_cast %parallel_loop3A_675 : i32 to index
        %parallel_loop3A_696 = tpu.vector_load %arg9[%parallel_loop3A_693, %parallel_loop3A_694, %parallel_loop3A_695] {strides = array<i32>} : memref<8x16x512xf32, #tpu.memory_space<vmem>>, vector<1x1x16xf32>,
        %parallel_loop3A_697 = vector.shape_cast %parallel_loop3A_696 : vector<1x1x16xf32> to vector<16xf32>
        %parallel_loop3A_698 = arith.addf %parallel_loop3A_690, %parallel_loop3A_697 : vector<16xf32>
        %parallel_loop3A_699 = arith.constant 2 : i32
        %parallel_loop3A_700 = arith.constant 3 : i32
        %parallel_loop3A_701 = arith.index_cast %parallel_loop3A_699 : i32 to index
        %parallel_loop3A_702 = arith.index_cast %parallel_loop3A_700 : i32 to index
        %parallel_loop3A_703 = arith.index_cast %parallel_loop3A_675 : i32 to index
        %parallel_loop3A_704 = tpu.vector_load %arg9[%parallel_loop3A_701, %parallel_loop3A_702, %parallel_loop3A_703] {strides = array<i32>} : memref<8x16x512xf32, #tpu.memory_space<vmem>>, vector<1x1x16xf32>,
        %parallel_loop3A_705 = vector.shape_cast %parallel_loop3A_704 : vector<1x1x16xf32> to vector<16xf32>
        %parallel_loop3A_706 = arith.addf %parallel_loop3A_698, %parallel_loop3A_705 : vector<16xf32>
        %parallel_loop3A_707 = arith.constant 2 : i32
        %parallel_loop3A_708 = arith.constant 4 : i32
        %parallel_loop3A_709 = arith.index_cast %parallel_loop3A_707 : i32 to index
        %parallel_loop3A_710 = arith.index_cast %parallel_loop3A_708 : i32 to index
        %parallel_loop3A_711 = arith.index_cast %parallel_loop3A_675 : i32 to index
        %parallel_loop3A_712 = tpu.vector_load %arg9[%parallel_loop3A_709, %parallel_loop3A_710, %parallel_loop3A_711] {strides = array<i32>} : memref<8x16x512xf32, #tpu.memory_space<vmem>>, vector<1x1x16xf32>,
        %parallel_loop3A_713 = vector.shape_cast %parallel_loop3A_712 : vector<1x1x16xf32> to vector<16xf32>
        %parallel_loop3A_714 = arith.addf %parallel_loop3A_706, %parallel_loop3A_713 : vector<16xf32>
        %parallel_loop3A_715 = arith.constant 2 : i32
        %parallel_loop3A_716 = arith.constant 5 : i32
        %parallel_loop3A_717 = arith.index_cast %parallel_loop3A_715 : i32 to index
        %parallel_loop3A_718 = arith.index_cast %parallel_loop3A_716 : i32 to index
        %parallel_loop3A_719 = arith.index_cast %parallel_loop3A_675 : i32 to index
        %parallel_loop3A_720 = tpu.vector_load %arg9[%parallel_loop3A_717, %parallel_loop3A_718, %parallel_loop3A_719] {strides = array<i32>} : memref<8x16x512xf32, #tpu.memory_space<vmem>>, vector<1x1x16xf32>,
        %parallel_loop3A_721 = vector.shape_cast %parallel_loop3A_720 : vector<1x1x16xf32> to vector<16xf32>
        %parallel_loop3A_722 = arith.addf %parallel_loop3A_714, %parallel_loop3A_721 : vector<16xf32>
        %parallel_loop3A_723 = arith.constant 2 : i32
        %parallel_loop3A_724 = arith.constant 6 : i32
        %parallel_loop3A_725 = arith.index_cast %parallel_loop3A_723 : i32 to index
        %parallel_loop3A_726 = arith.index_cast %parallel_loop3A_724 : i32 to index
        %parallel_loop3A_727 = arith.index_cast %parallel_loop3A_675 : i32 to index
        %parallel_loop3A_728 = tpu.vector_load %arg9[%parallel_loop3A_725, %parallel_loop3A_726, %parallel_loop3A_727] {strides = array<i32>} : memref<8x16x512xf32, #tpu.memory_space<vmem>>, vector<1x1x16xf32>,
        %parallel_loop3A_729 = vector.shape_cast %parallel_loop3A_728 : vector<1x1x16xf32> to vector<16xf32>
        %parallel_loop3A_730 = arith.addf %parallel_loop3A_722, %parallel_loop3A_729 : vector<16xf32>
        %parallel_loop3A_731 = arith.constant 2 : i32
        %parallel_loop3A_732 = arith.constant 7 : i32
        %parallel_loop3A_733 = arith.index_cast %parallel_loop3A_731 : i32 to index
        %parallel_loop3A_734 = arith.index_cast %parallel_loop3A_732 : i32 to index
        %parallel_loop3A_735 = arith.index_cast %parallel_loop3A_675 : i32 to index
        %parallel_loop3A_736 = tpu.vector_load %arg9[%parallel_loop3A_733, %parallel_loop3A_734, %parallel_loop3A_735] {strides = array<i32>} : memref<8x16x512xf32, #tpu.memory_space<vmem>>, vector<1x1x16xf32>,
        %parallel_loop3A_737 = vector.shape_cast %parallel_loop3A_736 : vector<1x1x16xf32> to vector<16xf32>
        %parallel_loop3A_738 = arith.addf %parallel_loop3A_730, %parallel_loop3A_737 : vector<16xf32>
        %parallel_loop3A_739 = arith.constant 2 : i32
        %parallel_loop3A_740 = arith.constant 8 : i32
        %parallel_loop3A_741 = arith.index_cast %parallel_loop3A_739 : i32 to index
        %parallel_loop3A_742 = arith.index_cast %parallel_loop3A_740 : i32 to index
        %parallel_loop3A_743 = arith.index_cast %parallel_loop3A_675 : i32 to index
        %parallel_loop3A_744 = tpu.vector_load %arg9[%parallel_loop3A_741, %parallel_loop3A_742, %parallel_loop3A_743] {strides = array<i32>} : memref<8x16x512xf32, #tpu.memory_space<vmem>>, vector<1x1x16xf32>,
        %parallel_loop3A_745 = vector.shape_cast %parallel_loop3A_744 : vector<1x1x16xf32> to vector<16xf32>
        %parallel_loop3A_746 = arith.addf %parallel_loop3A_738, %parallel_loop3A_745 : vector<16xf32>
        %parallel_loop3A_747 = arith.constant 2 : i32
        %parallel_loop3A_748 = arith.constant 9 : i32
        %parallel_loop3A_749 = arith.index_cast %parallel_loop3A_747 : i32 to index
        %parallel_loop3A_750 = arith.index_cast %parallel_loop3A_748 : i32 to index
        %parallel_loop3A_751 = arith.index_cast %parallel_loop3A_675 : i32 to index
        %parallel_loop3A_752 = tpu.vector_load %arg9[%parallel_loop3A_749, %parallel_loop3A_750, %parallel_loop3A_751] {strides = array<i32>} : memref<8x16x512xf32, #tpu.memory_space<vmem>>, vector<1x1x16xf32>,
        %parallel_loop3A_753 = vector.shape_cast %parallel_loop3A_752 : vector<1x1x16xf32> to vector<16xf32>
        %parallel_loop3A_754 = arith.addf %parallel_loop3A_746, %parallel_loop3A_753 : vector<16xf32>
        %parallel_loop3A_755 = arith.constant 2 : i32
        %parallel_loop3A_756 = arith.constant 10 : i32
        %parallel_loop3A_757 = arith.index_cast %parallel_loop3A_755 : i32 to index
        %parallel_loop3A_758 = arith.index_cast %parallel_loop3A_756 : i32 to index
        %parallel_loop3A_759 = arith.index_cast %parallel_loop3A_675 : i32 to index
        %parallel_loop3A_760 = tpu.vector_load %arg9[%parallel_loop3A_757, %parallel_loop3A_758, %parallel_loop3A_759] {strides = array<i32>} : memref<8x16x512xf32, #tpu.memory_space<vmem>>, vector<1x1x16xf32>,
        %parallel_loop3A_761 = vector.shape_cast %parallel_loop3A_760 : vector<1x1x16xf32> to vector<16xf32>
        %parallel_loop3A_762 = arith.addf %parallel_loop3A_754, %parallel_loop3A_761 : vector<16xf32>
        %parallel_loop3A_763 = arith.constant 2 : i32
        %parallel_loop3A_764 = arith.constant 11 : i32
        %parallel_loop3A_765 = arith.index_cast %parallel_loop3A_763 : i32 to index
        %parallel_loop3A_766 = arith.index_cast %parallel_loop3A_764 : i32 to index
        %parallel_loop3A_767 = arith.index_cast %parallel_loop3A_675 : i32 to index
        %parallel_loop3A_768 = tpu.vector_load %arg9[%parallel_loop3A_765, %parallel_loop3A_766, %parallel_loop3A_767] {strides = array<i32>} : memref<8x16x512xf32, #tpu.memory_space<vmem>>, vector<1x1x16xf32>,
        %parallel_loop3A_769 = vector.shape_cast %parallel_loop3A_768 : vector<1x1x16xf32> to vector<16xf32>
        %parallel_loop3A_770 = arith.addf %parallel_loop3A_762, %parallel_loop3A_769 : vector<16xf32>
        %parallel_loop3A_771 = arith.constant 2 : i32
        %parallel_loop3A_772 = arith.constant 12 : i32
        %parallel_loop3A_773 = arith.index_cast %parallel_loop3A_771 : i32 to index
        %parallel_loop3A_774 = arith.index_cast %parallel_loop3A_772 : i32 to index
        %parallel_loop3A_775 = arith.index_cast %parallel_loop3A_675 : i32 to index
        %parallel_loop3A_776 = tpu.vector_load %arg9[%parallel_loop3A_773, %parallel_loop3A_774, %parallel_loop3A_775] {strides = array<i32>} : memref<8x16x512xf32, #tpu.memory_space<vmem>>, vector<1x1x16xf32>,
        %parallel_loop3A_777 = vector.shape_cast %parallel_loop3A_776 : vector<1x1x16xf32> to vector<16xf32>
        %parallel_loop3A_778 = arith.addf %parallel_loop3A_770, %parallel_loop3A_777 : vector<16xf32>
        %parallel_loop3A_779 = arith.constant 2 : i32
        %parallel_loop3A_780 = arith.constant 13 : i32
        %parallel_loop3A_781 = arith.index_cast %parallel_loop3A_779 : i32 to index
        %parallel_loop3A_782 = arith.index_cast %parallel_loop3A_780 : i32 to index
        %parallel_loop3A_783 = arith.index_cast %parallel_loop3A_675 : i32 to index
        %parallel_loop3A_784 = tpu.vector_load %arg9[%parallel_loop3A_781, %parallel_loop3A_782, %parallel_loop3A_783] {strides = array<i32>} : memref<8x16x512xf32, #tpu.memory_space<vmem>>, vector<1x1x16xf32>,
        %parallel_loop3A_785 = vector.shape_cast %parallel_loop3A_784 : vector<1x1x16xf32> to vector<16xf32>
        %parallel_loop3A_786 = arith.addf %parallel_loop3A_778, %parallel_loop3A_785 : vector<16xf32>
        %parallel_loop3A_787 = arith.constant 2 : i32
        %parallel_loop3A_788 = arith.constant 14 : i32
        %parallel_loop3A_789 = arith.index_cast %parallel_loop3A_787 : i32 to index
        %parallel_loop3A_790 = arith.index_cast %parallel_loop3A_788 : i32 to index
        %parallel_loop3A_791 = arith.index_cast %parallel_loop3A_675 : i32 to index
        %parallel_loop3A_792 = tpu.vector_load %arg9[%parallel_loop3A_789, %parallel_loop3A_790, %parallel_loop3A_791] {strides = array<i32>} : memref<8x16x512xf32, #tpu.memory_space<vmem>>, vector<1x1x16xf32>,
        %parallel_loop3A_793 = vector.shape_cast %parallel_loop3A_792 : vector<1x1x16xf32> to vector<16xf32>
        %parallel_loop3A_794 = arith.addf %parallel_loop3A_786, %parallel_loop3A_793 : vector<16xf32>
        %parallel_loop3A_795 = arith.constant 2 : i32
        %parallel_loop3A_796 = arith.constant 15 : i32
        %parallel_loop3A_797 = arith.index_cast %parallel_loop3A_795 : i32 to index
        %parallel_loop3A_798 = arith.index_cast %parallel_loop3A_796 : i32 to index
        %parallel_loop3A_799 = arith.index_cast %parallel_loop3A_675 : i32 to index
        %parallel_loop3A_800 = tpu.vector_load %arg9[%parallel_loop3A_797, %parallel_loop3A_798, %parallel_loop3A_799] {strides = array<i32>} : memref<8x16x512xf32, #tpu.memory_space<vmem>>, vector<1x1x16xf32>,
        %parallel_loop3A_801 = vector.shape_cast %parallel_loop3A_800 : vector<1x1x16xf32> to vector<16xf32>
        %parallel_loop3A_802 = arith.addf %parallel_loop3A_794, %parallel_loop3A_801 : vector<16xf32>
        %parallel_loop3A_803 = arith.index_cast %and3A_390 : i32 to index
        %parallel_loop3A_804 = arith.index_cast %and3A_394 : i32 to index
        %parallel_loop3A_805 = arith.index_cast %parallel_loop3A_675 : i32 to index
        %parallel_loop3A_806 = tpu.vector_load %arg10[%parallel_loop3A_803, %parallel_loop3A_804, %parallel_loop3A_805] {strides = array<i32>} : memref<2x16x512xf32, #tpu.memory_space<vmem>>, vector<1x1x16xf32>,
        %parallel_loop3A_807 = vector.shape_cast %parallel_loop3A_806 : vector<1x1x16xf32> to vector<16xf32>
        %parallel_loop3A_808 = vector.shape_cast %parallel_loop3A_802 : vector<16xf32> to vector<1x1x16xf32>
        tpu.vector_store %arg10[%parallel_loop3A_803, %parallel_loop3A_804, %parallel_loop3A_805], %parallel_loop3A_808 {add = true, strides = array<i32>} : memref<2x16x512xf32, #tpu.memory_space<vmem>>, vector<1x1x16xf32>,
      } {sc.loop_unroll_factor = 2 : i64, sc.parallel_access}
      %add3A_398 = arith.constant 8 : i32
      %add3A_399 = arith.addi %add3A_371, %add3A_398 : i32
      %lt3A_400 = arith.constant 1024 : i32
      %lt3A_401 = arith.cmpi slt, %add3A_399, %lt3A_400 : i32
      %convert_element_type3A_402 = arith.extui %lt3A_401 : i1 to i32
      %cond3A_403 = arith.constant 0 : i32
      %cond3A_404 = arith.cmpi ne, %convert_element_type3A_402, %cond3A_403 : i32
      scf.if %cond3A_404 {
        %add3A_673 = arith.constant 8 : i32
        %add3A_674 = arith.addi %add3A_371, %add3A_673 : i32
        %shift_right_arithmetic3A_675 = arith.constant 5 : i32
        %shift_right_arithmetic3A_676 = arith.shrsi %add3A_674, %shift_right_arithmetic3A_675 : i32
        %and3A_677 = arith.constant 3 : i32
        %and3A_678 = arith.andi %shift_right_arithmetic3A_676, %and3A_677 : i32
        %shift_right_arithmetic3A_679 = arith.constant 2 : i32
        %shift_right_arithmetic3A_680 = arith.shrsi %shift_right_arithmetic3A_676, %shift_right_arithmetic3A_679 : i32
        %and3A_681 = arith.constant 1 : i32
        %and3A_682 = arith.andi %shift_right_arithmetic3A_680, %and3A_681 : i32
        %shift_right_arithmetic3A_683 = arith.constant 1 : i32
        %shift_right_arithmetic3A_684 = arith.shrsi %add3A_674, %shift_right_arithmetic3A_683 : i32
        %and3A_685 = arith.constant 15 : i32
        %and3A_686 = arith.andi %shift_right_arithmetic3A_684, %and3A_685 : i32
        %and3A_687 = arith.constant 1 : i32
        %and3A_688 = arith.andi %add3A_674, %and3A_687 : i32
        %mul3A_689 = arith.constant 16 : i32
        %mul3A_690 = arith.muli %and3A_688, %mul3A_689 : i32
        %get3A_691 = arith.index_cast %and3A_682 : i32 to index
        %get3A_692 = arith.index_cast %and3A_686 : i32 to index
        %get3A_693 = arith.index_cast %mul3A_690 : i32 to index
        %get3A_694 = tpu.vector_load %arg7[%get3A_691, %get3A_692, %get3A_693] {strides = array<i32>} : memref<2x16x32xi32, #tpu.memory_space<vmem>>, vector<1x1x16xi32>,
        %get3A_695 = vector.shape_cast %get3A_694 : vector<1x1x16xi32> to vector<16xi32>
        %eq3A_696 = arith.constant 0 : i32
        %eq3A_697 = vector.broadcast %eq3A_696 : i32 to vector<16xi32>
        %eq3A_698 = arith.cmpi eq, %get3A_695, %eq3A_697 : vector<16xi32>
        %mul3A_699 = arith.constant 16 : i32
        %mul3A_700 = arith.muli %and3A_688, %mul3A_699 : i32
        %add3A_701 = vector.broadcast %mul3A_700 : i32 to vector<16xi32>
        %add3A_702 = arith.addi %iota3A, %add3A_701 : vector<16xi32>
        %mul3A_703 = arith.constant 2051 : i32
        %mul3A_704 = vector.broadcast %mul3A_703 : i32 to vector<16xi32>
        %mul3A_705 = arith.muli %add3A_702, %mul3A_704 : vector<16xi32>
        %add3A_706 = arith.addi %get3A_695, %mul3A_705 : vector<16xi32>
        %jit3A_707 = arith.constant 0 : i32
        %broadcast_in_dim3A_708 = vector.broadcast %jit3A_707 : i32 to vector<16xi32>
        %select_n3A_709 = arith.select %eq3A_698, %broadcast_in_dim3A_708, %add3A_706 : vector<16xi1>, vector<16xi32>
        %mul3A_710 = arith.constant 512 : i32
        %mul3A_711 = arith.muli %and3A_678, %mul3A_710 : i32
        %dma_start3A_712 = arith.constant 2 : i32
        %dma_start3A_713 = arith.constant 0 : i32
        %dma_start3A_714 = arith.constant 0 : i32
        %dma_start3A_715 = tpu.memref_slice %arg9[%dma_start3A_712, %dma_start3A_713, %dma_start3A_714] : memref<8x16x512xf32, #tpu.memory_space<vmem>> -> memref<1x16x512xf32, #tpu.memory_space<vmem>>
        %dma_start3A_716 = tpu.memref_squeeze %dma_start3A_715 : memref<1x16x512xf32, #tpu.memory_space<vmem>> -> memref<16x512xf32, #tpu.memory_space<vmem>>
        %dma_start3A_717 = arith.constant 0 : i32
        %dma_start3A_718 = tpu.memref_slice %arg5[%dma_start3A_717, %mul3A_711] : memref<65632x2048xf32, #tpu.memory_space<hbm>> -> memref<65632x512xf32, #tpu.memory_space<hbm>>
        tpu.enqueue_indirect_dma source(%dma_start3A_718 : memref<65632x512xf32, #tpu.memory_space<hbm>>) target(%dma_start3A_716 : memref<16x512xf32, #tpu.memory_space<vmem>>) offsets(%select_n3A_709 : vector<16xi32>) semaphore(%arg14 : memref<!tpu.dma_semaphore, #tpu.memory_space<semaphore_mem>>)
      } else {
      }
      %mul3A_405 = arith.constant 8 : i32
      %mul3A_406 = arith.muli %scan3A_275, %mul3A_405 : i32
      %add3A_407 = arith.constant 3 : i32
      %add3A_408 = arith.addi %mul3A_406, %add3A_407 : i32
      %dma_wait3A_409 = arith.constant 3 : i32
      %dma_wait3A_410 = arith.constant 0 : i32
      %dma_wait3A_411 = arith.constant 0 : i32
      %dma_wait3A_412 = tpu.memref_slice %arg9[%dma_wait3A_409, %dma_wait3A_410, %dma_wait3A_411] : memref<8x16x512xf32, #tpu.memory_space<vmem>> -> memref<1x16x512xf32, #tpu.memory_space<vmem>>
      %dma_wait3A_413 = tpu.memref_squeeze %dma_wait3A_412 : memref<1x16x512xf32, #tpu.memory_space<vmem>> -> memref<16x512xf32, #tpu.memory_space<vmem>>
      %dma_wait3A_414 = arith.constant 0 : i32
      %dma_wait3A_415 = arith.constant 0 : i32
      %dma_wait3A_416 = tpu.memref_slice %arg5[%dma_wait3A_414, %dma_wait3A_415] : memref<65632x2048xf32, #tpu.memory_space<hbm>> -> memref<16x512xf32, #tpu.memory_space<hbm>>
      %dma_wait3A_417 = arith.constant 0 : i32
      %dma_wait3A_418 = arith.constant 0 : i32
      %dma_wait3A_419 = tpu.memref_slice %arg9[%dma_wait3A_409, %dma_wait3A_417, %dma_wait3A_418] : memref<8x16x512xf32, #tpu.memory_space<vmem>> -> memref<1x16x512xf32, #tpu.memory_space<vmem>>
      %dma_wait3A_420 = tpu.memref_squeeze %dma_wait3A_419 : memref<1x16x512xf32, #tpu.memory_space<vmem>> -> memref<16x512xf32, #tpu.memory_space<vmem>>
      %dma_wait3A_421 = arith.constant 0 : i32
      %dma_wait3A_422 = arith.constant 0 : i32
      %dma_wait3A_423 = tpu.memref_slice %arg5[%dma_wait3A_421, %dma_wait3A_422] : memref<65632x2048xf32, #tpu.memory_space<hbm>> -> memref<16x512xf32, #tpu.memory_space<hbm>>
      tpu.wait_dma2 semaphore(%arg15 : memref<!tpu.dma_semaphore, #tpu.memory_space<semaphore_mem>>) src(%dma_wait3A_423 : memref<16x512xf32, #tpu.memory_space<hbm>>) dst(%dma_wait3A_420 : memref<16x512xf32, #tpu.memory_space<vmem>>)
      %shift_right_arithmetic3A_424 = arith.constant 5 : i32
      %shift_right_arithmetic3A_425 = arith.shrsi %add3A_408, %shift_right_arithmetic3A_424 : i32
      %and3A_426 = arith.constant 1 : i32
      %and3A_427 = arith.andi %shift_right_arithmetic3A_425, %and3A_426 : i32
      %shift_right_arithmetic3A_428 = arith.constant 1 : i32
      %shift_right_arithmetic3A_429 = arith.shrsi %add3A_408, %shift_right_arithmetic3A_428 : i32
      %and3A_430 = arith.constant 15 : i32
      %and3A_431 = arith.andi %shift_right_arithmetic3A_429, %and3A_430 : i32
      %parallel_loop3A_432 = arith.constant 0 : i32
      %parallel_loop3A_433 = arith.constant 32 : i32
      %parallel_loop3A_434 = arith.constant 1 : i32
      scf.for %parallel_loop3A_673 = %parallel_loop3A_432 to %parallel_loop3A_433 step %parallel_loop3A_434  : i32 {
        %parallel_loop3A_674 = arith.constant 16 : i32
        %parallel_loop3A_675 = arith.muli %parallel_loop3A_673, %parallel_loop3A_674 : i32
        %parallel_loop3A_676 = arith.constant 3 : i32
        %parallel_loop3A_677 = arith.constant 0 : i32
        %parallel_loop3A_678 = arith.index_cast %parallel_loop3A_676 : i32 to index
        %parallel_loop3A_679 = arith.index_cast %parallel_loop3A_677 : i32 to index
        %parallel_loop3A_680 = arith.index_cast %parallel_loop3A_675 : i32 to index
        %parallel_loop3A_681 = tpu.vector_load %arg9[%parallel_loop3A_678, %parallel_loop3A_679, %parallel_loop3A_680] {strides = array<i32>} : memref<8x16x512xf32, #tpu.memory_space<vmem>>, vector<1x1x16xf32>,
        %parallel_loop3A_682 = vector.shape_cast %parallel_loop3A_681 : vector<1x1x16xf32> to vector<16xf32>
        %parallel_loop3A_683 = arith.constant 3 : i32
        %parallel_loop3A_684 = arith.constant 1 : i32
        %parallel_loop3A_685 = arith.index_cast %parallel_loop3A_683 : i32 to index
        %parallel_loop3A_686 = arith.index_cast %parallel_loop3A_684 : i32 to index
        %parallel_loop3A_687 = arith.index_cast %parallel_loop3A_675 : i32 to index
        %parallel_loop3A_688 = tpu.vector_load %arg9[%parallel_loop3A_685, %parallel_loop3A_686, %parallel_loop3A_687] {strides = array<i32>} : memref<8x16x512xf32, #tpu.memory_space<vmem>>, vector<1x1x16xf32>,
        %parallel_loop3A_689 = vector.shape_cast %parallel_loop3A_688 : vector<1x1x16xf32> to vector<16xf32>
        %parallel_loop3A_690 = arith.addf %parallel_loop3A_682, %parallel_loop3A_689 : vector<16xf32>
        %parallel_loop3A_691 = arith.constant 3 : i32
        %parallel_loop3A_692 = arith.constant 2 : i32
        %parallel_loop3A_693 = arith.index_cast %parallel_loop3A_691 : i32 to index
        %parallel_loop3A_694 = arith.index_cast %parallel_loop3A_692 : i32 to index
        %parallel_loop3A_695 = arith.index_cast %parallel_loop3A_675 : i32 to index
        %parallel_loop3A_696 = tpu.vector_load %arg9[%parallel_loop3A_693, %parallel_loop3A_694, %parallel_loop3A_695] {strides = array<i32>} : memref<8x16x512xf32, #tpu.memory_space<vmem>>, vector<1x1x16xf32>,
        %parallel_loop3A_697 = vector.shape_cast %parallel_loop3A_696 : vector<1x1x16xf32> to vector<16xf32>
        %parallel_loop3A_698 = arith.addf %parallel_loop3A_690, %parallel_loop3A_697 : vector<16xf32>
        %parallel_loop3A_699 = arith.constant 3 : i32
        %parallel_loop3A_700 = arith.constant 3 : i32
        %parallel_loop3A_701 = arith.index_cast %parallel_loop3A_699 : i32 to index
        %parallel_loop3A_702 = arith.index_cast %parallel_loop3A_700 : i32 to index
        %parallel_loop3A_703 = arith.index_cast %parallel_loop3A_675 : i32 to index
        %parallel_loop3A_704 = tpu.vector_load %arg9[%parallel_loop3A_701, %parallel_loop3A_702, %parallel_loop3A_703] {strides = array<i32>} : memref<8x16x512xf32, #tpu.memory_space<vmem>>, vector<1x1x16xf32>,
        %parallel_loop3A_705 = vector.shape_cast %parallel_loop3A_704 : vector<1x1x16xf32> to vector<16xf32>
        %parallel_loop3A_706 = arith.addf %parallel_loop3A_698, %parallel_loop3A_705 : vector<16xf32>
        %parallel_loop3A_707 = arith.constant 3 : i32
        %parallel_loop3A_708 = arith.constant 4 : i32
        %parallel_loop3A_709 = arith.index_cast %parallel_loop3A_707 : i32 to index
        %parallel_loop3A_710 = arith.index_cast %parallel_loop3A_708 : i32 to index
        %parallel_loop3A_711 = arith.index_cast %parallel_loop3A_675 : i32 to index
        %parallel_loop3A_712 = tpu.vector_load %arg9[%parallel_loop3A_709, %parallel_loop3A_710, %parallel_loop3A_711] {strides = array<i32>} : memref<8x16x512xf32, #tpu.memory_space<vmem>>, vector<1x1x16xf32>,
        %parallel_loop3A_713 = vector.shape_cast %parallel_loop3A_712 : vector<1x1x16xf32> to vector<16xf32>
        %parallel_loop3A_714 = arith.addf %parallel_loop3A_706, %parallel_loop3A_713 : vector<16xf32>
        %parallel_loop3A_715 = arith.constant 3 : i32
        %parallel_loop3A_716 = arith.constant 5 : i32
        %parallel_loop3A_717 = arith.index_cast %parallel_loop3A_715 : i32 to index
        %parallel_loop3A_718 = arith.index_cast %parallel_loop3A_716 : i32 to index
        %parallel_loop3A_719 = arith.index_cast %parallel_loop3A_675 : i32 to index
        %parallel_loop3A_720 = tpu.vector_load %arg9[%parallel_loop3A_717, %parallel_loop3A_718, %parallel_loop3A_719] {strides = array<i32>} : memref<8x16x512xf32, #tpu.memory_space<vmem>>, vector<1x1x16xf32>,
        %parallel_loop3A_721 = vector.shape_cast %parallel_loop3A_720 : vector<1x1x16xf32> to vector<16xf32>
        %parallel_loop3A_722 = arith.addf %parallel_loop3A_714, %parallel_loop3A_721 : vector<16xf32>
        %parallel_loop3A_723 = arith.constant 3 : i32
        %parallel_loop3A_724 = arith.constant 6 : i32
        %parallel_loop3A_725 = arith.index_cast %parallel_loop3A_723 : i32 to index
        %parallel_loop3A_726 = arith.index_cast %parallel_loop3A_724 : i32 to index
        %parallel_loop3A_727 = arith.index_cast %parallel_loop3A_675 : i32 to index
        %parallel_loop3A_728 = tpu.vector_load %arg9[%parallel_loop3A_725, %parallel_loop3A_726, %parallel_loop3A_727] {strides = array<i32>} : memref<8x16x512xf32, #tpu.memory_space<vmem>>, vector<1x1x16xf32>,
        %parallel_loop3A_729 = vector.shape_cast %parallel_loop3A_728 : vector<1x1x16xf32> to vector<16xf32>
        %parallel_loop3A_730 = arith.addf %parallel_loop3A_722, %parallel_loop3A_729 : vector<16xf32>
        %parallel_loop3A_731 = arith.constant 3 : i32
        %parallel_loop3A_732 = arith.constant 7 : i32
        %parallel_loop3A_733 = arith.index_cast %parallel_loop3A_731 : i32 to index
        %parallel_loop3A_734 = arith.index_cast %parallel_loop3A_732 : i32 to index
        %parallel_loop3A_735 = arith.index_cast %parallel_loop3A_675 : i32 to index
        %parallel_loop3A_736 = tpu.vector_load %arg9[%parallel_loop3A_733, %parallel_loop3A_734, %parallel_loop3A_735] {strides = array<i32>} : memref<8x16x512xf32, #tpu.memory_space<vmem>>, vector<1x1x16xf32>,
        %parallel_loop3A_737 = vector.shape_cast %parallel_loop3A_736 : vector<1x1x16xf32> to vector<16xf32>
        %parallel_loop3A_738 = arith.addf %parallel_loop3A_730, %parallel_loop3A_737 : vector<16xf32>
        %parallel_loop3A_739 = arith.constant 3 : i32
        %parallel_loop3A_740 = arith.constant 8 : i32
        %parallel_loop3A_741 = arith.index_cast %parallel_loop3A_739 : i32 to index
        %parallel_loop3A_742 = arith.index_cast %parallel_loop3A_740 : i32 to index
        %parallel_loop3A_743 = arith.index_cast %parallel_loop3A_675 : i32 to index
        %parallel_loop3A_744 = tpu.vector_load %arg9[%parallel_loop3A_741, %parallel_loop3A_742, %parallel_loop3A_743] {strides = array<i32>} : memref<8x16x512xf32, #tpu.memory_space<vmem>>, vector<1x1x16xf32>,
        %parallel_loop3A_745 = vector.shape_cast %parallel_loop3A_744 : vector<1x1x16xf32> to vector<16xf32>
        %parallel_loop3A_746 = arith.addf %parallel_loop3A_738, %parallel_loop3A_745 : vector<16xf32>
        %parallel_loop3A_747 = arith.constant 3 : i32
        %parallel_loop3A_748 = arith.constant 9 : i32
        %parallel_loop3A_749 = arith.index_cast %parallel_loop3A_747 : i32 to index
        %parallel_loop3A_750 = arith.index_cast %parallel_loop3A_748 : i32 to index
        %parallel_loop3A_751 = arith.index_cast %parallel_loop3A_675 : i32 to index
        %parallel_loop3A_752 = tpu.vector_load %arg9[%parallel_loop3A_749, %parallel_loop3A_750, %parallel_loop3A_751] {strides = array<i32>} : memref<8x16x512xf32, #tpu.memory_space<vmem>>, vector<1x1x16xf32>,
        %parallel_loop3A_753 = vector.shape_cast %parallel_loop3A_752 : vector<1x1x16xf32> to vector<16xf32>
        %parallel_loop3A_754 = arith.addf %parallel_loop3A_746, %parallel_loop3A_753 : vector<16xf32>
        %parallel_loop3A_755 = arith.constant 3 : i32
        %parallel_loop3A_756 = arith.constant 10 : i32
        %parallel_loop3A_757 = arith.index_cast %parallel_loop3A_755 : i32 to index
        %parallel_loop3A_758 = arith.index_cast %parallel_loop3A_756 : i32 to index
        %parallel_loop3A_759 = arith.index_cast %parallel_loop3A_675 : i32 to index
        %parallel_loop3A_760 = tpu.vector_load %arg9[%parallel_loop3A_757, %parallel_loop3A_758, %parallel_loop3A_759] {strides = array<i32>} : memref<8x16x512xf32, #tpu.memory_space<vmem>>, vector<1x1x16xf32>,
        %parallel_loop3A_761 = vector.shape_cast %parallel_loop3A_760 : vector<1x1x16xf32> to vector<16xf32>
        %parallel_loop3A_762 = arith.addf %parallel_loop3A_754, %parallel_loop3A_761 : vector<16xf32>
        %parallel_loop3A_763 = arith.constant 3 : i32
        %parallel_loop3A_764 = arith.constant 11 : i32
        %parallel_loop3A_765 = arith.index_cast %parallel_loop3A_763 : i32 to index
        %parallel_loop3A_766 = arith.index_cast %parallel_loop3A_764 : i32 to index
        %parallel_loop3A_767 = arith.index_cast %parallel_loop3A_675 : i32 to index
        %parallel_loop3A_768 = tpu.vector_load %arg9[%parallel_loop3A_765, %parallel_loop3A_766, %parallel_loop3A_767] {strides = array<i32>} : memref<8x16x512xf32, #tpu.memory_space<vmem>>, vector<1x1x16xf32>,
        %parallel_loop3A_769 = vector.shape_cast %parallel_loop3A_768 : vector<1x1x16xf32> to vector<16xf32>
        %parallel_loop3A_770 = arith.addf %parallel_loop3A_762, %parallel_loop3A_769 : vector<16xf32>
        %parallel_loop3A_771 = arith.constant 3 : i32
        %parallel_loop3A_772 = arith.constant 12 : i32
        %parallel_loop3A_773 = arith.index_cast %parallel_loop3A_771 : i32 to index
        %parallel_loop3A_774 = arith.index_cast %parallel_loop3A_772 : i32 to index
        %parallel_loop3A_775 = arith.index_cast %parallel_loop3A_675 : i32 to index
        %parallel_loop3A_776 = tpu.vector_load %arg9[%parallel_loop3A_773, %parallel_loop3A_774, %parallel_loop3A_775] {strides = array<i32>} : memref<8x16x512xf32, #tpu.memory_space<vmem>>, vector<1x1x16xf32>,
        %parallel_loop3A_777 = vector.shape_cast %parallel_loop3A_776 : vector<1x1x16xf32> to vector<16xf32>
        %parallel_loop3A_778 = arith.addf %parallel_loop3A_770, %parallel_loop3A_777 : vector<16xf32>
        %parallel_loop3A_779 = arith.constant 3 : i32
        %parallel_loop3A_780 = arith.constant 13 : i32
        %parallel_loop3A_781 = arith.index_cast %parallel_loop3A_779 : i32 to index
        %parallel_loop3A_782 = arith.index_cast %parallel_loop3A_780 : i32 to index
        %parallel_loop3A_783 = arith.index_cast %parallel_loop3A_675 : i32 to index
        %parallel_loop3A_784 = tpu.vector_load %arg9[%parallel_loop3A_781, %parallel_loop3A_782, %parallel_loop3A_783] {strides = array<i32>} : memref<8x16x512xf32, #tpu.memory_space<vmem>>, vector<1x1x16xf32>,
        %parallel_loop3A_785 = vector.shape_cast %parallel_loop3A_784 : vector<1x1x16xf32> to vector<16xf32>
        %parallel_loop3A_786 = arith.addf %parallel_loop3A_778, %parallel_loop3A_785 : vector<16xf32>
        %parallel_loop3A_787 = arith.constant 3 : i32
        %parallel_loop3A_788 = arith.constant 14 : i32
        %parallel_loop3A_789 = arith.index_cast %parallel_loop3A_787 : i32 to index
        %parallel_loop3A_790 = arith.index_cast %parallel_loop3A_788 : i32 to index
        %parallel_loop3A_791 = arith.index_cast %parallel_loop3A_675 : i32 to index
        %parallel_loop3A_792 = tpu.vector_load %arg9[%parallel_loop3A_789, %parallel_loop3A_790, %parallel_loop3A_791] {strides = array<i32>} : memref<8x16x512xf32, #tpu.memory_space<vmem>>, vector<1x1x16xf32>,
        %parallel_loop3A_793 = vector.shape_cast %parallel_loop3A_792 : vector<1x1x16xf32> to vector<16xf32>
        %parallel_loop3A_794 = arith.addf %parallel_loop3A_786, %parallel_loop3A_793 : vector<16xf32>
        %parallel_loop3A_795 = arith.constant 3 : i32
        %parallel_loop3A_796 = arith.constant 15 : i32
        %parallel_loop3A_797 = arith.index_cast %parallel_loop3A_795 : i32 to index
        %parallel_loop3A_798 = arith.index_cast %parallel_loop3A_796 : i32 to index
        %parallel_loop3A_799 = arith.index_cast %parallel_loop3A_675 : i32 to index
        %parallel_loop3A_800 = tpu.vector_load %arg9[%parallel_loop3A_797, %parallel_loop3A_798, %parallel_loop3A_799] {strides = array<i32>} : memref<8x16x512xf32, #tpu.memory_space<vmem>>, vector<1x1x16xf32>,
        %parallel_loop3A_801 = vector.shape_cast %parallel_loop3A_800 : vector<1x1x16xf32> to vector<16xf32>
        %parallel_loop3A_802 = arith.addf %parallel_loop3A_794, %parallel_loop3A_801 : vector<16xf32>
        %parallel_loop3A_803 = arith.index_cast %and3A_427 : i32 to index
        %parallel_loop3A_804 = arith.index_cast %and3A_431 : i32 to index
        %parallel_loop3A_805 = arith.index_cast %parallel_loop3A_675 : i32 to index
        %parallel_loop3A_806 = tpu.vector_load %arg10[%parallel_loop3A_803, %parallel_loop3A_804, %parallel_loop3A_805] {strides = array<i32>} : memref<2x16x512xf32, #tpu.memory_space<vmem>>, vector<1x1x16xf32>,
        %parallel_loop3A_807 = vector.shape_cast %parallel_loop3A_806 : vector<1x1x16xf32> to vector<16xf32>
        %parallel_loop3A_808 = vector.shape_cast %parallel_loop3A_802 : vector<16xf32> to vector<1x1x16xf32>
        tpu.vector_store %arg10[%parallel_loop3A_803, %parallel_loop3A_804, %parallel_loop3A_805], %parallel_loop3A_808 {add = true, strides = array<i32>} : memref<2x16x512xf32, #tpu.memory_space<vmem>>, vector<1x1x16xf32>,
      } {sc.loop_unroll_factor = 2 : i64, sc.parallel_access}
      %add3A_435 = arith.constant 8 : i32
      %add3A_436 = arith.addi %add3A_408, %add3A_435 : i32
      %lt3A_437 = arith.constant 1024 : i32
      %lt3A_438 = arith.cmpi slt, %add3A_436, %lt3A_437 : i32
      %convert_element_type3A_439 = arith.extui %lt3A_438 : i1 to i32
      %cond3A_440 = arith.constant 0 : i32
      %cond3A_441 = arith.cmpi ne, %convert_element_type3A_439, %cond3A_440 : i32
      scf.if %cond3A_441 {
        %add3A_673 = arith.constant 8 : i32
        %add3A_674 = arith.addi %add3A_408, %add3A_673 : i32
        %shift_right_arithmetic3A_675 = arith.constant 5 : i32
        %shift_right_arithmetic3A_676 = arith.shrsi %add3A_674, %shift_right_arithmetic3A_675 : i32
        %and3A_677 = arith.constant 3 : i32
        %and3A_678 = arith.andi %shift_right_arithmetic3A_676, %and3A_677 : i32
        %shift_right_arithmetic3A_679 = arith.constant 2 : i32
        %shift_right_arithmetic3A_680 = arith.shrsi %shift_right_arithmetic3A_676, %shift_right_arithmetic3A_679 : i32
        %and3A_681 = arith.constant 1 : i32
        %and3A_682 = arith.andi %shift_right_arithmetic3A_680, %and3A_681 : i32
        %shift_right_arithmetic3A_683 = arith.constant 1 : i32
        %shift_right_arithmetic3A_684 = arith.shrsi %add3A_674, %shift_right_arithmetic3A_683 : i32
        %and3A_685 = arith.constant 15 : i32
        %and3A_686 = arith.andi %shift_right_arithmetic3A_684, %and3A_685 : i32
        %and3A_687 = arith.constant 1 : i32
        %and3A_688 = arith.andi %add3A_674, %and3A_687 : i32
        %mul3A_689 = arith.constant 16 : i32
        %mul3A_690 = arith.muli %and3A_688, %mul3A_689 : i32
        %get3A_691 = arith.index_cast %and3A_682 : i32 to index
        %get3A_692 = arith.index_cast %and3A_686 : i32 to index
        %get3A_693 = arith.index_cast %mul3A_690 : i32 to index
        %get3A_694 = tpu.vector_load %arg7[%get3A_691, %get3A_692, %get3A_693] {strides = array<i32>} : memref<2x16x32xi32, #tpu.memory_space<vmem>>, vector<1x1x16xi32>,
        %get3A_695 = vector.shape_cast %get3A_694 : vector<1x1x16xi32> to vector<16xi32>
        %eq3A_696 = arith.constant 0 : i32
        %eq3A_697 = vector.broadcast %eq3A_696 : i32 to vector<16xi32>
        %eq3A_698 = arith.cmpi eq, %get3A_695, %eq3A_697 : vector<16xi32>
        %mul3A_699 = arith.constant 16 : i32
        %mul3A_700 = arith.muli %and3A_688, %mul3A_699 : i32
        %add3A_701 = vector.broadcast %mul3A_700 : i32 to vector<16xi32>
        %add3A_702 = arith.addi %iota3A, %add3A_701 : vector<16xi32>
        %mul3A_703 = arith.constant 2051 : i32
        %mul3A_704 = vector.broadcast %mul3A_703 : i32 to vector<16xi32>
        %mul3A_705 = arith.muli %add3A_702, %mul3A_704 : vector<16xi32>
        %add3A_706 = arith.addi %get3A_695, %mul3A_705 : vector<16xi32>
        %jit3A_707 = arith.constant 0 : i32
        %broadcast_in_dim3A_708 = vector.broadcast %jit3A_707 : i32 to vector<16xi32>
        %select_n3A_709 = arith.select %eq3A_698, %broadcast_in_dim3A_708, %add3A_706 : vector<16xi1>, vector<16xi32>
        %mul3A_710 = arith.constant 512 : i32
        %mul3A_711 = arith.muli %and3A_678, %mul3A_710 : i32
        %dma_start3A_712 = arith.constant 3 : i32
        %dma_start3A_713 = arith.constant 0 : i32
        %dma_start3A_714 = arith.constant 0 : i32
        %dma_start3A_715 = tpu.memref_slice %arg9[%dma_start3A_712, %dma_start3A_713, %dma_start3A_714] : memref<8x16x512xf32, #tpu.memory_space<vmem>> -> memref<1x16x512xf32, #tpu.memory_space<vmem>>
        %dma_start3A_716 = tpu.memref_squeeze %dma_start3A_715 : memref<1x16x512xf32, #tpu.memory_space<vmem>> -> memref<16x512xf32, #tpu.memory_space<vmem>>
        %dma_start3A_717 = arith.constant 0 : i32
        %dma_start3A_718 = tpu.memref_slice %arg5[%dma_start3A_717, %mul3A_711] : memref<65632x2048xf32, #tpu.memory_space<hbm>> -> memref<65632x512xf32, #tpu.memory_space<hbm>>
        tpu.enqueue_indirect_dma source(%dma_start3A_718 : memref<65632x512xf32, #tpu.memory_space<hbm>>) target(%dma_start3A_716 : memref<16x512xf32, #tpu.memory_space<vmem>>) offsets(%select_n3A_709 : vector<16xi32>) semaphore(%arg15 : memref<!tpu.dma_semaphore, #tpu.memory_space<semaphore_mem>>)
      } else {
      }
      %mul3A_442 = arith.constant 8 : i32
      %mul3A_443 = arith.muli %scan3A_275, %mul3A_442 : i32
      %add3A_444 = arith.constant 4 : i32
      %add3A_445 = arith.addi %mul3A_443, %add3A_444 : i32
      %dma_wait3A_446 = arith.constant 4 : i32
      %dma_wait3A_447 = arith.constant 0 : i32
      %dma_wait3A_448 = arith.constant 0 : i32
      %dma_wait3A_449 = tpu.memref_slice %arg9[%dma_wait3A_446, %dma_wait3A_447, %dma_wait3A_448] : memref<8x16x512xf32, #tpu.memory_space<vmem>> -> memref<1x16x512xf32, #tpu.memory_space<vmem>>
      %dma_wait3A_450 = tpu.memref_squeeze %dma_wait3A_449 : memref<1x16x512xf32, #tpu.memory_space<vmem>> -> memref<16x512xf32, #tpu.memory_space<vmem>>
      %dma_wait3A_451 = arith.constant 0 : i32
      %dma_wait3A_452 = arith.constant 0 : i32
      %dma_wait3A_453 = tpu.memref_slice %arg5[%dma_wait3A_451, %dma_wait3A_452] : memref<65632x2048xf32, #tpu.memory_space<hbm>> -> memref<16x512xf32, #tpu.memory_space<hbm>>
      %dma_wait3A_454 = arith.constant 0 : i32
      %dma_wait3A_455 = arith.constant 0 : i32
      %dma_wait3A_456 = tpu.memref_slice %arg9[%dma_wait3A_446, %dma_wait3A_454, %dma_wait3A_455] : memref<8x16x512xf32, #tpu.memory_space<vmem>> -> memref<1x16x512xf32, #tpu.memory_space<vmem>>
      %dma_wait3A_457 = tpu.memref_squeeze %dma_wait3A_456 : memref<1x16x512xf32, #tpu.memory_space<vmem>> -> memref<16x512xf32, #tpu.memory_space<vmem>>
      %dma_wait3A_458 = arith.constant 0 : i32
      %dma_wait3A_459 = arith.constant 0 : i32
      %dma_wait3A_460 = tpu.memref_slice %arg5[%dma_wait3A_458, %dma_wait3A_459] : memref<65632x2048xf32, #tpu.memory_space<hbm>> -> memref<16x512xf32, #tpu.memory_space<hbm>>
      tpu.wait_dma2 semaphore(%arg16 : memref<!tpu.dma_semaphore, #tpu.memory_space<semaphore_mem>>) src(%dma_wait3A_460 : memref<16x512xf32, #tpu.memory_space<hbm>>) dst(%dma_wait3A_457 : memref<16x512xf32, #tpu.memory_space<vmem>>)
      %shift_right_arithmetic3A_461 = arith.constant 5 : i32
      %shift_right_arithmetic3A_462 = arith.shrsi %add3A_445, %shift_right_arithmetic3A_461 : i32
      %and3A_463 = arith.constant 1 : i32
      %and3A_464 = arith.andi %shift_right_arithmetic3A_462, %and3A_463 : i32
      %shift_right_arithmetic3A_465 = arith.constant 1 : i32
      %shift_right_arithmetic3A_466 = arith.shrsi %add3A_445, %shift_right_arithmetic3A_465 : i32
      %and3A_467 = arith.constant 15 : i32
      %and3A_468 = arith.andi %shift_right_arithmetic3A_466, %and3A_467 : i32
      %parallel_loop3A_469 = arith.constant 0 : i32
      %parallel_loop3A_470 = arith.constant 32 : i32
      %parallel_loop3A_471 = arith.constant 1 : i32
      scf.for %parallel_loop3A_673 = %parallel_loop3A_469 to %parallel_loop3A_470 step %parallel_loop3A_471  : i32 {
        %parallel_loop3A_674 = arith.constant 16 : i32
        %parallel_loop3A_675 = arith.muli %parallel_loop3A_673, %parallel_loop3A_674 : i32
        %parallel_loop3A_676 = arith.constant 4 : i32
        %parallel_loop3A_677 = arith.constant 0 : i32
        %parallel_loop3A_678 = arith.index_cast %parallel_loop3A_676 : i32 to index
        %parallel_loop3A_679 = arith.index_cast %parallel_loop3A_677 : i32 to index
        %parallel_loop3A_680 = arith.index_cast %parallel_loop3A_675 : i32 to index
        %parallel_loop3A_681 = tpu.vector_load %arg9[%parallel_loop3A_678, %parallel_loop3A_679, %parallel_loop3A_680] {strides = array<i32>} : memref<8x16x512xf32, #tpu.memory_space<vmem>>, vector<1x1x16xf32>,
        %parallel_loop3A_682 = vector.shape_cast %parallel_loop3A_681 : vector<1x1x16xf32> to vector<16xf32>
        %parallel_loop3A_683 = arith.constant 4 : i32
        %parallel_loop3A_684 = arith.constant 1 : i32
        %parallel_loop3A_685 = arith.index_cast %parallel_loop3A_683 : i32 to index
        %parallel_loop3A_686 = arith.index_cast %parallel_loop3A_684 : i32 to index
        %parallel_loop3A_687 = arith.index_cast %parallel_loop3A_675 : i32 to index
        %parallel_loop3A_688 = tpu.vector_load %arg9[%parallel_loop3A_685, %parallel_loop3A_686, %parallel_loop3A_687] {strides = array<i32>} : memref<8x16x512xf32, #tpu.memory_space<vmem>>, vector<1x1x16xf32>,
        %parallel_loop3A_689 = vector.shape_cast %parallel_loop3A_688 : vector<1x1x16xf32> to vector<16xf32>
        %parallel_loop3A_690 = arith.addf %parallel_loop3A_682, %parallel_loop3A_689 : vector<16xf32>
        %parallel_loop3A_691 = arith.constant 4 : i32
        %parallel_loop3A_692 = arith.constant 2 : i32
        %parallel_loop3A_693 = arith.index_cast %parallel_loop3A_691 : i32 to index
        %parallel_loop3A_694 = arith.index_cast %parallel_loop3A_692 : i32 to index
        %parallel_loop3A_695 = arith.index_cast %parallel_loop3A_675 : i32 to index
        %parallel_loop3A_696 = tpu.vector_load %arg9[%parallel_loop3A_693, %parallel_loop3A_694, %parallel_loop3A_695] {strides = array<i32>} : memref<8x16x512xf32, #tpu.memory_space<vmem>>, vector<1x1x16xf32>,
        %parallel_loop3A_697 = vector.shape_cast %parallel_loop3A_696 : vector<1x1x16xf32> to vector<16xf32>
        %parallel_loop3A_698 = arith.addf %parallel_loop3A_690, %parallel_loop3A_697 : vector<16xf32>
        %parallel_loop3A_699 = arith.constant 4 : i32
        %parallel_loop3A_700 = arith.constant 3 : i32
        %parallel_loop3A_701 = arith.index_cast %parallel_loop3A_699 : i32 to index
        %parallel_loop3A_702 = arith.index_cast %parallel_loop3A_700 : i32 to index
        %parallel_loop3A_703 = arith.index_cast %parallel_loop3A_675 : i32 to index
        %parallel_loop3A_704 = tpu.vector_load %arg9[%parallel_loop3A_701, %parallel_loop3A_702, %parallel_loop3A_703] {strides = array<i32>} : memref<8x16x512xf32, #tpu.memory_space<vmem>>, vector<1x1x16xf32>,
        %parallel_loop3A_705 = vector.shape_cast %parallel_loop3A_704 : vector<1x1x16xf32> to vector<16xf32>
        %parallel_loop3A_706 = arith.addf %parallel_loop3A_698, %parallel_loop3A_705 : vector<16xf32>
        %parallel_loop3A_707 = arith.constant 4 : i32
        %parallel_loop3A_708 = arith.constant 4 : i32
        %parallel_loop3A_709 = arith.index_cast %parallel_loop3A_707 : i32 to index
        %parallel_loop3A_710 = arith.index_cast %parallel_loop3A_708 : i32 to index
        %parallel_loop3A_711 = arith.index_cast %parallel_loop3A_675 : i32 to index
        %parallel_loop3A_712 = tpu.vector_load %arg9[%parallel_loop3A_709, %parallel_loop3A_710, %parallel_loop3A_711] {strides = array<i32>} : memref<8x16x512xf32, #tpu.memory_space<vmem>>, vector<1x1x16xf32>,
        %parallel_loop3A_713 = vector.shape_cast %parallel_loop3A_712 : vector<1x1x16xf32> to vector<16xf32>
        %parallel_loop3A_714 = arith.addf %parallel_loop3A_706, %parallel_loop3A_713 : vector<16xf32>
        %parallel_loop3A_715 = arith.constant 4 : i32
        %parallel_loop3A_716 = arith.constant 5 : i32
        %parallel_loop3A_717 = arith.index_cast %parallel_loop3A_715 : i32 to index
        %parallel_loop3A_718 = arith.index_cast %parallel_loop3A_716 : i32 to index
        %parallel_loop3A_719 = arith.index_cast %parallel_loop3A_675 : i32 to index
        %parallel_loop3A_720 = tpu.vector_load %arg9[%parallel_loop3A_717, %parallel_loop3A_718, %parallel_loop3A_719] {strides = array<i32>} : memref<8x16x512xf32, #tpu.memory_space<vmem>>, vector<1x1x16xf32>,
        %parallel_loop3A_721 = vector.shape_cast %parallel_loop3A_720 : vector<1x1x16xf32> to vector<16xf32>
        %parallel_loop3A_722 = arith.addf %parallel_loop3A_714, %parallel_loop3A_721 : vector<16xf32>
        %parallel_loop3A_723 = arith.constant 4 : i32
        %parallel_loop3A_724 = arith.constant 6 : i32
        %parallel_loop3A_725 = arith.index_cast %parallel_loop3A_723 : i32 to index
        %parallel_loop3A_726 = arith.index_cast %parallel_loop3A_724 : i32 to index
        %parallel_loop3A_727 = arith.index_cast %parallel_loop3A_675 : i32 to index
        %parallel_loop3A_728 = tpu.vector_load %arg9[%parallel_loop3A_725, %parallel_loop3A_726, %parallel_loop3A_727] {strides = array<i32>} : memref<8x16x512xf32, #tpu.memory_space<vmem>>, vector<1x1x16xf32>,
        %parallel_loop3A_729 = vector.shape_cast %parallel_loop3A_728 : vector<1x1x16xf32> to vector<16xf32>
        %parallel_loop3A_730 = arith.addf %parallel_loop3A_722, %parallel_loop3A_729 : vector<16xf32>
        %parallel_loop3A_731 = arith.constant 4 : i32
        %parallel_loop3A_732 = arith.constant 7 : i32
        %parallel_loop3A_733 = arith.index_cast %parallel_loop3A_731 : i32 to index
        %parallel_loop3A_734 = arith.index_cast %parallel_loop3A_732 : i32 to index
        %parallel_loop3A_735 = arith.index_cast %parallel_loop3A_675 : i32 to index
        %parallel_loop3A_736 = tpu.vector_load %arg9[%parallel_loop3A_733, %parallel_loop3A_734, %parallel_loop3A_735] {strides = array<i32>} : memref<8x16x512xf32, #tpu.memory_space<vmem>>, vector<1x1x16xf32>,
        %parallel_loop3A_737 = vector.shape_cast %parallel_loop3A_736 : vector<1x1x16xf32> to vector<16xf32>
        %parallel_loop3A_738 = arith.addf %parallel_loop3A_730, %parallel_loop3A_737 : vector<16xf32>
        %parallel_loop3A_739 = arith.constant 4 : i32
        %parallel_loop3A_740 = arith.constant 8 : i32
        %parallel_loop3A_741 = arith.index_cast %parallel_loop3A_739 : i32 to index
        %parallel_loop3A_742 = arith.index_cast %parallel_loop3A_740 : i32 to index
        %parallel_loop3A_743 = arith.index_cast %parallel_loop3A_675 : i32 to index
        %parallel_loop3A_744 = tpu.vector_load %arg9[%parallel_loop3A_741, %parallel_loop3A_742, %parallel_loop3A_743] {strides = array<i32>} : memref<8x16x512xf32, #tpu.memory_space<vmem>>, vector<1x1x16xf32>,
        %parallel_loop3A_745 = vector.shape_cast %parallel_loop3A_744 : vector<1x1x16xf32> to vector<16xf32>
        %parallel_loop3A_746 = arith.addf %parallel_loop3A_738, %parallel_loop3A_745 : vector<16xf32>
        %parallel_loop3A_747 = arith.constant 4 : i32
        %parallel_loop3A_748 = arith.constant 9 : i32
        %parallel_loop3A_749 = arith.index_cast %parallel_loop3A_747 : i32 to index
        %parallel_loop3A_750 = arith.index_cast %parallel_loop3A_748 : i32 to index
        %parallel_loop3A_751 = arith.index_cast %parallel_loop3A_675 : i32 to index
        %parallel_loop3A_752 = tpu.vector_load %arg9[%parallel_loop3A_749, %parallel_loop3A_750, %parallel_loop3A_751] {strides = array<i32>} : memref<8x16x512xf32, #tpu.memory_space<vmem>>, vector<1x1x16xf32>,
        %parallel_loop3A_753 = vector.shape_cast %parallel_loop3A_752 : vector<1x1x16xf32> to vector<16xf32>
        %parallel_loop3A_754 = arith.addf %parallel_loop3A_746, %parallel_loop3A_753 : vector<16xf32>
        %parallel_loop3A_755 = arith.constant 4 : i32
        %parallel_loop3A_756 = arith.constant 10 : i32
        %parallel_loop3A_757 = arith.index_cast %parallel_loop3A_755 : i32 to index
        %parallel_loop3A_758 = arith.index_cast %parallel_loop3A_756 : i32 to index
        %parallel_loop3A_759 = arith.index_cast %parallel_loop3A_675 : i32 to index
        %parallel_loop3A_760 = tpu.vector_load %arg9[%parallel_loop3A_757, %parallel_loop3A_758, %parallel_loop3A_759] {strides = array<i32>} : memref<8x16x512xf32, #tpu.memory_space<vmem>>, vector<1x1x16xf32>,
        %parallel_loop3A_761 = vector.shape_cast %parallel_loop3A_760 : vector<1x1x16xf32> to vector<16xf32>
        %parallel_loop3A_762 = arith.addf %parallel_loop3A_754, %parallel_loop3A_761 : vector<16xf32>
        %parallel_loop3A_763 = arith.constant 4 : i32
        %parallel_loop3A_764 = arith.constant 11 : i32
        %parallel_loop3A_765 = arith.index_cast %parallel_loop3A_763 : i32 to index
        %parallel_loop3A_766 = arith.index_cast %parallel_loop3A_764 : i32 to index
        %parallel_loop3A_767 = arith.index_cast %parallel_loop3A_675 : i32 to index
        %parallel_loop3A_768 = tpu.vector_load %arg9[%parallel_loop3A_765, %parallel_loop3A_766, %parallel_loop3A_767] {strides = array<i32>} : memref<8x16x512xf32, #tpu.memory_space<vmem>>, vector<1x1x16xf32>,
        %parallel_loop3A_769 = vector.shape_cast %parallel_loop3A_768 : vector<1x1x16xf32> to vector<16xf32>
        %parallel_loop3A_770 = arith.addf %parallel_loop3A_762, %parallel_loop3A_769 : vector<16xf32>
        %parallel_loop3A_771 = arith.constant 4 : i32
        %parallel_loop3A_772 = arith.constant 12 : i32
        %parallel_loop3A_773 = arith.index_cast %parallel_loop3A_771 : i32 to index
        %parallel_loop3A_774 = arith.index_cast %parallel_loop3A_772 : i32 to index
        %parallel_loop3A_775 = arith.index_cast %parallel_loop3A_675 : i32 to index
        %parallel_loop3A_776 = tpu.vector_load %arg9[%parallel_loop3A_773, %parallel_loop3A_774, %parallel_loop3A_775] {strides = array<i32>} : memref<8x16x512xf32, #tpu.memory_space<vmem>>, vector<1x1x16xf32>,
        %parallel_loop3A_777 = vector.shape_cast %parallel_loop3A_776 : vector<1x1x16xf32> to vector<16xf32>
        %parallel_loop3A_778 = arith.addf %parallel_loop3A_770, %parallel_loop3A_777 : vector<16xf32>
        %parallel_loop3A_779 = arith.constant 4 : i32
        %parallel_loop3A_780 = arith.constant 13 : i32
        %parallel_loop3A_781 = arith.index_cast %parallel_loop3A_779 : i32 to index
        %parallel_loop3A_782 = arith.index_cast %parallel_loop3A_780 : i32 to index
        %parallel_loop3A_783 = arith.index_cast %parallel_loop3A_675 : i32 to index
        %parallel_loop3A_784 = tpu.vector_load %arg9[%parallel_loop3A_781, %parallel_loop3A_782, %parallel_loop3A_783] {strides = array<i32>} : memref<8x16x512xf32, #tpu.memory_space<vmem>>, vector<1x1x16xf32>,
        %parallel_loop3A_785 = vector.shape_cast %parallel_loop3A_784 : vector<1x1x16xf32> to vector<16xf32>
        %parallel_loop3A_786 = arith.addf %parallel_loop3A_778, %parallel_loop3A_785 : vector<16xf32>
        %parallel_loop3A_787 = arith.constant 4 : i32
        %parallel_loop3A_788 = arith.constant 14 : i32
        %parallel_loop3A_789 = arith.index_cast %parallel_loop3A_787 : i32 to index
        %parallel_loop3A_790 = arith.index_cast %parallel_loop3A_788 : i32 to index
        %parallel_loop3A_791 = arith.index_cast %parallel_loop3A_675 : i32 to index
        %parallel_loop3A_792 = tpu.vector_load %arg9[%parallel_loop3A_789, %parallel_loop3A_790, %parallel_loop3A_791] {strides = array<i32>} : memref<8x16x512xf32, #tpu.memory_space<vmem>>, vector<1x1x16xf32>,
        %parallel_loop3A_793 = vector.shape_cast %parallel_loop3A_792 : vector<1x1x16xf32> to vector<16xf32>
        %parallel_loop3A_794 = arith.addf %parallel_loop3A_786, %parallel_loop3A_793 : vector<16xf32>
        %parallel_loop3A_795 = arith.constant 4 : i32
        %parallel_loop3A_796 = arith.constant 15 : i32
        %parallel_loop3A_797 = arith.index_cast %parallel_loop3A_795 : i32 to index
        %parallel_loop3A_798 = arith.index_cast %parallel_loop3A_796 : i32 to index
        %parallel_loop3A_799 = arith.index_cast %parallel_loop3A_675 : i32 to index
        %parallel_loop3A_800 = tpu.vector_load %arg9[%parallel_loop3A_797, %parallel_loop3A_798, %parallel_loop3A_799] {strides = array<i32>} : memref<8x16x512xf32, #tpu.memory_space<vmem>>, vector<1x1x16xf32>,
        %parallel_loop3A_801 = vector.shape_cast %parallel_loop3A_800 : vector<1x1x16xf32> to vector<16xf32>
        %parallel_loop3A_802 = arith.addf %parallel_loop3A_794, %parallel_loop3A_801 : vector<16xf32>
        %parallel_loop3A_803 = arith.index_cast %and3A_464 : i32 to index
        %parallel_loop3A_804 = arith.index_cast %and3A_468 : i32 to index
        %parallel_loop3A_805 = arith.index_cast %parallel_loop3A_675 : i32 to index
        %parallel_loop3A_806 = tpu.vector_load %arg10[%parallel_loop3A_803, %parallel_loop3A_804, %parallel_loop3A_805] {strides = array<i32>} : memref<2x16x512xf32, #tpu.memory_space<vmem>>, vector<1x1x16xf32>,
        %parallel_loop3A_807 = vector.shape_cast %parallel_loop3A_806 : vector<1x1x16xf32> to vector<16xf32>
        %parallel_loop3A_808 = vector.shape_cast %parallel_loop3A_802 : vector<16xf32> to vector<1x1x16xf32>
        tpu.vector_store %arg10[%parallel_loop3A_803, %parallel_loop3A_804, %parallel_loop3A_805], %parallel_loop3A_808 {add = true, strides = array<i32>} : memref<2x16x512xf32, #tpu.memory_space<vmem>>, vector<1x1x16xf32>,
      } {sc.loop_unroll_factor = 2 : i64, sc.parallel_access}
      %add3A_472 = arith.constant 8 : i32
      %add3A_473 = arith.addi %add3A_445, %add3A_472 : i32
      %lt3A_474 = arith.constant 1024 : i32
      %lt3A_475 = arith.cmpi slt, %add3A_473, %lt3A_474 : i32
      %convert_element_type3A_476 = arith.extui %lt3A_475 : i1 to i32
      %cond3A_477 = arith.constant 0 : i32
      %cond3A_478 = arith.cmpi ne, %convert_element_type3A_476, %cond3A_477 : i32
      scf.if %cond3A_478 {
        %add3A_673 = arith.constant 8 : i32
        %add3A_674 = arith.addi %add3A_445, %add3A_673 : i32
        %shift_right_arithmetic3A_675 = arith.constant 5 : i32
        %shift_right_arithmetic3A_676 = arith.shrsi %add3A_674, %shift_right_arithmetic3A_675 : i32
        %and3A_677 = arith.constant 3 : i32
        %and3A_678 = arith.andi %shift_right_arithmetic3A_676, %and3A_677 : i32
        %shift_right_arithmetic3A_679 = arith.constant 2 : i32
        %shift_right_arithmetic3A_680 = arith.shrsi %shift_right_arithmetic3A_676, %shift_right_arithmetic3A_679 : i32
        %and3A_681 = arith.constant 1 : i32
        %and3A_682 = arith.andi %shift_right_arithmetic3A_680, %and3A_681 : i32
        %shift_right_arithmetic3A_683 = arith.constant 1 : i32
        %shift_right_arithmetic3A_684 = arith.shrsi %add3A_674, %shift_right_arithmetic3A_683 : i32
        %and3A_685 = arith.constant 15 : i32
        %and3A_686 = arith.andi %shift_right_arithmetic3A_684, %and3A_685 : i32
        %and3A_687 = arith.constant 1 : i32
        %and3A_688 = arith.andi %add3A_674, %and3A_687 : i32
        %mul3A_689 = arith.constant 16 : i32
        %mul3A_690 = arith.muli %and3A_688, %mul3A_689 : i32
        %get3A_691 = arith.index_cast %and3A_682 : i32 to index
        %get3A_692 = arith.index_cast %and3A_686 : i32 to index
        %get3A_693 = arith.index_cast %mul3A_690 : i32 to index
        %get3A_694 = tpu.vector_load %arg7[%get3A_691, %get3A_692, %get3A_693] {strides = array<i32>} : memref<2x16x32xi32, #tpu.memory_space<vmem>>, vector<1x1x16xi32>,
        %get3A_695 = vector.shape_cast %get3A_694 : vector<1x1x16xi32> to vector<16xi32>
        %eq3A_696 = arith.constant 0 : i32
        %eq3A_697 = vector.broadcast %eq3A_696 : i32 to vector<16xi32>
        %eq3A_698 = arith.cmpi eq, %get3A_695, %eq3A_697 : vector<16xi32>
        %mul3A_699 = arith.constant 16 : i32
        %mul3A_700 = arith.muli %and3A_688, %mul3A_699 : i32
        %add3A_701 = vector.broadcast %mul3A_700 : i32 to vector<16xi32>
        %add3A_702 = arith.addi %iota3A, %add3A_701 : vector<16xi32>
        %mul3A_703 = arith.constant 2051 : i32
        %mul3A_704 = vector.broadcast %mul3A_703 : i32 to vector<16xi32>
        %mul3A_705 = arith.muli %add3A_702, %mul3A_704 : vector<16xi32>
        %add3A_706 = arith.addi %get3A_695, %mul3A_705 : vector<16xi32>
        %jit3A_707 = arith.constant 0 : i32
        %broadcast_in_dim3A_708 = vector.broadcast %jit3A_707 : i32 to vector<16xi32>
        %select_n3A_709 = arith.select %eq3A_698, %broadcast_in_dim3A_708, %add3A_706 : vector<16xi1>, vector<16xi32>
        %mul3A_710 = arith.constant 512 : i32
        %mul3A_711 = arith.muli %and3A_678, %mul3A_710 : i32
        %dma_start3A_712 = arith.constant 4 : i32
        %dma_start3A_713 = arith.constant 0 : i32
        %dma_start3A_714 = arith.constant 0 : i32
        %dma_start3A_715 = tpu.memref_slice %arg9[%dma_start3A_712, %dma_start3A_713, %dma_start3A_714] : memref<8x16x512xf32, #tpu.memory_space<vmem>> -> memref<1x16x512xf32, #tpu.memory_space<vmem>>
        %dma_start3A_716 = tpu.memref_squeeze %dma_start3A_715 : memref<1x16x512xf32, #tpu.memory_space<vmem>> -> memref<16x512xf32, #tpu.memory_space<vmem>>
        %dma_start3A_717 = arith.constant 0 : i32
        %dma_start3A_718 = tpu.memref_slice %arg5[%dma_start3A_717, %mul3A_711] : memref<65632x2048xf32, #tpu.memory_space<hbm>> -> memref<65632x512xf32, #tpu.memory_space<hbm>>
        tpu.enqueue_indirect_dma source(%dma_start3A_718 : memref<65632x512xf32, #tpu.memory_space<hbm>>) target(%dma_start3A_716 : memref<16x512xf32, #tpu.memory_space<vmem>>) offsets(%select_n3A_709 : vector<16xi32>) semaphore(%arg16 : memref<!tpu.dma_semaphore, #tpu.memory_space<semaphore_mem>>)
      } else {
      }
      %mul3A_479 = arith.constant 8 : i32
      %mul3A_480 = arith.muli %scan3A_275, %mul3A_479 : i32
      %add3A_481 = arith.constant 5 : i32
      %add3A_482 = arith.addi %mul3A_480, %add3A_481 : i32
      %dma_wait3A_483 = arith.constant 5 : i32
      %dma_wait3A_484 = arith.constant 0 : i32
      %dma_wait3A_485 = arith.constant 0 : i32
      %dma_wait3A_486 = tpu.memref_slice %arg9[%dma_wait3A_483, %dma_wait3A_484, %dma_wait3A_485] : memref<8x16x512xf32, #tpu.memory_space<vmem>> -> memref<1x16x512xf32, #tpu.memory_space<vmem>>
      %dma_wait3A_487 = tpu.memref_squeeze %dma_wait3A_486 : memref<1x16x512xf32, #tpu.memory_space<vmem>> -> memref<16x512xf32, #tpu.memory_space<vmem>>
      %dma_wait3A_488 = arith.constant 0 : i32
      %dma_wait3A_489 = arith.constant 0 : i32
      %dma_wait3A_490 = tpu.memref_slice %arg5[%dma_wait3A_488, %dma_wait3A_489] : memref<65632x2048xf32, #tpu.memory_space<hbm>> -> memref<16x512xf32, #tpu.memory_space<hbm>>
      %dma_wait3A_491 = arith.constant 0 : i32
      %dma_wait3A_492 = arith.constant 0 : i32
      %dma_wait3A_493 = tpu.memref_slice %arg9[%dma_wait3A_483, %dma_wait3A_491, %dma_wait3A_492] : memref<8x16x512xf32, #tpu.memory_space<vmem>> -> memref<1x16x512xf32, #tpu.memory_space<vmem>>
      %dma_wait3A_494 = tpu.memref_squeeze %dma_wait3A_493 : memref<1x16x512xf32, #tpu.memory_space<vmem>> -> memref<16x512xf32, #tpu.memory_space<vmem>>
      %dma_wait3A_495 = arith.constant 0 : i32
      %dma_wait3A_496 = arith.constant 0 : i32
      %dma_wait3A_497 = tpu.memref_slice %arg5[%dma_wait3A_495, %dma_wait3A_496] : memref<65632x2048xf32, #tpu.memory_space<hbm>> -> memref<16x512xf32, #tpu.memory_space<hbm>>
      tpu.wait_dma2 semaphore(%arg17 : memref<!tpu.dma_semaphore, #tpu.memory_space<semaphore_mem>>) src(%dma_wait3A_497 : memref<16x512xf32, #tpu.memory_space<hbm>>) dst(%dma_wait3A_494 : memref<16x512xf32, #tpu.memory_space<vmem>>)
      %shift_right_arithmetic3A_498 = arith.constant 5 : i32
      %shift_right_arithmetic3A_499 = arith.shrsi %add3A_482, %shift_right_arithmetic3A_498 : i32
      %and3A_500 = arith.constant 1 : i32
      %and3A_501 = arith.andi %shift_right_arithmetic3A_499, %and3A_500 : i32
      %shift_right_arithmetic3A_502 = arith.constant 1 : i32
      %shift_right_arithmetic3A_503 = arith.shrsi %add3A_482, %shift_right_arithmetic3A_502 : i32
      %and3A_504 = arith.constant 15 : i32
      %and3A_505 = arith.andi %shift_right_arithmetic3A_503, %and3A_504 : i32
      %parallel_loop3A_506 = arith.constant 0 : i32
      %parallel_loop3A_507 = arith.constant 32 : i32
      %parallel_loop3A_508 = arith.constant 1 : i32
      scf.for %parallel_loop3A_673 = %parallel_loop3A_506 to %parallel_loop3A_507 step %parallel_loop3A_508  : i32 {
        %parallel_loop3A_674 = arith.constant 16 : i32
        %parallel_loop3A_675 = arith.muli %parallel_loop3A_673, %parallel_loop3A_674 : i32
        %parallel_loop3A_676 = arith.constant 5 : i32
        %parallel_loop3A_677 = arith.constant 0 : i32
        %parallel_loop3A_678 = arith.index_cast %parallel_loop3A_676 : i32 to index
        %parallel_loop3A_679 = arith.index_cast %parallel_loop3A_677 : i32 to index
        %parallel_loop3A_680 = arith.index_cast %parallel_loop3A_675 : i32 to index
        %parallel_loop3A_681 = tpu.vector_load %arg9[%parallel_loop3A_678, %parallel_loop3A_679, %parallel_loop3A_680] {strides = array<i32>} : memref<8x16x512xf32, #tpu.memory_space<vmem>>, vector<1x1x16xf32>,
        %parallel_loop3A_682 = vector.shape_cast %parallel_loop3A_681 : vector<1x1x16xf32> to vector<16xf32>
        %parallel_loop3A_683 = arith.constant 5 : i32
        %parallel_loop3A_684 = arith.constant 1 : i32
        %parallel_loop3A_685 = arith.index_cast %parallel_loop3A_683 : i32 to index
        %parallel_loop3A_686 = arith.index_cast %parallel_loop3A_684 : i32 to index
        %parallel_loop3A_687 = arith.index_cast %parallel_loop3A_675 : i32 to index
        %parallel_loop3A_688 = tpu.vector_load %arg9[%parallel_loop3A_685, %parallel_loop3A_686, %parallel_loop3A_687] {strides = array<i32>} : memref<8x16x512xf32, #tpu.memory_space<vmem>>, vector<1x1x16xf32>,
        %parallel_loop3A_689 = vector.shape_cast %parallel_loop3A_688 : vector<1x1x16xf32> to vector<16xf32>
        %parallel_loop3A_690 = arith.addf %parallel_loop3A_682, %parallel_loop3A_689 : vector<16xf32>
        %parallel_loop3A_691 = arith.constant 5 : i32
        %parallel_loop3A_692 = arith.constant 2 : i32
        %parallel_loop3A_693 = arith.index_cast %parallel_loop3A_691 : i32 to index
        %parallel_loop3A_694 = arith.index_cast %parallel_loop3A_692 : i32 to index
        %parallel_loop3A_695 = arith.index_cast %parallel_loop3A_675 : i32 to index
        %parallel_loop3A_696 = tpu.vector_load %arg9[%parallel_loop3A_693, %parallel_loop3A_694, %parallel_loop3A_695] {strides = array<i32>} : memref<8x16x512xf32, #tpu.memory_space<vmem>>, vector<1x1x16xf32>,
        %parallel_loop3A_697 = vector.shape_cast %parallel_loop3A_696 : vector<1x1x16xf32> to vector<16xf32>
        %parallel_loop3A_698 = arith.addf %parallel_loop3A_690, %parallel_loop3A_697 : vector<16xf32>
        %parallel_loop3A_699 = arith.constant 5 : i32
        %parallel_loop3A_700 = arith.constant 3 : i32
        %parallel_loop3A_701 = arith.index_cast %parallel_loop3A_699 : i32 to index
        %parallel_loop3A_702 = arith.index_cast %parallel_loop3A_700 : i32 to index
        %parallel_loop3A_703 = arith.index_cast %parallel_loop3A_675 : i32 to index
        %parallel_loop3A_704 = tpu.vector_load %arg9[%parallel_loop3A_701, %parallel_loop3A_702, %parallel_loop3A_703] {strides = array<i32>} : memref<8x16x512xf32, #tpu.memory_space<vmem>>, vector<1x1x16xf32>,
        %parallel_loop3A_705 = vector.shape_cast %parallel_loop3A_704 : vector<1x1x16xf32> to vector<16xf32>
        %parallel_loop3A_706 = arith.addf %parallel_loop3A_698, %parallel_loop3A_705 : vector<16xf32>
        %parallel_loop3A_707 = arith.constant 5 : i32
        %parallel_loop3A_708 = arith.constant 4 : i32
        %parallel_loop3A_709 = arith.index_cast %parallel_loop3A_707 : i32 to index
        %parallel_loop3A_710 = arith.index_cast %parallel_loop3A_708 : i32 to index
        %parallel_loop3A_711 = arith.index_cast %parallel_loop3A_675 : i32 to index
        %parallel_loop3A_712 = tpu.vector_load %arg9[%parallel_loop3A_709, %parallel_loop3A_710, %parallel_loop3A_711] {strides = array<i32>} : memref<8x16x512xf32, #tpu.memory_space<vmem>>, vector<1x1x16xf32>,
        %parallel_loop3A_713 = vector.shape_cast %parallel_loop3A_712 : vector<1x1x16xf32> to vector<16xf32>
        %parallel_loop3A_714 = arith.addf %parallel_loop3A_706, %parallel_loop3A_713 : vector<16xf32>
        %parallel_loop3A_715 = arith.constant 5 : i32
        %parallel_loop3A_716 = arith.constant 5 : i32
        %parallel_loop3A_717 = arith.index_cast %parallel_loop3A_715 : i32 to index
        %parallel_loop3A_718 = arith.index_cast %parallel_loop3A_716 : i32 to index
        %parallel_loop3A_719 = arith.index_cast %parallel_loop3A_675 : i32 to index
        %parallel_loop3A_720 = tpu.vector_load %arg9[%parallel_loop3A_717, %parallel_loop3A_718, %parallel_loop3A_719] {strides = array<i32>} : memref<8x16x512xf32, #tpu.memory_space<vmem>>, vector<1x1x16xf32>,
        %parallel_loop3A_721 = vector.shape_cast %parallel_loop3A_720 : vector<1x1x16xf32> to vector<16xf32>
        %parallel_loop3A_722 = arith.addf %parallel_loop3A_714, %parallel_loop3A_721 : vector<16xf32>
        %parallel_loop3A_723 = arith.constant 5 : i32
        %parallel_loop3A_724 = arith.constant 6 : i32
        %parallel_loop3A_725 = arith.index_cast %parallel_loop3A_723 : i32 to index
        %parallel_loop3A_726 = arith.index_cast %parallel_loop3A_724 : i32 to index
        %parallel_loop3A_727 = arith.index_cast %parallel_loop3A_675 : i32 to index
        %parallel_loop3A_728 = tpu.vector_load %arg9[%parallel_loop3A_725, %parallel_loop3A_726, %parallel_loop3A_727] {strides = array<i32>} : memref<8x16x512xf32, #tpu.memory_space<vmem>>, vector<1x1x16xf32>,
        %parallel_loop3A_729 = vector.shape_cast %parallel_loop3A_728 : vector<1x1x16xf32> to vector<16xf32>
        %parallel_loop3A_730 = arith.addf %parallel_loop3A_722, %parallel_loop3A_729 : vector<16xf32>
        %parallel_loop3A_731 = arith.constant 5 : i32
        %parallel_loop3A_732 = arith.constant 7 : i32
        %parallel_loop3A_733 = arith.index_cast %parallel_loop3A_731 : i32 to index
        %parallel_loop3A_734 = arith.index_cast %parallel_loop3A_732 : i32 to index
        %parallel_loop3A_735 = arith.index_cast %parallel_loop3A_675 : i32 to index
        %parallel_loop3A_736 = tpu.vector_load %arg9[%parallel_loop3A_733, %parallel_loop3A_734, %parallel_loop3A_735] {strides = array<i32>} : memref<8x16x512xf32, #tpu.memory_space<vmem>>, vector<1x1x16xf32>,
        %parallel_loop3A_737 = vector.shape_cast %parallel_loop3A_736 : vector<1x1x16xf32> to vector<16xf32>
        %parallel_loop3A_738 = arith.addf %parallel_loop3A_730, %parallel_loop3A_737 : vector<16xf32>
        %parallel_loop3A_739 = arith.constant 5 : i32
        %parallel_loop3A_740 = arith.constant 8 : i32
        %parallel_loop3A_741 = arith.index_cast %parallel_loop3A_739 : i32 to index
        %parallel_loop3A_742 = arith.index_cast %parallel_loop3A_740 : i32 to index
        %parallel_loop3A_743 = arith.index_cast %parallel_loop3A_675 : i32 to index
        %parallel_loop3A_744 = tpu.vector_load %arg9[%parallel_loop3A_741, %parallel_loop3A_742, %parallel_loop3A_743] {strides = array<i32>} : memref<8x16x512xf32, #tpu.memory_space<vmem>>, vector<1x1x16xf32>,
        %parallel_loop3A_745 = vector.shape_cast %parallel_loop3A_744 : vector<1x1x16xf32> to vector<16xf32>
        %parallel_loop3A_746 = arith.addf %parallel_loop3A_738, %parallel_loop3A_745 : vector<16xf32>
        %parallel_loop3A_747 = arith.constant 5 : i32
        %parallel_loop3A_748 = arith.constant 9 : i32
        %parallel_loop3A_749 = arith.index_cast %parallel_loop3A_747 : i32 to index
        %parallel_loop3A_750 = arith.index_cast %parallel_loop3A_748 : i32 to index
        %parallel_loop3A_751 = arith.index_cast %parallel_loop3A_675 : i32 to index
        %parallel_loop3A_752 = tpu.vector_load %arg9[%parallel_loop3A_749, %parallel_loop3A_750, %parallel_loop3A_751] {strides = array<i32>} : memref<8x16x512xf32, #tpu.memory_space<vmem>>, vector<1x1x16xf32>,
        %parallel_loop3A_753 = vector.shape_cast %parallel_loop3A_752 : vector<1x1x16xf32> to vector<16xf32>
        %parallel_loop3A_754 = arith.addf %parallel_loop3A_746, %parallel_loop3A_753 : vector<16xf32>
        %parallel_loop3A_755 = arith.constant 5 : i32
        %parallel_loop3A_756 = arith.constant 10 : i32
        %parallel_loop3A_757 = arith.index_cast %parallel_loop3A_755 : i32 to index
        %parallel_loop3A_758 = arith.index_cast %parallel_loop3A_756 : i32 to index
        %parallel_loop3A_759 = arith.index_cast %parallel_loop3A_675 : i32 to index
        %parallel_loop3A_760 = tpu.vector_load %arg9[%parallel_loop3A_757, %parallel_loop3A_758, %parallel_loop3A_759] {strides = array<i32>} : memref<8x16x512xf32, #tpu.memory_space<vmem>>, vector<1x1x16xf32>,
        %parallel_loop3A_761 = vector.shape_cast %parallel_loop3A_760 : vector<1x1x16xf32> to vector<16xf32>
        %parallel_loop3A_762 = arith.addf %parallel_loop3A_754, %parallel_loop3A_761 : vector<16xf32>
        %parallel_loop3A_763 = arith.constant 5 : i32
        %parallel_loop3A_764 = arith.constant 11 : i32
        %parallel_loop3A_765 = arith.index_cast %parallel_loop3A_763 : i32 to index
        %parallel_loop3A_766 = arith.index_cast %parallel_loop3A_764 : i32 to index
        %parallel_loop3A_767 = arith.index_cast %parallel_loop3A_675 : i32 to index
        %parallel_loop3A_768 = tpu.vector_load %arg9[%parallel_loop3A_765, %parallel_loop3A_766, %parallel_loop3A_767] {strides = array<i32>} : memref<8x16x512xf32, #tpu.memory_space<vmem>>, vector<1x1x16xf32>,
        %parallel_loop3A_769 = vector.shape_cast %parallel_loop3A_768 : vector<1x1x16xf32> to vector<16xf32>
        %parallel_loop3A_770 = arith.addf %parallel_loop3A_762, %parallel_loop3A_769 : vector<16xf32>
        %parallel_loop3A_771 = arith.constant 5 : i32
        %parallel_loop3A_772 = arith.constant 12 : i32
        %parallel_loop3A_773 = arith.index_cast %parallel_loop3A_771 : i32 to index
        %parallel_loop3A_774 = arith.index_cast %parallel_loop3A_772 : i32 to index
        %parallel_loop3A_775 = arith.index_cast %parallel_loop3A_675 : i32 to index
        %parallel_loop3A_776 = tpu.vector_load %arg9[%parallel_loop3A_773, %parallel_loop3A_774, %parallel_loop3A_775] {strides = array<i32>} : memref<8x16x512xf32, #tpu.memory_space<vmem>>, vector<1x1x16xf32>,
        %parallel_loop3A_777 = vector.shape_cast %parallel_loop3A_776 : vector<1x1x16xf32> to vector<16xf32>
        %parallel_loop3A_778 = arith.addf %parallel_loop3A_770, %parallel_loop3A_777 : vector<16xf32>
        %parallel_loop3A_779 = arith.constant 5 : i32
        %parallel_loop3A_780 = arith.constant 13 : i32
        %parallel_loop3A_781 = arith.index_cast %parallel_loop3A_779 : i32 to index
        %parallel_loop3A_782 = arith.index_cast %parallel_loop3A_780 : i32 to index
        %parallel_loop3A_783 = arith.index_cast %parallel_loop3A_675 : i32 to index
        %parallel_loop3A_784 = tpu.vector_load %arg9[%parallel_loop3A_781, %parallel_loop3A_782, %parallel_loop3A_783] {strides = array<i32>} : memref<8x16x512xf32, #tpu.memory_space<vmem>>, vector<1x1x16xf32>,
        %parallel_loop3A_785 = vector.shape_cast %parallel_loop3A_784 : vector<1x1x16xf32> to vector<16xf32>
        %parallel_loop3A_786 = arith.addf %parallel_loop3A_778, %parallel_loop3A_785 : vector<16xf32>
        %parallel_loop3A_787 = arith.constant 5 : i32
        %parallel_loop3A_788 = arith.constant 14 : i32
        %parallel_loop3A_789 = arith.index_cast %parallel_loop3A_787 : i32 to index
        %parallel_loop3A_790 = arith.index_cast %parallel_loop3A_788 : i32 to index
        %parallel_loop3A_791 = arith.index_cast %parallel_loop3A_675 : i32 to index
        %parallel_loop3A_792 = tpu.vector_load %arg9[%parallel_loop3A_789, %parallel_loop3A_790, %parallel_loop3A_791] {strides = array<i32>} : memref<8x16x512xf32, #tpu.memory_space<vmem>>, vector<1x1x16xf32>,
        %parallel_loop3A_793 = vector.shape_cast %parallel_loop3A_792 : vector<1x1x16xf32> to vector<16xf32>
        %parallel_loop3A_794 = arith.addf %parallel_loop3A_786, %parallel_loop3A_793 : vector<16xf32>
        %parallel_loop3A_795 = arith.constant 5 : i32
        %parallel_loop3A_796 = arith.constant 15 : i32
        %parallel_loop3A_797 = arith.index_cast %parallel_loop3A_795 : i32 to index
        %parallel_loop3A_798 = arith.index_cast %parallel_loop3A_796 : i32 to index
        %parallel_loop3A_799 = arith.index_cast %parallel_loop3A_675 : i32 to index
        %parallel_loop3A_800 = tpu.vector_load %arg9[%parallel_loop3A_797, %parallel_loop3A_798, %parallel_loop3A_799] {strides = array<i32>} : memref<8x16x512xf32, #tpu.memory_space<vmem>>, vector<1x1x16xf32>,
        %parallel_loop3A_801 = vector.shape_cast %parallel_loop3A_800 : vector<1x1x16xf32> to vector<16xf32>
        %parallel_loop3A_802 = arith.addf %parallel_loop3A_794, %parallel_loop3A_801 : vector<16xf32>
        %parallel_loop3A_803 = arith.index_cast %and3A_501 : i32 to index
        %parallel_loop3A_804 = arith.index_cast %and3A_505 : i32 to index
        %parallel_loop3A_805 = arith.index_cast %parallel_loop3A_675 : i32 to index
        %parallel_loop3A_806 = tpu.vector_load %arg10[%parallel_loop3A_803, %parallel_loop3A_804, %parallel_loop3A_805] {strides = array<i32>} : memref<2x16x512xf32, #tpu.memory_space<vmem>>, vector<1x1x16xf32>,
        %parallel_loop3A_807 = vector.shape_cast %parallel_loop3A_806 : vector<1x1x16xf32> to vector<16xf32>
        %parallel_loop3A_808 = vector.shape_cast %parallel_loop3A_802 : vector<16xf32> to vector<1x1x16xf32>
        tpu.vector_store %arg10[%parallel_loop3A_803, %parallel_loop3A_804, %parallel_loop3A_805], %parallel_loop3A_808 {add = true, strides = array<i32>} : memref<2x16x512xf32, #tpu.memory_space<vmem>>, vector<1x1x16xf32>,
      } {sc.loop_unroll_factor = 2 : i64, sc.parallel_access}
      %add3A_509 = arith.constant 8 : i32
      %add3A_510 = arith.addi %add3A_482, %add3A_509 : i32
      %lt3A_511 = arith.constant 1024 : i32
      %lt3A_512 = arith.cmpi slt, %add3A_510, %lt3A_511 : i32
      %convert_element_type3A_513 = arith.extui %lt3A_512 : i1 to i32
      %cond3A_514 = arith.constant 0 : i32
      %cond3A_515 = arith.cmpi ne, %convert_element_type3A_513, %cond3A_514 : i32
      scf.if %cond3A_515 {
        %add3A_673 = arith.constant 8 : i32
        %add3A_674 = arith.addi %add3A_482, %add3A_673 : i32
        %shift_right_arithmetic3A_675 = arith.constant 5 : i32
        %shift_right_arithmetic3A_676 = arith.shrsi %add3A_674, %shift_right_arithmetic3A_675 : i32
        %and3A_677 = arith.constant 3 : i32
        %and3A_678 = arith.andi %shift_right_arithmetic3A_676, %and3A_677 : i32
        %shift_right_arithmetic3A_679 = arith.constant 2 : i32
        %shift_right_arithmetic3A_680 = arith.shrsi %shift_right_arithmetic3A_676, %shift_right_arithmetic3A_679 : i32
        %and3A_681 = arith.constant 1 : i32
        %and3A_682 = arith.andi %shift_right_arithmetic3A_680, %and3A_681 : i32
        %shift_right_arithmetic3A_683 = arith.constant 1 : i32
        %shift_right_arithmetic3A_684 = arith.shrsi %add3A_674, %shift_right_arithmetic3A_683 : i32
        %and3A_685 = arith.constant 15 : i32
        %and3A_686 = arith.andi %shift_right_arithmetic3A_684, %and3A_685 : i32
        %and3A_687 = arith.constant 1 : i32
        %and3A_688 = arith.andi %add3A_674, %and3A_687 : i32
        %mul3A_689 = arith.constant 16 : i32
        %mul3A_690 = arith.muli %and3A_688, %mul3A_689 : i32
        %get3A_691 = arith.index_cast %and3A_682 : i32 to index
        %get3A_692 = arith.index_cast %and3A_686 : i32 to index
        %get3A_693 = arith.index_cast %mul3A_690 : i32 to index
        %get3A_694 = tpu.vector_load %arg7[%get3A_691, %get3A_692, %get3A_693] {strides = array<i32>} : memref<2x16x32xi32, #tpu.memory_space<vmem>>, vector<1x1x16xi32>,
        %get3A_695 = vector.shape_cast %get3A_694 : vector<1x1x16xi32> to vector<16xi32>
        %eq3A_696 = arith.constant 0 : i32
        %eq3A_697 = vector.broadcast %eq3A_696 : i32 to vector<16xi32>
        %eq3A_698 = arith.cmpi eq, %get3A_695, %eq3A_697 : vector<16xi32>
        %mul3A_699 = arith.constant 16 : i32
        %mul3A_700 = arith.muli %and3A_688, %mul3A_699 : i32
        %add3A_701 = vector.broadcast %mul3A_700 : i32 to vector<16xi32>
        %add3A_702 = arith.addi %iota3A, %add3A_701 : vector<16xi32>
        %mul3A_703 = arith.constant 2051 : i32
        %mul3A_704 = vector.broadcast %mul3A_703 : i32 to vector<16xi32>
        %mul3A_705 = arith.muli %add3A_702, %mul3A_704 : vector<16xi32>
        %add3A_706 = arith.addi %get3A_695, %mul3A_705 : vector<16xi32>
        %jit3A_707 = arith.constant 0 : i32
        %broadcast_in_dim3A_708 = vector.broadcast %jit3A_707 : i32 to vector<16xi32>
        %select_n3A_709 = arith.select %eq3A_698, %broadcast_in_dim3A_708, %add3A_706 : vector<16xi1>, vector<16xi32>
        %mul3A_710 = arith.constant 512 : i32
        %mul3A_711 = arith.muli %and3A_678, %mul3A_710 : i32
        %dma_start3A_712 = arith.constant 5 : i32
        %dma_start3A_713 = arith.constant 0 : i32
        %dma_start3A_714 = arith.constant 0 : i32
        %dma_start3A_715 = tpu.memref_slice %arg9[%dma_start3A_712, %dma_start3A_713, %dma_start3A_714] : memref<8x16x512xf32, #tpu.memory_space<vmem>> -> memref<1x16x512xf32, #tpu.memory_space<vmem>>
        %dma_start3A_716 = tpu.memref_squeeze %dma_start3A_715 : memref<1x16x512xf32, #tpu.memory_space<vmem>> -> memref<16x512xf32, #tpu.memory_space<vmem>>
        %dma_start3A_717 = arith.constant 0 : i32
        %dma_start3A_718 = tpu.memref_slice %arg5[%dma_start3A_717, %mul3A_711] : memref<65632x2048xf32, #tpu.memory_space<hbm>> -> memref<65632x512xf32, #tpu.memory_space<hbm>>
        tpu.enqueue_indirect_dma source(%dma_start3A_718 : memref<65632x512xf32, #tpu.memory_space<hbm>>) target(%dma_start3A_716 : memref<16x512xf32, #tpu.memory_space<vmem>>) offsets(%select_n3A_709 : vector<16xi32>) semaphore(%arg17 : memref<!tpu.dma_semaphore, #tpu.memory_space<semaphore_mem>>)
      } else {
      }
      %mul3A_516 = arith.constant 8 : i32
      %mul3A_517 = arith.muli %scan3A_275, %mul3A_516 : i32
      %add3A_518 = arith.constant 6 : i32
      %add3A_519 = arith.addi %mul3A_517, %add3A_518 : i32
      %dma_wait3A_520 = arith.constant 6 : i32
      %dma_wait3A_521 = arith.constant 0 : i32
      %dma_wait3A_522 = arith.constant 0 : i32
      %dma_wait3A_523 = tpu.memref_slice %arg9[%dma_wait3A_520, %dma_wait3A_521, %dma_wait3A_522] : memref<8x16x512xf32, #tpu.memory_space<vmem>> -> memref<1x16x512xf32, #tpu.memory_space<vmem>>
      %dma_wait3A_524 = tpu.memref_squeeze %dma_wait3A_523 : memref<1x16x512xf32, #tpu.memory_space<vmem>> -> memref<16x512xf32, #tpu.memory_space<vmem>>
      %dma_wait3A_525 = arith.constant 0 : i32
      %dma_wait3A_526 = arith.constant 0 : i32
      %dma_wait3A_527 = tpu.memref_slice %arg5[%dma_wait3A_525, %dma_wait3A_526] : memref<65632x2048xf32, #tpu.memory_space<hbm>> -> memref<16x512xf32, #tpu.memory_space<hbm>>
      %dma_wait3A_528 = arith.constant 0 : i32
      %dma_wait3A_529 = arith.constant 0 : i32
      %dma_wait3A_530 = tpu.memref_slice %arg9[%dma_wait3A_520, %dma_wait3A_528, %dma_wait3A_529] : memref<8x16x512xf32, #tpu.memory_space<vmem>> -> memref<1x16x512xf32, #tpu.memory_space<vmem>>
      %dma_wait3A_531 = tpu.memref_squeeze %dma_wait3A_530 : memref<1x16x512xf32, #tpu.memory_space<vmem>> -> memref<16x512xf32, #tpu.memory_space<vmem>>
      %dma_wait3A_532 = arith.constant 0 : i32
      %dma_wait3A_533 = arith.constant 0 : i32
      %dma_wait3A_534 = tpu.memref_slice %arg5[%dma_wait3A_532, %dma_wait3A_533] : memref<65632x2048xf32, #tpu.memory_space<hbm>> -> memref<16x512xf32, #tpu.memory_space<hbm>>
      tpu.wait_dma2 semaphore(%arg18 : memref<!tpu.dma_semaphore, #tpu.memory_space<semaphore_mem>>) src(%dma_wait3A_534 : memref<16x512xf32, #tpu.memory_space<hbm>>) dst(%dma_wait3A_531 : memref<16x512xf32, #tpu.memory_space<vmem>>)
      %shift_right_arithmetic3A_535 = arith.constant 5 : i32
      %shift_right_arithmetic3A_536 = arith.shrsi %add3A_519, %shift_right_arithmetic3A_535 : i32
      %and3A_537 = arith.constant 1 : i32
      %and3A_538 = arith.andi %shift_right_arithmetic3A_536, %and3A_537 : i32
      %shift_right_arithmetic3A_539 = arith.constant 1 : i32
      %shift_right_arithmetic3A_540 = arith.shrsi %add3A_519, %shift_right_arithmetic3A_539 : i32
      %and3A_541 = arith.constant 15 : i32
      %and3A_542 = arith.andi %shift_right_arithmetic3A_540, %and3A_541 : i32
      %parallel_loop3A_543 = arith.constant 0 : i32
      %parallel_loop3A_544 = arith.constant 32 : i32
      %parallel_loop3A_545 = arith.constant 1 : i32
      scf.for %parallel_loop3A_673 = %parallel_loop3A_543 to %parallel_loop3A_544 step %parallel_loop3A_545  : i32 {
        %parallel_loop3A_674 = arith.constant 16 : i32
        %parallel_loop3A_675 = arith.muli %parallel_loop3A_673, %parallel_loop3A_674 : i32
        %parallel_loop3A_676 = arith.constant 6 : i32
        %parallel_loop3A_677 = arith.constant 0 : i32
        %parallel_loop3A_678 = arith.index_cast %parallel_loop3A_676 : i32 to index
        %parallel_loop3A_679 = arith.index_cast %parallel_loop3A_677 : i32 to index
        %parallel_loop3A_680 = arith.index_cast %parallel_loop3A_675 : i32 to index
        %parallel_loop3A_681 = tpu.vector_load %arg9[%parallel_loop3A_678, %parallel_loop3A_679, %parallel_loop3A_680] {strides = array<i32>} : memref<8x16x512xf32, #tpu.memory_space<vmem>>, vector<1x1x16xf32>,
        %parallel_loop3A_682 = vector.shape_cast %parallel_loop3A_681 : vector<1x1x16xf32> to vector<16xf32>
        %parallel_loop3A_683 = arith.constant 6 : i32
        %parallel_loop3A_684 = arith.constant 1 : i32
        %parallel_loop3A_685 = arith.index_cast %parallel_loop3A_683 : i32 to index
        %parallel_loop3A_686 = arith.index_cast %parallel_loop3A_684 : i32 to index
        %parallel_loop3A_687 = arith.index_cast %parallel_loop3A_675 : i32 to index
        %parallel_loop3A_688 = tpu.vector_load %arg9[%parallel_loop3A_685, %parallel_loop3A_686, %parallel_loop3A_687] {strides = array<i32>} : memref<8x16x512xf32, #tpu.memory_space<vmem>>, vector<1x1x16xf32>,
        %parallel_loop3A_689 = vector.shape_cast %parallel_loop3A_688 : vector<1x1x16xf32> to vector<16xf32>
        %parallel_loop3A_690 = arith.addf %parallel_loop3A_682, %parallel_loop3A_689 : vector<16xf32>
        %parallel_loop3A_691 = arith.constant 6 : i32
        %parallel_loop3A_692 = arith.constant 2 : i32
        %parallel_loop3A_693 = arith.index_cast %parallel_loop3A_691 : i32 to index
        %parallel_loop3A_694 = arith.index_cast %parallel_loop3A_692 : i32 to index
        %parallel_loop3A_695 = arith.index_cast %parallel_loop3A_675 : i32 to index
        %parallel_loop3A_696 = tpu.vector_load %arg9[%parallel_loop3A_693, %parallel_loop3A_694, %parallel_loop3A_695] {strides = array<i32>} : memref<8x16x512xf32, #tpu.memory_space<vmem>>, vector<1x1x16xf32>,
        %parallel_loop3A_697 = vector.shape_cast %parallel_loop3A_696 : vector<1x1x16xf32> to vector<16xf32>
        %parallel_loop3A_698 = arith.addf %parallel_loop3A_690, %parallel_loop3A_697 : vector<16xf32>
        %parallel_loop3A_699 = arith.constant 6 : i32
        %parallel_loop3A_700 = arith.constant 3 : i32
        %parallel_loop3A_701 = arith.index_cast %parallel_loop3A_699 : i32 to index
        %parallel_loop3A_702 = arith.index_cast %parallel_loop3A_700 : i32 to index
        %parallel_loop3A_703 = arith.index_cast %parallel_loop3A_675 : i32 to index
        %parallel_loop3A_704 = tpu.vector_load %arg9[%parallel_loop3A_701, %parallel_loop3A_702, %parallel_loop3A_703] {strides = array<i32>} : memref<8x16x512xf32, #tpu.memory_space<vmem>>, vector<1x1x16xf32>,
        %parallel_loop3A_705 = vector.shape_cast %parallel_loop3A_704 : vector<1x1x16xf32> to vector<16xf32>
        %parallel_loop3A_706 = arith.addf %parallel_loop3A_698, %parallel_loop3A_705 : vector<16xf32>
        %parallel_loop3A_707 = arith.constant 6 : i32
        %parallel_loop3A_708 = arith.constant 4 : i32
        %parallel_loop3A_709 = arith.index_cast %parallel_loop3A_707 : i32 to index
        %parallel_loop3A_710 = arith.index_cast %parallel_loop3A_708 : i32 to index
        %parallel_loop3A_711 = arith.index_cast %parallel_loop3A_675 : i32 to index
        %parallel_loop3A_712 = tpu.vector_load %arg9[%parallel_loop3A_709, %parallel_loop3A_710, %parallel_loop3A_711] {strides = array<i32>} : memref<8x16x512xf32, #tpu.memory_space<vmem>>, vector<1x1x16xf32>,
        %parallel_loop3A_713 = vector.shape_cast %parallel_loop3A_712 : vector<1x1x16xf32> to vector<16xf32>
        %parallel_loop3A_714 = arith.addf %parallel_loop3A_706, %parallel_loop3A_713 : vector<16xf32>
        %parallel_loop3A_715 = arith.constant 6 : i32
        %parallel_loop3A_716 = arith.constant 5 : i32
        %parallel_loop3A_717 = arith.index_cast %parallel_loop3A_715 : i32 to index
        %parallel_loop3A_718 = arith.index_cast %parallel_loop3A_716 : i32 to index
        %parallel_loop3A_719 = arith.index_cast %parallel_loop3A_675 : i32 to index
        %parallel_loop3A_720 = tpu.vector_load %arg9[%parallel_loop3A_717, %parallel_loop3A_718, %parallel_loop3A_719] {strides = array<i32>} : memref<8x16x512xf32, #tpu.memory_space<vmem>>, vector<1x1x16xf32>,
        %parallel_loop3A_721 = vector.shape_cast %parallel_loop3A_720 : vector<1x1x16xf32> to vector<16xf32>
        %parallel_loop3A_722 = arith.addf %parallel_loop3A_714, %parallel_loop3A_721 : vector<16xf32>
        %parallel_loop3A_723 = arith.constant 6 : i32
        %parallel_loop3A_724 = arith.constant 6 : i32
        %parallel_loop3A_725 = arith.index_cast %parallel_loop3A_723 : i32 to index
        %parallel_loop3A_726 = arith.index_cast %parallel_loop3A_724 : i32 to index
        %parallel_loop3A_727 = arith.index_cast %parallel_loop3A_675 : i32 to index
        %parallel_loop3A_728 = tpu.vector_load %arg9[%parallel_loop3A_725, %parallel_loop3A_726, %parallel_loop3A_727] {strides = array<i32>} : memref<8x16x512xf32, #tpu.memory_space<vmem>>, vector<1x1x16xf32>,
        %parallel_loop3A_729 = vector.shape_cast %parallel_loop3A_728 : vector<1x1x16xf32> to vector<16xf32>
        %parallel_loop3A_730 = arith.addf %parallel_loop3A_722, %parallel_loop3A_729 : vector<16xf32>
        %parallel_loop3A_731 = arith.constant 6 : i32
        %parallel_loop3A_732 = arith.constant 7 : i32
        %parallel_loop3A_733 = arith.index_cast %parallel_loop3A_731 : i32 to index
        %parallel_loop3A_734 = arith.index_cast %parallel_loop3A_732 : i32 to index
        %parallel_loop3A_735 = arith.index_cast %parallel_loop3A_675 : i32 to index
        %parallel_loop3A_736 = tpu.vector_load %arg9[%parallel_loop3A_733, %parallel_loop3A_734, %parallel_loop3A_735] {strides = array<i32>} : memref<8x16x512xf32, #tpu.memory_space<vmem>>, vector<1x1x16xf32>,
        %parallel_loop3A_737 = vector.shape_cast %parallel_loop3A_736 : vector<1x1x16xf32> to vector<16xf32>
        %parallel_loop3A_738 = arith.addf %parallel_loop3A_730, %parallel_loop3A_737 : vector<16xf32>
        %parallel_loop3A_739 = arith.constant 6 : i32
        %parallel_loop3A_740 = arith.constant 8 : i32
        %parallel_loop3A_741 = arith.index_cast %parallel_loop3A_739 : i32 to index
        %parallel_loop3A_742 = arith.index_cast %parallel_loop3A_740 : i32 to index
        %parallel_loop3A_743 = arith.index_cast %parallel_loop3A_675 : i32 to index
        %parallel_loop3A_744 = tpu.vector_load %arg9[%parallel_loop3A_741, %parallel_loop3A_742, %parallel_loop3A_743] {strides = array<i32>} : memref<8x16x512xf32, #tpu.memory_space<vmem>>, vector<1x1x16xf32>,
        %parallel_loop3A_745 = vector.shape_cast %parallel_loop3A_744 : vector<1x1x16xf32> to vector<16xf32>
        %parallel_loop3A_746 = arith.addf %parallel_loop3A_738, %parallel_loop3A_745 : vector<16xf32>
        %parallel_loop3A_747 = arith.constant 6 : i32
        %parallel_loop3A_748 = arith.constant 9 : i32
        %parallel_loop3A_749 = arith.index_cast %parallel_loop3A_747 : i32 to index
        %parallel_loop3A_750 = arith.index_cast %parallel_loop3A_748 : i32 to index
        %parallel_loop3A_751 = arith.index_cast %parallel_loop3A_675 : i32 to index
        %parallel_loop3A_752 = tpu.vector_load %arg9[%parallel_loop3A_749, %parallel_loop3A_750, %parallel_loop3A_751] {strides = array<i32>} : memref<8x16x512xf32, #tpu.memory_space<vmem>>, vector<1x1x16xf32>,
        %parallel_loop3A_753 = vector.shape_cast %parallel_loop3A_752 : vector<1x1x16xf32> to vector<16xf32>
        %parallel_loop3A_754 = arith.addf %parallel_loop3A_746, %parallel_loop3A_753 : vector<16xf32>
        %parallel_loop3A_755 = arith.constant 6 : i32
        %parallel_loop3A_756 = arith.constant 10 : i32
        %parallel_loop3A_757 = arith.index_cast %parallel_loop3A_755 : i32 to index
        %parallel_loop3A_758 = arith.index_cast %parallel_loop3A_756 : i32 to index
        %parallel_loop3A_759 = arith.index_cast %parallel_loop3A_675 : i32 to index
        %parallel_loop3A_760 = tpu.vector_load %arg9[%parallel_loop3A_757, %parallel_loop3A_758, %parallel_loop3A_759] {strides = array<i32>} : memref<8x16x512xf32, #tpu.memory_space<vmem>>, vector<1x1x16xf32>,
        %parallel_loop3A_761 = vector.shape_cast %parallel_loop3A_760 : vector<1x1x16xf32> to vector<16xf32>
        %parallel_loop3A_762 = arith.addf %parallel_loop3A_754, %parallel_loop3A_761 : vector<16xf32>
        %parallel_loop3A_763 = arith.constant 6 : i32
        %parallel_loop3A_764 = arith.constant 11 : i32
        %parallel_loop3A_765 = arith.index_cast %parallel_loop3A_763 : i32 to index
        %parallel_loop3A_766 = arith.index_cast %parallel_loop3A_764 : i32 to index
        %parallel_loop3A_767 = arith.index_cast %parallel_loop3A_675 : i32 to index
        %parallel_loop3A_768 = tpu.vector_load %arg9[%parallel_loop3A_765, %parallel_loop3A_766, %parallel_loop3A_767] {strides = array<i32>} : memref<8x16x512xf32, #tpu.memory_space<vmem>>, vector<1x1x16xf32>,
        %parallel_loop3A_769 = vector.shape_cast %parallel_loop3A_768 : vector<1x1x16xf32> to vector<16xf32>
        %parallel_loop3A_770 = arith.addf %parallel_loop3A_762, %parallel_loop3A_769 : vector<16xf32>
        %parallel_loop3A_771 = arith.constant 6 : i32
        %parallel_loop3A_772 = arith.constant 12 : i32
        %parallel_loop3A_773 = arith.index_cast %parallel_loop3A_771 : i32 to index
        %parallel_loop3A_774 = arith.index_cast %parallel_loop3A_772 : i32 to index
        %parallel_loop3A_775 = arith.index_cast %parallel_loop3A_675 : i32 to index
        %parallel_loop3A_776 = tpu.vector_load %arg9[%parallel_loop3A_773, %parallel_loop3A_774, %parallel_loop3A_775] {strides = array<i32>} : memref<8x16x512xf32, #tpu.memory_space<vmem>>, vector<1x1x16xf32>,
        %parallel_loop3A_777 = vector.shape_cast %parallel_loop3A_776 : vector<1x1x16xf32> to vector<16xf32>
        %parallel_loop3A_778 = arith.addf %parallel_loop3A_770, %parallel_loop3A_777 : vector<16xf32>
        %parallel_loop3A_779 = arith.constant 6 : i32
        %parallel_loop3A_780 = arith.constant 13 : i32
        %parallel_loop3A_781 = arith.index_cast %parallel_loop3A_779 : i32 to index
        %parallel_loop3A_782 = arith.index_cast %parallel_loop3A_780 : i32 to index
        %parallel_loop3A_783 = arith.index_cast %parallel_loop3A_675 : i32 to index
        %parallel_loop3A_784 = tpu.vector_load %arg9[%parallel_loop3A_781, %parallel_loop3A_782, %parallel_loop3A_783] {strides = array<i32>} : memref<8x16x512xf32, #tpu.memory_space<vmem>>, vector<1x1x16xf32>,
        %parallel_loop3A_785 = vector.shape_cast %parallel_loop3A_784 : vector<1x1x16xf32> to vector<16xf32>
        %parallel_loop3A_786 = arith.addf %parallel_loop3A_778, %parallel_loop3A_785 : vector<16xf32>
        %parallel_loop3A_787 = arith.constant 6 : i32
        %parallel_loop3A_788 = arith.constant 14 : i32
        %parallel_loop3A_789 = arith.index_cast %parallel_loop3A_787 : i32 to index
        %parallel_loop3A_790 = arith.index_cast %parallel_loop3A_788 : i32 to index
        %parallel_loop3A_791 = arith.index_cast %parallel_loop3A_675 : i32 to index
        %parallel_loop3A_792 = tpu.vector_load %arg9[%parallel_loop3A_789, %parallel_loop3A_790, %parallel_loop3A_791] {strides = array<i32>} : memref<8x16x512xf32, #tpu.memory_space<vmem>>, vector<1x1x16xf32>,
        %parallel_loop3A_793 = vector.shape_cast %parallel_loop3A_792 : vector<1x1x16xf32> to vector<16xf32>
        %parallel_loop3A_794 = arith.addf %parallel_loop3A_786, %parallel_loop3A_793 : vector<16xf32>
        %parallel_loop3A_795 = arith.constant 6 : i32
        %parallel_loop3A_796 = arith.constant 15 : i32
        %parallel_loop3A_797 = arith.index_cast %parallel_loop3A_795 : i32 to index
        %parallel_loop3A_798 = arith.index_cast %parallel_loop3A_796 : i32 to index
        %parallel_loop3A_799 = arith.index_cast %parallel_loop3A_675 : i32 to index
        %parallel_loop3A_800 = tpu.vector_load %arg9[%parallel_loop3A_797, %parallel_loop3A_798, %parallel_loop3A_799] {strides = array<i32>} : memref<8x16x512xf32, #tpu.memory_space<vmem>>, vector<1x1x16xf32>,
        %parallel_loop3A_801 = vector.shape_cast %parallel_loop3A_800 : vector<1x1x16xf32> to vector<16xf32>
        %parallel_loop3A_802 = arith.addf %parallel_loop3A_794, %parallel_loop3A_801 : vector<16xf32>
        %parallel_loop3A_803 = arith.index_cast %and3A_538 : i32 to index
        %parallel_loop3A_804 = arith.index_cast %and3A_542 : i32 to index
        %parallel_loop3A_805 = arith.index_cast %parallel_loop3A_675 : i32 to index
        %parallel_loop3A_806 = tpu.vector_load %arg10[%parallel_loop3A_803, %parallel_loop3A_804, %parallel_loop3A_805] {strides = array<i32>} : memref<2x16x512xf32, #tpu.memory_space<vmem>>, vector<1x1x16xf32>,
        %parallel_loop3A_807 = vector.shape_cast %parallel_loop3A_806 : vector<1x1x16xf32> to vector<16xf32>
        %parallel_loop3A_808 = vector.shape_cast %parallel_loop3A_802 : vector<16xf32> to vector<1x1x16xf32>
        tpu.vector_store %arg10[%parallel_loop3A_803, %parallel_loop3A_804, %parallel_loop3A_805], %parallel_loop3A_808 {add = true, strides = array<i32>} : memref<2x16x512xf32, #tpu.memory_space<vmem>>, vector<1x1x16xf32>,
      } {sc.loop_unroll_factor = 2 : i64, sc.parallel_access}
      %add3A_546 = arith.constant 8 : i32
      %add3A_547 = arith.addi %add3A_519, %add3A_546 : i32
      %lt3A_548 = arith.constant 1024 : i32
      %lt3A_549 = arith.cmpi slt, %add3A_547, %lt3A_548 : i32
      %convert_element_type3A_550 = arith.extui %lt3A_549 : i1 to i32
      %cond3A_551 = arith.constant 0 : i32
      %cond3A_552 = arith.cmpi ne, %convert_element_type3A_550, %cond3A_551 : i32
      scf.if %cond3A_552 {
        %add3A_673 = arith.constant 8 : i32
        %add3A_674 = arith.addi %add3A_519, %add3A_673 : i32
        %shift_right_arithmetic3A_675 = arith.constant 5 : i32
        %shift_right_arithmetic3A_676 = arith.shrsi %add3A_674, %shift_right_arithmetic3A_675 : i32
        %and3A_677 = arith.constant 3 : i32
        %and3A_678 = arith.andi %shift_right_arithmetic3A_676, %and3A_677 : i32
        %shift_right_arithmetic3A_679 = arith.constant 2 : i32
        %shift_right_arithmetic3A_680 = arith.shrsi %shift_right_arithmetic3A_676, %shift_right_arithmetic3A_679 : i32
        %and3A_681 = arith.constant 1 : i32
        %and3A_682 = arith.andi %shift_right_arithmetic3A_680, %and3A_681 : i32
        %shift_right_arithmetic3A_683 = arith.constant 1 : i32
        %shift_right_arithmetic3A_684 = arith.shrsi %add3A_674, %shift_right_arithmetic3A_683 : i32
        %and3A_685 = arith.constant 15 : i32
        %and3A_686 = arith.andi %shift_right_arithmetic3A_684, %and3A_685 : i32
        %and3A_687 = arith.constant 1 : i32
        %and3A_688 = arith.andi %add3A_674, %and3A_687 : i32
        %mul3A_689 = arith.constant 16 : i32
        %mul3A_690 = arith.muli %and3A_688, %mul3A_689 : i32
        %get3A_691 = arith.index_cast %and3A_682 : i32 to index
        %get3A_692 = arith.index_cast %and3A_686 : i32 to index
        %get3A_693 = arith.index_cast %mul3A_690 : i32 to index
        %get3A_694 = tpu.vector_load %arg7[%get3A_691, %get3A_692, %get3A_693] {strides = array<i32>} : memref<2x16x32xi32, #tpu.memory_space<vmem>>, vector<1x1x16xi32>,
        %get3A_695 = vector.shape_cast %get3A_694 : vector<1x1x16xi32> to vector<16xi32>
        %eq3A_696 = arith.constant 0 : i32
        %eq3A_697 = vector.broadcast %eq3A_696 : i32 to vector<16xi32>
        %eq3A_698 = arith.cmpi eq, %get3A_695, %eq3A_697 : vector<16xi32>
        %mul3A_699 = arith.constant 16 : i32
        %mul3A_700 = arith.muli %and3A_688, %mul3A_699 : i32
        %add3A_701 = vector.broadcast %mul3A_700 : i32 to vector<16xi32>
        %add3A_702 = arith.addi %iota3A, %add3A_701 : vector<16xi32>
        %mul3A_703 = arith.constant 2051 : i32
        %mul3A_704 = vector.broadcast %mul3A_703 : i32 to vector<16xi32>
        %mul3A_705 = arith.muli %add3A_702, %mul3A_704 : vector<16xi32>
        %add3A_706 = arith.addi %get3A_695, %mul3A_705 : vector<16xi32>
        %jit3A_707 = arith.constant 0 : i32
        %broadcast_in_dim3A_708 = vector.broadcast %jit3A_707 : i32 to vector<16xi32>
        %select_n3A_709 = arith.select %eq3A_698, %broadcast_in_dim3A_708, %add3A_706 : vector<16xi1>, vector<16xi32>
        %mul3A_710 = arith.constant 512 : i32
        %mul3A_711 = arith.muli %and3A_678, %mul3A_710 : i32
        %dma_start3A_712 = arith.constant 6 : i32
        %dma_start3A_713 = arith.constant 0 : i32
        %dma_start3A_714 = arith.constant 0 : i32
        %dma_start3A_715 = tpu.memref_slice %arg9[%dma_start3A_712, %dma_start3A_713, %dma_start3A_714] : memref<8x16x512xf32, #tpu.memory_space<vmem>> -> memref<1x16x512xf32, #tpu.memory_space<vmem>>
        %dma_start3A_716 = tpu.memref_squeeze %dma_start3A_715 : memref<1x16x512xf32, #tpu.memory_space<vmem>> -> memref<16x512xf32, #tpu.memory_space<vmem>>
        %dma_start3A_717 = arith.constant 0 : i32
        %dma_start3A_718 = tpu.memref_slice %arg5[%dma_start3A_717, %mul3A_711] : memref<65632x2048xf32, #tpu.memory_space<hbm>> -> memref<65632x512xf32, #tpu.memory_space<hbm>>
        tpu.enqueue_indirect_dma source(%dma_start3A_718 : memref<65632x512xf32, #tpu.memory_space<hbm>>) target(%dma_start3A_716 : memref<16x512xf32, #tpu.memory_space<vmem>>) offsets(%select_n3A_709 : vector<16xi32>) semaphore(%arg18 : memref<!tpu.dma_semaphore, #tpu.memory_space<semaphore_mem>>)
      } else {
      }
      %mul3A_553 = arith.constant 8 : i32
      %mul3A_554 = arith.muli %scan3A_275, %mul3A_553 : i32
      %add3A_555 = arith.constant 7 : i32
      %add3A_556 = arith.addi %mul3A_554, %add3A_555 : i32
      %dma_wait3A_557 = arith.constant 7 : i32
      %dma_wait3A_558 = arith.constant 0 : i32
      %dma_wait3A_559 = arith.constant 0 : i32
      %dma_wait3A_560 = tpu.memref_slice %arg9[%dma_wait3A_557, %dma_wait3A_558, %dma_wait3A_559] : memref<8x16x512xf32, #tpu.memory_space<vmem>> -> memref<1x16x512xf32, #tpu.memory_space<vmem>>
      %dma_wait3A_561 = tpu.memref_squeeze %dma_wait3A_560 : memref<1x16x512xf32, #tpu.memory_space<vmem>> -> memref<16x512xf32, #tpu.memory_space<vmem>>
      %dma_wait3A_562 = arith.constant 0 : i32
      %dma_wait3A_563 = arith.constant 0 : i32
      %dma_wait3A_564 = tpu.memref_slice %arg5[%dma_wait3A_562, %dma_wait3A_563] : memref<65632x2048xf32, #tpu.memory_space<hbm>> -> memref<16x512xf32, #tpu.memory_space<hbm>>
      %dma_wait3A_565 = arith.constant 0 : i32
      %dma_wait3A_566 = arith.constant 0 : i32
      %dma_wait3A_567 = tpu.memref_slice %arg9[%dma_wait3A_557, %dma_wait3A_565, %dma_wait3A_566] : memref<8x16x512xf32, #tpu.memory_space<vmem>> -> memref<1x16x512xf32, #tpu.memory_space<vmem>>
      %dma_wait3A_568 = tpu.memref_squeeze %dma_wait3A_567 : memref<1x16x512xf32, #tpu.memory_space<vmem>> -> memref<16x512xf32, #tpu.memory_space<vmem>>
      %dma_wait3A_569 = arith.constant 0 : i32
      %dma_wait3A_570 = arith.constant 0 : i32
      %dma_wait3A_571 = tpu.memref_slice %arg5[%dma_wait3A_569, %dma_wait3A_570] : memref<65632x2048xf32, #tpu.memory_space<hbm>> -> memref<16x512xf32, #tpu.memory_space<hbm>>
      tpu.wait_dma2 semaphore(%arg19 : memref<!tpu.dma_semaphore, #tpu.memory_space<semaphore_mem>>) src(%dma_wait3A_571 : memref<16x512xf32, #tpu.memory_space<hbm>>) dst(%dma_wait3A_568 : memref<16x512xf32, #tpu.memory_space<vmem>>)
      %shift_right_arithmetic3A_572 = arith.constant 5 : i32
      %shift_right_arithmetic3A_573 = arith.shrsi %add3A_556, %shift_right_arithmetic3A_572 : i32
      %and3A_574 = arith.constant 1 : i32
      %and3A_575 = arith.andi %shift_right_arithmetic3A_573, %and3A_574 : i32
      %shift_right_arithmetic3A_576 = arith.constant 1 : i32
      %shift_right_arithmetic3A_577 = arith.shrsi %add3A_556, %shift_right_arithmetic3A_576 : i32
      %and3A_578 = arith.constant 15 : i32
      %and3A_579 = arith.andi %shift_right_arithmetic3A_577, %and3A_578 : i32
      %parallel_loop3A_580 = arith.constant 0 : i32
      %parallel_loop3A_581 = arith.constant 32 : i32
      %parallel_loop3A_582 = arith.constant 1 : i32
      scf.for %parallel_loop3A_673 = %parallel_loop3A_580 to %parallel_loop3A_581 step %parallel_loop3A_582  : i32 {
        %parallel_loop3A_674 = arith.constant 16 : i32
        %parallel_loop3A_675 = arith.muli %parallel_loop3A_673, %parallel_loop3A_674 : i32
        %parallel_loop3A_676 = arith.constant 7 : i32
        %parallel_loop3A_677 = arith.constant 0 : i32
        %parallel_loop3A_678 = arith.index_cast %parallel_loop3A_676 : i32 to index
        %parallel_loop3A_679 = arith.index_cast %parallel_loop3A_677 : i32 to index
        %parallel_loop3A_680 = arith.index_cast %parallel_loop3A_675 : i32 to index
        %parallel_loop3A_681 = tpu.vector_load %arg9[%parallel_loop3A_678, %parallel_loop3A_679, %parallel_loop3A_680] {strides = array<i32>} : memref<8x16x512xf32, #tpu.memory_space<vmem>>, vector<1x1x16xf32>,
        %parallel_loop3A_682 = vector.shape_cast %parallel_loop3A_681 : vector<1x1x16xf32> to vector<16xf32>
        %parallel_loop3A_683 = arith.constant 7 : i32
        %parallel_loop3A_684 = arith.constant 1 : i32
        %parallel_loop3A_685 = arith.index_cast %parallel_loop3A_683 : i32 to index
        %parallel_loop3A_686 = arith.index_cast %parallel_loop3A_684 : i32 to index
        %parallel_loop3A_687 = arith.index_cast %parallel_loop3A_675 : i32 to index
        %parallel_loop3A_688 = tpu.vector_load %arg9[%parallel_loop3A_685, %parallel_loop3A_686, %parallel_loop3A_687] {strides = array<i32>} : memref<8x16x512xf32, #tpu.memory_space<vmem>>, vector<1x1x16xf32>,
        %parallel_loop3A_689 = vector.shape_cast %parallel_loop3A_688 : vector<1x1x16xf32> to vector<16xf32>
        %parallel_loop3A_690 = arith.addf %parallel_loop3A_682, %parallel_loop3A_689 : vector<16xf32>
        %parallel_loop3A_691 = arith.constant 7 : i32
        %parallel_loop3A_692 = arith.constant 2 : i32
        %parallel_loop3A_693 = arith.index_cast %parallel_loop3A_691 : i32 to index
        %parallel_loop3A_694 = arith.index_cast %parallel_loop3A_692 : i32 to index
        %parallel_loop3A_695 = arith.index_cast %parallel_loop3A_675 : i32 to index
        %parallel_loop3A_696 = tpu.vector_load %arg9[%parallel_loop3A_693, %parallel_loop3A_694, %parallel_loop3A_695] {strides = array<i32>} : memref<8x16x512xf32, #tpu.memory_space<vmem>>, vector<1x1x16xf32>,
        %parallel_loop3A_697 = vector.shape_cast %parallel_loop3A_696 : vector<1x1x16xf32> to vector<16xf32>
        %parallel_loop3A_698 = arith.addf %parallel_loop3A_690, %parallel_loop3A_697 : vector<16xf32>
        %parallel_loop3A_699 = arith.constant 7 : i32
        %parallel_loop3A_700 = arith.constant 3 : i32
        %parallel_loop3A_701 = arith.index_cast %parallel_loop3A_699 : i32 to index
        %parallel_loop3A_702 = arith.index_cast %parallel_loop3A_700 : i32 to index
        %parallel_loop3A_703 = arith.index_cast %parallel_loop3A_675 : i32 to index
        %parallel_loop3A_704 = tpu.vector_load %arg9[%parallel_loop3A_701, %parallel_loop3A_702, %parallel_loop3A_703] {strides = array<i32>} : memref<8x16x512xf32, #tpu.memory_space<vmem>>, vector<1x1x16xf32>,
        %parallel_loop3A_705 = vector.shape_cast %parallel_loop3A_704 : vector<1x1x16xf32> to vector<16xf32>
        %parallel_loop3A_706 = arith.addf %parallel_loop3A_698, %parallel_loop3A_705 : vector<16xf32>
        %parallel_loop3A_707 = arith.constant 7 : i32
        %parallel_loop3A_708 = arith.constant 4 : i32
        %parallel_loop3A_709 = arith.index_cast %parallel_loop3A_707 : i32 to index
        %parallel_loop3A_710 = arith.index_cast %parallel_loop3A_708 : i32 to index
        %parallel_loop3A_711 = arith.index_cast %parallel_loop3A_675 : i32 to index
        %parallel_loop3A_712 = tpu.vector_load %arg9[%parallel_loop3A_709, %parallel_loop3A_710, %parallel_loop3A_711] {strides = array<i32>} : memref<8x16x512xf32, #tpu.memory_space<vmem>>, vector<1x1x16xf32>,
        %parallel_loop3A_713 = vector.shape_cast %parallel_loop3A_712 : vector<1x1x16xf32> to vector<16xf32>
        %parallel_loop3A_714 = arith.addf %parallel_loop3A_706, %parallel_loop3A_713 : vector<16xf32>
        %parallel_loop3A_715 = arith.constant 7 : i32
        %parallel_loop3A_716 = arith.constant 5 : i32
        %parallel_loop3A_717 = arith.index_cast %parallel_loop3A_715 : i32 to index
        %parallel_loop3A_718 = arith.index_cast %parallel_loop3A_716 : i32 to index
        %parallel_loop3A_719 = arith.index_cast %parallel_loop3A_675 : i32 to index
        %parallel_loop3A_720 = tpu.vector_load %arg9[%parallel_loop3A_717, %parallel_loop3A_718, %parallel_loop3A_719] {strides = array<i32>} : memref<8x16x512xf32, #tpu.memory_space<vmem>>, vector<1x1x16xf32>,
        %parallel_loop3A_721 = vector.shape_cast %parallel_loop3A_720 : vector<1x1x16xf32> to vector<16xf32>
        %parallel_loop3A_722 = arith.addf %parallel_loop3A_714, %parallel_loop3A_721 : vector<16xf32>
        %parallel_loop3A_723 = arith.constant 7 : i32
        %parallel_loop3A_724 = arith.constant 6 : i32
        %parallel_loop3A_725 = arith.index_cast %parallel_loop3A_723 : i32 to index
        %parallel_loop3A_726 = arith.index_cast %parallel_loop3A_724 : i32 to index
        %parallel_loop3A_727 = arith.index_cast %parallel_loop3A_675 : i32 to index
        %parallel_loop3A_728 = tpu.vector_load %arg9[%parallel_loop3A_725, %parallel_loop3A_726, %parallel_loop3A_727] {strides = array<i32>} : memref<8x16x512xf32, #tpu.memory_space<vmem>>, vector<1x1x16xf32>,
        %parallel_loop3A_729 = vector.shape_cast %parallel_loop3A_728 : vector<1x1x16xf32> to vector<16xf32>
        %parallel_loop3A_730 = arith.addf %parallel_loop3A_722, %parallel_loop3A_729 : vector<16xf32>
        %parallel_loop3A_731 = arith.constant 7 : i32
        %parallel_loop3A_732 = arith.constant 7 : i32
        %parallel_loop3A_733 = arith.index_cast %parallel_loop3A_731 : i32 to index
        %parallel_loop3A_734 = arith.index_cast %parallel_loop3A_732 : i32 to index
        %parallel_loop3A_735 = arith.index_cast %parallel_loop3A_675 : i32 to index
        %parallel_loop3A_736 = tpu.vector_load %arg9[%parallel_loop3A_733, %parallel_loop3A_734, %parallel_loop3A_735] {strides = array<i32>} : memref<8x16x512xf32, #tpu.memory_space<vmem>>, vector<1x1x16xf32>,
        %parallel_loop3A_737 = vector.shape_cast %parallel_loop3A_736 : vector<1x1x16xf32> to vector<16xf32>
        %parallel_loop3A_738 = arith.addf %parallel_loop3A_730, %parallel_loop3A_737 : vector<16xf32>
        %parallel_loop3A_739 = arith.constant 7 : i32
        %parallel_loop3A_740 = arith.constant 8 : i32
        %parallel_loop3A_741 = arith.index_cast %parallel_loop3A_739 : i32 to index
        %parallel_loop3A_742 = arith.index_cast %parallel_loop3A_740 : i32 to index
        %parallel_loop3A_743 = arith.index_cast %parallel_loop3A_675 : i32 to index
        %parallel_loop3A_744 = tpu.vector_load %arg9[%parallel_loop3A_741, %parallel_loop3A_742, %parallel_loop3A_743] {strides = array<i32>} : memref<8x16x512xf32, #tpu.memory_space<vmem>>, vector<1x1x16xf32>,
        %parallel_loop3A_745 = vector.shape_cast %parallel_loop3A_744 : vector<1x1x16xf32> to vector<16xf32>
        %parallel_loop3A_746 = arith.addf %parallel_loop3A_738, %parallel_loop3A_745 : vector<16xf32>
        %parallel_loop3A_747 = arith.constant 7 : i32
        %parallel_loop3A_748 = arith.constant 9 : i32
        %parallel_loop3A_749 = arith.index_cast %parallel_loop3A_747 : i32 to index
        %parallel_loop3A_750 = arith.index_cast %parallel_loop3A_748 : i32 to index
        %parallel_loop3A_751 = arith.index_cast %parallel_loop3A_675 : i32 to index
        %parallel_loop3A_752 = tpu.vector_load %arg9[%parallel_loop3A_749, %parallel_loop3A_750, %parallel_loop3A_751] {strides = array<i32>} : memref<8x16x512xf32, #tpu.memory_space<vmem>>, vector<1x1x16xf32>,
        %parallel_loop3A_753 = vector.shape_cast %parallel_loop3A_752 : vector<1x1x16xf32> to vector<16xf32>
        %parallel_loop3A_754 = arith.addf %parallel_loop3A_746, %parallel_loop3A_753 : vector<16xf32>
        %parallel_loop3A_755 = arith.constant 7 : i32
        %parallel_loop3A_756 = arith.constant 10 : i32
        %parallel_loop3A_757 = arith.index_cast %parallel_loop3A_755 : i32 to index
        %parallel_loop3A_758 = arith.index_cast %parallel_loop3A_756 : i32 to index
        %parallel_loop3A_759 = arith.index_cast %parallel_loop3A_675 : i32 to index
        %parallel_loop3A_760 = tpu.vector_load %arg9[%parallel_loop3A_757, %parallel_loop3A_758, %parallel_loop3A_759] {strides = array<i32>} : memref<8x16x512xf32, #tpu.memory_space<vmem>>, vector<1x1x16xf32>,
        %parallel_loop3A_761 = vector.shape_cast %parallel_loop3A_760 : vector<1x1x16xf32> to vector<16xf32>
        %parallel_loop3A_762 = arith.addf %parallel_loop3A_754, %parallel_loop3A_761 : vector<16xf32>
        %parallel_loop3A_763 = arith.constant 7 : i32
        %parallel_loop3A_764 = arith.constant 11 : i32
        %parallel_loop3A_765 = arith.index_cast %parallel_loop3A_763 : i32 to index
        %parallel_loop3A_766 = arith.index_cast %parallel_loop3A_764 : i32 to index
        %parallel_loop3A_767 = arith.index_cast %parallel_loop3A_675 : i32 to index
        %parallel_loop3A_768 = tpu.vector_load %arg9[%parallel_loop3A_765, %parallel_loop3A_766, %parallel_loop3A_767] {strides = array<i32>} : memref<8x16x512xf32, #tpu.memory_space<vmem>>, vector<1x1x16xf32>,
        %parallel_loop3A_769 = vector.shape_cast %parallel_loop3A_768 : vector<1x1x16xf32> to vector<16xf32>
        %parallel_loop3A_770 = arith.addf %parallel_loop3A_762, %parallel_loop3A_769 : vector<16xf32>
        %parallel_loop3A_771 = arith.constant 7 : i32
        %parallel_loop3A_772 = arith.constant 12 : i32
        %parallel_loop3A_773 = arith.index_cast %parallel_loop3A_771 : i32 to index
        %parallel_loop3A_774 = arith.index_cast %parallel_loop3A_772 : i32 to index
        %parallel_loop3A_775 = arith.index_cast %parallel_loop3A_675 : i32 to index
        %parallel_loop3A_776 = tpu.vector_load %arg9[%parallel_loop3A_773, %parallel_loop3A_774, %parallel_loop3A_775] {strides = array<i32>} : memref<8x16x512xf32, #tpu.memory_space<vmem>>, vector<1x1x16xf32>,
        %parallel_loop3A_777 = vector.shape_cast %parallel_loop3A_776 : vector<1x1x16xf32> to vector<16xf32>
        %parallel_loop3A_778 = arith.addf %parallel_loop3A_770, %parallel_loop3A_777 : vector<16xf32>
        %parallel_loop3A_779 = arith.constant 7 : i32
        %parallel_loop3A_780 = arith.constant 13 : i32
        %parallel_loop3A_781 = arith.index_cast %parallel_loop3A_779 : i32 to index
        %parallel_loop3A_782 = arith.index_cast %parallel_loop3A_780 : i32 to index
        %parallel_loop3A_783 = arith.index_cast %parallel_loop3A_675 : i32 to index
        %parallel_loop3A_784 = tpu.vector_load %arg9[%parallel_loop3A_781, %parallel_loop3A_782, %parallel_loop3A_783] {strides = array<i32>} : memref<8x16x512xf32, #tpu.memory_space<vmem>>, vector<1x1x16xf32>,
        %parallel_loop3A_785 = vector.shape_cast %parallel_loop3A_784 : vector<1x1x16xf32> to vector<16xf32>
        %parallel_loop3A_786 = arith.addf %parallel_loop3A_778, %parallel_loop3A_785 : vector<16xf32>
        %parallel_loop3A_787 = arith.constant 7 : i32
        %parallel_loop3A_788 = arith.constant 14 : i32
        %parallel_loop3A_789 = arith.index_cast %parallel_loop3A_787 : i32 to index
        %parallel_loop3A_790 = arith.index_cast %parallel_loop3A_788 : i32 to index
        %parallel_loop3A_791 = arith.index_cast %parallel_loop3A_675 : i32 to index
        %parallel_loop3A_792 = tpu.vector_load %arg9[%parallel_loop3A_789, %parallel_loop3A_790, %parallel_loop3A_791] {strides = array<i32>} : memref<8x16x512xf32, #tpu.memory_space<vmem>>, vector<1x1x16xf32>,
        %parallel_loop3A_793 = vector.shape_cast %parallel_loop3A_792 : vector<1x1x16xf32> to vector<16xf32>
        %parallel_loop3A_794 = arith.addf %parallel_loop3A_786, %parallel_loop3A_793 : vector<16xf32>
        %parallel_loop3A_795 = arith.constant 7 : i32
        %parallel_loop3A_796 = arith.constant 15 : i32
        %parallel_loop3A_797 = arith.index_cast %parallel_loop3A_795 : i32 to index
        %parallel_loop3A_798 = arith.index_cast %parallel_loop3A_796 : i32 to index
        %parallel_loop3A_799 = arith.index_cast %parallel_loop3A_675 : i32 to index
        %parallel_loop3A_800 = tpu.vector_load %arg9[%parallel_loop3A_797, %parallel_loop3A_798, %parallel_loop3A_799] {strides = array<i32>} : memref<8x16x512xf32, #tpu.memory_space<vmem>>, vector<1x1x16xf32>,
        %parallel_loop3A_801 = vector.shape_cast %parallel_loop3A_800 : vector<1x1x16xf32> to vector<16xf32>
        %parallel_loop3A_802 = arith.addf %parallel_loop3A_794, %parallel_loop3A_801 : vector<16xf32>
        %parallel_loop3A_803 = arith.index_cast %and3A_575 : i32 to index
        %parallel_loop3A_804 = arith.index_cast %and3A_579 : i32 to index
        %parallel_loop3A_805 = arith.index_cast %parallel_loop3A_675 : i32 to index
        %parallel_loop3A_806 = tpu.vector_load %arg10[%parallel_loop3A_803, %parallel_loop3A_804, %parallel_loop3A_805] {strides = array<i32>} : memref<2x16x512xf32, #tpu.memory_space<vmem>>, vector<1x1x16xf32>,
        %parallel_loop3A_807 = vector.shape_cast %parallel_loop3A_806 : vector<1x1x16xf32> to vector<16xf32>
        %parallel_loop3A_808 = vector.shape_cast %parallel_loop3A_802 : vector<16xf32> to vector<1x1x16xf32>
        tpu.vector_store %arg10[%parallel_loop3A_803, %parallel_loop3A_804, %parallel_loop3A_805], %parallel_loop3A_808 {add = true, strides = array<i32>} : memref<2x16x512xf32, #tpu.memory_space<vmem>>, vector<1x1x16xf32>,
      } {sc.loop_unroll_factor = 2 : i64, sc.parallel_access}
      %add3A_583 = arith.constant 8 : i32
      %add3A_584 = arith.addi %add3A_556, %add3A_583 : i32
      %lt3A_585 = arith.constant 1024 : i32
      %lt3A_586 = arith.cmpi slt, %add3A_584, %lt3A_585 : i32
      %convert_element_type3A_587 = arith.extui %lt3A_586 : i1 to i32
      %cond3A_588 = arith.constant 0 : i32
      %cond3A_589 = arith.cmpi ne, %convert_element_type3A_587, %cond3A_588 : i32
      scf.if %cond3A_589 {
        %add3A_673 = arith.constant 8 : i32
        %add3A_674 = arith.addi %add3A_556, %add3A_673 : i32
        %shift_right_arithmetic3A_675 = arith.constant 5 : i32
        %shift_right_arithmetic3A_676 = arith.shrsi %add3A_674, %shift_right_arithmetic3A_675 : i32
        %and3A_677 = arith.constant 3 : i32
        %and3A_678 = arith.andi %shift_right_arithmetic3A_676, %and3A_677 : i32
        %shift_right_arithmetic3A_679 = arith.constant 2 : i32
        %shift_right_arithmetic3A_680 = arith.shrsi %shift_right_arithmetic3A_676, %shift_right_arithmetic3A_679 : i32
        %and3A_681 = arith.constant 1 : i32
        %and3A_682 = arith.andi %shift_right_arithmetic3A_680, %and3A_681 : i32
        %shift_right_arithmetic3A_683 = arith.constant 1 : i32
        %shift_right_arithmetic3A_684 = arith.shrsi %add3A_674, %shift_right_arithmetic3A_683 : i32
        %and3A_685 = arith.constant 15 : i32
        %and3A_686 = arith.andi %shift_right_arithmetic3A_684, %and3A_685 : i32
        %and3A_687 = arith.constant 1 : i32
        %and3A_688 = arith.andi %add3A_674, %and3A_687 : i32
        %mul3A_689 = arith.constant 16 : i32
        %mul3A_690 = arith.muli %and3A_688, %mul3A_689 : i32
        %get3A_691 = arith.index_cast %and3A_682 : i32 to index
        %get3A_692 = arith.index_cast %and3A_686 : i32 to index
        %get3A_693 = arith.index_cast %mul3A_690 : i32 to index
        %get3A_694 = tpu.vector_load %arg7[%get3A_691, %get3A_692, %get3A_693] {strides = array<i32>} : memref<2x16x32xi32, #tpu.memory_space<vmem>>, vector<1x1x16xi32>,
        %get3A_695 = vector.shape_cast %get3A_694 : vector<1x1x16xi32> to vector<16xi32>
        %eq3A_696 = arith.constant 0 : i32
        %eq3A_697 = vector.broadcast %eq3A_696 : i32 to vector<16xi32>
        %eq3A_698 = arith.cmpi eq, %get3A_695, %eq3A_697 : vector<16xi32>
        %mul3A_699 = arith.constant 16 : i32
        %mul3A_700 = arith.muli %and3A_688, %mul3A_699 : i32
        %add3A_701 = vector.broadcast %mul3A_700 : i32 to vector<16xi32>
        %add3A_702 = arith.addi %iota3A, %add3A_701 : vector<16xi32>
        %mul3A_703 = arith.constant 2051 : i32
        %mul3A_704 = vector.broadcast %mul3A_703 : i32 to vector<16xi32>
        %mul3A_705 = arith.muli %add3A_702, %mul3A_704 : vector<16xi32>
        %add3A_706 = arith.addi %get3A_695, %mul3A_705 : vector<16xi32>
        %jit3A_707 = arith.constant 0 : i32
        %broadcast_in_dim3A_708 = vector.broadcast %jit3A_707 : i32 to vector<16xi32>
        %select_n3A_709 = arith.select %eq3A_698, %broadcast_in_dim3A_708, %add3A_706 : vector<16xi1>, vector<16xi32>
        %mul3A_710 = arith.constant 512 : i32
        %mul3A_711 = arith.muli %and3A_678, %mul3A_710 : i32
        %dma_start3A_712 = arith.constant 7 : i32
        %dma_start3A_713 = arith.constant 0 : i32
        %dma_start3A_714 = arith.constant 0 : i32
        %dma_start3A_715 = tpu.memref_slice %arg9[%dma_start3A_712, %dma_start3A_713, %dma_start3A_714] : memref<8x16x512xf32, #tpu.memory_space<vmem>> -> memref<1x16x512xf32, #tpu.memory_space<vmem>>
        %dma_start3A_716 = tpu.memref_squeeze %dma_start3A_715 : memref<1x16x512xf32, #tpu.memory_space<vmem>> -> memref<16x512xf32, #tpu.memory_space<vmem>>
        %dma_start3A_717 = arith.constant 0 : i32
        %dma_start3A_718 = tpu.memref_slice %arg5[%dma_start3A_717, %mul3A_711] : memref<65632x2048xf32, #tpu.memory_space<hbm>> -> memref<65632x512xf32, #tpu.memory_space<hbm>>
        tpu.enqueue_indirect_dma source(%dma_start3A_718 : memref<65632x512xf32, #tpu.memory_space<hbm>>) target(%dma_start3A_716 : memref<16x512xf32, #tpu.memory_space<vmem>>) offsets(%select_n3A_709 : vector<16xi32>) semaphore(%arg19 : memref<!tpu.dma_semaphore, #tpu.memory_space<semaphore_mem>>)
      } else {
      }
      %shift_right_arithmetic3A_590 = arith.constant 5 : i32
      %shift_right_arithmetic3A_591 = arith.shrsi %add3A_556, %shift_right_arithmetic3A_590 : i32
      %jit3A_592 = arith.constant 4 : i32
      %eq3A_593 = arith.constant 0 : i32
      %eq3A_594 = arith.cmpi eq, %jit3A_592, %eq3A_593 : i32
      %jit3A_595 = arith.constant 1 : i32
      %select_n3A_596 = arith.select %eq3A_594, %jit3A_595, %jit3A_592 : i32
      %rem3A_597 = arith.remsi %scan3A_275, %select_n3A_596 : i32
      %ne3A_598 = arith.constant 0 : i32
      %ne3A_599 = arith.cmpi ne, %rem3A_597, %ne3A_598 : i32
      %lt3A_600 = arith.constant 0 : i32
      %lt3A_601 = arith.cmpi slt, %rem3A_597, %lt3A_600 : i32
      %lt3A_602 = arith.constant 0 : i32
      %lt3A_603 = arith.cmpi slt, %select_n3A_596, %lt3A_602 : i32
      %ne3A_604 = arith.xori %lt3A_601, %lt3A_603 : i1
      %and3A_605 = arith.andi %ne3A_604, %ne3A_599 : i1
      %add3A_606 = arith.addi %rem3A_597, %select_n3A_596 : i32
      %select_n3A_607 = arith.select %and3A_605, %add3A_606, %rem3A_597 : i32
      %eq3A_608 = arith.constant 3 : i32
      %eq3A_609 = arith.cmpi eq, %select_n3A_607, %eq3A_608 : i32
      %jit3A_610 = arith.constant 2 : i32
      %eq3A_611 = arith.constant 0 : i32
      %eq3A_612 = arith.cmpi eq, %jit3A_610, %eq3A_611 : i32
      %jit3A_613 = arith.constant 1 : i32
      %select_n3A_614 = arith.select %eq3A_612, %jit3A_613, %jit3A_610 : i32
      %rem3A_615 = arith.remsi %shift_right_arithmetic3A_591, %select_n3A_614 : i32
      %ne3A_616 = arith.constant 0 : i32
      %ne3A_617 = arith.cmpi ne, %rem3A_615, %ne3A_616 : i32
      %lt3A_618 = arith.constant 0 : i32
      %lt3A_619 = arith.cmpi slt, %rem3A_615, %lt3A_618 : i32
      %lt3A_620 = arith.constant 0 : i32
      %lt3A_621 = arith.cmpi slt, %select_n3A_614, %lt3A_620 : i32
      %ne3A_622 = arith.xori %lt3A_619, %lt3A_621 : i1
      %and3A_623 = arith.andi %ne3A_622, %ne3A_617 : i1
      %add3A_624 = arith.addi %rem3A_615, %select_n3A_614 : i32
      %select_n3A_625 = arith.select %and3A_623, %add3A_624, %rem3A_615 : i32
      %eq3A_626 = arith.constant 0 : i32
      %eq3A_627 = arith.cmpi eq, %select_n3A_625, %eq3A_626 : i32
      %and3A_628 = arith.andi %eq3A_609, %eq3A_627 : i1
      %convert_element_type3A_629 = arith.extui %and3A_628 : i1 to i32
      %cond3A_630 = arith.constant 0 : i32
      %cond3A_631 = arith.cmpi ne, %convert_element_type3A_629, %cond3A_630 : i32
      scf.if %cond3A_631 {
        %and3A_673 = arith.constant 3 : i32
        %and3A_674 = arith.andi %shift_right_arithmetic3A_591, %and3A_673 : i32
        %shift_right_arithmetic3A_675 = arith.constant 2 : i32
        %shift_right_arithmetic3A_676 = arith.shrsi %shift_right_arithmetic3A_591, %shift_right_arithmetic3A_675 : i32
        %mul3A_677 = arith.constant 16 : i32
        %mul3A_678 = arith.muli %shift_right_arithmetic3A_676, %mul3A_677 : i32
        %add3A_679 = arith.addi %mul3A_2, %mul3A_678 : i32
        %mul3A_680 = arith.constant 512 : i32
        %mul3A_681 = arith.muli %and3A_674, %mul3A_680 : i32
        %dma_start3A_682 = arith.constant 0 : i32
        %dma_start3A_683 = arith.constant 0 : i32
        %dma_start3A_684 = arith.constant 0 : i32
        %dma_start3A_685 = tpu.memref_slice %arg10[%dma_start3A_682, %dma_start3A_683, %dma_start3A_684] : memref<2x16x512xf32, #tpu.memory_space<vmem>> -> memref<1x16x512xf32, #tpu.memory_space<vmem>>
        %dma_start3A_686 = tpu.memref_squeeze %dma_start3A_685 : memref<1x16x512xf32, #tpu.memory_space<vmem>> -> memref<16x512xf32, #tpu.memory_space<vmem>>
        %dma_start3A_687 = tpu.memref_slice %arg6[%add3A_679, %mul3A_681] : memref<4096x2048xf32, #tpu.memory_space<hbm>> -> memref<16x512xf32, #tpu.memory_space<hbm>>
        %dma_start3A_688 = tpu.memref_slice %arg6[%add3A_679, %mul3A_681] : memref<4096x2048xf32, #tpu.memory_space<hbm>> -> memref<16x512xf32, #tpu.memory_space<hbm>>
        %dma_start3A_689 = arith.constant 0 : i32
        %dma_start3A_690 = arith.constant 0 : i32
        %dma_start3A_691 = tpu.memref_slice %arg10[%dma_start3A_682, %dma_start3A_689, %dma_start3A_690] : memref<2x16x512xf32, #tpu.memory_space<vmem>> -> memref<1x16x512xf32, #tpu.memory_space<vmem>>
        %dma_start3A_692 = tpu.memref_squeeze %dma_start3A_691 : memref<1x16x512xf32, #tpu.memory_space<vmem>> -> memref<16x512xf32, #tpu.memory_space<vmem>>
        tpu.enqueue_dma source(%dma_start3A_692 : memref<16x512xf32, #tpu.memory_space<vmem>>) target(%dma_start3A_688 : memref<16x512xf32, #tpu.memory_space<hbm>>) target_semaphore(%arg20 : memref<!tpu.dma_semaphore, #tpu.memory_space<semaphore_mem>>)
      } else {
      }
      %jit3A_632 = arith.constant 4 : i32
      %eq3A_633 = arith.constant 0 : i32
      %eq3A_634 = arith.cmpi eq, %jit3A_632, %eq3A_633 : i32
      %jit3A_635 = arith.constant 1 : i32
      %select_n3A_636 = arith.select %eq3A_634, %jit3A_635, %jit3A_632 : i32
      %rem3A_637 = arith.remsi %scan3A_275, %select_n3A_636 : i32
      %ne3A_638 = arith.constant 0 : i32
      %ne3A_639 = arith.cmpi ne, %rem3A_637, %ne3A_638 : i32
      %lt3A_640 = arith.constant 0 : i32
      %lt3A_641 = arith.cmpi slt, %rem3A_637, %lt3A_640 : i32
      %lt3A_642 = arith.constant 0 : i32
      %lt3A_643 = arith.cmpi slt, %select_n3A_636, %lt3A_642 : i32
      %ne3A_644 = arith.xori %lt3A_641, %lt3A_643 : i1
      %and3A_645 = arith.andi %ne3A_644, %ne3A_639 : i1
      %add3A_646 = arith.addi %rem3A_637, %select_n3A_636 : i32
      %select_n3A_647 = arith.select %and3A_645, %add3A_646, %rem3A_637 : i32
      %eq3A_648 = arith.constant 3 : i32
      %eq3A_649 = arith.cmpi eq, %select_n3A_647, %eq3A_648 : i32
      %jit3A_650 = arith.constant 2 : i32
      %eq3A_651 = arith.constant 0 : i32
      %eq3A_652 = arith.cmpi eq, %jit3A_650, %eq3A_651 : i32
      %jit3A_653 = arith.constant 1 : i32
      %select_n3A_654 = arith.select %eq3A_652, %jit3A_653, %jit3A_650 : i32
      %rem3A_655 = arith.remsi %shift_right_arithmetic3A_591, %select_n3A_654 : i32
      %ne3A_656 = arith.constant 0 : i32
      %ne3A_657 = arith.cmpi ne, %rem3A_655, %ne3A_656 : i32
      %lt3A_658 = arith.constant 0 : i32
      %lt3A_659 = arith.cmpi slt, %rem3A_655, %lt3A_658 : i32
      %lt3A_660 = arith.constant 0 : i32
      %lt3A_661 = arith.cmpi slt, %select_n3A_654, %lt3A_660 : i32
      %ne3A_662 = arith.xori %lt3A_659, %lt3A_661 : i1
      %and3A_663 = arith.andi %ne3A_662, %ne3A_657 : i1
      %add3A_664 = arith.addi %rem3A_655, %select_n3A_654 : i32
      %select_n3A_665 = arith.select %and3A_663, %add3A_664, %rem3A_655 : i32
      %eq3A_666 = arith.constant 1 : i32
      %eq3A_667 = arith.cmpi eq, %select_n3A_665, %eq3A_666 : i32
      %and3A_668 = arith.andi %eq3A_649, %eq3A_667 : i1
      %convert_element_type3A_669 = arith.extui %and3A_668 : i1 to i32
      %cond3A_670 = arith.constant 0 : i32
      %cond3A_671 = arith.cmpi ne, %convert_element_type3A_669, %cond3A_670 : i32
      scf.if %cond3A_671 {
        %and3A_673 = arith.constant 3 : i32
        %and3A_674 = arith.andi %shift_right_arithmetic3A_591, %and3A_673 : i32
        %shift_right_arithmetic3A_675 = arith.constant 2 : i32
        %shift_right_arithmetic3A_676 = arith.shrsi %shift_right_arithmetic3A_591, %shift_right_arithmetic3A_675 : i32
        %mul3A_677 = arith.constant 16 : i32
        %mul3A_678 = arith.muli %shift_right_arithmetic3A_676, %mul3A_677 : i32
        %add3A_679 = arith.addi %mul3A_2, %mul3A_678 : i32
        %mul3A_680 = arith.constant 512 : i32
        %mul3A_681 = arith.muli %and3A_674, %mul3A_680 : i32
        %dma_start3A_682 = arith.constant 1 : i32
        %dma_start3A_683 = arith.constant 0 : i32
        %dma_start3A_684 = arith.constant 0 : i32
        %dma_start3A_685 = tpu.memref_slice %arg10[%dma_start3A_682, %dma_start3A_683, %dma_start3A_684] : memref<2x16x512xf32, #tpu.memory_space<vmem>> -> memref<1x16x512xf32, #tpu.memory_space<vmem>>
        %dma_start3A_686 = tpu.memref_squeeze %dma_start3A_685 : memref<1x16x512xf32, #tpu.memory_space<vmem>> -> memref<16x512xf32, #tpu.memory_space<vmem>>
        %dma_start3A_687 = tpu.memref_slice %arg6[%add3A_679, %mul3A_681] : memref<4096x2048xf32, #tpu.memory_space<hbm>> -> memref<16x512xf32, #tpu.memory_space<hbm>>
        %dma_start3A_688 = tpu.memref_slice %arg6[%add3A_679, %mul3A_681] : memref<4096x2048xf32, #tpu.memory_space<hbm>> -> memref<16x512xf32, #tpu.memory_space<hbm>>
        %dma_start3A_689 = arith.constant 0 : i32
        %dma_start3A_690 = arith.constant 0 : i32
        %dma_start3A_691 = tpu.memref_slice %arg10[%dma_start3A_682, %dma_start3A_689, %dma_start3A_690] : memref<2x16x512xf32, #tpu.memory_space<vmem>> -> memref<1x16x512xf32, #tpu.memory_space<vmem>>
        %dma_start3A_692 = tpu.memref_squeeze %dma_start3A_691 : memref<1x16x512xf32, #tpu.memory_space<vmem>> -> memref<16x512xf32, #tpu.memory_space<vmem>>
        tpu.enqueue_dma source(%dma_start3A_692 : memref<16x512xf32, #tpu.memory_space<vmem>>) target(%dma_start3A_688 : memref<16x512xf32, #tpu.memory_space<hbm>>) target_semaphore(%arg21 : memref<!tpu.dma_semaphore, #tpu.memory_space<semaphore_mem>>)
      } else {
      }
      %scan3A_672 = arith.constant 0 : i32
      scf.yield %scan3A_672 : i32
    }
    %scan3A_244 = arith.constant 128 : i32
    %add3A_245 = arith.constant 112 : i32
    %add3A_246 = arith.addi %mul3A_2, %add3A_245 : i32
    %dma_wait3A_247 = arith.constant 0 : i32
    %dma_wait3A_248 = arith.constant 0 : i32
    %dma_wait3A_249 = arith.constant 0 : i32
    %dma_wait3A_250 = tpu.memref_slice %arg10[%dma_wait3A_247, %dma_wait3A_248, %dma_wait3A_249] : memref<2x16x512xf32, #tpu.memory_space<vmem>> -> memref<1x16x512xf32, #tpu.memory_space<vmem>>
    %dma_wait3A_251 = tpu.memref_squeeze %dma_wait3A_250 : memref<1x16x512xf32, #tpu.memory_space<vmem>> -> memref<16x512xf32, #tpu.memory_space<vmem>>
    %dma_wait3A_252 = arith.constant 1024 : i32
    %dma_wait3A_253 = tpu.memref_slice %arg6[%add3A_246, %dma_wait3A_252] : memref<4096x2048xf32, #tpu.memory_space<hbm>> -> memref<16x512xf32, #tpu.memory_space<hbm>>
    %dma_wait3A_254 = arith.constant 1024 : i32
    %dma_wait3A_255 = tpu.memref_slice %arg6[%add3A_246, %dma_wait3A_254] : memref<4096x2048xf32, #tpu.memory_space<hbm>> -> memref<16x512xf32, #tpu.memory_space<hbm>>
    %dma_wait3A_256 = arith.constant 0 : i32
    %dma_wait3A_257 = arith.constant 0 : i32
    %dma_wait3A_258 = tpu.memref_slice %arg10[%dma_wait3A_247, %dma_wait3A_256, %dma_wait3A_257] : memref<2x16x512xf32, #tpu.memory_space<vmem>> -> memref<1x16x512xf32, #tpu.memory_space<vmem>>
    %dma_wait3A_259 = tpu.memref_squeeze %dma_wait3A_258 : memref<1x16x512xf32, #tpu.memory_space<vmem>> -> memref<16x512xf32, #tpu.memory_space<vmem>>
    tpu.wait_dma2 semaphore(%arg20 : memref<!tpu.dma_semaphore, #tpu.memory_space<semaphore_mem>>) src(%dma_wait3A_259 : memref<16x512xf32, #tpu.memory_space<vmem>>) dst(%dma_wait3A_255 : memref<16x512xf32, #tpu.memory_space<hbm>>)
    %add3A_260 = arith.constant 112 : i32
    %add3A_261 = arith.addi %mul3A_2, %add3A_260 : i32
    %dma_wait3A_262 = arith.constant 1 : i32
    %dma_wait3A_263 = arith.constant 0 : i32
    %dma_wait3A_264 = arith.constant 0 : i32
    %dma_wait3A_265 = tpu.memref_slice %arg10[%dma_wait3A_262, %dma_wait3A_263, %dma_wait3A_264] : memref<2x16x512xf32, #tpu.memory_space<vmem>> -> memref<1x16x512xf32, #tpu.memory_space<vmem>>
    %dma_wait3A_266 = tpu.memref_squeeze %dma_wait3A_265 : memref<1x16x512xf32, #tpu.memory_space<vmem>> -> memref<16x512xf32, #tpu.memory_space<vmem>>
    %dma_wait3A_267 = arith.constant 1536 : i32
    %dma_wait3A_268 = tpu.memref_slice %arg6[%add3A_261, %dma_wait3A_267] : memref<4096x2048xf32, #tpu.memory_space<hbm>> -> memref<16x512xf32, #tpu.memory_space<hbm>>
    %dma_wait3A_269 = arith.constant 1536 : i32
    %dma_wait3A_270 = tpu.memref_slice %arg6[%add3A_261, %dma_wait3A_269] : memref<4096x2048xf32, #tpu.memory_space<hbm>> -> memref<16x512xf32, #tpu.memory_space<hbm>>
    %dma_wait3A_271 = arith.constant 0 : i32
    %dma_wait3A_272 = arith.constant 0 : i32
    %dma_wait3A_273 = tpu.memref_slice %arg10[%dma_wait3A_262, %dma_wait3A_271, %dma_wait3A_272] : memref<2x16x512xf32, #tpu.memory_space<vmem>> -> memref<1x16x512xf32, #tpu.memory_space<vmem>>
    %dma_wait3A_274 = tpu.memref_squeeze %dma_wait3A_273 : memref<1x16x512xf32, #tpu.memory_space<vmem>> -> memref<16x512xf32, #tpu.memory_space<vmem>>
    tpu.wait_dma2 semaphore(%arg21 : memref<!tpu.dma_semaphore, #tpu.memory_space<semaphore_mem>>) src(%dma_wait3A_274 : memref<16x512xf32, #tpu.memory_space<vmem>>) dst(%dma_wait3A_270 : memref<16x512xf32, #tpu.memory_space<hbm>>)
    return
  }
}

</mosaic_0001>

<sc_bundles>
// kernel: kernel.3.cloned.1.call-start
scs
__scs_entry_jumppad:
0x0: {  	(pc) =	sbr.rel $0x88, $3  }
0x1: {  	(tag) =	ssettag $0x0;
	lr =	simm.s32 $0x1  }
0x2: {  	[smem:$0x3F9E] =	sst lr;
	_ =	strace $0xD0000000  }
0x3: {  	_ = 	snop  }
0x4: {  	_ = 	snop  }
0x5: {  	_ = 	snop  }
0x6: {  	_ = 	snop  }
0x7: {  	_ = 	snop  }
__scs_overlays_trampoline_lowered:
0x8: {  	[smem:$0x3FAD] =	sst s0  }
0x9: {  	[smem:$0x3FAE] =	sst s1  }
0xa: {  	[smem:$0x3FAF] =	sst s2  }
0xb: {  	[smem:$0x3FB0] =	sst s3  }
0xc: {  	[smem:$0x3FB1] =	sst s4  }
0xd: {  	[smem:$0x3FB2] =	sst s5  }
0xe: {  	[smem:$0x3FB3] =	sst s6  }
0xf: {  	[smem:$0x3FB4] =	sst s7  }
0x10: {  	[smem:$0x3FB5] =	sst s8  }
0x11: {  	[smem:$0x3FB6] =	sst s9;
	s0 =	simm.s32 @!p0 $0x0  }
0x12: {  	s1 =	sld [smem:$0x3F9C];
	s0 =	simm.s32 @p0 $0x1  }
0x13: {  	[smem:$0x3FB7] =	sst s0;
	s0 =	simm.s32 @!p1 $0x0  }
0x14: {  	s2 =	sld [smem:$0x3F9B];
	s0 =	simm.s32 @p1 $0x1  }
0x15: {  	[smem:$0x3FB8] =	sst s0;
	s0 =	simm.s32 @!p2 $0x0  }
0x16: {  	s3 =	sld [smem:$0x3FDB];
	s0 =	simm.s32 @p2 $0x1  }
0x17: {  	s4 =	simm.s32 $0x1BF5;
	[smem:$0x3FBA] =	sst s0  }
0x18: {  	s0 =	sld [smem:$0x3F9D];
	_ =	swait.ge [sflag:s4], $0x0  }
0x19: {  	s7 =	sld [smem:$0x3F9E]  }
0x1a: {  	s8 =	sadd.s32 $0xFFFFE003, lr  }
0x1b: {  	s9 =	sadd.s32 $0xFFFFFEF7, lr;
	s5 =	simm.s32 $0xFFFFFFFF;
	p2 =	slt.u32 s8, $0xFFFFF086  }
0x1c: {  	p1 =	slt.u32 s9, $0xF7A;
	s5 =	simm.s32 @!p2 $0x0  }
0x1d: {  	s5 =	simm.s32 @p1 $0x1;
	p0 =	seq.s32 s7, s2  }
0x1e: {  	s7 =	smul.u32 @!p0 $0xF7A, s2;
	p2 =	seq.s32 @!p0 s5, $0x0  }
0x1f: {  	s9 =	smul.u32 $0xF7A, s1;
	s8 =	simm.s32 @!p0 $0x1BF5;
	p2 =	por !p2, p0  }
0x20: {  	[sflag:s8] =	ssyncset.s32 @!p0 $0xFFFFF086;
	s6 =	sadd.s32 @!p0 s3, s7;
	s7 =	simm.s32 @!p0 $0x108  }
0x21: {  	s3 =	sadd.s32 s3, s9;
	s6 =	sadd.s32 @!p0 $0x88, s6;
	s7 =	simm.s32 @p2 $0x1082  }
0x22: {  	[simem:s7], [sflag:s8] =	dma.local @!p0 [hbm:s6], $0xF7A  }
0x23: {  	s9 =	sor.u32 $0xD0000000, s2;
	s6 =	simm.s32 $0x108;
	_ =	swait.ge @!p0 [sflag:s8], $0x0  }
0x24: {  	s3 =	sadd.s32 $0x88, s3;
	s6 =	simm.s32 @!p1 $0x1082;
	[sflag:s4] =	ssyncset.s32 $0xFFFFF086  }
0x25: {  	[simem:s6], [sflag:s4] =	dma.local [hbm:s3], $0xF7A  }
0x26: {  	[smem:$0x3F9E] =	sst s1;
	(tag) =	ssettag s2;
	_ =	strace s9  }
0x27: {  	s1 =	sld [smem:$0x3FAE]  }
0x28: {  	s2 =	sld [smem:$0x3FAF]  }
0x29: {  	s4 =	sld [smem:$0x3FB1]  }
0x2a: {  	p0 =	seq.s32 s5, $0x0;
	s5 =	sld [smem:$0x3FB2]  }
0x2b: {  	s6 =	sld [smem:$0x3FB3]  }
0x2c: {  	s7 =	sld [smem:$0x3FB4]  }
0x2d: {  	s3 =	simm.s32 $0x108;
	s8 =	sld [smem:$0x3FB5]  }
0x2e: {  	s3 =	simm.s32 @!p0 $0x1082;
	s9 =	sld [smem:$0x3FB6]  }
0x2f: {  	lr =	sadd.s32 s0, s3;
	s0 =	sld [smem:$0x3FAD]  }
0x30: {  	s3 =	sld [smem:$0x3FB0]  }
0x31: {  	[smem:$0x3FB9] =	sst s10  }
0x32: {  	s10 =	sld [smem:$0x3FB7];
	_ =	sdelay $0x3  }
0x33: {  	p0 =	seq.s32 s10, $0x1;
	s10 =	sld [smem:$0x3FB9];
	_ =	sdelay $0x3  }
0x34: {  	[smem:$0x3FB9] =	sst s10  }
0x35: {  	s10 =	sld [smem:$0x3FB8];
	_ =	sdelay $0x3  }
0x36: {  	p1 =	seq.s32 s10, $0x1;
	s10 =	sld [smem:$0x3FB9];
	_ =	sdelay $0x3  }
0x37: {  	[smem:$0x3FB9] =	sst s10  }
0x38: {  	s10 =	sld [smem:$0x3FBA]  }
0x39: {  	_ = 	snop;
	(pc) =	sbr.ind lr, $3  }
0x3a: {  	_ = 	snop  }
0x3b: {  	_ = 	snop  }
0x3c: {  	p2 =	seq.s32 s10, $0x1;
	s10 =	sld [smem:$0x3FB9]  }
0x3d: {  	_ =	shalt  }
0x3e: {  	_ =	shalt  }
0x3f: {  	_ =	shalt  }
0x40: {  	_ =	shalt  }
0x41: {  	_ =	shalt  }
0x42: {  	_ =	shalt  }
0x43: {  	_ =	shalt  }
0x44: {  	_ =	shalt  }
0x45: {  	_ =	shalt  }
0x46: {  	_ =	shalt  }
0x47: {  	_ =	shalt  }
0x48: {  	_ =	shalt  }
0x49: {  	_ =	shalt  }
0x4a: {  	_ =	shalt  }
0x4b: {  	_ =	shalt  }
0x4c: {  	_ =	shalt  }
0x4d: {  	_ =	shalt  }
0x4e: {  	_ =	shalt  }
0x4f: {  	_ =	shalt  }
0x50: {  	_ =	shalt  }
0x51: {  	_ =	shalt  }
0x52: {  	_ =	shalt  }
0x53: {  	_ =	shalt  }
0x54: {  	_ =	shalt  }
0x55: {  	_ =	shalt  }
0x56: {  	_ =	shalt  }
0x57: {  	_ =	shalt  }
0x58: {  	_ =	shalt  }
0x59: {  	_ =	shalt  }
0x5a: {  	_ =	shalt  }
0x5b: {  	_ =	shalt  }
0x5c: {  	_ =	shalt  }
0x5d: {  	_ =	shalt  }
0x5e: {  	_ =	shalt  }
0x5f: {  	_ =	shalt  }
0x60: {  	_ =	shalt  }
0x61: {  	_ =	shalt  }
0x62: {  	_ =	shalt  }
0x63: {  	_ =	shalt  }
0x64: {  	_ =	shalt  }
0x65: {  	_ =	shalt  }
0x66: {  	_ =	shalt  }
0x67: {  	_ =	shalt  }
0x68: {  	_ =	shalt  }
0x69: {  	_ =	shalt  }
0x6a: {  	_ =	shalt  }
0x6b: {  	_ =	shalt  }
0x6c: {  	_ =	shalt  }
0x6d: {  	_ =	shalt  }
0x6e: {  	_ =	shalt  }
0x6f: {  	_ =	shalt  }
0x70: {  	_ =	shalt  }
0x71: {  	_ =	shalt  }
0x72: {  	_ =	shalt  }
0x73: {  	_ =	shalt  }
0x74: {  	_ =	shalt  }
0x75: {  	_ =	shalt  }
0x76: {  	_ =	shalt  }
0x77: {  	_ =	shalt  }
0x78: {  	_ =	shalt  }
0x79: {  	_ =	shalt  }
0x7a: {  	_ =	shalt  }
0x7b: {  	_ =	shalt  }
0x7c: {  	_ =	shalt  }
0x7d: {  	_ =	shalt  }
0x7e: {  	_ =	shalt  }
0x7f: {  	_ =	shalt  }
0x80: {  	_ =	shalt  }
0x81: {  	_ =	shalt  }
0x82: {  	_ =	shalt  }
0x83: {  	_ =	shalt  }
0x84: {  	_ =	shalt  }
0x85: {  	_ =	shalt  }
0x86: {  	_ =	shalt  }
0x87: {  	_ =	shalt  }
.Lfunc_end0:
.L_simem_size_0:
called_computation_lowered:
.L_overlay_start_0:
0x88: {  	s2 =	sld [smem:$0x3FD9]  }
0x89: {  	s3 =	sld [smem:$0x3FFE];
	_ =	sdelay $0x1  }
0x8a: {  	s1 =	srdreg.scid  }
0x8b: {  	s0 =	sand.u32 $0x1, s1  }
0x8c: {  	s17 =	sshll.u32 s0, $0xA;
	s2 =	sadd.s32 s3, s2  }
0x8d: {  	s2 =	sadd.s32 s2, s17  }
0x8e: {  	[smem:$0x3FC5] =	sst s2  }
0x8f: {  	_ = 	snop  }
0x90: {  	s2 =	sld [smem:$0x3FC8]  }
0x91: {  	s18 =	sld [smem:$0x3FC7]  }
0x92: {  	s4 =	sld [smem:$0x3FD0];
	(tm) =	ssettm $0x1  }
0x93: {  	s5 =	sld [smem:$0x3FFB];
	_ =	sdelay $0x3  }
0x94: {  	_ =	strace s5  }
0x95: {  	s5 =	sld [smem:$0x3FFC];
	_ =	sdelay $0x3  }
0x96: {  	_ =	strace s5  }
0x97: {  	s5 =	sld [smem:$0x3FFD];
	_ =	sdelay $0x3  }
0x98: {  	_ =	strace s5  }
0x99: {  	_ =	strace $0x8FFFFFFF  }
0x9a: {  	s19 =	sld [smem:$0x3FDB];
	_ =	sdelay $0x1  }
0x9b: {  	s6 =	simm.s32 $_scs_section_size  }
0x9c: {  	s7 =	simm.s32 $_size__tile_overlayer_lowered;
	s8 =	simm.s32 $_tile_overlayer_lowered  }
0x9d: {  	s22 =	simm.s32 $0x1BFF;
	s21 =	sshll.u32 s8, $0x1;
	s5 =	sadd.s32 s6, s19  }
0x9e: {  	s9 =	simm.s32 $0x0;
	s20 =	sshll.u32 s7, $0x1;
	s7 =	sadd.s32 s21, s5  }
0x9f: {  	[timem:s9], [sflag:s22] =	dma.local [hbm:s7], s20  }
0xa0: {  	_ =	swait.ge [sflag:s22], s20  }
0xa1: {  	s6 =	ssub.s32 $0x0, s20;
	[sflag:s22] =	ssyncset.done $0x0  }
0xa2: {  	[sflag:s22] =	ssyncadd.s32 s6;
	_ =	sdelay $0x1  }
0xa3: {  	s23 =	simm.s32 $0x1B8B  }
0xa4: {  	_ =	swait.ge [sflag:s23], $0x1  }
0xa5: {  	[sflag:s23] =	ssyncset.done $0x0  }
0xa6: {  	s25 =	simm.s32 $0x1B8E;
	s24 =	sld [smem:$0x3FFE];
	[sflag:s23] =	ssyncadd.s32 $0xFFFFFFFF  }
0xa7: {  	s26 =	simm.s32 $execute0_lowered;
	[smem:$0x3FD2] =	sst s25  }
0xa8: {  	s7 =	sshll.u32 s26, $0x1;
	_ =	strace $0x80000046;
	[dreg:$0x1] =	wrdreg $0xFFFFFFFF  }
0xa9: {  	s28 =	simm.s32 $_size_execute0_lowered;
	s5 =	sadd.s32 s5, s7;
	[dreg:$0x0] =	wrdreg $0x0  }
0xaa: {  	s7 =	sshll.u32 s28, $0x1;
	[dreg:$0x2] =	wrdreg s5  }
0xab: {  	[dreg:$0x3] =	wrdreg s7  }
0xac: {  	[dreg:$0x4] =	wrdreg $0xC0  }
0xad: {  	_ =	task [dreg:s9], $0x5FFFF  }
0xae: {  	[dreg:$0x1] =	wrdreg $0xFFFFFFFF  }
0xaf: {  	[dreg:$0x0] =	wrdreg $0x60  }
0xb0: {  	[dreg:$0x2] =	wrdreg s24  }
0xb1: {  	[dreg:$0x3] =	wrdreg s2  }
0xb2: {  	[dreg:$0x4] =	wrdreg s18  }
0xb3: {  	[dreg:$0x5] =	wrdreg s4  }
0xb4: {  	[dreg:$0x6] =	wrdreg $0x9  }
0xb5: {  	_ =	task.clear_ibuf [dreg:s9], $0x7FFFF;
	_ =	strace $0x90000046  }
0xb6: {  	s29 =	simm.s32 $0x9;
	_ =	strace $0x80000048  }
0xb7: {  	_ =	swait.ge [sflag:s29], $0x1  }
0xb8: {  	[sflag:s29] =	ssyncadd.s32 $0xFFFFFFFF  }
0xb9: {  	_ =	strace $0x90000048  }
0xba: {  	_ =	sfence  }
0xbb: {  	s30 =	sld [smem:$0x0];
	_ =	sdelay $0x2  }
0xbc: {  	s31 =	sshll.u32 s1, $0xD;
	s1 =	sshrl.u32 s1, $0x2  }
0xbd: {  	s3 =	sand.u32 $0x4000, s31;
	s1 =	sadd.s32 s1, s30  }
0xbe: {  	s0 =	sor.u32 s3, s0;
	s1 =	sshll.u32 s1, $0x11  }
0xbf: {  	s0 =	sor.u32 s1, s0  }
0xc0: {  	s0 =	sadd.s32 $0x8F2B, s0  }
0xc1: {  	[sflag:s0] =	ssyncadd.remote.s32 $0x1  }
0xc2: {  	_ =	sfence.sel $0xFFFF  }
0xc3: {  	[dreg:$0x0] =	wrdreg $0xFFFFFFFF;
	(pc) =	sbr.abs _section_cstart, $3  }
0xc4: {  	[dreg:$0x1] =	wrdreg $0xFFFFFFFF  }
0xc5: {  	_ =	task.clear_ibuf [dreg:s9], $0x2FFFF;
	_ =	strace $0x9FFFFFFF  }
0xc6: {  	(tm) =	ssettm $0x7FFFFFFF  }
0xc7: {  	_ =	shalt  }
tec
execute0_lowered:
.L_overlay_start_1:
0x0: {  	(tag) =	ssettag $0x1  }
0x1: {  	s0 =	rddreg [dreg:$0x0]  }
0x2: {  	s4 =	rddreg [dreg:$0x1]  }
0x3: {  	s3 =	rddreg [dreg:$0x2]  }
0x4: {  	s1 =	srdreg.scid;
	s2 =	stileid.u32;
	s5 =	simm.s32 $0x0  }
0x5: {  	s14 =	simm.s32 $0x4;
	s15 =	simm.s32 $0x5;
	s16 =	simm.s32 $0x6  }
0x6: {  	s17 =	simm.s32 $0x7;
	s1 =	sand.u32 $0x1, s1;
	s2 =	sshll.u32 s2, $0x8  }
0x7: {  	[smem:$0x7FF] =	sst s5;
	s29 =	sadd.s32 $0x100, s4;
	s30 =	sadd.s32 $0x100, s3  }
0x8: {  	s6 =	sshll.u32 s1, $0x7;
	_ =	strace $0x80000047;
	s1 =	ssub.s32 $0x2, s1  }
0x9: {  	[dreg:$0x7] =	wrdreg s29;
	s6 =	sor.u32 s6, s2;
	s8 =	sshrl.u32 s1, $0x1  }
0xa: {  	[dreg:$0x8] =	wrdreg s30;
	s2 =	sshll.u32 s6, $0x4;
	s1 =	ssub.s32 s1, s8  }
0xb: {  	v3 =	vlaneseq.u32;
	s7 =	sshrl.u32 s6, $0x3;
	s2 =	sadd.s32 s2, s0;
	s31 =	smax.u32 s1, $0x1  }
0xc: {  	v0 =	vmul.u32 $0x803, v3;
	s0 =	sadd.s32 s7, s0;
	s2 =	sadd.s32 $0x200, s2;
	[dreg:$0x9] =	wrdreg s31  }
0xd: {  	s19 =	simm.s32 $0x8;
	vm0 =	vmmov $0xffff;
	v2 =	vshrl.u32 v3, $0x3;
	v1 =	vand.u32 $0x7, v3;
	s0 =	sadd.s32 $0x10200, s0;
	[dreg:$0x5] =	wrdreg s2  }
0xe: {  	s20 =	simm.s32 $0x9;
	v3 =	vor.u32 $0x8, v3;
	v2 =	vmul.u32 $0x8, v2;
	v4 =	vadd.s32 $0x8030, v0;
	[dreg:$0x6] =	wrdreg s0;
	s2 =	simm.s32 $0x0  }
.LBB2_1:
0xf: {  	[dreg:$0xa] =	wrdreg s2  }
0x10: {  	s0 =	rddreg [dreg:$0x5];
	s1 =	simm.s32 $0xC  }
0x11: {  	[tilespmem:s5], [sflag:$0xC] =	stream.linear.gather [hbm4b:s0+s5], $0x800, $0x38;
	[tilespmem:$0x15080] =	vst v63  }
0x12: {  	_ =	swait.ge [sflag:s1], $0x800  }
0x13: {  	[sflag:s1] =	ssyncset.done $0x0  }
0x14: {  	s31 =	simm.s32 $0x1000;
	s30 =	rddreg [dreg:$0x6];
	[sflag:s1] =	ssyncadd.s32 $0xFFFFF800  }
0x15: {  	[tilespmem:s31], [sflag:$0xC] =	stream.linear.gather [hbm4b:s30+s5], $0x80, $0x38;
	[tilespmem:$0x15080] =	vst v63  }
0x16: {  	_ =	swait.ge [sflag:s1], $0x80  }
0x17: {  	[sflag:s1] =	ssyncset.done $0x0  }
0x18: {  	[sflag:s1] =	ssyncadd.s32 $0xFFFFFF80  }
0x19: {  	v5 =	vld [tilespmem:$0x1000];
	_ =	sdelay $0x4  }
0x1a: {  	v6 =	vshll.u32 v5, $0x4  }
0x1b: {  	v5 =	vand.u32 $0x7, v5;
	v6 =	vand.u32 $0xFFFFFF80, v6  }
0x1c: {  	v5 =	vor.u32 v5, v6  }
0x1d: {  	v6 =	vperm.xlane v5, v1;
	_ =	sdelay $0x1  }
0x1e: {  	v6 =	vadd.s32 v2, v6;
	_ =	sdelay $0x1  }
0x1f: {  	v5 =	vperm.xlane v5, v3;
	_ =	sdelay $0x1  }
0x20: {  	s7 =	simm.s32 $0x11080;
	s4 =	rddreg [dreg:$0x1];
	v5 =	vadd.s32 v2, v5  }
0x21: {  	[tilespmem:s7], [sflag:$0x1] =	stream.indirect_vreg.gather [hbm4b:s4+s5], $0x80, v6, vm0, $0xb8;
	[tilespmem:$0x15080] =	vst v63  }
0x22: {  	s9 =	simm.s32 $0x11880;
	s8 =	rddreg [dreg:$0x7]  }
0x23: {  	[tilespmem:s9], [sflag:$0x1] =	stream.indirect_vreg.gather [hbm4b:s8+s5], $0x80, v6, vm0, $0xb8;
	[tilespmem:$0x15080] =	vst v63  }
0x24: {  	s10 =	simm.s32 $0x12080  }
0x25: {  	[tilespmem:s10], [sflag:$0x1] =	stream.indirect_vreg.gather [hbm4b:s4+s5], $0x80, v5, vm0, $0xb8;
	[tilespmem:$0x15080] =	vst v63  }
0x26: {  	s11 =	simm.s32 $0x12880;
	s12 =	simm.s32 $0x1  }
0x27: {  	[tilespmem:s11], [sflag:$0x1] =	stream.indirect_vreg.gather [hbm4b:s8+s5], $0x80, v5, vm0, $0xb8;
	[tilespmem:$0x15080] =	vst v63  }
0x28: {  	_ =	swait.ge [sflag:s12], $0x2000  }
0x29: {  	[sflag:s12] =	ssyncset.done $0x0  }
0x2a: {  	[sflag:s12] =	ssyncadd.s32 $0xFFFFE000  }
0x2b: {  	v5 =	vld [tilespmem:$0x0];
	_ =	sdelay $0x4  }
0x2c: {  	vm1 =	veq.s32 v5, $0x0;
	v5 =	vadd.s32 v0, v5  }
0x2d: {  	v5 =	vsel vm1, $0x0, v5  }
0x2e: {  	v6 =	vshll.u32 v5, $0x4  }
0x2f: {  	v5 =	vand.u32 $0x7, v5;
	v6 =	vand.u32 $0xFFFFFF80, v6  }
0x30: {  	v5 =	vor.u32 v5, v6  }
0x31: {  	v6 =	vperm.xlane v5, v1;
	_ =	sdelay $0x1  }
0x32: {  	v6 =	vadd.s32 v2, v6;
	_ =	sdelay $0x1  }
0x33: {  	v5 =	vperm.xlane v5, v3;
	_ =	sdelay $0x1  }
0x34: {  	s13 =	simm.s32 $0x1080;
	v5 =	vadd.s32 v2, v5  }
0x35: {  	[tilespmem:s13], [sflag:$0x2] =	stream.indirect_vreg.gather [hbm4b:s3+s5], $0x80, v6, vm0, $0xb8;
	[tilespmem:$0x15080] =	vst v63  }
0x36: {  	s18 =	simm.s32 $0x1880;
	s0 =	rddreg [dreg:$0x8]  }
0x37: {  	[tilespmem:s18], [sflag:$0x2] =	stream.indirect_vreg.gather [hbm4b:s0+s5], $0x80, v6, vm0, $0xb8;
	[tilespmem:$0x15080] =	vst v63  }
0x38: {  	s21 =	simm.s32 $0x2080  }
0x39: {  	[tilespmem:s21], [sflag:$0x2] =	stream.indirect_vreg.gather [hbm4b:s3+s5], $0x80, v5, vm0, $0xb8;
	[tilespmem:$0x15080] =	vst v63  }
0x3a: {  	s22 =	simm.s32 $0x2880  }
0x3b: {  	[tilespmem:s22], [sflag:$0x2] =	stream.indirect_vreg.gather [hbm4b:s0+s5], $0x80, v5, vm0, $0xb8;
	[tilespmem:$0x15080] =	vst v63  }
0x3c: {  	v5 =	vld [tilespmem:$0x10];
	_ =	sdelay $0x4  }
0x3d: {  	vm1 =	veq.s32 v5, $0x0;
	v5 =	vadd.s32 v4, v5  }
0x3e: {  	v5 =	vsel vm1, $0x0, v5  }
0x3f: {  	v6 =	vshll.u32 v5, $0x4  }
0x40: {  	v5 =	vand.u32 $0x7, v5;
	v6 =	vand.u32 $0xFFFFFF80, v6  }
0x41: {  	v5 =	vor.u32 v5, v6  }
0x42: {  	v6 =	vperm.xlane v5, v1;
	_ =	sdelay $0x1  }
0x43: {  	v6 =	vadd.s32 v2, v6;
	_ =	sdelay $0x1  }
0x44: {  	v5 =	vperm.xlane v5, v3;
	_ =	sdelay $0x1  }
0x45: {  	s23 =	simm.s32 $0x3080;
	v5 =	vadd.s32 v2, v5  }
0x46: {  	[tilespmem:s23], [sflag:$0x3] =	stream.indirect_vreg.gather [hbm4b:s3+s5], $0x80, v6, vm0, $0xb8;
	[tilespmem:$0x15080] =	vst v63  }
0x47: {  	s24 =	simm.s32 $0x3880  }
0x48: {  	[tilespmem:s24], [sflag:$0x3] =	stream.indirect_vreg.gather [hbm4b:s0+s5], $0x80, v6, vm0, $0xb8;
	[tilespmem:$0x15080] =	vst v63  }
0x49: {  	s25 =	simm.s32 $0x4080  }
0x4a: {  	[tilespmem:s25], [sflag:$0x3] =	stream.indirect_vreg.gather [hbm4b:s3+s5], $0x80, v5, vm0, $0xb8;
	[tilespmem:$0x15080] =	vst v63  }
0x4b: {  	s26 =	simm.s32 $0x4880  }
0x4c: {  	[tilespmem:s26], [sflag:$0x3] =	stream.indirect_vreg.gather [hbm4b:s0+s5], $0x80, v5, vm0, $0xb8;
	[tilespmem:$0x15080] =	vst v63  }
0x4d: {  	v5 =	vld [tilespmem:$0x80];
	_ =	sdelay $0x4  }
0x4e: {  	vm1 =	veq.s32 v5, $0x0;
	v5 =	vadd.s32 v0, v5  }
0x4f: {  	v5 =	vsel vm1, $0x0, v5  }
0x50: {  	v6 =	vshll.u32 v5, $0x4  }
0x51: {  	v5 =	vand.u32 $0x7, v5;
	v6 =	vand.u32 $0xFFFFFF80, v6  }
0x52: {  	v5 =	vor.u32 v5, v6  }
0x53: {  	v6 =	vperm.xlane v5, v1;
	_ =	sdelay $0x1  }
0x54: {  	v6 =	vadd.s32 v2, v6;
	_ =	sdelay $0x1  }
0x55: {  	v5 =	vperm.xlane v5, v3;
	_ =	sdelay $0x1  }
0x56: {  	s28 =	simm.s32 $0x5080;
	v5 =	vadd.s32 v2, v5  }
0x57: {  	[tilespmem:s28], [sflag:$0x4] =	stream.indirect_vreg.gather [hbm4b:s3+s5], $0x80, v6, vm0, $0xb8;
	[tilespmem:$0x15080] =	vst v63  }
0x58: {  	s29 =	simm.s32 $0x5880  }
0x59: {  	[tilespmem:s29], [sflag:$0x4] =	stream.indirect_vreg.gather [hbm4b:s0+s5], $0x80, v6, vm0, $0xb8;
	[tilespmem:$0x15080] =	vst v63  }
0x5a: {  	s30 =	simm.s32 $0x6080  }
0x5b: {  	[tilespmem:s30], [sflag:$0x4] =	stream.indirect_vreg.gather [hbm4b:s3+s5], $0x80, v5, vm0, $0xb8;
	[tilespmem:$0x15080] =	vst v63  }
0x5c: {  	s31 =	simm.s32 $0x6880  }
0x5d: {  	[tilespmem:s31], [sflag:$0x4] =	stream.indirect_vreg.gather [hbm4b:s0+s5], $0x80, v5, vm0, $0xb8;
	[tilespmem:$0x15080] =	vst v63  }
0x5e: {  	v5 =	vld [tilespmem:$0x90];
	_ =	sdelay $0x4  }
0x5f: {  	vm1 =	veq.s32 v5, $0x0;
	v5 =	vadd.s32 v4, v5  }
0x60: {  	v5 =	vsel vm1, $0x0, v5  }
0x61: {  	v6 =	vshll.u32 v5, $0x4  }
0x62: {  	v5 =	vand.u32 $0x7, v5;
	v6 =	vand.u32 $0xFFFFFF80, v6  }
0x63: {  	v5 =	vor.u32 v5, v6  }
0x64: {  	v6 =	vperm.xlane v5, v1;
	_ =	sdelay $0x1  }
0x65: {  	v6 =	vadd.s32 v2, v6;
	_ =	sdelay $0x1  }
0x66: {  	v5 =	vperm.xlane v5, v3;
	_ =	sdelay $0x1  }
0x67: {  	s2 =	simm.s32 $0x7080;
	v5 =	vadd.s32 v2, v5  }
0x68: {  	[tilespmem:s2], [sflag:$0x5] =	stream.indirect_vreg.gather [hbm4b:s3+s5], $0x80, v6, vm0, $0xb8;
	[tilespmem:$0x15080] =	vst v63  }
0x69: {  	s4 =	simm.s32 $0x7880  }
0x6a: {  	[tilespmem:s4], [sflag:$0x5] =	stream.indirect_vreg.gather [hbm4b:s0+s5], $0x80, v6, vm0, $0xb8;
	[tilespmem:$0x15080] =	vst v63  }
0x6b: {  	s7 =	simm.s32 $0x8080  }
0x6c: {  	[tilespmem:s7], [sflag:$0x5] =	stream.indirect_vreg.gather [hbm4b:s3+s5], $0x80, v5, vm0, $0xb8;
	[tilespmem:$0x15080] =	vst v63  }
0x6d: {  	s8 =	simm.s32 $0x8880  }
0x6e: {  	[tilespmem:s8], [sflag:$0x5] =	stream.indirect_vreg.gather [hbm4b:s0+s5], $0x80, v5, vm0, $0xb8;
	[tilespmem:$0x15080] =	vst v63  }
0x6f: {  	v5 =	vld [tilespmem:$0x100];
	_ =	sdelay $0x4  }
0x70: {  	vm1 =	veq.s32 v5, $0x0;
	v5 =	vadd.s32 v0, v5  }
0x71: {  	v5 =	vsel vm1, $0x0, v5  }
0x72: {  	v6 =	vshll.u32 v5, $0x4  }
0x73: {  	v5 =	vand.u32 $0x7, v5;
	v6 =	vand.u32 $0xFFFFFF80, v6  }
0x74: {  	v5 =	vor.u32 v5, v6  }
0x75: {  	v6 =	vperm.xlane v5, v1;
	_ =	sdelay $0x1  }
0x76: {  	v6 =	vadd.s32 v2, v6;
	_ =	sdelay $0x1  }
0x77: {  	v5 =	vperm.xlane v5, v3;
	_ =	sdelay $0x1  }
0x78: {  	s9 =	simm.s32 $0x9080;
	v5 =	vadd.s32 v2, v5  }
0x79: {  	[tilespmem:s9], [sflag:$0x6] =	stream.indirect_vreg.gather [hbm4b:s3+s5], $0x80, v6, vm0, $0xb8;
	[tilespmem:$0x15080] =	vst v63  }
0x7a: {  	s10 =	simm.s32 $0x9880  }
0x7b: {  	[tilespmem:s10], [sflag:$0x6] =	stream.indirect_vreg.gather [hbm4b:s0+s5], $0x80, v6, vm0, $0xb8;
	[tilespmem:$0x15080] =	vst v63  }
0x7c: {  	s11 =	simm.s32 $0xA080  }
0x7d: {  	[tilespmem:s11], [sflag:$0x6] =	stream.indirect_vreg.gather [hbm4b:s3+s5], $0x80, v5, vm0, $0xb8;
	[tilespmem:$0x15080] =	vst v63  }
0x7e: {  	s12 =	simm.s32 $0xA880  }
0x7f: {  	[tilespmem:s12], [sflag:$0x6] =	stream.indirect_vreg.gather [hbm4b:s0+s5], $0x80, v5, vm0, $0xb8;
	[tilespmem:$0x15080] =	vst v63  }
0x80: {  	v5 =	vld [tilespmem:$0x110];
	_ =	sdelay $0x4  }
0x81: {  	vm1 =	veq.s32 v5, $0x0;
	v5 =	vadd.s32 v4, v5  }
0x82: {  	v5 =	vsel vm1, $0x0, v5  }
0x83: {  	v6 =	vshll.u32 v5, $0x4  }
0x84: {  	v5 =	vand.u32 $0x7, v5;
	v6 =	vand.u32 $0xFFFFFF80, v6  }
0x85: {  	v5 =	vor.u32 v5, v6  }
0x86: {  	v6 =	vperm.xlane v5, v1;
	_ =	sdelay $0x1  }
0x87: {  	v6 =	vadd.s32 v2, v6;
	_ =	sdelay $0x1  }
0x88: {  	v5 =	vperm.xlane v5, v3;
	_ =	sdelay $0x1  }
0x89: {  	s13 =	simm.s32 $0xB080;
	v5 =	vadd.s32 v2, v5  }
0x8a: {  	[tilespmem:s13], [sflag:$0x7] =	stream.indirect_vreg.gather [hbm4b:s3+s5], $0x80, v6, vm0, $0xb8;
	[tilespmem:$0x15080] =	vst v63  }
0x8b: {  	s18 =	simm.s32 $0xB880  }
0x8c: {  	[tilespmem:s18], [sflag:$0x7] =	stream.indirect_vreg.gather [hbm4b:s0+s5], $0x80, v6, vm0, $0xb8;
	[tilespmem:$0x15080] =	vst v63  }
0x8d: {  	s21 =	simm.s32 $0xC080  }
0x8e: {  	[tilespmem:s21], [sflag:$0x7] =	stream.indirect_vreg.gather [hbm4b:s3+s5], $0x80, v5, vm0, $0xb8;
	[tilespmem:$0x15080] =	vst v63  }
0x8f: {  	s22 =	simm.s32 $0xC880  }
0x90: {  	[tilespmem:s22], [sflag:$0x7] =	stream.indirect_vreg.gather [hbm4b:s0+s5], $0x80, v5, vm0, $0xb8;
	[tilespmem:$0x15080] =	vst v63  }
0x91: {  	v5 =	vld [tilespmem:$0x180];
	_ =	sdelay $0x4  }
0x92: {  	vm1 =	veq.s32 v5, $0x0;
	v5 =	vadd.s32 v0, v5  }
0x93: {  	v5 =	vsel vm1, $0x0, v5  }
0x94: {  	v6 =	vshll.u32 v5, $0x4  }
0x95: {  	v5 =	vand.u32 $0x7, v5;
	v6 =	vand.u32 $0xFFFFFF80, v6  }
0x96: {  	v5 =	vor.u32 v5, v6  }
0x97: {  	v6 =	vperm.xlane v5, v1;
	_ =	sdelay $0x1  }
0x98: {  	v6 =	vadd.s32 v2, v6;
	_ =	sdelay $0x1  }
0x99: {  	v5 =	vperm.xlane v5, v3;
	_ =	sdelay $0x1  }
0x9a: {  	s23 =	simm.s32 $0xD080;
	v5 =	vadd.s32 v2, v5  }
0x9b: {  	[tilespmem:s23], [sflag:$0x8] =	stream.indirect_vreg.gather [hbm4b:s3+s5], $0x80, v6, vm0, $0xb8;
	[tilespmem:$0x15080] =	vst v63  }
0x9c: {  	s24 =	simm.s32 $0xD880  }
0x9d: {  	[tilespmem:s24], [sflag:$0x8] =	stream.indirect_vreg.gather [hbm4b:s0+s5], $0x80, v6, vm0, $0xb8;
	[tilespmem:$0x15080] =	vst v63  }
0x9e: {  	s25 =	simm.s32 $0xE080  }
0x9f: {  	[tilespmem:s25], [sflag:$0x8] =	stream.indirect_vreg.gather [hbm4b:s3+s5], $0x80, v5, vm0, $0xb8;
	[tilespmem:$0x15080] =	vst v63  }
0xa0: {  	s26 =	simm.s32 $0xE880  }
0xa1: {  	[tilespmem:s26], [sflag:$0x8] =	stream.indirect_vreg.gather [hbm4b:s0+s5], $0x80, v5, vm0, $0xb8;
	[tilespmem:$0x15080] =	vst v63  }
0xa2: {  	v5 =	vld [tilespmem:$0x190];
	_ =	sdelay $0x4  }
0xa3: {  	vm1 =	veq.s32 v5, $0x0;
	v5 =	vadd.s32 v4, v5  }
0xa4: {  	v5 =	vsel vm1, $0x0, v5  }
0xa5: {  	v6 =	vshll.u32 v5, $0x4  }
0xa6: {  	v5 =	vand.u32 $0x7, v5;
	v6 =	vand.u32 $0xFFFFFF80, v6  }
0xa7: {  	v5 =	vor.u32 v5, v6  }
0xa8: {  	v6 =	vperm.xlane v5, v1;
	_ =	sdelay $0x1  }
0xa9: {  	v6 =	vadd.s32 v2, v6;
	_ =	sdelay $0x1  }
0xaa: {  	v5 =	vperm.xlane v5, v3;
	_ =	sdelay $0x1  }
0xab: {  	s28 =	simm.s32 $0xF080;
	v5 =	vadd.s32 v2, v5  }
0xac: {  	[tilespmem:s28], [sflag:$0x9] =	stream.indirect_vreg.gather [hbm4b:s3+s5], $0x80, v6, vm0, $0xb8;
	[tilespmem:$0x15080] =	vst v63  }
0xad: {  	s29 =	simm.s32 $0xF880  }
0xae: {  	[tilespmem:s29], [sflag:$0x9] =	stream.indirect_vreg.gather [hbm4b:s0+s5], $0x80, v6, vm0, $0xb8;
	[tilespmem:$0x15080] =	vst v63  }
0xaf: {  	s30 =	simm.s32 $0x10080  }
0xb0: {  	[tilespmem:s30], [sflag:$0x9] =	stream.indirect_vreg.gather [hbm4b:s3+s5], $0x80, v5, vm0, $0xb8;
	[tilespmem:$0x15080] =	vst v63  }
0xb1: {  	s31 =	simm.s32 $0x10880;
	s24 =	simm.s32 $0x0  }
0xb2: {  	[tilespmem:s31], [sflag:$0x9] =	stream.indirect_vreg.gather [hbm4b:s0+s5], $0x80, v5, vm0, $0xb8;
	[tilespmem:$0x15080] =	vst v63  }
.LBB2_2:
0xb3: {  	s26 =	sand.u32 $0x3, s24;
	p0 =	seq.s32 s24, $0x0  }
0xb4: {  	p1 =	seq.s32 @!p0 s26, $0x0  }
0xb5: {  	p0 =	por p0, !p1  }
.Ltmp0:
0xb6: {  	_ = 	snop;
	(pc) =	sbr.rel @p0 .LBB2_3-.Ltmp0, $2  }
0xb7: {  	_ =	sdelay $0x2  }
0xb8: {  	s25 =	sshrl.u32 s24, $0x2  }
0xb9: {  	p0 =	slt.u32 s24, $0x8;
	s0 =	sand.u32 $0x4, s24  }
0xba: {  	p1 =	sne.s32 @!p0 s0, $0x0  }
0xbb: {  	p1 =	por p1, p0  }
0xbc: {  	s1 =	sand.u32 $0x1, s25;
	p3 =	sgt.u32 s24, $0x7B;
	s0 =	simm.s32 @!p1 $0xA  }
0xbd: {  	p2 =	seq.s32 s1, $0x1;
	s1 =	sand.u32 $0x3, s25;
	_ =	swait.ge @!p1 [sflag:s0], $0x2000  }
0xbe: {  	p2 =	por !p2, p0;
	p0 =	sne.s32 @!p3 s1, $0x3;
	[sflag:s0] =	ssyncset.done @!p1 $0x0  }
0xbf: {  	p0 =	por p0, p3;
	[sflag:s0] =	ssyncadd.s32 @!p1 $0xFFFFE000;
	s0 =	simm.s32 @!p2 $0xB  }
0xc0: {  	s8 =	sshrl.u32 @!p0 s24, $0x4;
	_ =	swait.ge @!p2 [sflag:s0], $0x2000  }
0xc1: {  	s8 =	sadd.s32 @!p0 $0x1, s8;
	[sflag:s0] =	ssyncset.done @!p2 $0x0;
	s2 =	rddreg [dreg:$0x5]  }
0xc2: {  	[sflag:s0] =	ssyncadd.s32 @!p2 $0xFFFFE000;
	s0 =	sshll.u32 @!p0 s8, $0x8;
	s8 =	sshll.u32 @!p0 s8, $0xB  }
0xc3: {  	s9 =	simm.s32 @!p0 $0x0;
	s8 =	sand.u32 @!p0 $0x800, s8;
	s0 =	sadd.s32 @!p0 s0, s2  }
0xc4: {  	[tilespmem:s8], [sflag:$0xC] =	stream.linear.gather @!p0 [hbm4b:s0+s9], $0x800, $0x38;
	[tilespmem:$0x15080] =	vst v63  }
0xc5: {  	s0 =	simm.s32 @!p0 $0xC  }
0xc6: {  	_ =	swait.ge @!p0 [sflag:s0], $0x800  }
0xc7: {  	[sflag:s0] =	ssyncset.done @!p0 $0x0  }
0xc8: {  	s13 =	sand.u32 $0x70, s24;
	[sflag:s0] =	ssyncadd.s32 @!p0 $0xFFFFF800  }
0xc9: {  	v5 =	vld [tilespmem:s13+$0x1000];
	_ =	sdelay $0x4  }
0xca: {  	v6 =	vshll.u32 v5, $0x4  }
0xcb: {  	v5 =	vand.u32 $0x7, v5;
	v6 =	vand.u32 $0xFFFFFF80, v6  }
0xcc: {  	v5 =	vor.u32 v5, v6  }
0xcd: {  	v6 =	vperm.xlane v5, v1;
	_ =	sdelay $0x1  }
0xce: {  	v6 =	vadd.s32 v2, v6;
	_ =	sdelay $0x1  }
0xcf: {  	s18 =	sshll.u32 s25, $0xD;
	v5 =	vperm.xlane v5, v3  }
0xd0: {  	s1 =	sshll.u32 s1, $0x9;
	s0 =	sand.u32 $0x2000, s18;
	s22 =	rddreg [dreg:$0x1]  }
0xd1: {  	s21 =	sor.u32 $0x11080, s0;
	s1 =	sadd.s32 s22, s1;
	v5 =	vadd.s32 v2, v5  }
0xd2: {  	[tilespmem:s21], [sflag:$0x1] =	stream.indirect_vreg.gather [hbm4b:s1+s5], $0x80, v6, vm0, $0xb8;
	[tilespmem:$0x15080] =	vst v63  }
0xd3: {  	s28 =	sor.u32 $0x11880, s0;
	s23 =	sadd.s32 $0x100, s1  }
0xd4: {  	[tilespmem:s28], [sflag:$0x1] =	stream.indirect_vreg.gather [hbm4b:s23+s5], $0x80, v6, vm0, $0xb8;
	[tilespmem:$0x15080] =	vst v63  }
0xd5: {  	s29 =	sadd.s32 $0x12080, s0  }
0xd6: {  	[tilespmem:s29], [sflag:$0x1] =	stream.indirect_vreg.gather [hbm4b:s1+s5], $0x80, v5, vm0, $0xb8;
	[tilespmem:$0x15080] =	vst v63  }
.Ltmp1:
0xd7: {  	s31 =	simm.s32 $0x1;
	s30 =	sadd.s32 $0x12880, s0;
	(pc) =	sbr.rel .LBB2_5-.Ltmp1, $4  }
0xd8: {  	[tilespmem:s30], [sflag:$0x1] =	stream.indirect_vreg.gather [hbm4b:s23+s5], $0x80, v5, vm0, $0xb8;
	[tilespmem:$0x15080] =	vst v63  }
0xd9: {  	_ =	swait.ge [sflag:s31], $0x2000  }
0xda: {  	[sflag:s31] =	ssyncset.done $0x0  }
0xdb: {  	[sflag:s31] =	ssyncadd.s32 $0xFFFFE000  }
.LBB2_3:
0xdc: {  	s0 =	sshll.u32 s25, $0xD  }
0xdd: {  	s0 =	sand.u32 $0x2000, s0  }
.LBB2_5:
0xde: {  	s1 =	simm.s32 $0x0;
	s2 =	simm.s32 $0x2  }
0xdf: {  	_ =	swait.ge [sflag:s2], $0x2000;
	s22 =	sand.u32 $0x60, s1;
	s9 =	sand.u32 $0xC00, s1  }
0xe0: {  	[sflag:s2] =	ssyncset.done $0x0;
	s8 =	sor.u32 $0x1080, s9;
	s12 =	sor.u32 $0x10, s22  }
0xe1: {  	[sflag:s2] =	ssyncadd.s32 $0xFFFFE000;
	s10 =	sor.u32 s12, s8  }
0xe2: {  	v5 =	vld [tilespmem:s10+$0x0]  }
0xe3: {  	v6 =	vld [tilespmem:s10+$0x80];
	_ =	sdelay $0x1  }
0xe4: {  	v7 =	vld [tilespmem:s10+$0x100];
	_ =	sdelay $0x1  }
0xe5: {  	s8 =	sor.u32 s22, s8;
	v8 =	vld [tilespmem:s10+$0x180]  }
0xe6: {  	s11 =	sand.u32 $0x3, s1;
	v9 =	vld [tilespmem:s8+$0x0];
	v5 =	vadd.f32 v6, v5  }
0xe7: {  	s11 =	sshll.u32 s11, $0x5;
	v6 =	vld [tilespmem:s10+$0x200]  }
0xe8: {  	s11 =	sadd.s32 $0x0, s11;
	v10 =	vld [tilespmem:s8+$0x80];
	v5 =	vadd.f32 v7, v5  }
0xe9: {  	s4 =	sadd.s32 $0x10, s11;
	v7 =	vld [tilespmem:s10+$0x280]  }
0xea: {  	v11 =	vld [tilespmem:s8+$0x100];
	s21 =	sor.u32 $0x300, s4;
	v5 =	vadd.f32 v8, v5  }
0xeb: {  	v8 =	vld [tilespmem:s21+$0x1080]  }
0xec: {  	v12 =	vld [tilespmem:s8+$0x180];
	s10 =	sor.u32 $0x380, s4;
	v5 =	vadd.f32 v6, v5  }
0xed: {  	s21 =	sor.u32 $0x2080, s9;
	v6 =	vld [tilespmem:s10+$0x1080]  }
0xee: {  	v13 =	vld [tilespmem:s8+$0x200];
	s7 =	sor.u32 s12, s21;
	v5 =	vadd.f32 v7, v5  }
0xef: {  	s23 =	sor.u32 $0x2100, s9;
	v7 =	vld [tilespmem:s7+$0x0]  }
0xf0: {  	s1 =	sor.u32 s1, s1;
	s13 =	sor.u32 s12, s23;
	v14 =	vld [tilespmem:s8+$0x280];
	v5 =	vadd.f32 v8, v5  }
0xf1: {  	s1 =	sor.u32 $0x380, s1;
	s18 =	sor.u32 $0x300, s11;
	s11 =	sor.u32 $0x2180, s9;
	v8 =	vld [tilespmem:s13+$0x0]  }
0xf2: {  	v16 =	vld [tilespmem:s1+$0x1080];
	s2 =	sor.u32 s12, s11;
	v5 =	vadd.f32 v6, v5  }
0xf3: {  	s10 =	sor.u32 $0x2200, s9;
	v6 =	vld [tilespmem:s2+$0x0]  }
0xf4: {  	v15 =	vld [tilespmem:s18+$0x1080];
	s4 =	sor.u32 s12, s10;
	v5 =	vadd.f32 v7, v5  }
0xf5: {  	s18 =	sor.u32 s22, s23;
	s7 =	sor.u32 s22, s21;
	s21 =	sor.u32 $0x2280, s9;
	v7 =	vld [tilespmem:s4+$0x0]  }
0xf6: {  	v18 =	vld [tilespmem:s18+$0x0];
	s13 =	sor.u32 s12, s21;
	v5 =	vadd.f32 v8, v5  }
0xf7: {  	s23 =	sor.u32 $0x2300, s9;
	s10 =	sor.u32 s22, s10;
	v8 =	vld [tilespmem:s13+$0x0]  }
0xf8: {  	v20 =	vld [tilespmem:s10+$0x0];
	s2 =	sor.u32 s12, s23;
	v5 =	vadd.f32 v6, v5  }
0xf9: {  	s30 =	sshll.u32 s24, $0xB;
	s4 =	sor.u32 s22, s11;
	s11 =	sor.u32 $0x2380, s9;
	v6 =	vld [tilespmem:s2+$0x0]  }
0xfa: {  	v17 =	vld [tilespmem:s7+$0x0];
	s7 =	sand.u32 $0x1000, s30;
	s13 =	sor.u32 s12, s11;
	v5 =	vadd.f32 v7, v5  }
0xfb: {  	s29 =	sadd.s32 $0x2400, s9;
	s0 =	sadd.s32 s7, s0;
	s7 =	sor.u32 s22, s21;
	v7 =	vld [tilespmem:s13+$0x0]  }
0xfc: {  	s28 =	sshll.u32 s24, $0x9;
	s18 =	sor.u32 s12, s29;
	v21 =	vld [tilespmem:s7+$0x0];
	v5 =	vadd.f32 v8, v5  }
0xfd: {  	s31 =	sand.u32 $0x200, s28;
	s8 =	sor.u32 s22, s23;
	v8 =	vld [tilespmem:s18+$0x0]  }
0xfe: {  	s7 =	simm.s32 $0x100;
	v19 =	vld [tilespmem:s4+$0x0];
	s4 =	simm.s32 $0x20;
	s11 =	sor.u32 s22, s11;
	v5 =	vadd.f32 v6, v5  }
0xff: {  	s2 =	sadd.s32 s31, s0;
	s0 =	sand.u32 $0x60, s4;
	v6 =	vld [tilespmem:s8+$0x0];
	s8 =	sand.u32 $0xC00, s7  }
0x100: {  	v22 =	vld [tilespmem:s11+$0x0];
	s11 =	sor.u32 $0x10, s0;
	s13 =	sor.u32 s22, s29;
	s18 =	sor.u32 $0x1080, s8;
	v5 =	vadd.f32 v7, v5  }
0x101: {  	s28 =	sadd.s32 $0x11080, s2;
	v23 =	vld [tilespmem:s13+$0x0];
	s2 =	sor.u32 s11, s18  }
0x102: {  	s23 =	sadd.s32 s9, s28;
	v7 =	vld [tilespmem:s2+$0x0];
	v5 =	vadd.f32 v8, v5  }
0x103: {  	s9 =	sadd.s32 s12, s23;
	v8 =	vadd.f32 v10, v9;
	v9 =	vld [tilespmem:s2+$0x80]  }
0x104: {  	[tilespmem:s9+$0x0] =	vst.add.f32.msk $0xffff, v5  }
0x105: {  	v5 =	vadd.f32 v11, v8;
	v8 =	vld [tilespmem:s2+$0x100]  }
0x106: {  	s9 =	sor.u32 s0, s18;
	v11 =	vld [tilespmem:s2+$0x180]  }
0x107: {  	s21 =	simm.s32 $0x1;
	v10 =	vld [tilespmem:s9+$0x0]  }
0x108: {  	s13 =	sand.u32 $0x3, s21;
	v5 =	vadd.f32 v12, v5;
	v7 =	vadd.f32 v9, v7;
	v9 =	vld [tilespmem:s9+$0x80]  }
0x109: {  	s10 =	sshll.u32 s13, $0x5;
	v12 =	vld [tilespmem:s2+$0x200]  }
0x10a: {  	s10 =	sadd.s32 $0x100, s10;
	v5 =	vadd.f32 v13, v5;
	v7 =	vadd.f32 v8, v7;
	v8 =	vld [tilespmem:s9+$0x100]  }
0x10b: {  	s18 =	sadd.s32 $0x10, s10;
	v13 =	vld [tilespmem:s2+$0x280]  }
0x10c: {  	s2 =	sor.u32 $0x300, s18;
	v5 =	vadd.f32 v14, v5;
	v7 =	vadd.f32 v11, v7;
	v11 =	vld [tilespmem:s9+$0x180]  }
0x10d: {  	v14 =	vld [tilespmem:s2+$0x1080];
	v9 =	vadd.f32 v9, v10  }
0x10e: {  	s1 =	sor.u32 $0x380, s18;
	v5 =	vadd.f32 v15, v5;
	v10 =	vld [tilespmem:s9+$0x200];
	v7 =	vadd.f32 v12, v7  }
0x10f: {  	s12 =	sor.u32 $0x2080, s8;
	v12 =	vld [tilespmem:s1+$0x1080];
	v8 =	vadd.f32 v8, v9  }
0x110: {  	v5 =	vadd.f32 v16, v5;
	v9 =	vld [tilespmem:s9+$0x280];
	s9 =	sor.u32 s11, s12;
	v7 =	vadd.f32 v13, v7  }
0x111: {  	s13 =	sor.u32 $0x300, s10;
	s10 =	sor.u32 $0x2100, s8;
	v13 =	vld [tilespmem:s9+$0x0];
	v8 =	vadd.f32 v11, v8  }
0x112: {  	s18 =	sor.u32 s7, s4;
	s2 =	sor.u32 s11, s10;
	v5 =	vadd.f32 v17, v5;
	v11 =	vld [tilespmem:s13+$0x1080];
	v7 =	vadd.f32 v14, v7  }
0x113: {  	s7 =	sor.u32 $0x2180, s8;
	s1 =	sor.u32 $0x380, s18;
	v14 =	vld [tilespmem:s2+$0x0];
	v8 =	vadd.f32 v10, v8  }
0x114: {  	s4 =	sor.u32 s11, s7;
	v5 =	vadd.f32 v18, v5;
	v10 =	vld [tilespmem:s1+$0x1080];
	v7 =	vadd.f32 v12, v7  }
0x115: {  	s9 =	sor.u32 $0x2200, s8;
	s13 =	sor.u32 s0, s12;
	v12 =	vld [tilespmem:s4+$0x0];
	v8 =	vadd.f32 v9, v8  }
0x116: {  	s18 =	sor.u32 s11, s9;
	v5 =	vadd.f32 v19, v5;
	v9 =	vld [tilespmem:s13+$0x0];
	v7 =	vadd.f32 v13, v7  }
0x117: {  	s2 =	sor.u32 s0, s10;
	s10 =	sor.u32 $0x2280, s8;
	v13 =	vld [tilespmem:s18+$0x0];
	v8 =	vadd.f32 v11, v8  }
0x118: {  	s4 =	sor.u32 s11, s10;
	v5 =	vadd.f32 v20, v5;
	v11 =	vld [tilespmem:s2+$0x0];
	v7 =	vadd.f32 v14, v7  }
0x119: {  	s7 =	sor.u32 s0, s7;
	s12 =	sor.u32 $0x2300, s8;
	v14 =	vld [tilespmem:s4+$0x0];
	v8 =	vadd.f32 v10, v8  }
0x11a: {  	s13 =	sor.u32 s11, s12;
	v5 =	vadd.f32 v21, v5;
	v10 =	vld [tilespmem:s7+$0x0];
	v7 =	vadd.f32 v12, v7  }
0x11b: {  	s18 =	sor.u32 s0, s9;
	v15 =	vld [tilespmem:s13+$0x0];
	s2 =	sor.u32 $0x2380, s8;
	v8 =	vadd.f32 v9, v8  }
0x11c: {  	s9 =	sor.u32 s11, s2;
	v5 =	vadd.f32 v6, v5;
	v6 =	vld [tilespmem:s18+$0x0];
	v9 =	vadd.f32 v13, v7  }
0x11d: {  	s10 =	sor.u32 s0, s10;
	s13 =	sadd.s32 $0x2400, s8;
	v7 =	vld [tilespmem:s9+$0x0];
	v11 =	vadd.f32 v11, v8  }
0x11e: {  	s29 =	sshll.u32 s24, $0x3;
	s22 =	sadd.s32 s22, s23;
	s18 =	sor.u32 s11, s13;
	v5 =	vadd.f32 v22, v5;
	v13 =	vadd.f32 v14, v9;
	v9 =	vld [tilespmem:s10+$0x0]  }
0x11f: {  	s23 =	simm.s32 $0x40;
	s1 =	sor.u32 s0, s2;
	s7 =	sor.u32 s0, s12;
	v8 =	vld [tilespmem:s18+$0x0];
	v12 =	vadd.f32 v10, v11  }
0x120: {  	s12 =	simm.s32 $0x200;
	s9 =	simm.s32 $0x2;
	s10 =	sor.u32 s0, s13;
	v5 =	vadd.f32 v23, v5;
	v10 =	vld [tilespmem:s7+$0x0];
	v11 =	vadd.f32 v15, v13  }
.LBB2_6:
0x121: {  	s4 =	sand.u32 $0x60, s23;
	s7 =	sand.u32 $0xC00, s12;
	s18 =	sor.u32 s12, s23;
	v6 =	vadd.f32 v6, v12;
	v12 =	vld [tilespmem:s1+$0x0]  }
0x122: {  	s9 =	sadd.s32 $0x2, s9;
	s1 =	sor.u32 $0x1080, s7;
	s2 =	sor.u32 $0x10, s4;
	v13 =	vld [tilespmem:s10+$0x0];
	v7 =	vadd.f32 v7, v11  }
0x123: {  	p0 =	slt.u32 s9, $0x1E;
	s10 =	sor.u32 s4, s1;
	s13 =	sor.u32 s2, s1;
	v6 =	vadd.f32 v9, v6;
	[tilespmem:s22+$0x0] =	vst.add.f32.msk $0xffff, v5  }
0x124: {  	s1 =	sor.u32 $0x380, s18;
	s18 =	sadd.s32 s8, s28;
	s8 =	smov.u32 s7;
	v9 =	vld [tilespmem:s13+$0x0];
	v5 =	vadd.f32 v8, v7  }
0x125: {  	s22 =	sadd.s32 s0, s18;
	s7 =	sadd.s32 s11, s18;
	s0 =	smov.u32 s4;
	v7 =	vld [tilespmem:s13+$0x80];
	v6 =	vadd.f32 v10, v6  }
0x126: {  	s11 =	smov.u32 s2;
	[tilespmem:s7+$0x0] =	vst.add.f32.msk $0xffff, v5  }
0x127: {  	v8 =	vld [tilespmem:s13+$0x100];
	v5 =	vadd.f32 v12, v6  }
0x128: {  	v6 =	vld [tilespmem:s10+$0x0]  }
0x129: {  	s21 =	sadd.s32 $0x1, s21;
	v10 =	vld [tilespmem:s13+$0x180];
	v5 =	vadd.f32 v13, v5  }
0x12a: {  	s2 =	sand.u32 $0x3, s21;
	v11 =	vld [tilespmem:s10+$0x80];
	v7 =	vadd.f32 v7, v9  }
0x12b: {  	s2 =	sshll.u32 s2, $0x5;
	v9 =	vld [tilespmem:s13+$0x200]  }
0x12c: {  	s2 =	sadd.s32 s2, s12;
	v12 =	vld [tilespmem:s10+$0x100];
	v7 =	vadd.f32 v8, v7  }
0x12d: {  	s4 =	sor.u32 $0x300, s2;
	s2 =	sadd.s32 $0x10, s2;
	v8 =	vld [tilespmem:s13+$0x280]  }
0x12e: {  	s7 =	sor.u32 $0x300, s2;
	v13 =	vld [tilespmem:s10+$0x180];
	v7 =	vadd.f32 v10, v7  }
0x12f: {  	v6 =	vadd.f32 v11, v6;
	v10 =	vld [tilespmem:s7+$0x1080]  }
0x130: {  	s2 =	sor.u32 $0x380, s2;
	v11 =	vld [tilespmem:s10+$0x200];
	v7 =	vadd.f32 v9, v7  }
0x131: {  	s7 =	sor.u32 $0x2080, s8;
	v6 =	vadd.f32 v12, v6;
	v9 =	vld [tilespmem:s2+$0x1080]  }
0x132: {  	s2 =	sor.u32 s0, s7;
	s7 =	sor.u32 s11, s7;
	v12 =	vld [tilespmem:s10+$0x280];
	v7 =	vadd.f32 v8, v7  }
0x133: {  	s10 =	sor.u32 $0x2100, s8;
	v6 =	vadd.f32 v13, v6;
	v8 =	vld [tilespmem:s7+$0x0]  }
0x134: {  	s7 =	sor.u32 s11, s10;
	v13 =	vld [tilespmem:s4+$0x1080];
	s4 =	sor.u32 s0, s10;
	v7 =	vadd.f32 v10, v7  }
0x135: {  	s10 =	sor.u32 $0x2180, s8;
	v6 =	vadd.f32 v11, v6;
	v10 =	vld [tilespmem:s7+$0x0]  }
0x136: {  	s7 =	sor.u32 s11, s10;
	v11 =	vld [tilespmem:s1+$0x1080];
	s1 =	sor.u32 s0, s10;
	v7 =	vadd.f32 v9, v7  }
0x137: {  	s10 =	sor.u32 $0x2200, s8;
	v6 =	vadd.f32 v12, v6;
	v9 =	vld [tilespmem:s7+$0x0]  }
0x138: {  	s7 =	sor.u32 s11, s10;
	v12 =	vld [tilespmem:s2+$0x0];
	s2 =	sor.u32 s0, s10;
	v7 =	vadd.f32 v8, v7  }
0x139: {  	s10 =	sor.u32 $0x2280, s8;
	v6 =	vadd.f32 v13, v6;
	v8 =	vld [tilespmem:s7+$0x0]  }
0x13a: {  	s7 =	sor.u32 s11, s10;
	v13 =	vld [tilespmem:s4+$0x0];
	s4 =	sor.u32 s0, s10;
	v7 =	vadd.f32 v10, v7  }
0x13b: {  	s10 =	sor.u32 $0x2300, s8;
	v6 =	vadd.f32 v11, v6;
	v10 =	vld [tilespmem:s7+$0x0]  }
0x13c: {  	s7 =	sor.u32 s0, s10;
	v11 =	vld [tilespmem:s1+$0x0];
	v7 =	vadd.f32 v9, v7;
	s1 =	sor.u32 s11, s10  }
0x13d: {  	s10 =	sor.u32 $0x2380, s8;
	v9 =	vadd.f32 v12, v6;
	v14 =	vld [tilespmem:s1+$0x0]  }
.Ltmp2:
0x13e: {  	s1 =	sor.u32 s0, s10;
	v6 =	vld [tilespmem:s2+$0x0];
	v8 =	vadd.f32 v8, v7;
	s2 =	sor.u32 s11, s10;
	(pc) =	sbr.rel @p0 .LBB2_6-.Ltmp2, $4  }
0x13f: {  	s13 =	sadd.s32 $0x2400, s8;
	v12 =	vadd.f32 v13, v9;
	v7 =	vld [tilespmem:s2+$0x0]  }
0x140: {  	s10 =	sor.u32 s0, s13;
	s2 =	sor.u32 s11, s13;
	v9 =	vld [tilespmem:s4+$0x0];
	v13 =	vadd.f32 v10, v8  }
0x141: {  	v12 =	vadd.f32 v11, v12;
	v8 =	vld [tilespmem:s2+$0x0]  }
0x142: {  	s23 =	sadd.s32 $0x20, s23;
	s12 =	sadd.s32 $0x100, s12;
	v10 =	vld [tilespmem:s7+$0x0];
	v11 =	vadd.f32 v14, v13  }
0x143: {  	v6 =	vadd.f32 v6, v12  }
0x144: {  	v12 =	vld [tilespmem:s1+$0x0]  }
0x145: {  	v6 =	vadd.f32 v9, v6  }
0x146: {  	v9 =	vld [tilespmem:s10+$0x0]  }
0x147: {  	v6 =	vadd.f32 v10, v6  }
0x148: {  	v7 =	vadd.f32 v7, v11  }
0x149: {  	p0 =	seq.s32 s24, $0x7F;
	v6 =	vadd.f32 v12, v6  }
0x14a: {  	s23 =	sadd.s32 s8, s28;
	s2 =	sadd.s32 @!p0 $0x8, s29;
	v7 =	vadd.f32 v8, v7  }
0x14b: {  	[tilespmem:s22+$0x0] =	vst.add.f32.msk $0xffff, v5;
	s4 =	sadd.s32 s11, s23;
	s7 =	sshll.u32 @!p0 s2, $0x4;
	s2 =	sshll.u32 @!p0 s2, $0x6;
	v5 =	vadd.f32 v9, v6  }
0x14c: {  	s0 =	sadd.s32 s0, s23;
	s1 =	sand.u32 @!p0 $0x800, s7;
	s2 =	sand.u32 @!p0 $0x600, s2;
	[tilespmem:s4+$0x0] =	vst.add.f32.msk $0xffff, v7  }
0x14d: {  	[tilespmem:s0+$0x0] =	vst.add.f32.msk $0xffff, v5;
	s0 =	sor.u32 @!p0 s2, s1  }
0x14e: {  	v5 =	vld @!p0 [tilespmem:s0+$0x0];
	_ =	sdelay $0x1  }
0x14f: {  	v6 =	vlaneseq.u32 @!p0  }
0x150: {  	v7 =	vmul.u32 @!p0 $0x803, v6;
	_ =	sdelay $0x1  }
0x151: {  	vm1 =	veq.s32 @!p0 v5, $0x0;
	v5 =	vadd.s32 @!p0 v7, v5  }
0x152: {  	v5 =	vsel @!p0 vm1, $0x0, v5  }
0x153: {  	v7 =	vshll.u32 @!p0 v5, $0x4  }
0x154: {  	v5 =	vand.u32 @!p0 $0x7, v5;
	v7 =	vand.u32 @!p0 $0xFFFFFF80, v7  }
0x155: {  	v8 =	vshrl.u32 @!p0 v6, $0x3;
	v5 =	vor.u32 @!p0 v5, v7;
	v7 =	vand.u32 @!p0 $0x7, v6  }
0x156: {  	v8 =	vmul.u32 @!p0 $0x8, v8;
	v7 =	vperm.xlane @!p0 v5, v7;
	_ =	sdelay $0x1  }
0x157: {  	v7 =	vadd.s32 @!p0 v8, v7  }
0x158: {  	v6 =	vor.u32 @!p0 $0x8, v6  }
0x159: {  	v5 =	vperm.xlane @!p0 v5, v6  }
0x15a: {  	s0 =	sand.u32 @!p0 $0x600, s7  }
0x15b: {  	s1 =	simm.s32 @!p0 $0x0;
	s2 =	simm.s32 @!p0 $0x1080;
	s0 =	sadd.s32 @!p0 s3, s0;
	vm1 =	vmmov @!p0 $0xffff;
	v5 =	vadd.s32 @!p0 v8, v5  }
0x15c: {  	[tilespmem:s2], [sflag:$0x2] =	stream.indirect_vreg.gather @!p0 [hbm4b:s0+s1], $0x80, v7, vm1, $0xb8;
	[tilespmem:$0x15080] =	vst v63  }
0x15d: {  	s4 =	simm.s32 @!p0 $0x1880;
	s2 =	sadd.s32 @!p0 $0x100, s0  }
0x15e: {  	[tilespmem:s4], [sflag:$0x2] =	stream.indirect_vreg.gather @!p0 [hbm4b:s2+s1], $0x80, v7, vm1, $0xb8;
	[tilespmem:$0x15080] =	vst v63  }
0x15f: {  	s4 =	simm.s32 @!p0 $0x2080  }
0x160: {  	[tilespmem:s4], [sflag:$0x2] =	stream.indirect_vreg.gather @!p0 [hbm4b:s0+s1], $0x80, v5, vm1, $0xb8;
	[tilespmem:$0x15080] =	vst v63  }
0x161: {  	s0 =	simm.s32 @!p0 $0x2880  }
0x162: {  	[tilespmem:s0], [sflag:$0x2] =	stream.indirect_vreg.gather @!p0 [hbm4b:s2+s1], $0x80, v5, vm1, $0xb8;
	[tilespmem:$0x15080] =	vst v63  }
0x163: {  	s4 =	simm.s32 $0x3;
	s2 =	simm.s32 $0x0  }
0x164: {  	_ =	swait.ge [sflag:s4], $0x2000;
	s11 =	sand.u32 $0x60, s2;
	s12 =	sand.u32 $0xC00, s2  }
0x165: {  	[sflag:s4] =	ssyncset.done $0x0;
	s0 =	sor.u32 $0x3080, s12;
	s9 =	sor.u32 $0x10, s11  }
0x166: {  	s7 =	sor.u32 $0x3100, s12;
	[sflag:s4] =	ssyncadd.s32 $0xFFFFE000;
	s8 =	sor.u32 s9, s0  }
0x167: {  	s10 =	sor.u32 s9, s7;
	v5 =	vld [tilespmem:s8+$0x0]  }
0x168: {  	s13 =	sor.u32 $0x3180, s12;
	v6 =	vld [tilespmem:s10+$0x0]  }
0x169: {  	s18 =	sor.u32 s9, s13  }
0x16a: {  	s21 =	sor.u32 $0x3200, s12;
	v7 =	vld [tilespmem:s18+$0x0]  }
0x16b: {  	s22 =	sor.u32 s9, s21  }
0x16c: {  	s0 =	sor.u32 s11, s0;
	s8 =	sor.u32 $0x3280, s12;
	v8 =	vld [tilespmem:s22+$0x0]  }
0x16d: {  	v9 =	vld [tilespmem:s0+$0x0];
	s23 =	sor.u32 s9, s8;
	v5 =	vadd.f32 v6, v5  }
0x16e: {  	s2 =	sor.u32 $0x3300, s12;
	s1 =	sor.u32 s11, s7;
	v6 =	vld [tilespmem:s23+$0x0]  }
0x16f: {  	v10 =	vld [tilespmem:s1+$0x0];
	s10 =	sor.u32 s9, s2;
	v5 =	vadd.f32 v7, v5  }
0x170: {  	s13 =	sor.u32 s11, s13;
	s4 =	sor.u32 $0x3380, s12;
	v7 =	vld [tilespmem:s10+$0x0]  }
0x171: {  	v11 =	vld [tilespmem:s13+$0x0];
	s18 =	sor.u32 s9, s4;
	v5 =	vadd.f32 v8, v5  }
0x172: {  	s21 =	sor.u32 s11, s21;
	s7 =	sadd.s32 $0x3400, s12;
	v8 =	vld [tilespmem:s18+$0x0]  }
0x173: {  	v12 =	vld [tilespmem:s21+$0x0];
	s22 =	sor.u32 s9, s7;
	v5 =	vadd.f32 v6, v5  }
0x174: {  	s13 =	sor.u32 s11, s2;
	s23 =	sor.u32 s11, s8;
	s8 =	sor.u32 $0x4080, s12;
	v6 =	vld [tilespmem:s22+$0x0]  }
0x175: {  	v14 =	vld [tilespmem:s13+$0x0];
	s10 =	sor.u32 s9, s8;
	v5 =	vadd.f32 v7, v5  }
0x176: {  	s2 =	sor.u32 $0x4100, s12;
	s21 =	sor.u32 s11, s4;
	v7 =	vld [tilespmem:s10+$0x0]  }
0x177: {  	v15 =	vld [tilespmem:s21+$0x0];
	s18 =	sor.u32 s9, s2;
	v5 =	vadd.f32 v8, v5  }
0x178: {  	s4 =	sor.u32 $0x4180, s12;
	v8 =	vld [tilespmem:s18+$0x0]  }
0x179: {  	v13 =	vld [tilespmem:s23+$0x0];
	s22 =	sor.u32 s9, s4;
	v5 =	vadd.f32 v6, v5  }
0x17a: {  	s21 =	sor.u32 s11, s2;
	s23 =	sor.u32 s11, s7;
	s7 =	sor.u32 $0x4200, s12;
	v6 =	vld [tilespmem:s22+$0x0]  }
0x17b: {  	v18 =	vld [tilespmem:s21+$0x0];
	s10 =	sor.u32 s9, s7;
	v5 =	vadd.f32 v7, v5  }
0x17c: {  	s13 =	sor.u32 s11, s8;
	s8 =	sor.u32 $0x4280, s12;
	v7 =	vld [tilespmem:s10+$0x0]  }
0x17d: {  	v16 =	vld [tilespmem:s23+$0x0];
	s18 =	sor.u32 s9, s8;
	v5 =	vadd.f32 v8, v5  }
0x17e: {  	s2 =	sor.u32 $0x4300, s12;
	v8 =	vld [tilespmem:s18+$0x0]  }
0x17f: {  	v17 =	vld [tilespmem:s13+$0x0];
	s22 =	sor.u32 s9, s2;
	v5 =	vadd.f32 v6, v5  }
0x180: {  	s23 =	sor.u32 s11, s4;
	s4 =	sor.u32 $0x4380, s12;
	v6 =	vld [tilespmem:s22+$0x0]  }
0x181: {  	v19 =	vld [tilespmem:s23+$0x0];
	s1 =	sor.u32 s9, s4;
	v5 =	vadd.f32 v7, v5  }
0x182: {  	s21 =	sor.u32 s11, s8;
	s10 =	sor.u32 s11, s7;
	s7 =	sadd.s32 $0x4400, s12;
	v7 =	vld [tilespmem:s1+$0x0]  }
0x183: {  	v21 =	vld [tilespmem:s21+$0x0];
	s18 =	sor.u32 s9, s7;
	v5 =	vadd.f32 v8, v5  }
0x184: {  	s13 =	sand.u32 $0x3000, s30;
	s23 =	simm.s32 $0x100;
	v8 =	vld [tilespmem:s18+$0x0]  }
0x185: {  	s4 =	sor.u32 s11, s4;
	s8 =	simm.s32 $0x20;
	v20 =	vld [tilespmem:s10+$0x0];
	s10 =	sor.u32 s31, s13;
	v5 =	vadd.f32 v6, v5  }
0x186: {  	v22 =	vld [tilespmem:s4+$0x0];
	s31 =	sand.u32 $0x60, s8;
	s8 =	sand.u32 $0xC00, s23;
	s13 =	sor.u32 s11, s7  }
0x187: {  	s0 =	sor.u32 $0x10, s31;
	v23 =	vld [tilespmem:s13+$0x0];
	s22 =	sor.u32 s11, s2;
	s18 =	sor.u32 $0x3080, s8;
	v5 =	vadd.f32 v7, v5  }
0x188: {  	s30 =	sadd.s32 $0x11080, s10;
	s7 =	sor.u32 $0x3100, s8;
	s21 =	sor.u32 s0, s18;
	v6 =	vld [tilespmem:s22+$0x0]  }
0x189: {  	s12 =	sadd.s32 s12, s30;
	s22 =	sor.u32 s0, s7;
	v7 =	vld [tilespmem:s21+$0x0];
	v5 =	vadd.f32 v8, v5  }
0x18a: {  	s23 =	sor.u32 $0x3180, s8;
	s9 =	sadd.s32 s9, s12;
	v8 =	vadd.f32 v10, v9;
	v9 =	vld [tilespmem:s22+$0x0]  }
0x18b: {  	s10 =	sor.u32 s0, s23;
	[tilespmem:s9+$0x0] =	vst.add.f32.msk $0xffff, v5  }
0x18c: {  	s13 =	sor.u32 $0x3200, s8;
	s2 =	sor.u32 s31, s18;
	v5 =	vadd.f32 v11, v8;
	v8 =	vld [tilespmem:s10+$0x0]  }
0x18d: {  	s18 =	sor.u32 s0, s13;
	v10 =	vld [tilespmem:s2+$0x0]  }
0x18e: {  	s1 =	sor.u32 s31, s7;
	s9 =	sor.u32 $0x3280, s8;
	v11 =	vld [tilespmem:s18+$0x0]  }
0x18f: {  	s21 =	sor.u32 s0, s9;
	v5 =	vadd.f32 v12, v5;
	v7 =	vadd.f32 v9, v7;
	v9 =	vld [tilespmem:s1+$0x0]  }
0x190: {  	s22 =	sor.u32 s31, s23;
	s23 =	sor.u32 $0x3300, s8;
	v12 =	vld [tilespmem:s21+$0x0]  }
0x191: {  	s2 =	sor.u32 s0, s23;
	v5 =	vadd.f32 v13, v5;
	v7 =	vadd.f32 v8, v7;
	v8 =	vld [tilespmem:s22+$0x0]  }
0x192: {  	s10 =	sor.u32 s31, s13;
	s13 =	sor.u32 $0x3380, s8;
	v13 =	vld [tilespmem:s2+$0x0]  }
0x193: {  	s18 =	sor.u32 s0, s13;
	v5 =	vadd.f32 v14, v5;
	v7 =	vadd.f32 v11, v7;
	v11 =	vld [tilespmem:s10+$0x0]  }
0x194: {  	s21 =	sor.u32 s31, s9;
	s9 =	sadd.s32 $0x3400, s8;
	v14 =	vld [tilespmem:s18+$0x0];
	v9 =	vadd.f32 v9, v10  }
0x195: {  	s22 =	sor.u32 s0, s9;
	v5 =	vadd.f32 v15, v5;
	v10 =	vld [tilespmem:s21+$0x0];
	v7 =	vadd.f32 v12, v7  }
0x196: {  	s7 =	sor.u32 $0x4080, s8;
	s23 =	sor.u32 s31, s23;
	v12 =	vld [tilespmem:s22+$0x0];
	v8 =	vadd.f32 v8, v9  }
0x197: {  	s10 =	sor.u32 s0, s7;
	v5 =	vadd.f32 v16, v5;
	v9 =	vld [tilespmem:s23+$0x0];
	v7 =	vadd.f32 v13, v7  }
0x198: {  	s13 =	sor.u32 s31, s13;
	s18 =	sor.u32 $0x4100, s8;
	v13 =	vld [tilespmem:s10+$0x0];
	v8 =	vadd.f32 v11, v8  }
0x199: {  	s21 =	sor.u32 s0, s18;
	v5 =	vadd.f32 v17, v5;
	v11 =	vld [tilespmem:s13+$0x0];
	v7 =	vadd.f32 v14, v7  }
0x19a: {  	s22 =	sor.u32 s31, s9;
	s23 =	sor.u32 $0x4180, s8;
	v14 =	vld [tilespmem:s21+$0x0];
	v8 =	vadd.f32 v10, v8  }
0x19b: {  	s2 =	sor.u32 s0, s23;
	v5 =	vadd.f32 v18, v5;
	v10 =	vld [tilespmem:s22+$0x0];
	v7 =	vadd.f32 v12, v7  }
0x19c: {  	s7 =	sor.u32 s31, s7;
	s10 =	sor.u32 $0x4200, s8;
	v12 =	vld [tilespmem:s2+$0x0];
	v8 =	vadd.f32 v9, v8  }
0x19d: {  	s13 =	sor.u32 s0, s10;
	v5 =	vadd.f32 v19, v5;
	v9 =	vld [tilespmem:s7+$0x0];
	v7 =	vadd.f32 v13, v7  }
0x19e: {  	s18 =	sor.u32 s31, s18;
	s21 =	sor.u32 $0x4280, s8;
	v13 =	vld [tilespmem:s13+$0x0];
	v8 =	vadd.f32 v11, v8  }
0x19f: {  	s22 =	sor.u32 s0, s21;
	v5 =	vadd.f32 v20, v5;
	v11 =	vld [tilespmem:s18+$0x0];
	v7 =	vadd.f32 v14, v7  }
0x1a0: {  	s9 =	sor.u32 $0x4300, s8;
	s23 =	sor.u32 s31, s23;
	v14 =	vld [tilespmem:s22+$0x0];
	v8 =	vadd.f32 v10, v8  }
0x1a1: {  	s2 =	sor.u32 s0, s9;
	v5 =	vadd.f32 v21, v5;
	v10 =	vld [tilespmem:s23+$0x0];
	v7 =	vadd.f32 v12, v7  }
0x1a2: {  	s7 =	sor.u32 s31, s10;
	s10 =	sor.u32 $0x4380, s8;
	v15 =	vld [tilespmem:s2+$0x0];
	v8 =	vadd.f32 v9, v8  }
0x1a3: {  	s13 =	sor.u32 s0, s10;
	v5 =	vadd.f32 v6, v5;
	v6 =	vld [tilespmem:s7+$0x0];
	v9 =	vadd.f32 v13, v7  }
0x1a4: {  	s18 =	sor.u32 s31, s21;
	s22 =	sadd.s32 $0x4400, s8;
	v7 =	vld [tilespmem:s13+$0x0];
	v11 =	vadd.f32 v11, v8  }
0x1a5: {  	s11 =	sadd.s32 s11, s12;
	s23 =	sor.u32 s0, s22;
	v5 =	vadd.f32 v22, v5;
	v13 =	vadd.f32 v14, v9;
	v9 =	vld [tilespmem:s18+$0x0]  }
0x1a6: {  	s9 =	sor.u32 s31, s9;
	s1 =	sor.u32 s31, s10;
	s21 =	simm.s32 $0x2;
	v8 =	vld [tilespmem:s23+$0x0];
	v12 =	vadd.f32 v10, v11  }
0x1a7: {  	s10 =	sor.u32 s31, s22;
	s22 =	simm.s32 $0x40;
	v5 =	vadd.f32 v23, v5;
	v10 =	vld [tilespmem:s9+$0x0];
	s9 =	simm.s32 $0x200;
	v11 =	vadd.f32 v15, v13  }
.LBB2_8:
0x1a8: {  	s2 =	sand.u32 $0x60, s22;
	s4 =	sand.u32 $0xC00, s9;
	v6 =	vadd.f32 v6, v12;
	v12 =	vld [tilespmem:s1+$0x0]  }
0x1a9: {  	s21 =	sadd.s32 $0x2, s21;
	s1 =	sor.u32 $0x3080, s4;
	s7 =	sor.u32 $0x10, s2;
	v13 =	vld [tilespmem:s10+$0x0];
	v7 =	vadd.f32 v7, v11  }
0x1aa: {  	s10 =	sor.u32 $0x3100, s4;
	p1 =	slt.u32 s21, $0x1E;
	s12 =	sor.u32 s7, s1;
	v6 =	vadd.f32 v9, v6;
	[tilespmem:s11+$0x0] =	vst.add.f32.msk $0xffff, v5  }
0x1ab: {  	s8 =	sadd.s32 s8, s30;
	s1 =	sor.u32 s2, s1;
	s11 =	sor.u32 s7, s10;
	v9 =	vld [tilespmem:s12+$0x0];
	v5 =	vadd.f32 v8, v7  }
0x1ac: {  	s0 =	sadd.s32 s0, s8;
	s10 =	sor.u32 s2, s10;
	s12 =	sor.u32 $0x3180, s4;
	v7 =	vld [tilespmem:s11+$0x0];
	v6 =	vadd.f32 v10, v6  }
0x1ad: {  	s13 =	sor.u32 s2, s12;
	s12 =	sor.u32 s7, s12;
	s11 =	sadd.s32 s31, s8;
	[tilespmem:s0+$0x0] =	vst.add.f32.msk $0xffff, v5  }
0x1ae: {  	s31 =	smov.u32 s2;
	s8 =	smov.u32 s4;
	s0 =	sor.u32 $0x3200, s4;
	v8 =	vld [tilespmem:s12+$0x0];
	v5 =	vadd.f32 v12, v6  }
0x1af: {  	s2 =	sor.u32 s7, s0;
	v6 =	vld [tilespmem:s1+$0x0];
	s1 =	sor.u32 s31, s0;
	s0 =	smov.u32 s7  }
0x1b0: {  	s4 =	sor.u32 $0x3280, s8;
	v10 =	vld [tilespmem:s2+$0x0];
	v5 =	vadd.f32 v13, v5  }
0x1b1: {  	s2 =	sor.u32 s31, s4;
	s4 =	sor.u32 s0, s4;
	v11 =	vld [tilespmem:s10+$0x0];
	v7 =	vadd.f32 v7, v9  }
0x1b2: {  	s7 =	sor.u32 $0x3300, s8;
	v9 =	vld [tilespmem:s4+$0x0]  }
0x1b3: {  	s4 =	sor.u32 s31, s7;
	s7 =	sor.u32 s0, s7;
	v12 =	vld [tilespmem:s13+$0x0];
	v7 =	vadd.f32 v8, v7  }
0x1b4: {  	s10 =	sor.u32 $0x3380, s8;
	v8 =	vld [tilespmem:s7+$0x0]  }
0x1b5: {  	s7 =	sor.u32 s0, s10;
	v13 =	vld [tilespmem:s1+$0x0];
	s1 =	sor.u32 s31, s10;
	v7 =	vadd.f32 v10, v7  }
0x1b6: {  	s10 =	sadd.s32 $0x3400, s8;
	v6 =	vadd.f32 v11, v6;
	v10 =	vld [tilespmem:s7+$0x0]  }
0x1b7: {  	s7 =	sor.u32 s0, s10;
	v11 =	vld [tilespmem:s2+$0x0];
	s2 =	sor.u32 s31, s10;
	v7 =	vadd.f32 v9, v7  }
0x1b8: {  	s10 =	sor.u32 $0x4080, s8;
	v6 =	vadd.f32 v12, v6;
	v9 =	vld [tilespmem:s7+$0x0]  }
0x1b9: {  	s7 =	sor.u32 s0, s10;
	v12 =	vld [tilespmem:s4+$0x0];
	s4 =	sor.u32 s31, s10;
	v7 =	vadd.f32 v8, v7  }
0x1ba: {  	s10 =	sor.u32 $0x4100, s8;
	v6 =	vadd.f32 v13, v6;
	v8 =	vld [tilespmem:s7+$0x0]  }
0x1bb: {  	s7 =	sor.u32 s0, s10;
	v13 =	vld [tilespmem:s1+$0x0];
	s1 =	sor.u32 s31, s10;
	v7 =	vadd.f32 v10, v7  }
0x1bc: {  	s10 =	sor.u32 $0x4180, s8;
	v6 =	vadd.f32 v11, v6;
	v10 =	vld [tilespmem:s7+$0x0]  }
0x1bd: {  	s7 =	sor.u32 s0, s10;
	v11 =	vld [tilespmem:s2+$0x0];
	s2 =	sor.u32 s31, s10;
	v7 =	vadd.f32 v9, v7  }
0x1be: {  	s10 =	sor.u32 $0x4200, s8;
	v6 =	vadd.f32 v12, v6;
	v9 =	vld [tilespmem:s7+$0x0]  }
0x1bf: {  	s7 =	sor.u32 s0, s10;
	v12 =	vld [tilespmem:s4+$0x0];
	s4 =	sor.u32 s31, s10;
	v7 =	vadd.f32 v8, v7  }
0x1c0: {  	s10 =	sor.u32 $0x4280, s8;
	v6 =	vadd.f32 v13, v6;
	v8 =	vld [tilespmem:s7+$0x0]  }
0x1c1: {  	s7 =	sor.u32 s31, s10;
	v13 =	vld [tilespmem:s1+$0x0];
	v7 =	vadd.f32 v10, v7;
	s1 =	sor.u32 s0, s10  }
0x1c2: {  	s10 =	sor.u32 $0x4300, s8;
	v6 =	vadd.f32 v11, v6;
	v10 =	vld [tilespmem:s1+$0x0]  }
0x1c3: {  	s1 =	sor.u32 s0, s10;
	v11 =	vld [tilespmem:s2+$0x0];
	s2 =	sor.u32 s31, s10;
	v7 =	vadd.f32 v9, v7  }
0x1c4: {  	s10 =	sor.u32 $0x4380, s8;
	v9 =	vadd.f32 v12, v6;
	v14 =	vld [tilespmem:s1+$0x0]  }
.Ltmp3:
0x1c5: {  	s1 =	sor.u32 s31, s10;
	v6 =	vld [tilespmem:s4+$0x0];
	v8 =	vadd.f32 v8, v7;
	s4 =	sor.u32 s0, s10;
	(pc) =	sbr.rel @p1 .LBB2_8-.Ltmp3, $4  }
0x1c6: {  	s12 =	sadd.s32 $0x4400, s8;
	v12 =	vadd.f32 v13, v9;
	v7 =	vld [tilespmem:s4+$0x0]  }
0x1c7: {  	s10 =	sor.u32 s31, s12;
	s4 =	sor.u32 s0, s12;
	v9 =	vld [tilespmem:s7+$0x0];
	v13 =	vadd.f32 v10, v8  }
0x1c8: {  	v12 =	vadd.f32 v11, v12;
	v8 =	vld [tilespmem:s4+$0x0]  }
0x1c9: {  	s9 =	sadd.s32 $0x100, s9;
	s22 =	sadd.s32 $0x20, s22;
	v10 =	vld [tilespmem:s2+$0x0];
	v11 =	vadd.f32 v14, v13  }
0x1ca: {  	v6 =	vadd.f32 v6, v12  }
0x1cb: {  	v12 =	vld [tilespmem:s1+$0x0]  }
0x1cc: {  	v6 =	vadd.f32 v9, v6  }
0x1cd: {  	v9 =	vld [tilespmem:s10+$0x0]  }
0x1ce: {  	v6 =	vadd.f32 v10, v6  }
0x1cf: {  	v7 =	vadd.f32 v7, v11  }
0x1d0: {  	v6 =	vadd.f32 v12, v6  }
0x1d1: {  	s23 =	sadd.s32 s8, s30;
	s2 =	sadd.s32 @!p0 $0x9, s29;
	v7 =	vadd.f32 v8, v7  }
0x1d2: {  	[tilespmem:s11+$0x0] =	vst.add.f32.msk $0xffff, v5;
	s0 =	sadd.s32 s0, s23;
	s4 =	sshll.u32 @!p0 s2, $0x4;
	s2 =	sshll.u32 @!p0 s2, $0x6;
	v5 =	vadd.f32 v9, v6  }
0x1d3: {  	s1 =	sadd.s32 s31, s23;
	s2 =	sand.u32 @!p0 $0x600, s2;
	[tilespmem:s0+$0x0] =	vst.add.f32.msk $0xffff, v7;
	s0 =	sand.u32 @!p0 $0x800, s4  }
0x1d4: {  	s0 =	sor.u32 @!p0 s2, s0;
	[tilespmem:s1+$0x0] =	vst.add.f32.msk $0xffff, v5  }
0x1d5: {  	v5 =	vld @!p0 [tilespmem:s0+$0x10]  }
0x1d6: {  	v6 =	vlaneseq.u32 @!p0  }
0x1d7: {  	v7 =	vmul.u32 @!p0 $0x803, v6;
	_ =	sdelay $0x1  }
0x1d8: {  	v7 =	vadd.s32 @!p0 $0x8030, v7  }
0x1d9: {  	vm2 =	veq.s32 @!p0 v5, $0x0;
	v5 =	vadd.s32 @!p0 v7, v5  }
0x1da: {  	v5 =	vsel @!p0 vm2, $0x0, v5  }
0x1db: {  	v7 =	vshll.u32 @!p0 v5, $0x4  }
0x1dc: {  	v5 =	vand.u32 @!p0 $0x7, v5;
	v7 =	vand.u32 @!p0 $0xFFFFFF80, v7  }
0x1dd: {  	v8 =	vshrl.u32 @!p0 v6, $0x3;
	v5 =	vor.u32 @!p0 v5, v7;
	v7 =	vand.u32 @!p0 $0x7, v6  }
0x1de: {  	v8 =	vmul.u32 @!p0 $0x8, v8;
	v7 =	vperm.xlane @!p0 v5, v7;
	_ =	sdelay $0x1  }
0x1df: {  	v7 =	vadd.s32 @!p0 v8, v7  }
0x1e0: {  	v6 =	vor.u32 @!p0 $0x8, v6  }
0x1e1: {  	v5 =	vperm.xlane @!p0 v5, v6  }
0x1e2: {  	s0 =	sand.u32 @!p0 $0x600, s4  }
0x1e3: {  	s2 =	simm.s32 @!p0 $0x3080;
	s1 =	simm.s32 @!p0 $0x0;
	s0 =	sadd.s32 @!p0 s3, s0;
	v5 =	vadd.s32 @!p0 v8, v5  }
0x1e4: {  	[tilespmem:s2], [sflag:$0x3] =	stream.indirect_vreg.gather @!p0 [hbm4b:s0+s1], $0x80, v7, vm1, $0xb8;
	[tilespmem:$0x15080] =	vst v63  }
0x1e5: {  	s4 =	simm.s32 @!p0 $0x3880;
	s2 =	sadd.s32 @!p0 $0x100, s0  }
0x1e6: {  	[tilespmem:s4], [sflag:$0x3] =	stream.indirect_vreg.gather @!p0 [hbm4b:s2+s1], $0x80, v7, vm1, $0xb8;
	[tilespmem:$0x15080] =	vst v63  }
0x1e7: {  	s4 =	simm.s32 @!p0 $0x4080  }
0x1e8: {  	[tilespmem:s4], [sflag:$0x3] =	stream.indirect_vreg.gather @!p0 [hbm4b:s0+s1], $0x80, v5, vm1, $0xb8;
	[tilespmem:$0x15080] =	vst v63  }
0x1e9: {  	s0 =	simm.s32 @!p0 $0x4880  }
0x1ea: {  	[tilespmem:s0], [sflag:$0x3] =	stream.indirect_vreg.gather @!p0 [hbm4b:s2+s1], $0x80, v5, vm1, $0xb8;
	[tilespmem:$0x15080] =	vst v63  }
0x1eb: {  	s2 =	simm.s32 $0x0  }
0x1ec: {  	_ =	swait.ge [sflag:s14], $0x2000;
	s11 =	sand.u32 $0x60, s2;
	s12 =	sand.u32 $0xC00, s2  }
0x1ed: {  	[sflag:s14] =	ssyncset.done $0x0;
	s0 =	sor.u32 $0x5080, s12;
	s9 =	sor.u32 $0x10, s11  }
0x1ee: {  	s4 =	sor.u32 $0x5100, s12;
	[sflag:s14] =	ssyncadd.s32 $0xFFFFE000;
	s10 =	sor.u32 s9, s0  }
0x1ef: {  	s13 =	sor.u32 s9, s4;
	v5 =	vld [tilespmem:s10+$0x0]  }
0x1f0: {  	s18 =	sor.u32 $0x5180, s12;
	v6 =	vld [tilespmem:s13+$0x0]  }
0x1f1: {  	s21 =	sor.u32 s9, s18  }
0x1f2: {  	s7 =	sor.u32 $0x5200, s12;
	v7 =	vld [tilespmem:s21+$0x0]  }
0x1f3: {  	s22 =	sor.u32 s9, s7  }
0x1f4: {  	s8 =	sor.u32 $0x5280, s12;
	s0 =	sor.u32 s11, s0;
	v8 =	vld [tilespmem:s22+$0x0]  }
0x1f5: {  	s23 =	sor.u32 s9, s8;
	v9 =	vld [tilespmem:s0+$0x0];
	v5 =	vadd.f32 v6, v5  }
0x1f6: {  	s2 =	sor.u32 $0x5300, s12;
	s1 =	sor.u32 s11, s4;
	v6 =	vld [tilespmem:s23+$0x0]  }
0x1f7: {  	v10 =	vld [tilespmem:s1+$0x0];
	s10 =	sor.u32 s9, s2;
	v5 =	vadd.f32 v7, v5  }
0x1f8: {  	s4 =	sor.u32 $0x5380, s12;
	s13 =	sor.u32 s11, s18;
	v7 =	vld [tilespmem:s10+$0x0]  }
0x1f9: {  	s18 =	sor.u32 s9, s4;
	v11 =	vld [tilespmem:s13+$0x0];
	v5 =	vadd.f32 v8, v5  }
0x1fa: {  	s21 =	sor.u32 s11, s7;
	s7 =	sadd.s32 $0x5400, s12;
	v8 =	vld [tilespmem:s18+$0x0]  }
0x1fb: {  	v12 =	vld [tilespmem:s21+$0x0];
	s22 =	sor.u32 s9, s7;
	v5 =	vadd.f32 v6, v5  }
0x1fc: {  	s13 =	sor.u32 s11, s2;
	s23 =	sor.u32 s11, s8;
	s8 =	sor.u32 $0x6080, s12;
	v6 =	vld [tilespmem:s22+$0x0]  }
0x1fd: {  	v14 =	vld [tilespmem:s13+$0x0];
	s10 =	sor.u32 s9, s8;
	v5 =	vadd.f32 v7, v5  }
0x1fe: {  	s2 =	sor.u32 $0x6100, s12;
	s21 =	sor.u32 s11, s4;
	v7 =	vld [tilespmem:s10+$0x0]  }
0x1ff: {  	v15 =	vld [tilespmem:s21+$0x0];
	s18 =	sor.u32 s9, s2;
	v5 =	vadd.f32 v8, v5  }
0x200: {  	s4 =	sor.u32 $0x6180, s12;
	v8 =	vld [tilespmem:s18+$0x0]  }
0x201: {  	v13 =	vld [tilespmem:s23+$0x0];
	s22 =	sor.u32 s9, s4;
	v5 =	vadd.f32 v6, v5  }
0x202: {  	s21 =	sor.u32 s11, s2;
	s23 =	sor.u32 s11, s7;
	s7 =	sor.u32 $0x6200, s12;
	v6 =	vld [tilespmem:s22+$0x0]  }
0x203: {  	v18 =	vld [tilespmem:s21+$0x0];
	s10 =	sor.u32 s9, s7;
	v5 =	vadd.f32 v7, v5  }
0x204: {  	s13 =	sor.u32 s11, s8;
	s8 =	sor.u32 $0x6280, s12;
	v7 =	vld [tilespmem:s10+$0x0]  }
0x205: {  	v16 =	vld [tilespmem:s23+$0x0];
	s18 =	sor.u32 s9, s8;
	v5 =	vadd.f32 v8, v5  }
0x206: {  	s2 =	sor.u32 $0x6300, s12;
	v8 =	vld [tilespmem:s18+$0x0]  }
0x207: {  	v17 =	vld [tilespmem:s13+$0x0];
	s22 =	sor.u32 s9, s2;
	v5 =	vadd.f32 v6, v5  }
0x208: {  	s23 =	sor.u32 s11, s4;
	s4 =	sor.u32 $0x6380, s12;
	v6 =	vld [tilespmem:s22+$0x0]  }
0x209: {  	v19 =	vld [tilespmem:s23+$0x0];
	s1 =	sor.u32 s9, s4;
	v5 =	vadd.f32 v7, v5  }
0x20a: {  	s13 =	sadd.s32 $0x6400, s12;
	s21 =	sor.u32 s11, s8;
	v7 =	vld [tilespmem:s1+$0x0]  }
0x20b: {  	v21 =	vld [tilespmem:s21+$0x0];
	s18 =	sor.u32 s9, s13;
	v5 =	vadd.f32 v8, v5  }
0x20c: {  	s4 =	sor.u32 s11, s4;
	v8 =	vld [tilespmem:s18+$0x0]  }
0x20d: {  	s23 =	simm.s32 $0x100;
	v22 =	vld [tilespmem:s4+$0x0];
	s8 =	simm.s32 $0x20;
	s10 =	sor.u32 s11, s7;
	v5 =	vadd.f32 v6, v5  }
0x20e: {  	s0 =	sand.u32 $0xC00, s23;
	s31 =	sand.u32 $0x60, s8;
	v20 =	vld [tilespmem:s10+$0x0];
	s10 =	sor.u32 s11, s13  }
0x20f: {  	s8 =	sor.u32 $0x10, s31;
	s13 =	sor.u32 $0x5080, s0;
	v23 =	vld [tilespmem:s10+$0x0];
	s22 =	sor.u32 s11, s2;
	v5 =	vadd.f32 v7, v5  }
0x210: {  	s21 =	sor.u32 s8, s13;
	s1 =	sor.u32 $0x5100, s0;
	s18 =	sadd.s32 s12, s30;
	v6 =	vld [tilespmem:s22+$0x0]  }
0x211: {  	s12 =	sadd.s32 $0x80, s18;
	s22 =	sor.u32 s8, s1;
	v7 =	vld [tilespmem:s21+$0x0];
	v5 =	vadd.f32 v8, v5  }
0x212: {  	s23 =	sor.u32 $0x5180, s0;
	s9 =	sadd.s32 s9, s12;
	v8 =	vadd.f32 v10, v9;
	v9 =	vld [tilespmem:s22+$0x0]  }
0x213: {  	s10 =	sor.u32 s8, s23;
	[tilespmem:s9+$0x0] =	vst.add.f32.msk $0xffff, v5  }
0x214: {  	s2 =	sor.u32 s31, s13;
	s13 =	sor.u32 $0x5200, s0;
	v5 =	vadd.f32 v11, v8;
	v8 =	vld [tilespmem:s10+$0x0]  }
0x215: {  	s18 =	sor.u32 s8, s13;
	v10 =	vld [tilespmem:s2+$0x0]  }
0x216: {  	s1 =	sor.u32 s31, s1;
	s9 =	sor.u32 $0x5280, s0;
	v11 =	vld [tilespmem:s18+$0x0]  }
0x217: {  	s21 =	sor.u32 s8, s9;
	v5 =	vadd.f32 v12, v5;
	v7 =	vadd.f32 v9, v7;
	v9 =	vld [tilespmem:s1+$0x0]  }
0x218: {  	s22 =	sor.u32 s31, s23;
	s23 =	sor.u32 $0x5300, s0;
	v12 =	vld [tilespmem:s21+$0x0]  }
0x219: {  	s2 =	sor.u32 s8, s23;
	v5 =	vadd.f32 v13, v5;
	v7 =	vadd.f32 v8, v7;
	v8 =	vld [tilespmem:s22+$0x0]  }
0x21a: {  	s10 =	sor.u32 s31, s13;
	s13 =	sor.u32 $0x5380, s0;
	v13 =	vld [tilespmem:s2+$0x0]  }
0x21b: {  	s18 =	sor.u32 s8, s13;
	v5 =	vadd.f32 v14, v5;
	v7 =	vadd.f32 v11, v7;
	v11 =	vld [tilespmem:s10+$0x0]  }
0x21c: {  	s21 =	sor.u32 s31, s9;
	s9 =	sadd.s32 $0x5400, s0;
	v14 =	vld [tilespmem:s18+$0x0];
	v9 =	vadd.f32 v9, v10  }
0x21d: {  	s22 =	sor.u32 s8, s9;
	v5 =	vadd.f32 v15, v5;
	v10 =	vld [tilespmem:s21+$0x0];
	v7 =	vadd.f32 v12, v7  }
0x21e: {  	s4 =	sor.u32 $0x6080, s0;
	s23 =	sor.u32 s31, s23;
	v12 =	vld [tilespmem:s22+$0x0];
	v8 =	vadd.f32 v8, v9  }
0x21f: {  	s10 =	sor.u32 s8, s4;
	v5 =	vadd.f32 v16, v5;
	v9 =	vld [tilespmem:s23+$0x0];
	v7 =	vadd.f32 v13, v7  }
0x220: {  	s13 =	sor.u32 s31, s13;
	s18 =	sor.u32 $0x6100, s0;
	v13 =	vld [tilespmem:s10+$0x0];
	v8 =	vadd.f32 v11, v8  }
0x221: {  	s21 =	sor.u32 s8, s18;
	v5 =	vadd.f32 v17, v5;
	v11 =	vld [tilespmem:s13+$0x0];
	v7 =	vadd.f32 v14, v7  }
0x222: {  	s22 =	sor.u32 s31, s9;
	s23 =	sor.u32 $0x6180, s0;
	v14 =	vld [tilespmem:s21+$0x0];
	v8 =	vadd.f32 v10, v8  }
0x223: {  	s2 =	sor.u32 s8, s23;
	v5 =	vadd.f32 v18, v5;
	v10 =	vld [tilespmem:s22+$0x0];
	v7 =	vadd.f32 v12, v7  }
0x224: {  	s4 =	sor.u32 s31, s4;
	s10 =	sor.u32 $0x6200, s0;
	v12 =	vld [tilespmem:s2+$0x0];
	v8 =	vadd.f32 v9, v8  }
0x225: {  	s13 =	sor.u32 s8, s10;
	v5 =	vadd.f32 v19, v5;
	v9 =	vld [tilespmem:s4+$0x0];
	v7 =	vadd.f32 v13, v7  }
0x226: {  	s18 =	sor.u32 s31, s18;
	s21 =	sor.u32 $0x6280, s0;
	v13 =	vld [tilespmem:s13+$0x0];
	v8 =	vadd.f32 v11, v8  }
0x227: {  	s22 =	sor.u32 s8, s21;
	v5 =	vadd.f32 v20, v5;
	v11 =	vld [tilespmem:s18+$0x0];
	v7 =	vadd.f32 v14, v7  }
0x228: {  	s9 =	sor.u32 $0x6300, s0;
	s23 =	sor.u32 s31, s23;
	v14 =	vld [tilespmem:s22+$0x0];
	v8 =	vadd.f32 v10, v8  }
0x229: {  	s2 =	sor.u32 s8, s9;
	v5 =	vadd.f32 v21, v5;
	v10 =	vld [tilespmem:s23+$0x0];
	v7 =	vadd.f32 v12, v7  }
0x22a: {  	s4 =	sor.u32 s31, s10;
	s10 =	sor.u32 $0x6380, s0;
	v15 =	vld [tilespmem:s2+$0x0];
	v8 =	vadd.f32 v9, v8  }
0x22b: {  	s13 =	sor.u32 s8, s10;
	v5 =	vadd.f32 v6, v5;
	v9 =	vadd.f32 v13, v7;
	v7 =	vld [tilespmem:s4+$0x0]  }
0x22c: {  	s18 =	sor.u32 s31, s21;
	s22 =	sadd.s32 $0x6400, s0;
	v6 =	vld [tilespmem:s13+$0x0];
	v11 =	vadd.f32 v11, v8  }
0x22d: {  	s11 =	sadd.s32 s11, s12;
	s23 =	sor.u32 s8, s22;
	v5 =	vadd.f32 v22, v5;
	v13 =	vadd.f32 v14, v9;
	v9 =	vld [tilespmem:s18+$0x0]  }
0x22e: {  	s9 =	sor.u32 s31, s9;
	s1 =	sor.u32 s31, s10;
	s21 =	simm.s32 $0x2;
	v8 =	vld [tilespmem:s23+$0x0];
	v12 =	vadd.f32 v10, v11  }
0x22f: {  	s10 =	sor.u32 s31, s22;
	s22 =	simm.s32 $0x40;
	v5 =	vadd.f32 v23, v5;
	v10 =	vld [tilespmem:s9+$0x0];
	s9 =	simm.s32 $0x200;
	v11 =	vadd.f32 v15, v13  }
.LBB2_10:
0x230: {  	s2 =	sand.u32 $0x60, s22;
	v7 =	vadd.f32 v7, v12;
	v12 =	vld [tilespmem:s1+$0x0];
	s1 =	sadd.s32 s0, s30;
	s0 =	sand.u32 $0xC00, s9  }
0x231: {  	s21 =	sadd.s32 $0x2, s21;
	s4 =	sor.u32 $0x5080, s0;
	s7 =	sor.u32 $0x10, s2;
	v13 =	vld [tilespmem:s10+$0x0];
	v6 =	vadd.f32 v6, v11  }
0x232: {  	s10 =	sor.u32 $0x5100, s0;
	p1 =	slt.u32 s21, $0x1E;
	s12 =	sor.u32 s7, s4;
	v7 =	vadd.f32 v9, v7;
	[tilespmem:s11+$0x0] =	vst.add.f32.msk $0xffff, v5  }
0x233: {  	s1 =	sadd.s32 $0x80, s1;
	s4 =	sor.u32 s2, s4;
	s11 =	sor.u32 s7, s10;
	v9 =	vld [tilespmem:s12+$0x0];
	v5 =	vadd.f32 v8, v6  }
0x234: {  	s10 =	sor.u32 s2, s10;
	s8 =	sadd.s32 s8, s1;
	s12 =	sor.u32 $0x5180, s0;
	v6 =	vld [tilespmem:s11+$0x0];
	v7 =	vadd.f32 v10, v7  }
0x235: {  	s13 =	sor.u32 s2, s12;
	s12 =	sor.u32 s7, s12;
	s11 =	sadd.s32 s31, s1;
	[tilespmem:s8+$0x0] =	vst.add.f32.msk $0xffff, v5  }
0x236: {  	s1 =	sor.u32 $0x5200, s0;
	s31 =	smov.u32 s2;
	s8 =	smov.u32 s7;
	v8 =	vld [tilespmem:s12+$0x0];
	v5 =	vadd.f32 v12, v7  }
0x237: {  	s2 =	sor.u32 s31, s1;
	s1 =	sor.u32 s8, s1;
	v7 =	vld [tilespmem:s4+$0x0]  }
0x238: {  	s4 =	sor.u32 $0x5280, s0;
	v10 =	vld [tilespmem:s1+$0x0];
	v5 =	vadd.f32 v13, v5  }
0x239: {  	s1 =	sor.u32 s31, s4;
	s4 =	sor.u32 s8, s4;
	v11 =	vld [tilespmem:s10+$0x0];
	v6 =	vadd.f32 v6, v9  }
0x23a: {  	s7 =	sor.u32 $0x5300, s0;
	v9 =	vld [tilespmem:s4+$0x0]  }
0x23b: {  	s4 =	sor.u32 s31, s7;
	s7 =	sor.u32 s8, s7;
	v12 =	vld [tilespmem:s13+$0x0];
	v6 =	vadd.f32 v8, v6  }
0x23c: {  	s10 =	sor.u32 $0x5380, s0;
	v8 =	vld [tilespmem:s7+$0x0]  }
0x23d: {  	s7 =	sor.u32 s8, s10;
	v13 =	vld [tilespmem:s2+$0x0];
	s2 =	sor.u32 s31, s10;
	v6 =	vadd.f32 v10, v6  }
0x23e: {  	s10 =	sadd.s32 $0x5400, s0;
	v7 =	vadd.f32 v11, v7;
	v10 =	vld [tilespmem:s7+$0x0]  }
0x23f: {  	s7 =	sor.u32 s8, s10;
	v11 =	vld [tilespmem:s1+$0x0];
	s1 =	sor.u32 s31, s10;
	v6 =	vadd.f32 v9, v6  }
0x240: {  	s10 =	sor.u32 $0x6080, s0;
	v7 =	vadd.f32 v12, v7;
	v9 =	vld [tilespmem:s7+$0x0]  }
0x241: {  	s7 =	sor.u32 s8, s10;
	v12 =	vld [tilespmem:s4+$0x0];
	s4 =	sor.u32 s31, s10;
	v6 =	vadd.f32 v8, v6  }
0x242: {  	s10 =	sor.u32 $0x6100, s0;
	v7 =	vadd.f32 v13, v7;
	v8 =	vld [tilespmem:s7+$0x0]  }
0x243: {  	s7 =	sor.u32 s8, s10;
	v13 =	vld [tilespmem:s2+$0x0];
	s2 =	sor.u32 s31, s10;
	v6 =	vadd.f32 v10, v6  }
0x244: {  	s10 =	sor.u32 $0x6180, s0;
	v7 =	vadd.f32 v11, v7;
	v10 =	vld [tilespmem:s7+$0x0]  }
0x245: {  	s7 =	sor.u32 s8, s10;
	v11 =	vld [tilespmem:s1+$0x0];
	s1 =	sor.u32 s31, s10;
	v6 =	vadd.f32 v9, v6  }
0x246: {  	s10 =	sor.u32 $0x6200, s0;
	v7 =	vadd.f32 v12, v7;
	v9 =	vld [tilespmem:s7+$0x0]  }
0x247: {  	s7 =	sor.u32 s8, s10;
	v12 =	vld [tilespmem:s4+$0x0];
	s4 =	sor.u32 s31, s10;
	v6 =	vadd.f32 v8, v6  }
0x248: {  	s10 =	sor.u32 $0x6280, s0;
	v7 =	vadd.f32 v13, v7;
	v8 =	vld [tilespmem:s7+$0x0]  }
0x249: {  	s7 =	sor.u32 s8, s10;
	v13 =	vld [tilespmem:s2+$0x0];
	s2 =	sor.u32 s31, s10;
	v6 =	vadd.f32 v10, v6  }
0x24a: {  	s10 =	sor.u32 $0x6300, s0;
	v7 =	vadd.f32 v11, v7;
	v10 =	vld [tilespmem:s7+$0x0]  }
0x24b: {  	s7 =	sor.u32 s31, s10;
	v11 =	vld [tilespmem:s1+$0x0];
	v6 =	vadd.f32 v9, v6;
	s1 =	sor.u32 s8, s10  }
0x24c: {  	s10 =	sor.u32 $0x6380, s0;
	v9 =	vadd.f32 v12, v7;
	v14 =	vld [tilespmem:s1+$0x0]  }
.Ltmp4:
0x24d: {  	s1 =	sor.u32 s31, s10;
	v7 =	vld [tilespmem:s4+$0x0];
	v8 =	vadd.f32 v8, v6;
	s4 =	sor.u32 s8, s10;
	(pc) =	sbr.rel @p1 .LBB2_10-.Ltmp4, $4  }
0x24e: {  	s12 =	sadd.s32 $0x6400, s0;
	v12 =	vadd.f32 v13, v9;
	v6 =	vld [tilespmem:s4+$0x0]  }
0x24f: {  	s10 =	sor.u32 s31, s12;
	v9 =	vld [tilespmem:s2+$0x0];
	v13 =	vadd.f32 v10, v8;
	s2 =	sor.u32 s8, s12  }
0x250: {  	v12 =	vadd.f32 v11, v12;
	v8 =	vld [tilespmem:s2+$0x0]  }
0x251: {  	s9 =	sadd.s32 $0x100, s9;
	s22 =	sadd.s32 $0x20, s22;
	v10 =	vld [tilespmem:s7+$0x0];
	v11 =	vadd.f32 v14, v13  }
0x252: {  	v7 =	vadd.f32 v7, v12  }
0x253: {  	v12 =	vld [tilespmem:s1+$0x0]  }
0x254: {  	v7 =	vadd.f32 v9, v7  }
0x255: {  	v9 =	vld [tilespmem:s10+$0x0]  }
0x256: {  	v7 =	vadd.f32 v10, v7  }
0x257: {  	v6 =	vadd.f32 v6, v11  }
0x258: {  	s0 =	sadd.s32 s0, s30;
	v7 =	vadd.f32 v12, v7  }
0x259: {  	s1 =	sadd.s32 @!p0 $0xA, s29;
	s0 =	sadd.s32 $0x80, s0;
	v6 =	vadd.f32 v8, v6  }
0x25a: {  	[tilespmem:s11+$0x0] =	vst.add.f32.msk $0xffff, v5;
	s4 =	sshll.u32 @!p0 s1, $0x4;
	s1 =	sshll.u32 @!p0 s1, $0x6;
	s2 =	sadd.s32 s8, s0;
	v5 =	vadd.f32 v9, v7  }
0x25b: {  	s0 =	sadd.s32 s31, s0;
	s1 =	sand.u32 @!p0 $0x680, s1;
	[tilespmem:s2+$0x0] =	vst.add.f32.msk $0xffff, v6;
	s2 =	sand.u32 @!p0 $0x800, s4  }
0x25c: {  	[tilespmem:s0+$0x0] =	vst.add.f32.msk $0xffff, v5;
	s0 =	sor.u32 @!p0 s1, s2  }
0x25d: {  	v5 =	vld @!p0 [tilespmem:s0+$0x0];
	_ =	sdelay $0x1  }
0x25e: {  	v6 =	vlaneseq.u32 @!p0  }
0x25f: {  	v7 =	vmul.u32 @!p0 $0x803, v6;
	_ =	sdelay $0x1  }
0x260: {  	vm2 =	veq.s32 @!p0 v5, $0x0;
	v5 =	vadd.s32 @!p0 v7, v5  }
0x261: {  	v5 =	vsel @!p0 vm2, $0x0, v5  }
0x262: {  	v7 =	vshll.u32 @!p0 v5, $0x4  }
0x263: {  	v5 =	vand.u32 @!p0 $0x7, v5;
	v7 =	vand.u32 @!p0 $0xFFFFFF80, v7  }
0x264: {  	v8 =	vshrl.u32 @!p0 v6, $0x3;
	v5 =	vor.u32 @!p0 v5, v7;
	v7 =	vand.u32 @!p0 $0x7, v6  }
0x265: {  	v8 =	vmul.u32 @!p0 $0x8, v8;
	v7 =	vperm.xlane @!p0 v5, v7;
	_ =	sdelay $0x1  }
0x266: {  	v7 =	vadd.s32 @!p0 v8, v7  }
0x267: {  	v6 =	vor.u32 @!p0 $0x8, v6  }
0x268: {  	v5 =	vperm.xlane @!p0 v5, v6  }
0x269: {  	s0 =	sand.u32 @!p0 $0x600, s4  }
0x26a: {  	s1 =	simm.s32 @!p0 $0x0;
	s2 =	simm.s32 @!p0 $0x5080;
	s0 =	sadd.s32 @!p0 s3, s0;
	v5 =	vadd.s32 @!p0 v8, v5  }
0x26b: {  	[tilespmem:s2], [sflag:$0x4] =	stream.indirect_vreg.gather @!p0 [hbm4b:s0+s1], $0x80, v7, vm1, $0xb8;
	[tilespmem:$0x15080] =	vst v63  }
0x26c: {  	s4 =	simm.s32 @!p0 $0x5880;
	s2 =	sadd.s32 @!p0 $0x100, s0  }
0x26d: {  	[tilespmem:s4], [sflag:$0x4] =	stream.indirect_vreg.gather @!p0 [hbm4b:s2+s1], $0x80, v7, vm1, $0xb8;
	[tilespmem:$0x15080] =	vst v63  }
0x26e: {  	s4 =	simm.s32 @!p0 $0x6080  }
0x26f: {  	[tilespmem:s4], [sflag:$0x4] =	stream.indirect_vreg.gather @!p0 [hbm4b:s0+s1], $0x80, v5, vm1, $0xb8;
	[tilespmem:$0x15080] =	vst v63  }
0x270: {  	s0 =	simm.s32 @!p0 $0x6880  }
0x271: {  	[tilespmem:s0], [sflag:$0x4] =	stream.indirect_vreg.gather @!p0 [hbm4b:s2+s1], $0x80, v5, vm1, $0xb8;
	[tilespmem:$0x15080] =	vst v63  }
0x272: {  	s2 =	simm.s32 $0x0  }
0x273: {  	_ =	swait.ge [sflag:s15], $0x2000;
	s11 =	sand.u32 $0x60, s2;
	s12 =	sand.u32 $0xC00, s2  }
0x274: {  	[sflag:s15] =	ssyncset.done $0x0;
	s0 =	sor.u32 $0x7080, s12;
	s9 =	sor.u32 $0x10, s11  }
0x275: {  	s4 =	sor.u32 $0x7100, s12;
	[sflag:s15] =	ssyncadd.s32 $0xFFFFE000;
	s10 =	sor.u32 s9, s0  }
0x276: {  	s13 =	sor.u32 s9, s4;
	v5 =	vld [tilespmem:s10+$0x0]  }
0x277: {  	s18 =	sor.u32 $0x7180, s12;
	v6 =	vld [tilespmem:s13+$0x0]  }
0x278: {  	s21 =	sor.u32 s9, s18  }
0x279: {  	s7 =	sor.u32 $0x7200, s12;
	v7 =	vld [tilespmem:s21+$0x0]  }
0x27a: {  	s22 =	sor.u32 s9, s7  }
0x27b: {  	s8 =	sor.u32 $0x7280, s12;
	s0 =	sor.u32 s11, s0;
	v8 =	vld [tilespmem:s22+$0x0]  }
0x27c: {  	s23 =	sor.u32 s9, s8;
	v9 =	vld [tilespmem:s0+$0x0];
	v5 =	vadd.f32 v6, v5  }
0x27d: {  	s2 =	sor.u32 $0x7300, s12;
	s1 =	sor.u32 s11, s4;
	v6 =	vld [tilespmem:s23+$0x0]  }
0x27e: {  	v10 =	vld [tilespmem:s1+$0x0];
	s10 =	sor.u32 s9, s2;
	v5 =	vadd.f32 v7, v5  }
0x27f: {  	s4 =	sor.u32 $0x7380, s12;
	s13 =	sor.u32 s11, s18;
	v7 =	vld [tilespmem:s10+$0x0]  }
0x280: {  	s18 =	sor.u32 s9, s4;
	v11 =	vld [tilespmem:s13+$0x0];
	v5 =	vadd.f32 v8, v5  }
0x281: {  	s21 =	sor.u32 s11, s7;
	s7 =	sadd.s32 $0x7400, s12;
	v8 =	vld [tilespmem:s18+$0x0]  }
0x282: {  	v12 =	vld [tilespmem:s21+$0x0];
	s22 =	sor.u32 s9, s7;
	v5 =	vadd.f32 v6, v5  }
0x283: {  	s13 =	sor.u32 s11, s2;
	s23 =	sor.u32 s11, s8;
	s8 =	sor.u32 $0x8080, s12;
	v6 =	vld [tilespmem:s22+$0x0]  }
0x284: {  	v14 =	vld [tilespmem:s13+$0x0];
	s10 =	sor.u32 s9, s8;
	v5 =	vadd.f32 v7, v5  }
0x285: {  	s2 =	sor.u32 $0x8100, s12;
	s21 =	sor.u32 s11, s4;
	v7 =	vld [tilespmem:s10+$0x0]  }
0x286: {  	v15 =	vld [tilespmem:s21+$0x0];
	s18 =	sor.u32 s9, s2;
	v5 =	vadd.f32 v8, v5  }
0x287: {  	s4 =	sor.u32 $0x8180, s12;
	v8 =	vld [tilespmem:s18+$0x0]  }
0x288: {  	v13 =	vld [tilespmem:s23+$0x0];
	s22 =	sor.u32 s9, s4;
	v5 =	vadd.f32 v6, v5  }
0x289: {  	s21 =	sor.u32 s11, s2;
	s23 =	sor.u32 s11, s7;
	s7 =	sor.u32 $0x8200, s12;
	v6 =	vld [tilespmem:s22+$0x0]  }
0x28a: {  	v18 =	vld [tilespmem:s21+$0x0];
	s10 =	sor.u32 s9, s7;
	v5 =	vadd.f32 v7, v5  }
0x28b: {  	s13 =	sor.u32 s11, s8;
	s8 =	sor.u32 $0x8280, s12;
	v7 =	vld [tilespmem:s10+$0x0]  }
0x28c: {  	v16 =	vld [tilespmem:s23+$0x0];
	s18 =	sor.u32 s9, s8;
	v5 =	vadd.f32 v8, v5  }
0x28d: {  	s2 =	sor.u32 $0x8300, s12;
	v8 =	vld [tilespmem:s18+$0x0]  }
0x28e: {  	v17 =	vld [tilespmem:s13+$0x0];
	s22 =	sor.u32 s9, s2;
	v5 =	vadd.f32 v6, v5  }
0x28f: {  	s23 =	sor.u32 s11, s4;
	s4 =	sor.u32 $0x8380, s12;
	v6 =	vld [tilespmem:s22+$0x0]  }
0x290: {  	v19 =	vld [tilespmem:s23+$0x0];
	s1 =	sor.u32 s9, s4;
	v5 =	vadd.f32 v7, v5  }
0x291: {  	s13 =	sadd.s32 $0x8400, s12;
	s21 =	sor.u32 s11, s8;
	v7 =	vld [tilespmem:s1+$0x0]  }
0x292: {  	v21 =	vld [tilespmem:s21+$0x0];
	s18 =	sor.u32 s9, s13;
	v5 =	vadd.f32 v8, v5  }
0x293: {  	s4 =	sor.u32 s11, s4;
	v8 =	vld [tilespmem:s18+$0x0]  }
0x294: {  	s23 =	simm.s32 $0x100;
	v22 =	vld [tilespmem:s4+$0x0];
	s8 =	simm.s32 $0x20;
	s10 =	sor.u32 s11, s7;
	v5 =	vadd.f32 v6, v5  }
0x295: {  	s0 =	sand.u32 $0xC00, s23;
	s31 =	sand.u32 $0x60, s8;
	v20 =	vld [tilespmem:s10+$0x0];
	s10 =	sor.u32 s11, s13  }
0x296: {  	s8 =	sor.u32 $0x10, s31;
	s13 =	sor.u32 $0x7080, s0;
	v23 =	vld [tilespmem:s10+$0x0];
	s22 =	sor.u32 s11, s2;
	v5 =	vadd.f32 v7, v5  }
0x297: {  	s21 =	sor.u32 s8, s13;
	s1 =	sor.u32 $0x7100, s0;
	s18 =	sadd.s32 s12, s30;
	v6 =	vld [tilespmem:s22+$0x0]  }
0x298: {  	s12 =	sadd.s32 $0x80, s18;
	s22 =	sor.u32 s8, s1;
	v7 =	vld [tilespmem:s21+$0x0];
	v5 =	vadd.f32 v8, v5  }
0x299: {  	s23 =	sor.u32 $0x7180, s0;
	s9 =	sadd.s32 s9, s12;
	v8 =	vadd.f32 v10, v9;
	v9 =	vld [tilespmem:s22+$0x0]  }
0x29a: {  	s10 =	sor.u32 s8, s23;
	[tilespmem:s9+$0x0] =	vst.add.f32.msk $0xffff, v5  }
0x29b: {  	s2 =	sor.u32 s31, s13;
	s13 =	sor.u32 $0x7200, s0;
	v5 =	vadd.f32 v11, v8;
	v8 =	vld [tilespmem:s10+$0x0]  }
0x29c: {  	s18 =	sor.u32 s8, s13;
	v10 =	vld [tilespmem:s2+$0x0]  }
0x29d: {  	s1 =	sor.u32 s31, s1;
	s9 =	sor.u32 $0x7280, s0;
	v11 =	vld [tilespmem:s18+$0x0]  }
0x29e: {  	s21 =	sor.u32 s8, s9;
	v5 =	vadd.f32 v12, v5;
	v7 =	vadd.f32 v9, v7;
	v9 =	vld [tilespmem:s1+$0x0]  }
0x29f: {  	s22 =	sor.u32 s31, s23;
	s23 =	sor.u32 $0x7300, s0;
	v12 =	vld [tilespmem:s21+$0x0]  }
0x2a0: {  	s2 =	sor.u32 s8, s23;
	v5 =	vadd.f32 v13, v5;
	v7 =	vadd.f32 v8, v7;
	v8 =	vld [tilespmem:s22+$0x0]  }
0x2a1: {  	s10 =	sor.u32 s31, s13;
	s13 =	sor.u32 $0x7380, s0;
	v13 =	vld [tilespmem:s2+$0x0]  }
0x2a2: {  	s18 =	sor.u32 s8, s13;
	v5 =	vadd.f32 v14, v5;
	v7 =	vadd.f32 v11, v7;
	v11 =	vld [tilespmem:s10+$0x0]  }
0x2a3: {  	s21 =	sor.u32 s31, s9;
	s9 =	sadd.s32 $0x7400, s0;
	v14 =	vld [tilespmem:s18+$0x0];
	v9 =	vadd.f32 v9, v10  }
0x2a4: {  	s22 =	sor.u32 s8, s9;
	v5 =	vadd.f32 v15, v5;
	v10 =	vld [tilespmem:s21+$0x0];
	v7 =	vadd.f32 v12, v7  }
0x2a5: {  	s4 =	sor.u32 $0x8080, s0;
	s23 =	sor.u32 s31, s23;
	v12 =	vld [tilespmem:s22+$0x0];
	v8 =	vadd.f32 v8, v9  }
0x2a6: {  	s10 =	sor.u32 s8, s4;
	v5 =	vadd.f32 v16, v5;
	v9 =	vld [tilespmem:s23+$0x0];
	v7 =	vadd.f32 v13, v7  }
0x2a7: {  	s13 =	sor.u32 s31, s13;
	s18 =	sor.u32 $0x8100, s0;
	v13 =	vld [tilespmem:s10+$0x0];
	v8 =	vadd.f32 v11, v8  }
0x2a8: {  	s21 =	sor.u32 s8, s18;
	v5 =	vadd.f32 v17, v5;
	v11 =	vld [tilespmem:s13+$0x0];
	v7 =	vadd.f32 v14, v7  }
0x2a9: {  	s22 =	sor.u32 s31, s9;
	s23 =	sor.u32 $0x8180, s0;
	v14 =	vld [tilespmem:s21+$0x0];
	v8 =	vadd.f32 v10, v8  }
0x2aa: {  	s2 =	sor.u32 s8, s23;
	v5 =	vadd.f32 v18, v5;
	v10 =	vld [tilespmem:s22+$0x0];
	v7 =	vadd.f32 v12, v7  }
0x2ab: {  	s4 =	sor.u32 s31, s4;
	s10 =	sor.u32 $0x8200, s0;
	v12 =	vld [tilespmem:s2+$0x0];
	v8 =	vadd.f32 v9, v8  }
0x2ac: {  	s13 =	sor.u32 s8, s10;
	v5 =	vadd.f32 v19, v5;
	v9 =	vld [tilespmem:s4+$0x0];
	v7 =	vadd.f32 v13, v7  }
0x2ad: {  	s18 =	sor.u32 s31, s18;
	s21 =	sor.u32 $0x8280, s0;
	v13 =	vld [tilespmem:s13+$0x0];
	v8 =	vadd.f32 v11, v8  }
0x2ae: {  	s22 =	sor.u32 s8, s21;
	v5 =	vadd.f32 v20, v5;
	v11 =	vld [tilespmem:s18+$0x0];
	v7 =	vadd.f32 v14, v7  }
0x2af: {  	s9 =	sor.u32 $0x8300, s0;
	s23 =	sor.u32 s31, s23;
	v14 =	vld [tilespmem:s22+$0x0];
	v8 =	vadd.f32 v10, v8  }
0x2b0: {  	s2 =	sor.u32 s8, s9;
	v5 =	vadd.f32 v21, v5;
	v10 =	vld [tilespmem:s23+$0x0];
	v7 =	vadd.f32 v12, v7  }
0x2b1: {  	s4 =	sor.u32 s31, s10;
	s10 =	sor.u32 $0x8380, s0;
	v15 =	vld [tilespmem:s2+$0x0];
	v8 =	vadd.f32 v9, v8  }
0x2b2: {  	s13 =	sor.u32 s8, s10;
	v5 =	vadd.f32 v6, v5;
	v9 =	vadd.f32 v13, v7;
	v7 =	vld [tilespmem:s4+$0x0]  }
0x2b3: {  	s18 =	sor.u32 s31, s21;
	s22 =	sadd.s32 $0x8400, s0;
	v6 =	vld [tilespmem:s13+$0x0];
	v11 =	vadd.f32 v11, v8  }
0x2b4: {  	s11 =	sadd.s32 s11, s12;
	s23 =	sor.u32 s8, s22;
	v5 =	vadd.f32 v22, v5;
	v13 =	vadd.f32 v14, v9;
	v9 =	vld [tilespmem:s18+$0x0]  }
0x2b5: {  	s9 =	sor.u32 s31, s9;
	s1 =	sor.u32 s31, s10;
	s21 =	simm.s32 $0x2;
	v8 =	vld [tilespmem:s23+$0x0];
	v12 =	vadd.f32 v10, v11  }
0x2b6: {  	s10 =	sor.u32 s31, s22;
	s22 =	simm.s32 $0x40;
	v5 =	vadd.f32 v23, v5;
	v10 =	vld [tilespmem:s9+$0x0];
	s9 =	simm.s32 $0x200;
	v11 =	vadd.f32 v15, v13  }
.LBB2_12:
0x2b7: {  	s2 =	sand.u32 $0x60, s22;
	v7 =	vadd.f32 v7, v12;
	v12 =	vld [tilespmem:s1+$0x0];
	s1 =	sadd.s32 s0, s30;
	s0 =	sand.u32 $0xC00, s9  }
0x2b8: {  	s21 =	sadd.s32 $0x2, s21;
	s4 =	sor.u32 $0x7080, s0;
	s7 =	sor.u32 $0x10, s2;
	v13 =	vld [tilespmem:s10+$0x0];
	v6 =	vadd.f32 v6, v11  }
0x2b9: {  	s10 =	sor.u32 $0x7100, s0;
	p1 =	slt.u32 s21, $0x1E;
	s12 =	sor.u32 s7, s4;
	v7 =	vadd.f32 v9, v7;
	[tilespmem:s11+$0x0] =	vst.add.f32.msk $0xffff, v5  }
0x2ba: {  	s1 =	sadd.s32 $0x80, s1;
	s4 =	sor.u32 s2, s4;
	s11 =	sor.u32 s7, s10;
	v9 =	vld [tilespmem:s12+$0x0];
	v5 =	vadd.f32 v8, v6  }
0x2bb: {  	s10 =	sor.u32 s2, s10;
	s8 =	sadd.s32 s8, s1;
	s12 =	sor.u32 $0x7180, s0;
	v6 =	vld [tilespmem:s11+$0x0];
	v7 =	vadd.f32 v10, v7  }
0x2bc: {  	s13 =	sor.u32 s2, s12;
	s12 =	sor.u32 s7, s12;
	s11 =	sadd.s32 s31, s1;
	[tilespmem:s8+$0x0] =	vst.add.f32.msk $0xffff, v5  }
0x2bd: {  	s1 =	sor.u32 $0x7200, s0;
	s31 =	smov.u32 s2;
	s8 =	smov.u32 s7;
	v8 =	vld [tilespmem:s12+$0x0];
	v5 =	vadd.f32 v12, v7  }
0x2be: {  	s2 =	sor.u32 s31, s1;
	s1 =	sor.u32 s8, s1;
	v7 =	vld [tilespmem:s4+$0x0]  }
0x2bf: {  	s4 =	sor.u32 $0x7280, s0;
	v10 =	vld [tilespmem:s1+$0x0];
	v5 =	vadd.f32 v13, v5  }
0x2c0: {  	s1 =	sor.u32 s31, s4;
	s4 =	sor.u32 s8, s4;
	v11 =	vld [tilespmem:s10+$0x0];
	v6 =	vadd.f32 v6, v9  }
0x2c1: {  	s7 =	sor.u32 $0x7300, s0;
	v9 =	vld [tilespmem:s4+$0x0]  }
0x2c2: {  	s4 =	sor.u32 s31, s7;
	s7 =	sor.u32 s8, s7;
	v12 =	vld [tilespmem:s13+$0x0];
	v6 =	vadd.f32 v8, v6  }
0x2c3: {  	s10 =	sor.u32 $0x7380, s0;
	v8 =	vld [tilespmem:s7+$0x0]  }
0x2c4: {  	s7 =	sor.u32 s8, s10;
	v13 =	vld [tilespmem:s2+$0x0];
	s2 =	sor.u32 s31, s10;
	v6 =	vadd.f32 v10, v6  }
0x2c5: {  	s10 =	sadd.s32 $0x7400, s0;
	v7 =	vadd.f32 v11, v7;
	v10 =	vld [tilespmem:s7+$0x0]  }
0x2c6: {  	s7 =	sor.u32 s8, s10;
	v11 =	vld [tilespmem:s1+$0x0];
	s1 =	sor.u32 s31, s10;
	v6 =	vadd.f32 v9, v6  }
0x2c7: {  	s10 =	sor.u32 $0x8080, s0;
	v7 =	vadd.f32 v12, v7;
	v9 =	vld [tilespmem:s7+$0x0]  }
0x2c8: {  	s7 =	sor.u32 s8, s10;
	v12 =	vld [tilespmem:s4+$0x0];
	s4 =	sor.u32 s31, s10;
	v6 =	vadd.f32 v8, v6  }
0x2c9: {  	s10 =	sor.u32 $0x8100, s0;
	v7 =	vadd.f32 v13, v7;
	v8 =	vld [tilespmem:s7+$0x0]  }
0x2ca: {  	s7 =	sor.u32 s8, s10;
	v13 =	vld [tilespmem:s2+$0x0];
	s2 =	sor.u32 s31, s10;
	v6 =	vadd.f32 v10, v6  }
0x2cb: {  	s10 =	sor.u32 $0x8180, s0;
	v7 =	vadd.f32 v11, v7;
	v10 =	vld [tilespmem:s7+$0x0]  }
0x2cc: {  	s7 =	sor.u32 s8, s10;
	v11 =	vld [tilespmem:s1+$0x0];
	s1 =	sor.u32 s31, s10;
	v6 =	vadd.f32 v9, v6  }
0x2cd: {  	s10 =	sor.u32 $0x8200, s0;
	v7 =	vadd.f32 v12, v7;
	v9 =	vld [tilespmem:s7+$0x0]  }
0x2ce: {  	s7 =	sor.u32 s8, s10;
	v12 =	vld [tilespmem:s4+$0x0];
	s4 =	sor.u32 s31, s10;
	v6 =	vadd.f32 v8, v6  }
0x2cf: {  	s10 =	sor.u32 $0x8280, s0;
	v7 =	vadd.f32 v13, v7;
	v8 =	vld [tilespmem:s7+$0x0]  }
0x2d0: {  	s7 =	sor.u32 s8, s10;
	v13 =	vld [tilespmem:s2+$0x0];
	s2 =	sor.u32 s31, s10;
	v6 =	vadd.f32 v10, v6  }
0x2d1: {  	s10 =	sor.u32 $0x8300, s0;
	v7 =	vadd.f32 v11, v7;
	v10 =	vld [tilespmem:s7+$0x0]  }
0x2d2: {  	s7 =	sor.u32 s31, s10;
	v11 =	vld [tilespmem:s1+$0x0];
	v6 =	vadd.f32 v9, v6;
	s1 =	sor.u32 s8, s10  }
0x2d3: {  	s10 =	sor.u32 $0x8380, s0;
	v9 =	vadd.f32 v12, v7;
	v14 =	vld [tilespmem:s1+$0x0]  }
.Ltmp5:
0x2d4: {  	s1 =	sor.u32 s31, s10;
	v7 =	vld [tilespmem:s4+$0x0];
	v8 =	vadd.f32 v8, v6;
	s4 =	sor.u32 s8, s10;
	(pc) =	sbr.rel @p1 .LBB2_12-.Ltmp5, $4  }
0x2d5: {  	s12 =	sadd.s32 $0x8400, s0;
	v12 =	vadd.f32 v13, v9;
	v6 =	vld [tilespmem:s4+$0x0]  }
0x2d6: {  	s10 =	sor.u32 s31, s12;
	v9 =	vld [tilespmem:s2+$0x0];
	v13 =	vadd.f32 v10, v8;
	s2 =	sor.u32 s8, s12  }
0x2d7: {  	v12 =	vadd.f32 v11, v12;
	v8 =	vld [tilespmem:s2+$0x0]  }
0x2d8: {  	s9 =	sadd.s32 $0x100, s9;
	s22 =	sadd.s32 $0x20, s22;
	v10 =	vld [tilespmem:s7+$0x0];
	v11 =	vadd.f32 v14, v13  }
0x2d9: {  	v7 =	vadd.f32 v7, v12  }
0x2da: {  	v12 =	vld [tilespmem:s1+$0x0]  }
0x2db: {  	v7 =	vadd.f32 v9, v7  }
0x2dc: {  	v9 =	vld [tilespmem:s10+$0x0]  }
0x2dd: {  	v7 =	vadd.f32 v10, v7  }
0x2de: {  	v6 =	vadd.f32 v6, v11  }
0x2df: {  	s0 =	sadd.s32 s0, s30;
	v7 =	vadd.f32 v12, v7  }
0x2e0: {  	s1 =	sadd.s32 @!p0 $0xB, s29;
	s0 =	sadd.s32 $0x80, s0;
	v6 =	vadd.f32 v8, v6  }
0x2e1: {  	[tilespmem:s11+$0x0] =	vst.add.f32.msk $0xffff, v5;
	s4 =	sshll.u32 @!p0 s1, $0x4;
	s1 =	sshll.u32 @!p0 s1, $0x6;
	s2 =	sadd.s32 s8, s0;
	v5 =	vadd.f32 v9, v7  }
0x2e2: {  	s0 =	sadd.s32 s31, s0;
	s1 =	sand.u32 @!p0 $0x680, s1;
	[tilespmem:s2+$0x0] =	vst.add.f32.msk $0xffff, v6;
	s2 =	sand.u32 @!p0 $0x800, s4  }
0x2e3: {  	[tilespmem:s0+$0x0] =	vst.add.f32.msk $0xffff, v5;
	s0 =	sor.u32 @!p0 s1, s2  }
0x2e4: {  	v5 =	vld @!p0 [tilespmem:s0+$0x10]  }
0x2e5: {  	v6 =	vlaneseq.u32 @!p0  }
0x2e6: {  	v7 =	vmul.u32 @!p0 $0x803, v6;
	_ =	sdelay $0x1  }
0x2e7: {  	v7 =	vadd.s32 @!p0 $0x8030, v7  }
0x2e8: {  	vm2 =	veq.s32 @!p0 v5, $0x0;
	v5 =	vadd.s32 @!p0 v7, v5  }
0x2e9: {  	v5 =	vsel @!p0 vm2, $0x0, v5  }
0x2ea: {  	v7 =	vshll.u32 @!p0 v5, $0x4  }
0x2eb: {  	v5 =	vand.u32 @!p0 $0x7, v5;
	v7 =	vand.u32 @!p0 $0xFFFFFF80, v7  }
0x2ec: {  	v8 =	vshrl.u32 @!p0 v6, $0x3;
	v5 =	vor.u32 @!p0 v5, v7;
	v7 =	vand.u32 @!p0 $0x7, v6  }
0x2ed: {  	v8 =	vmul.u32 @!p0 $0x8, v8;
	v7 =	vperm.xlane @!p0 v5, v7;
	_ =	sdelay $0x1  }
0x2ee: {  	v7 =	vadd.s32 @!p0 v8, v7  }
0x2ef: {  	v6 =	vor.u32 @!p0 $0x8, v6  }
0x2f0: {  	v5 =	vperm.xlane @!p0 v5, v6  }
0x2f1: {  	s0 =	sand.u32 @!p0 $0x600, s4  }
0x2f2: {  	s1 =	simm.s32 @!p0 $0x0;
	s2 =	simm.s32 @!p0 $0x7080;
	s0 =	sadd.s32 @!p0 s3, s0;
	v5 =	vadd.s32 @!p0 v8, v5  }
0x2f3: {  	[tilespmem:s2], [sflag:$0x5] =	stream.indirect_vreg.gather @!p0 [hbm4b:s0+s1], $0x80, v7, vm1, $0xb8;
	[tilespmem:$0x15080] =	vst v63  }
0x2f4: {  	s4 =	simm.s32 @!p0 $0x7880;
	s2 =	sadd.s32 @!p0 $0x100, s0  }
0x2f5: {  	[tilespmem:s4], [sflag:$0x5] =	stream.indirect_vreg.gather @!p0 [hbm4b:s2+s1], $0x80, v7, vm1, $0xb8;
	[tilespmem:$0x15080] =	vst v63  }
0x2f6: {  	s4 =	simm.s32 @!p0 $0x8080  }
0x2f7: {  	[tilespmem:s4], [sflag:$0x5] =	stream.indirect_vreg.gather @!p0 [hbm4b:s0+s1], $0x80, v5, vm1, $0xb8;
	[tilespmem:$0x15080] =	vst v63  }
0x2f8: {  	s0 =	simm.s32 @!p0 $0x8880  }
0x2f9: {  	[tilespmem:s0], [sflag:$0x5] =	stream.indirect_vreg.gather @!p0 [hbm4b:s2+s1], $0x80, v5, vm1, $0xb8;
	[tilespmem:$0x15080] =	vst v63  }
0x2fa: {  	s2 =	simm.s32 $0x0  }
0x2fb: {  	_ =	swait.ge [sflag:s16], $0x2000;
	s11 =	sand.u32 $0x60, s2;
	s12 =	sand.u32 $0xC00, s2  }
0x2fc: {  	[sflag:s16] =	ssyncset.done $0x0;
	s0 =	sor.u32 $0x9080, s12;
	s9 =	sor.u32 $0x10, s11  }
0x2fd: {  	s4 =	sor.u32 $0x9100, s12;
	[sflag:s16] =	ssyncadd.s32 $0xFFFFE000;
	s10 =	sor.u32 s9, s0  }
0x2fe: {  	s13 =	sor.u32 s9, s4;
	v5 =	vld [tilespmem:s10+$0x0]  }
0x2ff: {  	s18 =	sor.u32 $0x9180, s12;
	v6 =	vld [tilespmem:s13+$0x0]  }
0x300: {  	s21 =	sor.u32 s9, s18  }
0x301: {  	s7 =	sor.u32 $0x9200, s12;
	v7 =	vld [tilespmem:s21+$0x0]  }
0x302: {  	s22 =	sor.u32 s9, s7  }
0x303: {  	s8 =	sor.u32 $0x9280, s12;
	s0 =	sor.u32 s11, s0;
	v8 =	vld [tilespmem:s22+$0x0]  }
0x304: {  	s23 =	sor.u32 s9, s8;
	v9 =	vld [tilespmem:s0+$0x0];
	v5 =	vadd.f32 v6, v5  }
0x305: {  	s2 =	sor.u32 $0x9300, s12;
	s1 =	sor.u32 s11, s4;
	v6 =	vld [tilespmem:s23+$0x0]  }
0x306: {  	v10 =	vld [tilespmem:s1+$0x0];
	s10 =	sor.u32 s9, s2;
	v5 =	vadd.f32 v7, v5  }
0x307: {  	s4 =	sor.u32 $0x9380, s12;
	s13 =	sor.u32 s11, s18;
	v7 =	vld [tilespmem:s10+$0x0]  }
0x308: {  	s18 =	sor.u32 s9, s4;
	v11 =	vld [tilespmem:s13+$0x0];
	v5 =	vadd.f32 v8, v5  }
0x309: {  	s21 =	sor.u32 s11, s7;
	s7 =	sadd.s32 $0x9400, s12;
	v8 =	vld [tilespmem:s18+$0x0]  }
0x30a: {  	v12 =	vld [tilespmem:s21+$0x0];
	s22 =	sor.u32 s9, s7;
	v5 =	vadd.f32 v6, v5  }
0x30b: {  	s13 =	sor.u32 s11, s2;
	s23 =	sor.u32 s11, s8;
	s8 =	sor.u32 $0xA080, s12;
	v6 =	vld [tilespmem:s22+$0x0]  }
0x30c: {  	v14 =	vld [tilespmem:s13+$0x0];
	s10 =	sor.u32 s9, s8;
	v5 =	vadd.f32 v7, v5  }
0x30d: {  	s2 =	sor.u32 $0xA100, s12;
	s21 =	sor.u32 s11, s4;
	v7 =	vld [tilespmem:s10+$0x0]  }
0x30e: {  	v15 =	vld [tilespmem:s21+$0x0];
	s18 =	sor.u32 s9, s2;
	v5 =	vadd.f32 v8, v5  }
0x30f: {  	s4 =	sor.u32 $0xA180, s12;
	v8 =	vld [tilespmem:s18+$0x0]  }
0x310: {  	v13 =	vld [tilespmem:s23+$0x0];
	s22 =	sor.u32 s9, s4;
	v5 =	vadd.f32 v6, v5  }
0x311: {  	s21 =	sor.u32 s11, s2;
	s23 =	sor.u32 s11, s7;
	s7 =	sor.u32 $0xA200, s12;
	v6 =	vld [tilespmem:s22+$0x0]  }
0x312: {  	v18 =	vld [tilespmem:s21+$0x0];
	s10 =	sor.u32 s9, s7;
	v5 =	vadd.f32 v7, v5  }
0x313: {  	s13 =	sor.u32 s11, s8;
	s8 =	sor.u32 $0xA280, s12;
	v7 =	vld [tilespmem:s10+$0x0]  }
0x314: {  	v16 =	vld [tilespmem:s23+$0x0];
	s18 =	sor.u32 s9, s8;
	v5 =	vadd.f32 v8, v5  }
0x315: {  	s2 =	sor.u32 $0xA300, s12;
	v8 =	vld [tilespmem:s18+$0x0]  }
0x316: {  	v17 =	vld [tilespmem:s13+$0x0];
	s22 =	sor.u32 s9, s2;
	v5 =	vadd.f32 v6, v5  }
0x317: {  	s23 =	sor.u32 s11, s4;
	s4 =	sor.u32 $0xA380, s12;
	v6 =	vld [tilespmem:s22+$0x0]  }
0x318: {  	v19 =	vld [tilespmem:s23+$0x0];
	s1 =	sor.u32 s9, s4;
	v5 =	vadd.f32 v7, v5  }
0x319: {  	s13 =	sadd.s32 $0xA400, s12;
	s21 =	sor.u32 s11, s8;
	v7 =	vld [tilespmem:s1+$0x0]  }
0x31a: {  	v21 =	vld [tilespmem:s21+$0x0];
	s18 =	sor.u32 s9, s13;
	v5 =	vadd.f32 v8, v5  }
0x31b: {  	s4 =	sor.u32 s11, s4;
	v8 =	vld [tilespmem:s18+$0x0]  }
0x31c: {  	s23 =	simm.s32 $0x100;
	v22 =	vld [tilespmem:s4+$0x0];
	s8 =	simm.s32 $0x20;
	s10 =	sor.u32 s11, s7;
	v5 =	vadd.f32 v6, v5  }
0x31d: {  	s0 =	sand.u32 $0xC00, s23;
	s31 =	sand.u32 $0x60, s8;
	v20 =	vld [tilespmem:s10+$0x0];
	s10 =	sor.u32 s11, s13  }
0x31e: {  	s8 =	sor.u32 $0x10, s31;
	s13 =	sor.u32 $0x9080, s0;
	v23 =	vld [tilespmem:s10+$0x0];
	s22 =	sor.u32 s11, s2;
	v5 =	vadd.f32 v7, v5  }
0x31f: {  	s21 =	sor.u32 s8, s13;
	s1 =	sor.u32 $0x9100, s0;
	s18 =	sadd.s32 s12, s30;
	v6 =	vld [tilespmem:s22+$0x0]  }
0x320: {  	s12 =	sadd.s32 $0x100, s18;
	s22 =	sor.u32 s8, s1;
	v7 =	vld [tilespmem:s21+$0x0];
	v5 =	vadd.f32 v8, v5  }
0x321: {  	s23 =	sor.u32 $0x9180, s0;
	s9 =	sadd.s32 s9, s12;
	v8 =	vadd.f32 v10, v9;
	v9 =	vld [tilespmem:s22+$0x0]  }
0x322: {  	s10 =	sor.u32 s8, s23;
	[tilespmem:s9+$0x0] =	vst.add.f32.msk $0xffff, v5  }
0x323: {  	s2 =	sor.u32 s31, s13;
	s13 =	sor.u32 $0x9200, s0;
	v5 =	vadd.f32 v11, v8;
	v8 =	vld [tilespmem:s10+$0x0]  }
0x324: {  	s18 =	sor.u32 s8, s13;
	v10 =	vld [tilespmem:s2+$0x0]  }
0x325: {  	s1 =	sor.u32 s31, s1;
	s9 =	sor.u32 $0x9280, s0;
	v11 =	vld [tilespmem:s18+$0x0]  }
0x326: {  	s21 =	sor.u32 s8, s9;
	v5 =	vadd.f32 v12, v5;
	v7 =	vadd.f32 v9, v7;
	v9 =	vld [tilespmem:s1+$0x0]  }
0x327: {  	s22 =	sor.u32 s31, s23;
	s23 =	sor.u32 $0x9300, s0;
	v12 =	vld [tilespmem:s21+$0x0]  }
0x328: {  	s2 =	sor.u32 s8, s23;
	v5 =	vadd.f32 v13, v5;
	v7 =	vadd.f32 v8, v7;
	v8 =	vld [tilespmem:s22+$0x0]  }
0x329: {  	s10 =	sor.u32 s31, s13;
	s13 =	sor.u32 $0x9380, s0;
	v13 =	vld [tilespmem:s2+$0x0]  }
0x32a: {  	s18 =	sor.u32 s8, s13;
	v5 =	vadd.f32 v14, v5;
	v7 =	vadd.f32 v11, v7;
	v11 =	vld [tilespmem:s10+$0x0]  }
0x32b: {  	s21 =	sor.u32 s31, s9;
	s9 =	sadd.s32 $0x9400, s0;
	v14 =	vld [tilespmem:s18+$0x0];
	v9 =	vadd.f32 v9, v10  }
0x32c: {  	s22 =	sor.u32 s8, s9;
	v5 =	vadd.f32 v15, v5;
	v10 =	vld [tilespmem:s21+$0x0];
	v7 =	vadd.f32 v12, v7  }
0x32d: {  	s4 =	sor.u32 $0xA080, s0;
	s23 =	sor.u32 s31, s23;
	v12 =	vld [tilespmem:s22+$0x0];
	v8 =	vadd.f32 v8, v9  }
0x32e: {  	s10 =	sor.u32 s8, s4;
	v5 =	vadd.f32 v16, v5;
	v9 =	vld [tilespmem:s23+$0x0];
	v7 =	vadd.f32 v13, v7  }
0x32f: {  	s13 =	sor.u32 s31, s13;
	s18 =	sor.u32 $0xA100, s0;
	v13 =	vld [tilespmem:s10+$0x0];
	v8 =	vadd.f32 v11, v8  }
0x330: {  	s21 =	sor.u32 s8, s18;
	v5 =	vadd.f32 v17, v5;
	v11 =	vld [tilespmem:s13+$0x0];
	v7 =	vadd.f32 v14, v7  }
0x331: {  	s22 =	sor.u32 s31, s9;
	s23 =	sor.u32 $0xA180, s0;
	v14 =	vld [tilespmem:s21+$0x0];
	v8 =	vadd.f32 v10, v8  }
0x332: {  	s2 =	sor.u32 s8, s23;
	v5 =	vadd.f32 v18, v5;
	v10 =	vld [tilespmem:s22+$0x0];
	v7 =	vadd.f32 v12, v7  }
0x333: {  	s4 =	sor.u32 s31, s4;
	s10 =	sor.u32 $0xA200, s0;
	v12 =	vld [tilespmem:s2+$0x0];
	v8 =	vadd.f32 v9, v8  }
0x334: {  	s13 =	sor.u32 s8, s10;
	v5 =	vadd.f32 v19, v5;
	v9 =	vld [tilespmem:s4+$0x0];
	v7 =	vadd.f32 v13, v7  }
0x335: {  	s18 =	sor.u32 s31, s18;
	s21 =	sor.u32 $0xA280, s0;
	v13 =	vld [tilespmem:s13+$0x0];
	v8 =	vadd.f32 v11, v8  }
0x336: {  	s22 =	sor.u32 s8, s21;
	v5 =	vadd.f32 v20, v5;
	v11 =	vld [tilespmem:s18+$0x0];
	v7 =	vadd.f32 v14, v7  }
0x337: {  	s9 =	sor.u32 $0xA300, s0;
	s23 =	sor.u32 s31, s23;
	v14 =	vld [tilespmem:s22+$0x0];
	v8 =	vadd.f32 v10, v8  }
0x338: {  	s2 =	sor.u32 s8, s9;
	v5 =	vadd.f32 v21, v5;
	v10 =	vld [tilespmem:s23+$0x0];
	v7 =	vadd.f32 v12, v7  }
0x339: {  	s4 =	sor.u32 s31, s10;
	s10 =	sor.u32 $0xA380, s0;
	v15 =	vld [tilespmem:s2+$0x0];
	v8 =	vadd.f32 v9, v8  }
0x33a: {  	s13 =	sor.u32 s8, s10;
	v5 =	vadd.f32 v6, v5;
	v9 =	vadd.f32 v13, v7;
	v7 =	vld [tilespmem:s4+$0x0]  }
0x33b: {  	s18 =	sor.u32 s31, s21;
	s22 =	sadd.s32 $0xA400, s0;
	v6 =	vld [tilespmem:s13+$0x0];
	v11 =	vadd.f32 v11, v8  }
0x33c: {  	s11 =	sadd.s32 s11, s12;
	s23 =	sor.u32 s8, s22;
	v5 =	vadd.f32 v22, v5;
	v13 =	vadd.f32 v14, v9;
	v9 =	vld [tilespmem:s18+$0x0]  }
0x33d: {  	s9 =	sor.u32 s31, s9;
	s1 =	sor.u32 s31, s10;
	s21 =	simm.s32 $0x2;
	v8 =	vld [tilespmem:s23+$0x0];
	v12 =	vadd.f32 v10, v11  }
0x33e: {  	s10 =	sor.u32 s31, s22;
	s22 =	simm.s32 $0x40;
	v5 =	vadd.f32 v23, v5;
	v10 =	vld [tilespmem:s9+$0x0];
	s9 =	simm.s32 $0x200;
	v11 =	vadd.f32 v15, v13  }
.LBB2_14:
0x33f: {  	s2 =	sand.u32 $0x60, s22;
	v7 =	vadd.f32 v7, v12;
	v12 =	vld [tilespmem:s1+$0x0];
	s1 =	sadd.s32 s0, s30;
	s0 =	sand.u32 $0xC00, s9  }
0x340: {  	s21 =	sadd.s32 $0x2, s21;
	s4 =	sor.u32 $0x9080, s0;
	s7 =	sor.u32 $0x10, s2;
	v13 =	vld [tilespmem:s10+$0x0];
	v6 =	vadd.f32 v6, v11  }
0x341: {  	s10 =	sor.u32 $0x9100, s0;
	p1 =	slt.u32 s21, $0x1E;
	s12 =	sor.u32 s7, s4;
	v7 =	vadd.f32 v9, v7;
	[tilespmem:s11+$0x0] =	vst.add.f32.msk $0xffff, v5  }
0x342: {  	s1 =	sadd.s32 $0x100, s1;
	s4 =	sor.u32 s2, s4;
	s11 =	sor.u32 s7, s10;
	v9 =	vld [tilespmem:s12+$0x0];
	v5 =	vadd.f32 v8, v6  }
0x343: {  	s10 =	sor.u32 s2, s10;
	s8 =	sadd.s32 s8, s1;
	s12 =	sor.u32 $0x9180, s0;
	v6 =	vld [tilespmem:s11+$0x0];
	v7 =	vadd.f32 v10, v7  }
0x344: {  	s13 =	sor.u32 s2, s12;
	s12 =	sor.u32 s7, s12;
	s11 =	sadd.s32 s31, s1;
	[tilespmem:s8+$0x0] =	vst.add.f32.msk $0xffff, v5  }
0x345: {  	s1 =	sor.u32 $0x9200, s0;
	s31 =	smov.u32 s2;
	s8 =	smov.u32 s7;
	v8 =	vld [tilespmem:s12+$0x0];
	v5 =	vadd.f32 v12, v7  }
0x346: {  	s2 =	sor.u32 s31, s1;
	s1 =	sor.u32 s8, s1;
	v7 =	vld [tilespmem:s4+$0x0]  }
0x347: {  	s4 =	sor.u32 $0x9280, s0;
	v10 =	vld [tilespmem:s1+$0x0];
	v5 =	vadd.f32 v13, v5  }
0x348: {  	s1 =	sor.u32 s31, s4;
	s4 =	sor.u32 s8, s4;
	v11 =	vld [tilespmem:s10+$0x0];
	v6 =	vadd.f32 v6, v9  }
0x349: {  	s7 =	sor.u32 $0x9300, s0;
	v9 =	vld [tilespmem:s4+$0x0]  }
0x34a: {  	s4 =	sor.u32 s31, s7;
	s7 =	sor.u32 s8, s7;
	v12 =	vld [tilespmem:s13+$0x0];
	v6 =	vadd.f32 v8, v6  }
0x34b: {  	s10 =	sor.u32 $0x9380, s0;
	v8 =	vld [tilespmem:s7+$0x0]  }
0x34c: {  	s7 =	sor.u32 s8, s10;
	v13 =	vld [tilespmem:s2+$0x0];
	s2 =	sor.u32 s31, s10;
	v6 =	vadd.f32 v10, v6  }
0x34d: {  	s10 =	sadd.s32 $0x9400, s0;
	v7 =	vadd.f32 v11, v7;
	v10 =	vld [tilespmem:s7+$0x0]  }
0x34e: {  	s7 =	sor.u32 s8, s10;
	v11 =	vld [tilespmem:s1+$0x0];
	s1 =	sor.u32 s31, s10;
	v6 =	vadd.f32 v9, v6  }
0x34f: {  	s10 =	sor.u32 $0xA080, s0;
	v7 =	vadd.f32 v12, v7;
	v9 =	vld [tilespmem:s7+$0x0]  }
0x350: {  	s7 =	sor.u32 s8, s10;
	v12 =	vld [tilespmem:s4+$0x0];
	s4 =	sor.u32 s31, s10;
	v6 =	vadd.f32 v8, v6  }
0x351: {  	s10 =	sor.u32 $0xA100, s0;
	v7 =	vadd.f32 v13, v7;
	v8 =	vld [tilespmem:s7+$0x0]  }
0x352: {  	s7 =	sor.u32 s8, s10;
	v13 =	vld [tilespmem:s2+$0x0];
	s2 =	sor.u32 s31, s10;
	v6 =	vadd.f32 v10, v6  }
0x353: {  	s10 =	sor.u32 $0xA180, s0;
	v7 =	vadd.f32 v11, v7;
	v10 =	vld [tilespmem:s7+$0x0]  }
0x354: {  	s7 =	sor.u32 s8, s10;
	v11 =	vld [tilespmem:s1+$0x0];
	s1 =	sor.u32 s31, s10;
	v6 =	vadd.f32 v9, v6  }
0x355: {  	s10 =	sor.u32 $0xA200, s0;
	v7 =	vadd.f32 v12, v7;
	v9 =	vld [tilespmem:s7+$0x0]  }
0x356: {  	s7 =	sor.u32 s8, s10;
	v12 =	vld [tilespmem:s4+$0x0];
	s4 =	sor.u32 s31, s10;
	v6 =	vadd.f32 v8, v6  }
0x357: {  	s10 =	sor.u32 $0xA280, s0;
	v7 =	vadd.f32 v13, v7;
	v8 =	vld [tilespmem:s7+$0x0]  }
0x358: {  	s7 =	sor.u32 s8, s10;
	v13 =	vld [tilespmem:s2+$0x0];
	s2 =	sor.u32 s31, s10;
	v6 =	vadd.f32 v10, v6  }
0x359: {  	s10 =	sor.u32 $0xA300, s0;
	v7 =	vadd.f32 v11, v7;
	v10 =	vld [tilespmem:s7+$0x0]  }
0x35a: {  	s7 =	sor.u32 s31, s10;
	v11 =	vld [tilespmem:s1+$0x0];
	v6 =	vadd.f32 v9, v6;
	s1 =	sor.u32 s8, s10  }
0x35b: {  	s10 =	sor.u32 $0xA380, s0;
	v9 =	vadd.f32 v12, v7;
	v14 =	vld [tilespmem:s1+$0x0]  }
.Ltmp6:
0x35c: {  	s1 =	sor.u32 s31, s10;
	v7 =	vld [tilespmem:s4+$0x0];
	v8 =	vadd.f32 v8, v6;
	s4 =	sor.u32 s8, s10;
	(pc) =	sbr.rel @p1 .LBB2_14-.Ltmp6, $4  }
0x35d: {  	s12 =	sadd.s32 $0xA400, s0;
	v12 =	vadd.f32 v13, v9;
	v6 =	vld [tilespmem:s4+$0x0]  }
0x35e: {  	s10 =	sor.u32 s31, s12;
	v9 =	vld [tilespmem:s2+$0x0];
	v13 =	vadd.f32 v10, v8;
	s2 =	sor.u32 s8, s12  }
0x35f: {  	v12 =	vadd.f32 v11, v12;
	v8 =	vld [tilespmem:s2+$0x0]  }
0x360: {  	s9 =	sadd.s32 $0x100, s9;
	s22 =	sadd.s32 $0x20, s22;
	v10 =	vld [tilespmem:s7+$0x0];
	v11 =	vadd.f32 v14, v13  }
0x361: {  	v7 =	vadd.f32 v7, v12  }
0x362: {  	v12 =	vld [tilespmem:s1+$0x0]  }
0x363: {  	v7 =	vadd.f32 v9, v7  }
0x364: {  	v9 =	vld [tilespmem:s10+$0x0]  }
0x365: {  	v7 =	vadd.f32 v10, v7  }
0x366: {  	v6 =	vadd.f32 v6, v11  }
0x367: {  	s0 =	sadd.s32 s0, s30;
	v7 =	vadd.f32 v12, v7  }
0x368: {  	s1 =	sadd.s32 @!p0 $0xC, s29;
	s0 =	sadd.s32 $0x100, s0;
	v6 =	vadd.f32 v8, v6  }
0x369: {  	[tilespmem:s11+$0x0] =	vst.add.f32.msk $0xffff, v5;
	s4 =	sshll.u32 @!p0 s1, $0x4;
	s1 =	sshll.u32 @!p0 s1, $0x6;
	s2 =	sadd.s32 s8, s0;
	v5 =	vadd.f32 v9, v7  }
0x36a: {  	s0 =	sadd.s32 s31, s0;
	s1 =	sand.u32 @!p0 $0x700, s1;
	[tilespmem:s2+$0x0] =	vst.add.f32.msk $0xffff, v6;
	s2 =	sand.u32 @!p0 $0x800, s4  }
0x36b: {  	[tilespmem:s0+$0x0] =	vst.add.f32.msk $0xffff, v5;
	s0 =	sor.u32 @!p0 s1, s2  }
0x36c: {  	v5 =	vld @!p0 [tilespmem:s0+$0x0];
	_ =	sdelay $0x1  }
0x36d: {  	v6 =	vlaneseq.u32 @!p0  }
0x36e: {  	v7 =	vmul.u32 @!p0 $0x803, v6;
	_ =	sdelay $0x1  }
0x36f: {  	vm2 =	veq.s32 @!p0 v5, $0x0;
	v5 =	vadd.s32 @!p0 v7, v5  }
0x370: {  	v5 =	vsel @!p0 vm2, $0x0, v5  }
0x371: {  	v7 =	vshll.u32 @!p0 v5, $0x4  }
0x372: {  	v5 =	vand.u32 @!p0 $0x7, v5;
	v7 =	vand.u32 @!p0 $0xFFFFFF80, v7  }
0x373: {  	v8 =	vshrl.u32 @!p0 v6, $0x3;
	v5 =	vor.u32 @!p0 v5, v7;
	v7 =	vand.u32 @!p0 $0x7, v6  }
0x374: {  	v8 =	vmul.u32 @!p0 $0x8, v8;
	v7 =	vperm.xlane @!p0 v5, v7;
	_ =	sdelay $0x1  }
0x375: {  	v7 =	vadd.s32 @!p0 v8, v7  }
0x376: {  	v6 =	vor.u32 @!p0 $0x8, v6  }
0x377: {  	v5 =	vperm.xlane @!p0 v5, v6  }
0x378: {  	s0 =	sand.u32 @!p0 $0x600, s4  }
0x379: {  	s1 =	simm.s32 @!p0 $0x0;
	s2 =	simm.s32 @!p0 $0x9080;
	s0 =	sadd.s32 @!p0 s3, s0;
	v5 =	vadd.s32 @!p0 v8, v5  }
0x37a: {  	[tilespmem:s2], [sflag:$0x6] =	stream.indirect_vreg.gather @!p0 [hbm4b:s0+s1], $0x80, v7, vm1, $0xb8;
	[tilespmem:$0x15080] =	vst v63  }
0x37b: {  	s4 =	simm.s32 @!p0 $0x9880;
	s2 =	sadd.s32 @!p0 $0x100, s0  }
0x37c: {  	[tilespmem:s4], [sflag:$0x6] =	stream.indirect_vreg.gather @!p0 [hbm4b:s2+s1], $0x80, v7, vm1, $0xb8;
	[tilespmem:$0x15080] =	vst v63  }
0x37d: {  	s4 =	simm.s32 @!p0 $0xA080  }
0x37e: {  	[tilespmem:s4], [sflag:$0x6] =	stream.indirect_vreg.gather @!p0 [hbm4b:s0+s1], $0x80, v5, vm1, $0xb8;
	[tilespmem:$0x15080] =	vst v63  }
0x37f: {  	s0 =	simm.s32 @!p0 $0xA880  }
0x380: {  	[tilespmem:s0], [sflag:$0x6] =	stream.indirect_vreg.gather @!p0 [hbm4b:s2+s1], $0x80, v5, vm1, $0xb8;
	[tilespmem:$0x15080] =	vst v63  }
0x381: {  	s2 =	simm.s32 $0x0  }
0x382: {  	_ =	swait.ge [sflag:s17], $0x2000;
	s11 =	sand.u32 $0x60, s2;
	s12 =	sand.u32 $0xC00, s2  }
0x383: {  	[sflag:s17] =	ssyncset.done $0x0;
	s0 =	sor.u32 $0xB080, s12;
	s9 =	sor.u32 $0x10, s11  }
0x384: {  	s4 =	sor.u32 $0xB100, s12;
	[sflag:s17] =	ssyncadd.s32 $0xFFFFE000;
	s10 =	sor.u32 s9, s0  }
0x385: {  	s13 =	sor.u32 s9, s4;
	v5 =	vld [tilespmem:s10+$0x0]  }
0x386: {  	s18 =	sor.u32 $0xB180, s12;
	v6 =	vld [tilespmem:s13+$0x0]  }
0x387: {  	s21 =	sor.u32 s9, s18  }
0x388: {  	s7 =	sor.u32 $0xB200, s12;
	v7 =	vld [tilespmem:s21+$0x0]  }
0x389: {  	s22 =	sor.u32 s9, s7  }
0x38a: {  	s8 =	sor.u32 $0xB280, s12;
	s0 =	sor.u32 s11, s0;
	v8 =	vld [tilespmem:s22+$0x0]  }
0x38b: {  	s23 =	sor.u32 s9, s8;
	v9 =	vld [tilespmem:s0+$0x0];
	v5 =	vadd.f32 v6, v5  }
0x38c: {  	s2 =	sor.u32 $0xB300, s12;
	s1 =	sor.u32 s11, s4;
	v6 =	vld [tilespmem:s23+$0x0]  }
0x38d: {  	v10 =	vld [tilespmem:s1+$0x0];
	s10 =	sor.u32 s9, s2;
	v5 =	vadd.f32 v7, v5  }
0x38e: {  	s4 =	sor.u32 $0xB380, s12;
	s13 =	sor.u32 s11, s18;
	v7 =	vld [tilespmem:s10+$0x0]  }
0x38f: {  	s18 =	sor.u32 s9, s4;
	v11 =	vld [tilespmem:s13+$0x0];
	v5 =	vadd.f32 v8, v5  }
0x390: {  	s21 =	sor.u32 s11, s7;
	s7 =	sadd.s32 $0xB400, s12;
	v8 =	vld [tilespmem:s18+$0x0]  }
0x391: {  	v12 =	vld [tilespmem:s21+$0x0];
	s22 =	sor.u32 s9, s7;
	v5 =	vadd.f32 v6, v5  }
0x392: {  	s13 =	sor.u32 s11, s2;
	s23 =	sor.u32 s11, s8;
	s8 =	sor.u32 $0xC080, s12;
	v6 =	vld [tilespmem:s22+$0x0]  }
0x393: {  	v14 =	vld [tilespmem:s13+$0x0];
	s10 =	sor.u32 s9, s8;
	v5 =	vadd.f32 v7, v5  }
0x394: {  	s2 =	sor.u32 $0xC100, s12;
	s21 =	sor.u32 s11, s4;
	v7 =	vld [tilespmem:s10+$0x0]  }
0x395: {  	v15 =	vld [tilespmem:s21+$0x0];
	s18 =	sor.u32 s9, s2;
	v5 =	vadd.f32 v8, v5  }
0x396: {  	s4 =	sor.u32 $0xC180, s12;
	v8 =	vld [tilespmem:s18+$0x0]  }
0x397: {  	v13 =	vld [tilespmem:s23+$0x0];
	s22 =	sor.u32 s9, s4;
	v5 =	vadd.f32 v6, v5  }
0x398: {  	s21 =	sor.u32 s11, s2;
	s23 =	sor.u32 s11, s7;
	s7 =	sor.u32 $0xC200, s12;
	v6 =	vld [tilespmem:s22+$0x0]  }
0x399: {  	v18 =	vld [tilespmem:s21+$0x0];
	s10 =	sor.u32 s9, s7;
	v5 =	vadd.f32 v7, v5  }
0x39a: {  	s13 =	sor.u32 s11, s8;
	s8 =	sor.u32 $0xC280, s12;
	v7 =	vld [tilespmem:s10+$0x0]  }
0x39b: {  	v16 =	vld [tilespmem:s23+$0x0];
	s18 =	sor.u32 s9, s8;
	v5 =	vadd.f32 v8, v5  }
0x39c: {  	s2 =	sor.u32 $0xC300, s12;
	v8 =	vld [tilespmem:s18+$0x0]  }
0x39d: {  	v17 =	vld [tilespmem:s13+$0x0];
	s22 =	sor.u32 s9, s2;
	v5 =	vadd.f32 v6, v5  }
0x39e: {  	s23 =	sor.u32 s11, s4;
	s4 =	sor.u32 $0xC380, s12;
	v6 =	vld [tilespmem:s22+$0x0]  }
0x39f: {  	v19 =	vld [tilespmem:s23+$0x0];
	s1 =	sor.u32 s9, s4;
	v5 =	vadd.f32 v7, v5  }
0x3a0: {  	s13 =	sadd.s32 $0xC400, s12;
	s21 =	sor.u32 s11, s8;
	v7 =	vld [tilespmem:s1+$0x0]  }
0x3a1: {  	v21 =	vld [tilespmem:s21+$0x0];
	s18 =	sor.u32 s9, s13;
	v5 =	vadd.f32 v8, v5  }
0x3a2: {  	s4 =	sor.u32 s11, s4;
	v8 =	vld [tilespmem:s18+$0x0]  }
0x3a3: {  	s23 =	simm.s32 $0x100;
	v22 =	vld [tilespmem:s4+$0x0];
	s8 =	simm.s32 $0x20;
	s10 =	sor.u32 s11, s7;
	v5 =	vadd.f32 v6, v5  }
0x3a4: {  	s0 =	sand.u32 $0xC00, s23;
	s31 =	sand.u32 $0x60, s8;
	v20 =	vld [tilespmem:s10+$0x0];
	s10 =	sor.u32 s11, s13  }
0x3a5: {  	s8 =	sor.u32 $0x10, s31;
	s13 =	sor.u32 $0xB080, s0;
	v23 =	vld [tilespmem:s10+$0x0];
	s22 =	sor.u32 s11, s2;
	v5 =	vadd.f32 v7, v5  }
0x3a6: {  	s21 =	sor.u32 s8, s13;
	s1 =	sor.u32 $0xB100, s0;
	s18 =	sadd.s32 s12, s30;
	v6 =	vld [tilespmem:s22+$0x0]  }
0x3a7: {  	s12 =	sadd.s32 $0x100, s18;
	s22 =	sor.u32 s8, s1;
	v7 =	vld [tilespmem:s21+$0x0];
	v5 =	vadd.f32 v8, v5  }
0x3a8: {  	s23 =	sor.u32 $0xB180, s0;
	s9 =	sadd.s32 s9, s12;
	v8 =	vadd.f32 v10, v9;
	v9 =	vld [tilespmem:s22+$0x0]  }
0x3a9: {  	s10 =	sor.u32 s8, s23;
	[tilespmem:s9+$0x0] =	vst.add.f32.msk $0xffff, v5  }
0x3aa: {  	s2 =	sor.u32 s31, s13;
	s13 =	sor.u32 $0xB200, s0;
	v5 =	vadd.f32 v11, v8;
	v8 =	vld [tilespmem:s10+$0x0]  }
0x3ab: {  	s18 =	sor.u32 s8, s13;
	v10 =	vld [tilespmem:s2+$0x0]  }
0x3ac: {  	s1 =	sor.u32 s31, s1;
	s9 =	sor.u32 $0xB280, s0;
	v11 =	vld [tilespmem:s18+$0x0]  }
0x3ad: {  	s21 =	sor.u32 s8, s9;
	v5 =	vadd.f32 v12, v5;
	v7 =	vadd.f32 v9, v7;
	v9 =	vld [tilespmem:s1+$0x0]  }
0x3ae: {  	s22 =	sor.u32 s31, s23;
	s23 =	sor.u32 $0xB300, s0;
	v12 =	vld [tilespmem:s21+$0x0]  }
0x3af: {  	s2 =	sor.u32 s8, s23;
	v5 =	vadd.f32 v13, v5;
	v7 =	vadd.f32 v8, v7;
	v8 =	vld [tilespmem:s22+$0x0]  }
0x3b0: {  	s10 =	sor.u32 s31, s13;
	s13 =	sor.u32 $0xB380, s0;
	v13 =	vld [tilespmem:s2+$0x0]  }
0x3b1: {  	s18 =	sor.u32 s8, s13;
	v5 =	vadd.f32 v14, v5;
	v7 =	vadd.f32 v11, v7;
	v11 =	vld [tilespmem:s10+$0x0]  }
0x3b2: {  	s21 =	sor.u32 s31, s9;
	s9 =	sadd.s32 $0xB400, s0;
	v14 =	vld [tilespmem:s18+$0x0];
	v9 =	vadd.f32 v9, v10  }
0x3b3: {  	s22 =	sor.u32 s8, s9;
	v5 =	vadd.f32 v15, v5;
	v10 =	vld [tilespmem:s21+$0x0];
	v7 =	vadd.f32 v12, v7  }
0x3b4: {  	s4 =	sor.u32 $0xC080, s0;
	s23 =	sor.u32 s31, s23;
	v12 =	vld [tilespmem:s22+$0x0];
	v8 =	vadd.f32 v8, v9  }
0x3b5: {  	s10 =	sor.u32 s8, s4;
	v5 =	vadd.f32 v16, v5;
	v9 =	vld [tilespmem:s23+$0x0];
	v7 =	vadd.f32 v13, v7  }
0x3b6: {  	s13 =	sor.u32 s31, s13;
	s18 =	sor.u32 $0xC100, s0;
	v13 =	vld [tilespmem:s10+$0x0];
	v8 =	vadd.f32 v11, v8  }
0x3b7: {  	s21 =	sor.u32 s8, s18;
	v5 =	vadd.f32 v17, v5;
	v11 =	vld [tilespmem:s13+$0x0];
	v7 =	vadd.f32 v14, v7  }
0x3b8: {  	s22 =	sor.u32 s31, s9;
	s23 =	sor.u32 $0xC180, s0;
	v14 =	vld [tilespmem:s21+$0x0];
	v8 =	vadd.f32 v10, v8  }
0x3b9: {  	s2 =	sor.u32 s8, s23;
	v5 =	vadd.f32 v18, v5;
	v10 =	vld [tilespmem:s22+$0x0];
	v7 =	vadd.f32 v12, v7  }
0x3ba: {  	s4 =	sor.u32 s31, s4;
	s10 =	sor.u32 $0xC200, s0;
	v12 =	vld [tilespmem:s2+$0x0];
	v8 =	vadd.f32 v9, v8  }
0x3bb: {  	s13 =	sor.u32 s8, s10;
	v5 =	vadd.f32 v19, v5;
	v9 =	vld [tilespmem:s4+$0x0];
	v7 =	vadd.f32 v13, v7  }
0x3bc: {  	s18 =	sor.u32 s31, s18;
	s21 =	sor.u32 $0xC280, s0;
	v13 =	vld [tilespmem:s13+$0x0];
	v8 =	vadd.f32 v11, v8  }
0x3bd: {  	s22 =	sor.u32 s8, s21;
	v5 =	vadd.f32 v20, v5;
	v11 =	vld [tilespmem:s18+$0x0];
	v7 =	vadd.f32 v14, v7  }
0x3be: {  	s9 =	sor.u32 $0xC300, s0;
	s23 =	sor.u32 s31, s23;
	v14 =	vld [tilespmem:s22+$0x0];
	v8 =	vadd.f32 v10, v8  }
0x3bf: {  	s2 =	sor.u32 s8, s9;
	v5 =	vadd.f32 v21, v5;
	v10 =	vld [tilespmem:s23+$0x0];
	v7 =	vadd.f32 v12, v7  }
0x3c0: {  	s4 =	sor.u32 s31, s10;
	s10 =	sor.u32 $0xC380, s0;
	v15 =	vld [tilespmem:s2+$0x0];
	v8 =	vadd.f32 v9, v8  }
0x3c1: {  	s13 =	sor.u32 s8, s10;
	v5 =	vadd.f32 v6, v5;
	v9 =	vadd.f32 v13, v7;
	v7 =	vld [tilespmem:s4+$0x0]  }
0x3c2: {  	s18 =	sor.u32 s31, s21;
	s22 =	sadd.s32 $0xC400, s0;
	v6 =	vld [tilespmem:s13+$0x0];
	v11 =	vadd.f32 v11, v8  }
0x3c3: {  	s11 =	sadd.s32 s11, s12;
	s23 =	sor.u32 s8, s22;
	v5 =	vadd.f32 v22, v5;
	v13 =	vadd.f32 v14, v9;
	v9 =	vld [tilespmem:s18+$0x0]  }
0x3c4: {  	s9 =	sor.u32 s31, s9;
	s1 =	sor.u32 s31, s10;
	s21 =	simm.s32 $0x2;
	v8 =	vld [tilespmem:s23+$0x0];
	v12 =	vadd.f32 v10, v11  }
0x3c5: {  	s10 =	sor.u32 s31, s22;
	s22 =	simm.s32 $0x40;
	v5 =	vadd.f32 v23, v5;
	v10 =	vld [tilespmem:s9+$0x0];
	s9 =	simm.s32 $0x200;
	v11 =	vadd.f32 v15, v13  }
.LBB2_16:
0x3c6: {  	s2 =	sand.u32 $0x60, s22;
	v7 =	vadd.f32 v7, v12;
	v12 =	vld [tilespmem:s1+$0x0];
	s1 =	sadd.s32 s0, s30;
	s0 =	sand.u32 $0xC00, s9  }
0x3c7: {  	s21 =	sadd.s32 $0x2, s21;
	s4 =	sor.u32 $0xB080, s0;
	s7 =	sor.u32 $0x10, s2;
	v13 =	vld [tilespmem:s10+$0x0];
	v6 =	vadd.f32 v6, v11  }
0x3c8: {  	s10 =	sor.u32 $0xB100, s0;
	p1 =	slt.u32 s21, $0x1E;
	s12 =	sor.u32 s7, s4;
	v7 =	vadd.f32 v9, v7;
	[tilespmem:s11+$0x0] =	vst.add.f32.msk $0xffff, v5  }
0x3c9: {  	s1 =	sadd.s32 $0x100, s1;
	s4 =	sor.u32 s2, s4;
	s11 =	sor.u32 s7, s10;
	v9 =	vld [tilespmem:s12+$0x0];
	v5 =	vadd.f32 v8, v6  }
0x3ca: {  	s10 =	sor.u32 s2, s10;
	s8 =	sadd.s32 s8, s1;
	s12 =	sor.u32 $0xB180, s0;
	v6 =	vld [tilespmem:s11+$0x0];
	v7 =	vadd.f32 v10, v7  }
0x3cb: {  	s13 =	sor.u32 s2, s12;
	s12 =	sor.u32 s7, s12;
	s11 =	sadd.s32 s31, s1;
	[tilespmem:s8+$0x0] =	vst.add.f32.msk $0xffff, v5  }
0x3cc: {  	s1 =	sor.u32 $0xB200, s0;
	s31 =	smov.u32 s2;
	s8 =	smov.u32 s7;
	v8 =	vld [tilespmem:s12+$0x0];
	v5 =	vadd.f32 v12, v7  }
0x3cd: {  	s2 =	sor.u32 s31, s1;
	s1 =	sor.u32 s8, s1;
	v7 =	vld [tilespmem:s4+$0x0]  }
0x3ce: {  	s4 =	sor.u32 $0xB280, s0;
	v10 =	vld [tilespmem:s1+$0x0];
	v5 =	vadd.f32 v13, v5  }
0x3cf: {  	s1 =	sor.u32 s31, s4;
	s4 =	sor.u32 s8, s4;
	v11 =	vld [tilespmem:s10+$0x0];
	v6 =	vadd.f32 v6, v9  }
0x3d0: {  	s7 =	sor.u32 $0xB300, s0;
	v9 =	vld [tilespmem:s4+$0x0]  }
0x3d1: {  	s4 =	sor.u32 s31, s7;
	s7 =	sor.u32 s8, s7;
	v12 =	vld [tilespmem:s13+$0x0];
	v6 =	vadd.f32 v8, v6  }
0x3d2: {  	s10 =	sor.u32 $0xB380, s0;
	v8 =	vld [tilespmem:s7+$0x0]  }
0x3d3: {  	s7 =	sor.u32 s8, s10;
	v13 =	vld [tilespmem:s2+$0x0];
	s2 =	sor.u32 s31, s10;
	v6 =	vadd.f32 v10, v6  }
0x3d4: {  	s10 =	sadd.s32 $0xB400, s0;
	v7 =	vadd.f32 v11, v7;
	v10 =	vld [tilespmem:s7+$0x0]  }
0x3d5: {  	s7 =	sor.u32 s8, s10;
	v11 =	vld [tilespmem:s1+$0x0];
	s1 =	sor.u32 s31, s10;
	v6 =	vadd.f32 v9, v6  }
0x3d6: {  	s10 =	sor.u32 $0xC080, s0;
	v7 =	vadd.f32 v12, v7;
	v9 =	vld [tilespmem:s7+$0x0]  }
0x3d7: {  	s7 =	sor.u32 s8, s10;
	v12 =	vld [tilespmem:s4+$0x0];
	s4 =	sor.u32 s31, s10;
	v6 =	vadd.f32 v8, v6  }
0x3d8: {  	s10 =	sor.u32 $0xC100, s0;
	v7 =	vadd.f32 v13, v7;
	v8 =	vld [tilespmem:s7+$0x0]  }
0x3d9: {  	s7 =	sor.u32 s8, s10;
	v13 =	vld [tilespmem:s2+$0x0];
	s2 =	sor.u32 s31, s10;
	v6 =	vadd.f32 v10, v6  }
0x3da: {  	s10 =	sor.u32 $0xC180, s0;
	v7 =	vadd.f32 v11, v7;
	v10 =	vld [tilespmem:s7+$0x0]  }
0x3db: {  	s7 =	sor.u32 s8, s10;
	v11 =	vld [tilespmem:s1+$0x0];
	s1 =	sor.u32 s31, s10;
	v6 =	vadd.f32 v9, v6  }
0x3dc: {  	s10 =	sor.u32 $0xC200, s0;
	v7 =	vadd.f32 v12, v7;
	v9 =	vld [tilespmem:s7+$0x0]  }
0x3dd: {  	s7 =	sor.u32 s8, s10;
	v12 =	vld [tilespmem:s4+$0x0];
	s4 =	sor.u32 s31, s10;
	v6 =	vadd.f32 v8, v6  }
0x3de: {  	s10 =	sor.u32 $0xC280, s0;
	v7 =	vadd.f32 v13, v7;
	v8 =	vld [tilespmem:s7+$0x0]  }
0x3df: {  	s7 =	sor.u32 s8, s10;
	v13 =	vld [tilespmem:s2+$0x0];
	s2 =	sor.u32 s31, s10;
	v6 =	vadd.f32 v10, v6  }
0x3e0: {  	s10 =	sor.u32 $0xC300, s0;
	v7 =	vadd.f32 v11, v7;
	v10 =	vld [tilespmem:s7+$0x0]  }
0x3e1: {  	s7 =	sor.u32 s31, s10;
	v11 =	vld [tilespmem:s1+$0x0];
	v6 =	vadd.f32 v9, v6;
	s1 =	sor.u32 s8, s10  }
0x3e2: {  	s10 =	sor.u32 $0xC380, s0;
	v9 =	vadd.f32 v12, v7;
	v14 =	vld [tilespmem:s1+$0x0]  }
.Ltmp7:
0x3e3: {  	s1 =	sor.u32 s31, s10;
	v7 =	vld [tilespmem:s4+$0x0];
	v8 =	vadd.f32 v8, v6;
	s4 =	sor.u32 s8, s10;
	(pc) =	sbr.rel @p1 .LBB2_16-.Ltmp7, $4  }
0x3e4: {  	s12 =	sadd.s32 $0xC400, s0;
	v12 =	vadd.f32 v13, v9;
	v6 =	vld [tilespmem:s4+$0x0]  }
0x3e5: {  	s10 =	sor.u32 s31, s12;
	v9 =	vld [tilespmem:s2+$0x0];
	v13 =	vadd.f32 v10, v8;
	s2 =	sor.u32 s8, s12  }
0x3e6: {  	v12 =	vadd.f32 v11, v12;
	v8 =	vld [tilespmem:s2+$0x0]  }
0x3e7: {  	s9 =	sadd.s32 $0x100, s9;
	s22 =	sadd.s32 $0x20, s22;
	v10 =	vld [tilespmem:s7+$0x0];
	v11 =	vadd.f32 v14, v13  }
0x3e8: {  	v7 =	vadd.f32 v7, v12  }
0x3e9: {  	v12 =	vld [tilespmem:s1+$0x0]  }
0x3ea: {  	v7 =	vadd.f32 v9, v7  }
0x3eb: {  	v9 =	vld [tilespmem:s10+$0x0]  }
0x3ec: {  	v7 =	vadd.f32 v10, v7  }
0x3ed: {  	v6 =	vadd.f32 v6, v11  }
0x3ee: {  	s0 =	sadd.s32 s0, s30;
	v7 =	vadd.f32 v12, v7  }
0x3ef: {  	s1 =	sadd.s32 @!p0 $0xD, s29;
	s0 =	sadd.s32 $0x100, s0;
	v6 =	vadd.f32 v8, v6  }
0x3f0: {  	[tilespmem:s11+$0x0] =	vst.add.f32.msk $0xffff, v5;
	s4 =	sshll.u32 @!p0 s1, $0x4;
	s1 =	sshll.u32 @!p0 s1, $0x6;
	s2 =	sadd.s32 s8, s0;
	v5 =	vadd.f32 v9, v7  }
0x3f1: {  	s0 =	sadd.s32 s31, s0;
	s1 =	sand.u32 @!p0 $0x700, s1;
	[tilespmem:s2+$0x0] =	vst.add.f32.msk $0xffff, v6;
	s2 =	sand.u32 @!p0 $0x800, s4  }
0x3f2: {  	[tilespmem:s0+$0x0] =	vst.add.f32.msk $0xffff, v5;
	s0 =	sor.u32 @!p0 s1, s2  }
0x3f3: {  	v5 =	vld @!p0 [tilespmem:s0+$0x10]  }
0x3f4: {  	v6 =	vlaneseq.u32 @!p0  }
0x3f5: {  	v7 =	vmul.u32 @!p0 $0x803, v6;
	_ =	sdelay $0x1  }
0x3f6: {  	v7 =	vadd.s32 @!p0 $0x8030, v7  }
0x3f7: {  	vm2 =	veq.s32 @!p0 v5, $0x0;
	v5 =	vadd.s32 @!p0 v7, v5  }
0x3f8: {  	v5 =	vsel @!p0 vm2, $0x0, v5  }
0x3f9: {  	v7 =	vshll.u32 @!p0 v5, $0x4  }
0x3fa: {  	v5 =	vand.u32 @!p0 $0x7, v5;
	v7 =	vand.u32 @!p0 $0xFFFFFF80, v7  }
0x3fb: {  	v8 =	vshrl.u32 @!p0 v6, $0x3;
	v5 =	vor.u32 @!p0 v5, v7;
	v7 =	vand.u32 @!p0 $0x7, v6  }
0x3fc: {  	v8 =	vmul.u32 @!p0 $0x8, v8;
	v7 =	vperm.xlane @!p0 v5, v7;
	_ =	sdelay $0x1  }
0x3fd: {  	v7 =	vadd.s32 @!p0 v8, v7  }
0x3fe: {  	v6 =	vor.u32 @!p0 $0x8, v6  }
0x3ff: {  	v5 =	vperm.xlane @!p0 v5, v6  }
0x400: {  	s0 =	sand.u32 @!p0 $0x600, s4  }
0x401: {  	s1 =	simm.s32 @!p0 $0x0;
	s2 =	simm.s32 @!p0 $0xB080;
	s0 =	sadd.s32 @!p0 s3, s0;
	v5 =	vadd.s32 @!p0 v8, v5  }
0x402: {  	[tilespmem:s2], [sflag:$0x7] =	stream.indirect_vreg.gather @!p0 [hbm4b:s0+s1], $0x80, v7, vm1, $0xb8;
	[tilespmem:$0x15080] =	vst v63  }
0x403: {  	s4 =	simm.s32 @!p0 $0xB880;
	s2 =	sadd.s32 @!p0 $0x100, s0  }
0x404: {  	[tilespmem:s4], [sflag:$0x7] =	stream.indirect_vreg.gather @!p0 [hbm4b:s2+s1], $0x80, v7, vm1, $0xb8;
	[tilespmem:$0x15080] =	vst v63  }
0x405: {  	s4 =	simm.s32 @!p0 $0xC080  }
0x406: {  	[tilespmem:s4], [sflag:$0x7] =	stream.indirect_vreg.gather @!p0 [hbm4b:s0+s1], $0x80, v5, vm1, $0xb8;
	[tilespmem:$0x15080] =	vst v63  }
0x407: {  	s0 =	simm.s32 @!p0 $0xC880  }
0x408: {  	[tilespmem:s0], [sflag:$0x7] =	stream.indirect_vreg.gather @!p0 [hbm4b:s2+s1], $0x80, v5, vm1, $0xb8;
	[tilespmem:$0x15080] =	vst v63  }
0x409: {  	s2 =	simm.s32 $0x0  }
0x40a: {  	_ =	swait.ge [sflag:s19], $0x2000;
	s11 =	sand.u32 $0x60, s2;
	s12 =	sand.u32 $0xC00, s2  }
0x40b: {  	[sflag:s19] =	ssyncset.done $0x0;
	s0 =	sor.u32 $0xD080, s12;
	s9 =	sor.u32 $0x10, s11  }
0x40c: {  	s4 =	sor.u32 $0xD100, s12;
	[sflag:s19] =	ssyncadd.s32 $0xFFFFE000;
	s10 =	sor.u32 s9, s0  }
0x40d: {  	s13 =	sor.u32 s9, s4;
	v5 =	vld [tilespmem:s10+$0x0]  }
0x40e: {  	s18 =	sor.u32 $0xD180, s12;
	v6 =	vld [tilespmem:s13+$0x0]  }
0x40f: {  	s21 =	sor.u32 s9, s18  }
0x410: {  	s7 =	sor.u32 $0xD200, s12;
	v7 =	vld [tilespmem:s21+$0x0]  }
0x411: {  	s22 =	sor.u32 s9, s7  }
0x412: {  	s8 =	sor.u32 $0xD280, s12;
	s0 =	sor.u32 s11, s0;
	v8 =	vld [tilespmem:s22+$0x0]  }
0x413: {  	s23 =	sor.u32 s9, s8;
	v9 =	vld [tilespmem:s0+$0x0];
	v5 =	vadd.f32 v6, v5  }
0x414: {  	s2 =	sor.u32 $0xD300, s12;
	s1 =	sor.u32 s11, s4;
	v6 =	vld [tilespmem:s23+$0x0]  }
0x415: {  	v10 =	vld [tilespmem:s1+$0x0];
	s10 =	sor.u32 s9, s2;
	v5 =	vadd.f32 v7, v5  }
0x416: {  	s4 =	sor.u32 $0xD380, s12;
	s13 =	sor.u32 s11, s18;
	v7 =	vld [tilespmem:s10+$0x0]  }
0x417: {  	s18 =	sor.u32 s9, s4;
	v11 =	vld [tilespmem:s13+$0x0];
	v5 =	vadd.f32 v8, v5  }
0x418: {  	s21 =	sor.u32 s11, s7;
	s7 =	sadd.s32 $0xD400, s12;
	v8 =	vld [tilespmem:s18+$0x0]  }
0x419: {  	v12 =	vld [tilespmem:s21+$0x0];
	s22 =	sor.u32 s9, s7;
	v5 =	vadd.f32 v6, v5  }
0x41a: {  	s13 =	sor.u32 s11, s2;
	s23 =	sor.u32 s11, s8;
	s8 =	sor.u32 $0xE080, s12;
	v6 =	vld [tilespmem:s22+$0x0]  }
0x41b: {  	v14 =	vld [tilespmem:s13+$0x0];
	s10 =	sor.u32 s9, s8;
	v5 =	vadd.f32 v7, v5  }
0x41c: {  	s2 =	sor.u32 $0xE100, s12;
	s21 =	sor.u32 s11, s4;
	v7 =	vld [tilespmem:s10+$0x0]  }
0x41d: {  	v15 =	vld [tilespmem:s21+$0x0];
	s18 =	sor.u32 s9, s2;
	v5 =	vadd.f32 v8, v5  }
0x41e: {  	s4 =	sor.u32 $0xE180, s12;
	v8 =	vld [tilespmem:s18+$0x0]  }
0x41f: {  	v13 =	vld [tilespmem:s23+$0x0];
	s22 =	sor.u32 s9, s4;
	v5 =	vadd.f32 v6, v5  }
0x420: {  	s21 =	sor.u32 s11, s2;
	s23 =	sor.u32 s11, s7;
	s7 =	sor.u32 $0xE200, s12;
	v6 =	vld [tilespmem:s22+$0x0]  }
0x421: {  	v18 =	vld [tilespmem:s21+$0x0];
	s10 =	sor.u32 s9, s7;
	v5 =	vadd.f32 v7, v5  }
0x422: {  	s13 =	sor.u32 s11, s8;
	s8 =	sor.u32 $0xE280, s12;
	v7 =	vld [tilespmem:s10+$0x0]  }
0x423: {  	v16 =	vld [tilespmem:s23+$0x0];
	s18 =	sor.u32 s9, s8;
	v5 =	vadd.f32 v8, v5  }
0x424: {  	s2 =	sor.u32 $0xE300, s12;
	v8 =	vld [tilespmem:s18+$0x0]  }
0x425: {  	v17 =	vld [tilespmem:s13+$0x0];
	s22 =	sor.u32 s9, s2;
	v5 =	vadd.f32 v6, v5  }
0x426: {  	s23 =	sor.u32 s11, s4;
	s4 =	sor.u32 $0xE380, s12;
	v6 =	vld [tilespmem:s22+$0x0]  }
0x427: {  	v19 =	vld [tilespmem:s23+$0x0];
	s1 =	sor.u32 s9, s4;
	v5 =	vadd.f32 v7, v5  }
0x428: {  	s13 =	sadd.s32 $0xE400, s12;
	s21 =	sor.u32 s11, s8;
	v7 =	vld [tilespmem:s1+$0x0]  }
0x429: {  	v21 =	vld [tilespmem:s21+$0x0];
	s18 =	sor.u32 s9, s13;
	v5 =	vadd.f32 v8, v5  }
0x42a: {  	s4 =	sor.u32 s11, s4;
	v8 =	vld [tilespmem:s18+$0x0]  }
0x42b: {  	s23 =	simm.s32 $0x100;
	v22 =	vld [tilespmem:s4+$0x0];
	s8 =	simm.s32 $0x20;
	s10 =	sor.u32 s11, s7;
	v5 =	vadd.f32 v6, v5  }
0x42c: {  	s0 =	sand.u32 $0xC00, s23;
	s31 =	sand.u32 $0x60, s8;
	v20 =	vld [tilespmem:s10+$0x0];
	s10 =	sor.u32 s11, s13  }
0x42d: {  	s8 =	sor.u32 $0x10, s31;
	s13 =	sor.u32 $0xD080, s0;
	v23 =	vld [tilespmem:s10+$0x0];
	s22 =	sor.u32 s11, s2;
	v5 =	vadd.f32 v7, v5  }
0x42e: {  	s21 =	sor.u32 s8, s13;
	s1 =	sor.u32 $0xD100, s0;
	s18 =	sadd.s32 s12, s30;
	v6 =	vld [tilespmem:s22+$0x0]  }
0x42f: {  	s12 =	sadd.s32 $0x180, s18;
	s22 =	sor.u32 s8, s1;
	v7 =	vld [tilespmem:s21+$0x0];
	v5 =	vadd.f32 v8, v5  }
0x430: {  	s23 =	sor.u32 $0xD180, s0;
	s9 =	sadd.s32 s9, s12;
	v8 =	vadd.f32 v10, v9;
	v9 =	vld [tilespmem:s22+$0x0]  }
0x431: {  	s10 =	sor.u32 s8, s23;
	[tilespmem:s9+$0x0] =	vst.add.f32.msk $0xffff, v5  }
0x432: {  	s2 =	sor.u32 s31, s13;
	s13 =	sor.u32 $0xD200, s0;
	v5 =	vadd.f32 v11, v8;
	v8 =	vld [tilespmem:s10+$0x0]  }
0x433: {  	s18 =	sor.u32 s8, s13;
	v10 =	vld [tilespmem:s2+$0x0]  }
0x434: {  	s1 =	sor.u32 s31, s1;
	s9 =	sor.u32 $0xD280, s0;
	v11 =	vld [tilespmem:s18+$0x0]  }
0x435: {  	s21 =	sor.u32 s8, s9;
	v5 =	vadd.f32 v12, v5;
	v7 =	vadd.f32 v9, v7;
	v9 =	vld [tilespmem:s1+$0x0]  }
0x436: {  	s22 =	sor.u32 s31, s23;
	s23 =	sor.u32 $0xD300, s0;
	v12 =	vld [tilespmem:s21+$0x0]  }
0x437: {  	s2 =	sor.u32 s8, s23;
	v5 =	vadd.f32 v13, v5;
	v7 =	vadd.f32 v8, v7;
	v8 =	vld [tilespmem:s22+$0x0]  }
0x438: {  	s10 =	sor.u32 s31, s13;
	s13 =	sor.u32 $0xD380, s0;
	v13 =	vld [tilespmem:s2+$0x0]  }
0x439: {  	s18 =	sor.u32 s8, s13;
	v5 =	vadd.f32 v14, v5;
	v7 =	vadd.f32 v11, v7;
	v11 =	vld [tilespmem:s10+$0x0]  }
0x43a: {  	s21 =	sor.u32 s31, s9;
	s9 =	sadd.s32 $0xD400, s0;
	v14 =	vld [tilespmem:s18+$0x0];
	v9 =	vadd.f32 v9, v10  }
0x43b: {  	s22 =	sor.u32 s8, s9;
	v5 =	vadd.f32 v15, v5;
	v10 =	vld [tilespmem:s21+$0x0];
	v7 =	vadd.f32 v12, v7  }
0x43c: {  	s4 =	sor.u32 $0xE080, s0;
	s23 =	sor.u32 s31, s23;
	v12 =	vld [tilespmem:s22+$0x0];
	v8 =	vadd.f32 v8, v9  }
0x43d: {  	s10 =	sor.u32 s8, s4;
	v5 =	vadd.f32 v16, v5;
	v9 =	vld [tilespmem:s23+$0x0];
	v7 =	vadd.f32 v13, v7  }
0x43e: {  	s13 =	sor.u32 s31, s13;
	s18 =	sor.u32 $0xE100, s0;
	v13 =	vld [tilespmem:s10+$0x0];
	v8 =	vadd.f32 v11, v8  }
0x43f: {  	s21 =	sor.u32 s8, s18;
	v5 =	vadd.f32 v17, v5;
	v11 =	vld [tilespmem:s13+$0x0];
	v7 =	vadd.f32 v14, v7  }
0x440: {  	s22 =	sor.u32 s31, s9;
	s23 =	sor.u32 $0xE180, s0;
	v14 =	vld [tilespmem:s21+$0x0];
	v8 =	vadd.f32 v10, v8  }
0x441: {  	s2 =	sor.u32 s8, s23;
	v5 =	vadd.f32 v18, v5;
	v10 =	vld [tilespmem:s22+$0x0];
	v7 =	vadd.f32 v12, v7  }
0x442: {  	s4 =	sor.u32 s31, s4;
	s10 =	sor.u32 $0xE200, s0;
	v12 =	vld [tilespmem:s2+$0x0];
	v8 =	vadd.f32 v9, v8  }
0x443: {  	s13 =	sor.u32 s8, s10;
	v5 =	vadd.f32 v19, v5;
	v9 =	vld [tilespmem:s4+$0x0];
	v7 =	vadd.f32 v13, v7  }
0x444: {  	s18 =	sor.u32 s31, s18;
	s21 =	sor.u32 $0xE280, s0;
	v13 =	vld [tilespmem:s13+$0x0];
	v8 =	vadd.f32 v11, v8  }
0x445: {  	s22 =	sor.u32 s8, s21;
	v5 =	vadd.f32 v20, v5;
	v11 =	vld [tilespmem:s18+$0x0];
	v7 =	vadd.f32 v14, v7  }
0x446: {  	s9 =	sor.u32 $0xE300, s0;
	s23 =	sor.u32 s31, s23;
	v14 =	vld [tilespmem:s22+$0x0];
	v8 =	vadd.f32 v10, v8  }
0x447: {  	s2 =	sor.u32 s8, s9;
	v5 =	vadd.f32 v21, v5;
	v10 =	vld [tilespmem:s23+$0x0];
	v7 =	vadd.f32 v12, v7  }
0x448: {  	s4 =	sor.u32 s31, s10;
	s10 =	sor.u32 $0xE380, s0;
	v15 =	vld [tilespmem:s2+$0x0];
	v8 =	vadd.f32 v9, v8  }
0x449: {  	s13 =	sor.u32 s8, s10;
	v5 =	vadd.f32 v6, v5;
	v9 =	vadd.f32 v13, v7;
	v7 =	vld [tilespmem:s4+$0x0]  }
0x44a: {  	s18 =	sor.u32 s31, s21;
	s22 =	sadd.s32 $0xE400, s0;
	v6 =	vld [tilespmem:s13+$0x0];
	v11 =	vadd.f32 v11, v8  }
0x44b: {  	s11 =	sadd.s32 s11, s12;
	s23 =	sor.u32 s8, s22;
	v5 =	vadd.f32 v22, v5;
	v13 =	vadd.f32 v14, v9;
	v9 =	vld [tilespmem:s18+$0x0]  }
0x44c: {  	s9 =	sor.u32 s31, s9;
	s1 =	sor.u32 s31, s10;
	s21 =	simm.s32 $0x2;
	v8 =	vld [tilespmem:s23+$0x0];
	v12 =	vadd.f32 v10, v11  }
0x44d: {  	s10 =	sor.u32 s31, s22;
	s22 =	simm.s32 $0x40;
	v5 =	vadd.f32 v23, v5;
	v10 =	vld [tilespmem:s9+$0x0];
	s9 =	simm.s32 $0x200;
	v11 =	vadd.f32 v15, v13  }
.LBB2_18:
0x44e: {  	s2 =	sand.u32 $0x60, s22;
	v7 =	vadd.f32 v7, v12;
	v12 =	vld [tilespmem:s1+$0x0];
	s1 =	sadd.s32 s0, s30;
	s0 =	sand.u32 $0xC00, s9  }
0x44f: {  	s21 =	sadd.s32 $0x2, s21;
	s4 =	sor.u32 $0xD080, s0;
	s7 =	sor.u32 $0x10, s2;
	v13 =	vld [tilespmem:s10+$0x0];
	v6 =	vadd.f32 v6, v11  }
0x450: {  	s10 =	sor.u32 $0xD100, s0;
	p1 =	slt.u32 s21, $0x1E;
	s12 =	sor.u32 s7, s4;
	v7 =	vadd.f32 v9, v7;
	[tilespmem:s11+$0x0] =	vst.add.f32.msk $0xffff, v5  }
0x451: {  	s1 =	sadd.s32 $0x180, s1;
	s4 =	sor.u32 s2, s4;
	s11 =	sor.u32 s7, s10;
	v9 =	vld [tilespmem:s12+$0x0];
	v5 =	vadd.f32 v8, v6  }
0x452: {  	s10 =	sor.u32 s2, s10;
	s8 =	sadd.s32 s8, s1;
	s12 =	sor.u32 $0xD180, s0;
	v6 =	vld [tilespmem:s11+$0x0];
	v7 =	vadd.f32 v10, v7  }
0x453: {  	s13 =	sor.u32 s2, s12;
	s12 =	sor.u32 s7, s12;
	s11 =	sadd.s32 s31, s1;
	[tilespmem:s8+$0x0] =	vst.add.f32.msk $0xffff, v5  }
0x454: {  	s1 =	sor.u32 $0xD200, s0;
	s31 =	smov.u32 s2;
	s8 =	smov.u32 s7;
	v8 =	vld [tilespmem:s12+$0x0];
	v5 =	vadd.f32 v12, v7  }
0x455: {  	s2 =	sor.u32 s31, s1;
	s1 =	sor.u32 s8, s1;
	v7 =	vld [tilespmem:s4+$0x0]  }
0x456: {  	s4 =	sor.u32 $0xD280, s0;
	v10 =	vld [tilespmem:s1+$0x0];
	v5 =	vadd.f32 v13, v5  }
0x457: {  	s1 =	sor.u32 s31, s4;
	s4 =	sor.u32 s8, s4;
	v11 =	vld [tilespmem:s10+$0x0];
	v6 =	vadd.f32 v6, v9  }
0x458: {  	s7 =	sor.u32 $0xD300, s0;
	v9 =	vld [tilespmem:s4+$0x0]  }
0x459: {  	s4 =	sor.u32 s31, s7;
	s7 =	sor.u32 s8, s7;
	v12 =	vld [tilespmem:s13+$0x0];
	v6 =	vadd.f32 v8, v6  }
0x45a: {  	s10 =	sor.u32 $0xD380, s0;
	v8 =	vld [tilespmem:s7+$0x0]  }
0x45b: {  	s7 =	sor.u32 s8, s10;
	v13 =	vld [tilespmem:s2+$0x0];
	s2 =	sor.u32 s31, s10;
	v6 =	vadd.f32 v10, v6  }
0x45c: {  	s10 =	sadd.s32 $0xD400, s0;
	v7 =	vadd.f32 v11, v7;
	v10 =	vld [tilespmem:s7+$0x0]  }
0x45d: {  	s7 =	sor.u32 s8, s10;
	v11 =	vld [tilespmem:s1+$0x0];
	s1 =	sor.u32 s31, s10;
	v6 =	vadd.f32 v9, v6  }
0x45e: {  	s10 =	sor.u32 $0xE080, s0;
	v7 =	vadd.f32 v12, v7;
	v9 =	vld [tilespmem:s7+$0x0]  }
0x45f: {  	s7 =	sor.u32 s8, s10;
	v12 =	vld [tilespmem:s4+$0x0];
	s4 =	sor.u32 s31, s10;
	v6 =	vadd.f32 v8, v6  }
0x460: {  	s10 =	sor.u32 $0xE100, s0;
	v7 =	vadd.f32 v13, v7;
	v8 =	vld [tilespmem:s7+$0x0]  }
0x461: {  	s7 =	sor.u32 s8, s10;
	v13 =	vld [tilespmem:s2+$0x0];
	s2 =	sor.u32 s31, s10;
	v6 =	vadd.f32 v10, v6  }
0x462: {  	s10 =	sor.u32 $0xE180, s0;
	v7 =	vadd.f32 v11, v7;
	v10 =	vld [tilespmem:s7+$0x0]  }
0x463: {  	s7 =	sor.u32 s8, s10;
	v11 =	vld [tilespmem:s1+$0x0];
	s1 =	sor.u32 s31, s10;
	v6 =	vadd.f32 v9, v6  }
0x464: {  	s10 =	sor.u32 $0xE200, s0;
	v7 =	vadd.f32 v12, v7;
	v9 =	vld [tilespmem:s7+$0x0]  }
0x465: {  	s7 =	sor.u32 s8, s10;
	v12 =	vld [tilespmem:s4+$0x0];
	s4 =	sor.u32 s31, s10;
	v6 =	vadd.f32 v8, v6  }
0x466: {  	s10 =	sor.u32 $0xE280, s0;
	v7 =	vadd.f32 v13, v7;
	v8 =	vld [tilespmem:s7+$0x0]  }
0x467: {  	s7 =	sor.u32 s8, s10;
	v13 =	vld [tilespmem:s2+$0x0];
	s2 =	sor.u32 s31, s10;
	v6 =	vadd.f32 v10, v6  }
0x468: {  	s10 =	sor.u32 $0xE300, s0;
	v7 =	vadd.f32 v11, v7;
	v10 =	vld [tilespmem:s7+$0x0]  }
0x469: {  	s7 =	sor.u32 s31, s10;
	v11 =	vld [tilespmem:s1+$0x0];
	v6 =	vadd.f32 v9, v6;
	s1 =	sor.u32 s8, s10  }
0x46a: {  	s10 =	sor.u32 $0xE380, s0;
	v9 =	vadd.f32 v12, v7;
	v14 =	vld [tilespmem:s1+$0x0]  }
.Ltmp8:
0x46b: {  	s1 =	sor.u32 s31, s10;
	v7 =	vld [tilespmem:s4+$0x0];
	v8 =	vadd.f32 v8, v6;
	s4 =	sor.u32 s8, s10;
	(pc) =	sbr.rel @p1 .LBB2_18-.Ltmp8, $4  }
0x46c: {  	s12 =	sadd.s32 $0xE400, s0;
	v12 =	vadd.f32 v13, v9;
	v6 =	vld [tilespmem:s4+$0x0]  }
0x46d: {  	s10 =	sor.u32 s31, s12;
	v9 =	vld [tilespmem:s2+$0x0];
	v13 =	vadd.f32 v10, v8;
	s2 =	sor.u32 s8, s12  }
0x46e: {  	v12 =	vadd.f32 v11, v12;
	v8 =	vld [tilespmem:s2+$0x0]  }
0x46f: {  	s9 =	sadd.s32 $0x100, s9;
	s22 =	sadd.s32 $0x20, s22;
	v10 =	vld [tilespmem:s7+$0x0];
	v11 =	vadd.f32 v14, v13  }
0x470: {  	v7 =	vadd.f32 v7, v12  }
0x471: {  	v12 =	vld [tilespmem:s1+$0x0]  }
0x472: {  	v7 =	vadd.f32 v9, v7  }
0x473: {  	v9 =	vld [tilespmem:s10+$0x0]  }
0x474: {  	v7 =	vadd.f32 v10, v7  }
0x475: {  	v6 =	vadd.f32 v6, v11  }
0x476: {  	s0 =	sadd.s32 s0, s30;
	v7 =	vadd.f32 v12, v7  }
0x477: {  	s1 =	sadd.s32 @!p0 $0xE, s29;
	s0 =	sadd.s32 $0x180, s0;
	v6 =	vadd.f32 v8, v6  }
0x478: {  	[tilespmem:s11+$0x0] =	vst.add.f32.msk $0xffff, v5;
	s4 =	sshll.u32 @!p0 s1, $0x4;
	s1 =	sshll.u32 @!p0 s1, $0x6;
	s2 =	sadd.s32 s8, s0;
	v5 =	vadd.f32 v9, v7  }
0x479: {  	s0 =	sadd.s32 s31, s0;
	s1 =	sand.u32 @!p0 $0x780, s1;
	[tilespmem:s2+$0x0] =	vst.add.f32.msk $0xffff, v6;
	s2 =	sand.u32 @!p0 $0x800, s4  }
0x47a: {  	[tilespmem:s0+$0x0] =	vst.add.f32.msk $0xffff, v5;
	s0 =	sor.u32 @!p0 s1, s2  }
0x47b: {  	v5 =	vld @!p0 [tilespmem:s0+$0x0];
	_ =	sdelay $0x1  }
0x47c: {  	v6 =	vlaneseq.u32 @!p0  }
0x47d: {  	v7 =	vmul.u32 @!p0 $0x803, v6;
	_ =	sdelay $0x1  }
0x47e: {  	vm2 =	veq.s32 @!p0 v5, $0x0;
	v5 =	vadd.s32 @!p0 v7, v5  }
0x47f: {  	v5 =	vsel @!p0 vm2, $0x0, v5  }
0x480: {  	v7 =	vshll.u32 @!p0 v5, $0x4  }
0x481: {  	v5 =	vand.u32 @!p0 $0x7, v5;
	v7 =	vand.u32 @!p0 $0xFFFFFF80, v7  }
0x482: {  	v8 =	vshrl.u32 @!p0 v6, $0x3;
	v5 =	vor.u32 @!p0 v5, v7;
	v7 =	vand.u32 @!p0 $0x7, v6  }
0x483: {  	v8 =	vmul.u32 @!p0 $0x8, v8;
	v7 =	vperm.xlane @!p0 v5, v7;
	_ =	sdelay $0x1  }
0x484: {  	v7 =	vadd.s32 @!p0 v8, v7  }
0x485: {  	v6 =	vor.u32 @!p0 $0x8, v6  }
0x486: {  	v5 =	vperm.xlane @!p0 v5, v6  }
0x487: {  	s0 =	sand.u32 @!p0 $0x600, s4  }
0x488: {  	s1 =	simm.s32 @!p0 $0x0;
	s2 =	simm.s32 @!p0 $0xD080;
	s0 =	sadd.s32 @!p0 s3, s0;
	v5 =	vadd.s32 @!p0 v8, v5  }
0x489: {  	[tilespmem:s2], [sflag:$0x8] =	stream.indirect_vreg.gather @!p0 [hbm4b:s0+s1], $0x80, v7, vm1, $0xb8;
	[tilespmem:$0x15080] =	vst v63  }
0x48a: {  	s4 =	simm.s32 @!p0 $0xD880;
	s2 =	sadd.s32 @!p0 $0x100, s0  }
0x48b: {  	[tilespmem:s4], [sflag:$0x8] =	stream.indirect_vreg.gather @!p0 [hbm4b:s2+s1], $0x80, v7, vm1, $0xb8;
	[tilespmem:$0x15080] =	vst v63  }
0x48c: {  	s4 =	simm.s32 @!p0 $0xE080  }
0x48d: {  	[tilespmem:s4], [sflag:$0x8] =	stream.indirect_vreg.gather @!p0 [hbm4b:s0+s1], $0x80, v5, vm1, $0xb8;
	[tilespmem:$0x15080] =	vst v63  }
0x48e: {  	s0 =	simm.s32 @!p0 $0xE880  }
0x48f: {  	[tilespmem:s0], [sflag:$0x8] =	stream.indirect_vreg.gather @!p0 [hbm4b:s2+s1], $0x80, v5, vm1, $0xb8;
	[tilespmem:$0x15080] =	vst v63  }
0x490: {  	s2 =	simm.s32 $0x0  }
0x491: {  	_ =	swait.ge [sflag:s20], $0x2000;
	s11 =	sand.u32 $0x60, s2;
	s12 =	sand.u32 $0xC00, s2  }
0x492: {  	[sflag:s20] =	ssyncset.done $0x0;
	s0 =	sor.u32 $0xF080, s12;
	s9 =	sor.u32 $0x10, s11  }
0x493: {  	s4 =	sor.u32 $0xF100, s12;
	[sflag:s20] =	ssyncadd.s32 $0xFFFFE000;
	s8 =	sor.u32 s9, s0  }
0x494: {  	s10 =	sor.u32 s9, s4;
	v5 =	vld [tilespmem:s8+$0x0]  }
0x495: {  	s13 =	sor.u32 $0xF180, s12;
	v6 =	vld [tilespmem:s10+$0x0]  }
0x496: {  	s18 =	sor.u32 s9, s13  }
0x497: {  	s7 =	sor.u32 $0xF200, s12;
	v7 =	vld [tilespmem:s18+$0x0]  }
0x498: {  	s21 =	sor.u32 s9, s7  }
0x499: {  	s22 =	sor.u32 $0xF280, s12;
	s0 =	sor.u32 s11, s0;
	v8 =	vld [tilespmem:s21+$0x0]  }
0x49a: {  	s23 =	sor.u32 s9, s22;
	v9 =	vld [tilespmem:s0+$0x0];
	v5 =	vadd.f32 v6, v5  }
0x49b: {  	s31 =	sor.u32 $0xF300, s12;
	s1 =	sor.u32 s11, s4;
	v6 =	vld [tilespmem:s23+$0x0]  }
0x49c: {  	v10 =	vld [tilespmem:s1+$0x0];
	s1 =	sor.u32 s9, s31;
	v5 =	vadd.f32 v7, v5  }
0x49d: {  	s4 =	sor.u32 $0xF380, s12;
	s22 =	sor.u32 s11, s22;
	v7 =	vld [tilespmem:s1+$0x0]  }
0x49e: {  	s10 =	sor.u32 s11, s13;
	s13 =	sor.u32 s9, s4;
	v13 =	vld [tilespmem:s22+$0x0];
	v5 =	vadd.f32 v8, v5  }
0x49f: {  	s18 =	sor.u32 s11, s7;
	s7 =	sadd.s32 $0xF400, s12;
	v8 =	vld [tilespmem:s13+$0x0]  }
0x4a0: {  	v11 =	vld [tilespmem:s10+$0x0];
	s21 =	sor.u32 s9, s7;
	v5 =	vadd.f32 v6, v5  }
0x4a1: {  	s8 =	sor.u32 $0x10080, s12;
	v6 =	vld [tilespmem:s21+$0x0]  }
0x4a2: {  	v12 =	vld [tilespmem:s18+$0x0];
	s23 =	sor.u32 s9, s8;
	v5 =	vadd.f32 v7, v5  }
0x4a3: {  	s2 =	sor.u32 $0x10100, s12;
	s31 =	sor.u32 s11, s31;
	v7 =	vld [tilespmem:s23+$0x0]  }
0x4a4: {  	v14 =	vld [tilespmem:s31+$0x0];
	s10 =	sor.u32 s9, s2;
	v5 =	vadd.f32 v8, v5  }
0x4a5: {  	s18 =	sor.u32 $0x10180, s12;
	s22 =	sor.u32 s11, s7;
	v8 =	vld [tilespmem:s10+$0x0]  }
0x4a6: {  	v16 =	vld [tilespmem:s22+$0x0];
	s21 =	sor.u32 s9, s18;
	v5 =	vadd.f32 v6, v5  }
0x4a7: {  	s7 =	sor.u32 $0x10200, s12;
	s31 =	sor.u32 s11, s8;
	v6 =	vld [tilespmem:s21+$0x0]  }
0x4a8: {  	v17 =	vld [tilespmem:s31+$0x0];
	s23 =	sor.u32 s9, s7;
	v5 =	vadd.f32 v7, v5  }
0x4a9: {  	s2 =	sor.u32 s11, s2;
	s8 =	sor.u32 $0x10280, s12;
	v7 =	vld [tilespmem:s23+$0x0]  }
0x4aa: {  	v18 =	vld [tilespmem:s2+$0x0];
	s1 =	sor.u32 s9, s8;
	v5 =	vadd.f32 v8, v5  }
0x4ab: {  	s13 =	sor.u32 s11, s4;
	s10 =	sor.u32 $0x10300, s12;
	v8 =	vld [tilespmem:s1+$0x0]  }
0x4ac: {  	v15 =	vld [tilespmem:s13+$0x0];
	s13 =	sor.u32 s9, s10;
	v5 =	vadd.f32 v6, v5  }
0x4ad: {  	s8 =	sor.u32 s11, s8;
	s21 =	sor.u32 $0x10380, s12;
	v6 =	vld [tilespmem:s13+$0x0]  }
0x4ae: {  	v21 =	vld [tilespmem:s8+$0x0];
	s22 =	sor.u32 s9, s21;
	v5 =	vadd.f32 v7, v5  }
0x4af: {  	s31 =	sadd.s32 $0x10400, s12;
	s18 =	sor.u32 s11, s18;
	v7 =	vld [tilespmem:s22+$0x0]  }
0x4b0: {  	v19 =	vld [tilespmem:s18+$0x0];
	s1 =	sor.u32 s9, s31;
	v5 =	vadd.f32 v8, v5  }
0x4b1: {  	s4 =	sor.u32 s11, s21;
	v8 =	vld [tilespmem:s1+$0x0]  }
0x4b2: {  	s18 =	simm.s32 $0x20;
	s21 =	sor.u32 s11, s31;
	v22 =	vld [tilespmem:s4+$0x0];
	s13 =	simm.s32 $0x100;
	v5 =	vadd.f32 v6, v5  }
0x4b3: {  	s30 =	sand.u32 $0x60, s18;
	s23 =	sor.u32 s11, s7;
	v23 =	vld [tilespmem:s21+$0x0];
	s0 =	sand.u32 $0xC00, s13  }
0x4b4: {  	s8 =	sor.u32 $0x10, s30;
	s10 =	sor.u32 s11, s10;
	v20 =	vld [tilespmem:s23+$0x0];
	s22 =	sor.u32 $0xF080, s0;
	v5 =	vadd.f32 v7, v5  }
0x4b5: {  	s23 =	sadd.s32 s12, s28;
	s31 =	sor.u32 s8, s22;
	s1 =	sor.u32 $0xF100, s0;
	v6 =	vld [tilespmem:s10+$0x0]  }
0x4b6: {  	s12 =	sadd.s32 $0x180, s23;
	s10 =	sor.u32 s8, s1;
	v7 =	vld [tilespmem:s31+$0x0];
	v5 =	vadd.f32 v8, v5  }
0x4b7: {  	s18 =	sadd.s32 s9, s12;
	s13 =	sor.u32 $0xF180, s0;
	v8 =	vadd.f32 v10, v9;
	v9 =	vld [tilespmem:s10+$0x0]  }
0x4b8: {  	s21 =	sor.u32 s8, s13;
	[tilespmem:s18+$0x0] =	vst.add.f32.msk $0xffff, v5  }
0x4b9: {  	s2 =	sor.u32 s30, s22;
	s22 =	sor.u32 $0xF200, s0;
	v5 =	vadd.f32 v11, v8;
	v8 =	vld [tilespmem:s21+$0x0]  }
0x4ba: {  	s23 =	sor.u32 s8, s22;
	v10 =	vld [tilespmem:s2+$0x0]  }
0x4bb: {  	s1 =	sor.u32 s30, s1;
	s31 =	sor.u32 $0xF280, s0;
	v11 =	vld [tilespmem:s23+$0x0]  }
0x4bc: {  	s2 =	sor.u32 s8, s31;
	v5 =	vadd.f32 v12, v5;
	v7 =	vadd.f32 v9, v7;
	v9 =	vld [tilespmem:s1+$0x0]  }
0x4bd: {  	s4 =	sor.u32 s30, s13;
	s10 =	sor.u32 $0xF300, s0;
	v12 =	vld [tilespmem:s2+$0x0]  }
0x4be: {  	s13 =	sor.u32 s8, s10;
	v5 =	vadd.f32 v13, v5;
	v7 =	vadd.f32 v8, v7;
	v8 =	vld [tilespmem:s4+$0x0]  }
0x4bf: {  	s18 =	sor.u32 s30, s22;
	s21 =	sor.u32 $0xF380, s0;
	v13 =	vld [tilespmem:s13+$0x0]  }
0x4c0: {  	s22 =	sor.u32 s8, s21;
	v5 =	vadd.f32 v14, v5;
	v7 =	vadd.f32 v11, v7;
	v11 =	vld [tilespmem:s18+$0x0]  }
0x4c1: {  	s23 =	sor.u32 s30, s31;
	s31 =	sadd.s32 $0xF400, s0;
	v14 =	vld [tilespmem:s22+$0x0];
	v9 =	vadd.f32 v9, v10  }
0x4c2: {  	s2 =	sor.u32 s8, s31;
	v5 =	vadd.f32 v15, v5;
	v10 =	vld [tilespmem:s23+$0x0];
	v7 =	vadd.f32 v12, v7  }
0x4c3: {  	s4 =	sor.u32 s30, s10;
	s10 =	sor.u32 $0x10080, s0;
	v12 =	vld [tilespmem:s2+$0x0];
	v8 =	vadd.f32 v8, v9  }
0x4c4: {  	s13 =	sor.u32 s8, s10;
	v5 =	vadd.f32 v16, v5;
	v9 =	vld [tilespmem:s4+$0x0];
	v7 =	vadd.f32 v13, v7  }
0x4c5: {  	s18 =	sor.u32 s30, s21;
	s21 =	sor.u32 $0x10100, s0;
	v13 =	vld [tilespmem:s13+$0x0];
	v8 =	vadd.f32 v11, v8  }
0x4c6: {  	s22 =	sor.u32 s8, s21;
	v5 =	vadd.f32 v17, v5;
	v11 =	vld [tilespmem:s18+$0x0];
	v7 =	vadd.f32 v14, v7  }
0x4c7: {  	s23 =	sor.u32 s30, s31;
	s31 =	sor.u32 $0x10180, s0;
	v14 =	vld [tilespmem:s22+$0x0];
	v8 =	vadd.f32 v10, v8  }
0x4c8: {  	s2 =	sor.u32 s8, s31;
	v5 =	vadd.f32 v18, v5;
	v10 =	vld [tilespmem:s23+$0x0];
	v7 =	vadd.f32 v12, v7  }
0x4c9: {  	s10 =	sor.u32 s30, s10;
	s13 =	sor.u32 $0x10200, s0;
	v12 =	vld [tilespmem:s2+$0x0];
	v8 =	vadd.f32 v9, v8  }
0x4ca: {  	s18 =	sor.u32 s8, s13;
	v5 =	vadd.f32 v19, v5;
	v9 =	vld [tilespmem:s10+$0x0];
	v7 =	vadd.f32 v13, v7  }
0x4cb: {  	s21 =	sor.u32 s30, s21;
	s22 =	sor.u32 $0x10280, s0;
	v13 =	vld [tilespmem:s18+$0x0];
	v8 =	vadd.f32 v11, v8  }
0x4cc: {  	s23 =	sor.u32 s8, s22;
	v5 =	vadd.f32 v20, v5;
	v11 =	vld [tilespmem:s21+$0x0];
	v7 =	vadd.f32 v14, v7  }
0x4cd: {  	s9 =	sor.u32 $0x10300, s0;
	s31 =	sor.u32 s30, s31;
	v14 =	vld [tilespmem:s23+$0x0];
	v8 =	vadd.f32 v10, v8  }
0x4ce: {  	s10 =	sor.u32 s8, s9;
	v5 =	vadd.f32 v21, v5;
	v10 =	vld [tilespmem:s31+$0x0];
	v7 =	vadd.f32 v12, v7  }
0x4cf: {  	s13 =	sor.u32 s30, s13;
	s18 =	sor.u32 $0x10380, s0;
	v15 =	vld [tilespmem:s10+$0x0];
	v8 =	vadd.f32 v9, v8  }
0x4d0: {  	s21 =	sor.u32 s8, s18;
	v5 =	vadd.f32 v6, v5;
	v9 =	vadd.f32 v13, v7;
	v7 =	vld [tilespmem:s13+$0x0]  }
0x4d1: {  	s22 =	sor.u32 s30, s22;
	s23 =	sadd.s32 $0x10400, s0;
	v6 =	vld [tilespmem:s21+$0x0];
	v11 =	vadd.f32 v11, v8  }
0x4d2: {  	s11 =	sadd.s32 s11, s12;
	s31 =	sor.u32 s8, s23;
	v5 =	vadd.f32 v22, v5;
	v13 =	vadd.f32 v14, v9;
	v9 =	vld [tilespmem:s22+$0x0]  }
0x4d3: {  	s9 =	sor.u32 s30, s9;
	s1 =	sor.u32 s30, s18;
	s10 =	sor.u32 s30, s23;
	v8 =	vld [tilespmem:s31+$0x0];
	v12 =	vadd.f32 v10, v11  }
0x4d4: {  	s21 =	simm.s32 $0x2;
	s22 =	simm.s32 $0x40;
	v5 =	vadd.f32 v23, v5;
	v10 =	vld [tilespmem:s9+$0x0];
	s9 =	simm.s32 $0x200;
	v11 =	vadd.f32 v15, v13  }
.LBB2_20:
0x4d5: {  	s2 =	sand.u32 $0x60, s22;
	v7 =	vadd.f32 v7, v12;
	v12 =	vld [tilespmem:s1+$0x0];
	s1 =	sadd.s32 s0, s28;
	s0 =	sand.u32 $0xC00, s9  }
0x4d6: {  	s21 =	sadd.s32 $0x2, s21;
	s4 =	sor.u32 $0xF080, s0;
	s7 =	sor.u32 $0x10, s2;
	v13 =	vld [tilespmem:s10+$0x0];
	v6 =	vadd.f32 v6, v11  }
0x4d7: {  	s10 =	sor.u32 $0xF100, s0;
	p1 =	slt.u32 s21, $0x1E;
	s12 =	sor.u32 s7, s4;
	v7 =	vadd.f32 v9, v7;
	[tilespmem:s11+$0x0] =	vst.add.f32.msk $0xffff, v5  }
0x4d8: {  	s1 =	sadd.s32 $0x180, s1;
	s4 =	sor.u32 s2, s4;
	s11 =	sor.u32 s7, s10;
	v9 =	vld [tilespmem:s12+$0x0];
	v5 =	vadd.f32 v8, v6  }
0x4d9: {  	s10 =	sor.u32 s2, s10;
	s8 =	sadd.s32 s8, s1;
	s12 =	sor.u32 $0xF180, s0;
	v6 =	vld [tilespmem:s11+$0x0];
	v7 =	vadd.f32 v10, v7  }
0x4da: {  	s13 =	sor.u32 s2, s12;
	s12 =	sor.u32 s7, s12;
	s11 =	sadd.s32 s30, s1;
	[tilespmem:s8+$0x0] =	vst.add.f32.msk $0xffff, v5  }
0x4db: {  	s1 =	sor.u32 $0xF200, s0;
	s30 =	smov.u32 s2;
	s8 =	smov.u32 s7;
	v8 =	vld [tilespmem:s12+$0x0];
	v5 =	vadd.f32 v12, v7  }
0x4dc: {  	s2 =	sor.u32 s30, s1;
	s1 =	sor.u32 s8, s1;
	v7 =	vld [tilespmem:s4+$0x0]  }
0x4dd: {  	s4 =	sor.u32 $0xF280, s0;
	v10 =	vld [tilespmem:s1+$0x0];
	v5 =	vadd.f32 v13, v5  }
0x4de: {  	s1 =	sor.u32 s30, s4;
	s4 =	sor.u32 s8, s4;
	v11 =	vld [tilespmem:s10+$0x0];
	v6 =	vadd.f32 v6, v9  }
0x4df: {  	s7 =	sor.u32 $0xF300, s0;
	v9 =	vld [tilespmem:s4+$0x0]  }
0x4e0: {  	s4 =	sor.u32 s30, s7;
	s7 =	sor.u32 s8, s7;
	v12 =	vld [tilespmem:s13+$0x0];
	v6 =	vadd.f32 v8, v6  }
0x4e1: {  	s10 =	sor.u32 $0xF380, s0;
	v8 =	vld [tilespmem:s7+$0x0]  }
0x4e2: {  	s7 =	sor.u32 s8, s10;
	v13 =	vld [tilespmem:s2+$0x0];
	s2 =	sor.u32 s30, s10;
	v6 =	vadd.f32 v10, v6  }
0x4e3: {  	s10 =	sadd.s32 $0xF400, s0;
	v7 =	vadd.f32 v11, v7;
	v10 =	vld [tilespmem:s7+$0x0]  }
0x4e4: {  	s7 =	sor.u32 s8, s10;
	v11 =	vld [tilespmem:s1+$0x0];
	s1 =	sor.u32 s30, s10;
	v6 =	vadd.f32 v9, v6  }
0x4e5: {  	s10 =	sor.u32 $0x10080, s0;
	v7 =	vadd.f32 v12, v7;
	v9 =	vld [tilespmem:s7+$0x0]  }
0x4e6: {  	s7 =	sor.u32 s8, s10;
	v12 =	vld [tilespmem:s4+$0x0];
	s4 =	sor.u32 s30, s10;
	v6 =	vadd.f32 v8, v6  }
0x4e7: {  	s10 =	sor.u32 $0x10100, s0;
	v7 =	vadd.f32 v13, v7;
	v8 =	vld [tilespmem:s7+$0x0]  }
0x4e8: {  	s7 =	sor.u32 s8, s10;
	v13 =	vld [tilespmem:s2+$0x0];
	s2 =	sor.u32 s30, s10;
	v6 =	vadd.f32 v10, v6  }
0x4e9: {  	s10 =	sor.u32 $0x10180, s0;
	v7 =	vadd.f32 v11, v7;
	v10 =	vld [tilespmem:s7+$0x0]  }
0x4ea: {  	s7 =	sor.u32 s8, s10;
	v11 =	vld [tilespmem:s1+$0x0];
	s1 =	sor.u32 s30, s10;
	v6 =	vadd.f32 v9, v6  }
0x4eb: {  	s10 =	sor.u32 $0x10200, s0;
	v7 =	vadd.f32 v12, v7;
	v9 =	vld [tilespmem:s7+$0x0]  }
0x4ec: {  	s7 =	sor.u32 s8, s10;
	v12 =	vld [tilespmem:s4+$0x0];
	s4 =	sor.u32 s30, s10;
	v6 =	vadd.f32 v8, v6  }
0x4ed: {  	s10 =	sor.u32 $0x10280, s0;
	v7 =	vadd.f32 v13, v7;
	v8 =	vld [tilespmem:s7+$0x0]  }
0x4ee: {  	s7 =	sor.u32 s8, s10;
	v13 =	vld [tilespmem:s2+$0x0];
	s2 =	sor.u32 s30, s10;
	v6 =	vadd.f32 v10, v6  }
0x4ef: {  	s10 =	sor.u32 $0x10300, s0;
	v7 =	vadd.f32 v11, v7;
	v10 =	vld [tilespmem:s7+$0x0]  }
0x4f0: {  	s7 =	sor.u32 s30, s10;
	v11 =	vld [tilespmem:s1+$0x0];
	v6 =	vadd.f32 v9, v6;
	s1 =	sor.u32 s8, s10  }
0x4f1: {  	s10 =	sor.u32 $0x10380, s0;
	v9 =	vadd.f32 v12, v7;
	v14 =	vld [tilespmem:s1+$0x0]  }
.Ltmp9:
0x4f2: {  	s1 =	sor.u32 s30, s10;
	v7 =	vld [tilespmem:s4+$0x0];
	v8 =	vadd.f32 v8, v6;
	s4 =	sor.u32 s8, s10;
	(pc) =	sbr.rel @p1 .LBB2_20-.Ltmp9, $4  }
0x4f3: {  	s12 =	sadd.s32 $0x10400, s0;
	v12 =	vadd.f32 v13, v9;
	v6 =	vld [tilespmem:s4+$0x0]  }
0x4f4: {  	s10 =	sor.u32 s30, s12;
	v9 =	vld [tilespmem:s2+$0x0];
	v13 =	vadd.f32 v10, v8;
	s2 =	sor.u32 s8, s12  }
0x4f5: {  	v12 =	vadd.f32 v11, v12;
	v8 =	vld [tilespmem:s2+$0x0]  }
0x4f6: {  	s9 =	sadd.s32 $0x100, s9;
	s22 =	sadd.s32 $0x20, s22;
	v10 =	vld [tilespmem:s7+$0x0];
	v11 =	vadd.f32 v14, v13  }
0x4f7: {  	v7 =	vadd.f32 v7, v12  }
0x4f8: {  	v62 =	vld [tilespmem:s1+$0x0]  }
0x4f9: {  	v7 =	vadd.f32 v9, v7  }
0x4fa: {  	v63 =	vld [tilespmem:s10+$0x0]  }
0x4fb: {  	v7 =	vadd.f32 v10, v7  }
0x4fc: {  	v6 =	vadd.f32 v6, v11  }
0x4fd: {  	s0 =	sadd.s32 s0, s28;
	v7 =	vadd.f32 v62, v7  }
0x4fe: {  	s1 =	sadd.s32 @!p0 $0xF, s29;
	s0 =	sadd.s32 $0x180, s0;
	v6 =	vadd.f32 v8, v6  }
0x4ff: {  	[tilespmem:s11+$0x0] =	vst.add.f32.msk $0xffff, v5;
	s4 =	sshll.u32 @!p0 s1, $0x4;
	s1 =	sshll.u32 @!p0 s1, $0x6;
	s2 =	sadd.s32 s8, s0;
	v5 =	vadd.f32 v63, v7  }
0x500: {  	s0 =	sadd.s32 s30, s0;
	s1 =	sand.u32 @!p0 $0x780, s1;
	[tilespmem:s2+$0x0] =	vst.add.f32.msk $0xffff, v6;
	s2 =	sand.u32 @!p0 $0x800, s4  }
0x501: {  	[tilespmem:s0+$0x0] =	vst.add.f32.msk $0xffff, v5;
	s0 =	sor.u32 @!p0 s1, s2  }
0x502: {  	v5 =	vld @!p0 [tilespmem:s0+$0x10]  }
0x503: {  	v6 =	vlaneseq.u32 @!p0  }
0x504: {  	v7 =	vmul.u32 @!p0 $0x803, v6;
	_ =	sdelay $0x1  }
0x505: {  	v7 =	vadd.s32 @!p0 $0x8030, v7  }
0x506: {  	vm2 =	veq.s32 @!p0 v5, $0x0;
	v5 =	vadd.s32 @!p0 v7, v5  }
0x507: {  	v5 =	vsel @!p0 vm2, $0x0, v5  }
0x508: {  	v7 =	vshll.u32 @!p0 v5, $0x4  }
0x509: {  	v5 =	vand.u32 @!p0 $0x7, v5;
	v7 =	vand.u32 @!p0 $0xFFFFFF80, v7  }
0x50a: {  	v8 =	vshrl.u32 @!p0 v6, $0x3;
	v5 =	vor.u32 @!p0 v5, v7;
	v7 =	vand.u32 @!p0 $0x7, v6  }
0x50b: {  	v8 =	vmul.u32 @!p0 $0x8, v8;
	v7 =	vperm.xlane @!p0 v5, v7;
	_ =	sdelay $0x1  }
0x50c: {  	v7 =	vadd.s32 @!p0 v8, v7  }
0x50d: {  	v6 =	vor.u32 @!p0 $0x8, v6  }
0x50e: {  	v5 =	vperm.xlane @!p0 v5, v6  }
0x50f: {  	s0 =	sand.u32 @!p0 $0x600, s4  }
0x510: {  	s1 =	simm.s32 @!p0 $0x0;
	s2 =	simm.s32 @!p0 $0xF080;
	s0 =	sadd.s32 @!p0 s3, s0;
	v5 =	vadd.s32 @!p0 v8, v5  }
0x511: {  	[tilespmem:s2], [sflag:$0x9] =	stream.indirect_vreg.gather @!p0 [hbm4b:s0+s1], $0x80, v7, vm1, $0xb8;
	[tilespmem:$0x15080] =	vst v63  }
0x512: {  	s4 =	simm.s32 @!p0 $0xF880;
	s2 =	sadd.s32 @!p0 $0x100, s0  }
0x513: {  	[tilespmem:s4], [sflag:$0x9] =	stream.indirect_vreg.gather @!p0 [hbm4b:s2+s1], $0x80, v7, vm1, $0xb8;
	[tilespmem:$0x15080] =	vst v63  }
0x514: {  	s4 =	simm.s32 @!p0 $0x10080  }
0x515: {  	[tilespmem:s4], [sflag:$0x9] =	stream.indirect_vreg.gather @!p0 [hbm4b:s0+s1], $0x80, v5, vm1, $0xb8;
	[tilespmem:$0x15080] =	vst v63  }
0x516: {  	s0 =	simm.s32 @!p0 $0x10880  }
0x517: {  	[tilespmem:s0], [sflag:$0x9] =	stream.indirect_vreg.gather @!p0 [hbm4b:s2+s1], $0x80, v5, vm1, $0xb8;
	[tilespmem:$0x15080] =	vst v63  }
0x518: {  	s0 =	sand.u32 @!p0 $0x7, s24  }
0x519: {  	p1 =	sne.s32 @!p0 s0, $0x3  }
0x51a: {  	p1 =	por p1, p0  }
0x51b: {  	s0 =	sand.u32 @!p1 $0x70, s24;
	s1 =	sshll.u32 @!p1 s25, $0x9  }
0x51c: {  	s7 =	rddreg [dreg:$0x3];
	s0 =	sor.u32 @!p1 s6, s0;
	s1 =	sand.u32 @!p1 $0x400, s1  }
0x51d: {  	s2 =	simm.s32 @!p1 $0x4000;
	s0 =	sshll.u32 @!p1 s0, $0x8;
	s1 =	sadd.s32 @!p1 s7, s1  }
0x51e: {  	s4 =	simm.s32 @!p1 $0x11080;
	s0 =	sadd.s32 @!p1 s0, s1;
	s1 =	simm.s32 @!p1 $0x1000  }
0x51f: {  	[hbm4b:s0+s1] =	stream.strided.scatter @!p1 [tilespmem:s4], [sflag:$0xA], $0x2000, s2, s1, $0x38;
	[tilespmem:$0x15080] =	vst v63  }
0x520: {  	p2 =	por $0x1, $0x1;
	s31 =	sand.u32 $0x1, s25;
	p1 =	seq.s32 @!p0 s26, $0x3  }
0x521: {  	p6 =	seq.s32 s31, $0x1;
	p2 =	por @!p0 p1, p1  }
0x522: {  	p0 =	por !p6, !p2  }
0x523: {  	s0 =	sand.u32 @!p0 $0x70, s24;
	s1 =	sshll.u32 @!p0 s25, $0x9  }
0x524: {  	s2 =	simm.s32 @!p0 $0x4000;
	s0 =	sor.u32 @!p0 s6, s0;
	s1 =	sand.u32 @!p0 $0x600, s1  }
0x525: {  	s4 =	simm.s32 @!p0 $0x13080;
	s0 =	sshll.u32 @!p0 s0, $0x8;
	s1 =	sadd.s32 @!p0 s7, s1  }
0x526: {  	s24 =	sadd.s32 $0x1, s24;
	s0 =	sadd.s32 @!p0 s0, s1;
	s1 =	simm.s32 @!p0 $0x1000  }
0x527: {  	[hbm4b:s0+s1] =	stream.strided.scatter @!p0 [tilespmem:s4], [sflag:$0xB], $0x2000, s2, s1, $0x38;
	[tilespmem:$0x15080] =	vst v63  }
0x528: {  	p0 =	sne.s32 s24, $0x80  }
.Ltmp10:
0x529: {  	_ = 	snop;
	(pc) =	sbr.rel @p0 .LBB2_2-.Ltmp10, $1  }
0x52a: {  	_ =	sdelay $0x3  }
0x52b: {  	s0 =	simm.s32 $0xA  }
0x52c: {  	_ =	swait.ge [sflag:s0], $0x2000  }
0x52d: {  	[sflag:s0] =	ssyncset.done $0x0  }
0x52e: {  	s1 =	simm.s32 $0xB;
	[sflag:s0] =	ssyncadd.s32 $0xFFFFE000  }
0x52f: {  	_ =	swait.ge [sflag:s1], $0x2000  }
0x530: {  	s2 =	rddreg [dreg:$0xa]  }
0x531: {  	s31 =	rddreg [dreg:$0x9];
	s2 =	sadd.s32 $0x1, s2  }
0x532: {  	p0 =	sne.s32 s2, s31  }
.Ltmp11:
0x533: {  	_ = 	snop;
	(pc) =	sbr.rel @p0 .LBB2_1-.Ltmp11, $3  }
0x534: {  	_ =	sdelay $0x1  }
0x535: {  	[sflag:s1] =	ssyncset.done $0x0  }
0x536: {  	[sflag:s1] =	ssyncadd.s32 $0xFFFFE000  }
0x537: {  	_ =	sfence.sel $0x180000  }
0x538: {  	[bflag:$0x0] =	sbarrier.arrive $0xFFFF  }
0x539: {  	_ =	strace $0x90000047  }
0x53a: {  	s0 =	stileid.u32;
	[bflag:$0x2] =	sbarrier.arrive $0xFFFF  }
0x53b: {  	p0 =	sne.s32 s0, $0x0;
	s0 =	rddreg [dreg:$0x4]  }
0x53c: {  	s0 =	sadd.s32 @!p0 $0x100000, s0  }
0x53d: {  	[sflag:s0] =	ssyncadd.tile.s32 @!p0 $0x1;
	_ =	shalt  }
.Lfunc_end2:
_tile_overlayer_lowered:
.L_overlay_start_2:
0x53e: {  	(tag) =	ssettag $0x2  }
0x53f: {  	s0 =	rddreg [dreg:$0x0];
	s2 =	stileid.u32  }
0x540: {  	s1 =	rddreg [dreg:$0x1];
	p0 =	sne.s32 s2, $0x0  }
0x541: {  	s3 =	rddreg [dreg:$0x2];
	[bflag:$0x3] =	sbarrier.arrive $0xFFFF;
	s2 =	simm.s32 @!p0 $0x1C0C  }
0x542: {  	[timem:s3], [sflag:s2] =	dma.local @!p0 [hbm:s0], s1  }
0x543: {  	s0 =	simm.s32 @!p0 $0xC  }
0x544: {  	_ =	swait.ge @!p0 [sflag:s0], s1  }
0x545: {  	s1 =	ssub.s32 @!p0 $0x0, s1;
	[sflag:s0] =	ssyncset.done @!p0 $0x0  }
0x546: {  	[sflag:s0] =	ssyncadd.s32 @!p0 s1  }
0x547: {  	[bflag:$0x3] =	sbarrier.arrive $0xFFFF  }
0x548: {  	_ =	shalt  }

</sc_bundles>
